<compile_context>
chip_gen: v7x
topology: tpu7x:2x2x1
jax: 0.10.2.dev20260603
libtpu: 0.0.44.dev20260713+nightly
codegen_flags: <defaults>
</compile_context>

<pallas_src>
import functools

import jax
import jax.numpy as jnp
from jax import lax
from jax.experimental import pallas as pl
from jax.experimental.pallas import tpu as pltpu
from jax.experimental.pallas import tpu_sc as plsc

BATCH = 16384
NP_ = 100
OUT_W = 40 + 30 * 16 + 20 * 64 + 10 * 128

NCORES = 2
NWORKERS = NCORES * 16
ROWS_W = BATCH // NWORKERS
CH = 16
NCH = ROWS_W // CH

_WIN_STARTS = (40, 56, 72, 84)


def _window_bases(l):
    b0 = 40 + 16 * l
    b1 = jnp.where(l < 14, 40 + 16 * (16 + l), 520 + 64 * (l - 14))
    b2 = 648 + 64 * l
    b3 = jnp.where(l < 6, 520 + 64 * (14 + l), 1800 + 128 * (l - 6))
    return (b0, b1, b2, b3)


def _sc_body(x_hbm, zero_hbm, out_hbm, xb0, xb1, buf0, buf1, pos0, pos1,
             sem0, sem1, sx0, sx1):
    c = lax.axis_index("c")
    s = lax.axis_index("s")
    wid = c * 16 + s if NCORES > 1 else s
    row0 = wid * ROWS_W

    l = lax.iota(jnp.int32, 16)
    bases = _window_bases(l)
    ones = jnp.full((16,), 1.0, jnp.float32)
    zeros = jnp.zeros((16,), jnp.float32)

    bufs = (buf0, buf1)
    poss = (pos0, pos1)
    sems = (sem0, sem1)
    xbs = (xb0, xb1)
    sxs = (sx0, sx1)

    def start_x(g, xb, sx):
        base = row0 + g * CH
        pltpu.async_copy(x_hbm.at[pl.ds(base, CH)], xb, sx)

    def wait_x(g, xb, sx):
        base = row0 + g * CH
        pltpu.make_async_copy(x_hbm.at[pl.ds(base, CH)], xb, sx).wait()

    def fill_chunk(g, buf, pos, xbuf):
        for r in range(CH):
            rsplat = jnp.full((16,), r, jnp.int32)
            for off in (0, 16, 24):
                buf[r, pl.ds(off, 16)] = xbuf[r, pl.ds(off, 16)]
            for w in range(4):
                code = xbuf[r, pl.ds(_WIN_STARTS[w], 16)].astype(jnp.int32)
                posv = bases[w] + code
                pos[pl.ds((r * 4 + w) * 16, 16)] = posv
                plsc.store_scatter(buf, [rsplat, posv], ones)

    def clear_chunk(buf, pos):
        for r in range(CH):
            rsplat = jnp.full((16,), r, jnp.int32)
            for w in range(4):
                posv = pos[pl.ds((r * 4 + w) * 16, 16)]
                plsc.store_scatter(buf, [rsplat, posv], zeros)

    def start_out(g, buf, sem):
        base = row0 + g * CH
        pltpu.async_copy(buf, out_hbm.at[pl.ds(base, CH)], sem)

    def wait_out(g, buf, sem):
        base = row0 + g * CH
        pltpu.make_async_copy(buf, out_hbm.at[pl.ds(base, CH)], sem).wait()

    start_x(0, xb0, sx0)
    start_x(1, xb1, sx1)
    pltpu.sync_copy(zero_hbm, buf0)
    pltpu.sync_copy(zero_hbm, buf1)

    def loop_body(p, _):
        for b in range(2):
            g = 2 * p + b

            @pl.when(p >= 1)
            def _():
                wait_out(g, bufs[b], sems[b])
                clear_chunk(bufs[b], poss[b])

            wait_x(g, xbs[b], sxs[b])
            fill_chunk(g, bufs[b], poss[b], xbs[b])
            start_out(g, bufs[b], sems[b])

            @pl.when(p < NCH // 2 - 1)
            def _():
                start_x(g + 2, xbs[b], sxs[b])
        return 0

    lax.fori_loop(0, NCH // 2, loop_body, 0)

    wait_out(NCH - 2, buf0, sem0)
    wait_out(NCH - 1, buf1, sem1)


def kernel(x, non_cat_idx, cat_idx_16, cat_idx_64, cat_idx_128):
    del non_cat_idx, cat_idx_16, cat_idx_64, cat_idx_128
    mesh = plsc.VectorSubcoreMesh(
        core_axis_name="c", subcore_axis_name="s", num_cores=NCORES)
    zero = jnp.zeros((CH, OUT_W), jnp.float32)
    run = functools.partial(
        pl.kernel,
        out_type=jax.ShapeDtypeStruct((BATCH, OUT_W), jnp.float32),
        mesh=mesh,
        scratch_types=[
            pltpu.VMEM((CH, NP_), jnp.float32),
            pltpu.VMEM((CH, NP_), jnp.float32),
            pltpu.VMEM((CH, OUT_W), jnp.float32),
            pltpu.VMEM((CH, OUT_W), jnp.float32),
            pltpu.VMEM((CH * 4 * 16,), jnp.int32),
            pltpu.VMEM((CH * 4 * 16,), jnp.int32),
            pltpu.SemaphoreType.DMA,
            pltpu.SemaphoreType.DMA,
            pltpu.SemaphoreType.DMA,
            pltpu.SemaphoreType.DMA,
        ],
        compiler_params=pltpu.CompilerParams(
            use_tc_tiling_on_sc=True, needs_layout_passes=False),
    )(_sc_body)
    return run(x, zero)

# --- scband reference (transcript-rebuilt; emitter-appended) ---
"""Pipeline reference for scband-one-hot-encoding-77154792505574 (READ-ONLY COPY).

The authoritative reference and input builder live on the scoring server;
editing this copy changes nothing except your own understanding.
"""

import jax, jax.numpy as jnp
import numpy as np

BATCH = 16384
NUM_PARAMS = 100
NON_CAT_IDX = np.arange(0, 40, dtype=np.int64)
CAT_SPECS = [(16, np.arange(40, 70, dtype=np.int64)), (64, np.arange(70, 90, dtype=np.int64)), (128, np.arange(90, 100, dtype=np.int64))]

def setup_inputs(seed: int = 0) -> dict:
    key = jax.random.key(seed)
    x = jax.random.randint(key, (BATCH, NUM_PARAMS), 0, 16).astype(jnp.float32)
    return {
        'x': x,
        'non_cat_idx': jnp.asarray(NON_CAT_IDX),
        'cat_idx_16': jnp.asarray(CAT_SPECS[0][1]),
        'cat_idx_64': jnp.asarray(CAT_SPECS[1][1]),
        'cat_idx_128': jnp.asarray(CAT_SPECS[2][1]),
    }

def reference(x, non_cat_idx, cat_idx_16, cat_idx_64, cat_idx_128):
    # non-categorical (numerical + binary) params copied straight through
    parts = [x[:, non_cat_idx]]
    # categorical params one-hot encoded per cardinality group, flattened per row
    for card, idx in ((16, cat_idx_16), (64, cat_idx_64), (128, cat_idx_128)):
        codes = x[:, idx].astype(jnp.int32)
        oh = jax.nn.one_hot(codes, card, dtype=x.dtype).reshape(x.shape[0], -1)
        parts.append(oh)
    emb = jnp.concatenate(parts, axis=1)
    return emb

if __name__ == "__main__":
    import jax
    _d = setup_inputs()
    print(jax.jit(kernel)(*tuple(_d.values())))

</pallas_src>

<mosaic_0001>
#map = affine_map<(d0, d1) -> (0, 0)>
module attributes {stable_mosaic.version = 14 : i64} {
  func.func @_sc_body(%arg0: i32, %arg1: i32, %arg2: memref<16384x100xf32, #tpu.memory_space<hbm>>, %arg3: memref<16x3080xf32, #tpu.memory_space<hbm>>, %arg4: memref<16384x3080xf32, #tpu.memory_space<hbm>>, %arg5: memref<16x100xf32, #tpu.memory_space<vmem>>, %arg6: memref<16x100xf32, #tpu.memory_space<vmem>>, %arg7: memref<16x3080xf32, #tpu.memory_space<vmem>>, %arg8: memref<16x3080xf32, #tpu.memory_space<vmem>>, %arg9: memref<1024xi32, #tpu.memory_space<vmem>>, %arg10: memref<1024xi32, #tpu.memory_space<vmem>>, %arg11: memref<!tpu.dma_semaphore, #tpu.memory_space<semaphore_mem>>, %arg12: memref<!tpu.dma_semaphore, #tpu.memory_space<semaphore_mem>>, %arg13: memref<!tpu.dma_semaphore, #tpu.memory_space<semaphore_mem>>, %arg14: memref<!tpu.dma_semaphore, #tpu.memory_space<semaphore_mem>>) attributes {dimension_semantics = [#tpu.dimension_semantics<core_parallel>, #tpu.dimension_semantics<subcore_parallel>], iteration_bounds = array<i64: 2, 16>, scalar_prefetch = 0 : i64, scratch_operands = 10 : i64, tpu.core_type = #tpu.core_type<sc_vector_subcore>, window_params = [{transform_indices = #map}, {transform_indices = #map}, {transform_indices = #map}]} {
    %mul3A = arith.constant 16 : i32
    %mul3A_0 = arith.muli %arg0, %mul3A : i32
    %add3A = arith.addi %mul3A_0, %arg1 : i32
    %mul3A_1 = arith.constant 512 : i32
    %mul3A_2 = arith.muli %add3A, %mul3A_1 : i32
    %iota3A = tpu.iota {dimensions = array<i32: 0>} : vector<16xi32>
    %mul3A_3 = arith.constant 16 : i32
    %mul3A_4 = vector.broadcast %mul3A_3 : i32 to vector<16xi32>
    %mul3A_5 = arith.muli %mul3A_4, %iota3A : vector<16xi32>
    %add3A_6 = arith.constant 40 : i32
    %add3A_7 = vector.broadcast %add3A_6 : i32 to vector<16xi32>
    %add3A_8 = arith.addi %add3A_7, %mul3A_5 : vector<16xi32>
    %lt3A = arith.constant 14 : i32
    %lt3A_9 = vector.broadcast %lt3A : i32 to vector<16xi32>
    %lt3A_10 = arith.cmpi slt, %iota3A, %lt3A_9 : vector<16xi32>
    %add3A_11 = arith.constant 16 : i32
    %add3A_12 = vector.broadcast %add3A_11 : i32 to vector<16xi32>
    %add3A_13 = arith.addi %add3A_12, %iota3A : vector<16xi32>
    %mul3A_14 = arith.constant 16 : i32
    %mul3A_15 = vector.broadcast %mul3A_14 : i32 to vector<16xi32>
    %mul3A_16 = arith.muli %mul3A_15, %add3A_13 : vector<16xi32>
    %add3A_17 = arith.constant 40 : i32
    %add3A_18 = vector.broadcast %add3A_17 : i32 to vector<16xi32>
    %add3A_19 = arith.addi %add3A_18, %mul3A_16 : vector<16xi32>
    %sub3A = arith.constant 14 : i32
    %sub3A_20 = vector.broadcast %sub3A : i32 to vector<16xi32>
    %sub3A_21 = arith.subi %iota3A, %sub3A_20 : vector<16xi32>
    %mul3A_22 = arith.constant 64 : i32
    %mul3A_23 = vector.broadcast %mul3A_22 : i32 to vector<16xi32>
    %mul3A_24 = arith.muli %mul3A_23, %sub3A_21 : vector<16xi32>
    %add3A_25 = arith.constant 520 : i32
    %add3A_26 = vector.broadcast %add3A_25 : i32 to vector<16xi32>
    %add3A_27 = arith.addi %add3A_26, %mul3A_24 : vector<16xi32>
    %select_n3A = arith.select %lt3A_10, %add3A_19, %add3A_27 : vector<16xi1>, vector<16xi32>
    %mul3A_28 = arith.constant 64 : i32
    %mul3A_29 = vector.broadcast %mul3A_28 : i32 to vector<16xi32>
    %mul3A_30 = arith.muli %mul3A_29, %iota3A : vector<16xi32>
    %add3A_31 = arith.constant 648 : i32
    %add3A_32 = vector.broadcast %add3A_31 : i32 to vector<16xi32>
    %add3A_33 = arith.addi %add3A_32, %mul3A_30 : vector<16xi32>
    %lt3A_34 = arith.constant 6 : i32
    %lt3A_35 = vector.broadcast %lt3A_34 : i32 to vector<16xi32>
    %lt3A_36 = arith.cmpi slt, %iota3A, %lt3A_35 : vector<16xi32>
    %add3A_37 = arith.constant 14 : i32
    %add3A_38 = vector.broadcast %add3A_37 : i32 to vector<16xi32>
    %add3A_39 = arith.addi %add3A_38, %iota3A : vector<16xi32>
    %mul3A_40 = arith.constant 64 : i32
    %mul3A_41 = vector.broadcast %mul3A_40 : i32 to vector<16xi32>
    %mul3A_42 = arith.muli %mul3A_41, %add3A_39 : vector<16xi32>
    %add3A_43 = arith.constant 520 : i32
    %add3A_44 = vector.broadcast %add3A_43 : i32 to vector<16xi32>
    %add3A_45 = arith.addi %add3A_44, %mul3A_42 : vector<16xi32>
    %sub3A_46 = arith.constant 6 : i32
    %sub3A_47 = vector.broadcast %sub3A_46 : i32 to vector<16xi32>
    %sub3A_48 = arith.subi %iota3A, %sub3A_47 : vector<16xi32>
    %mul3A_49 = arith.constant 128 : i32
    %mul3A_50 = vector.broadcast %mul3A_49 : i32 to vector<16xi32>
    %mul3A_51 = arith.muli %mul3A_50, %sub3A_48 : vector<16xi32>
    %add3A_52 = arith.constant 1800 : i32
    %add3A_53 = vector.broadcast %add3A_52 : i32 to vector<16xi32>
    %add3A_54 = arith.addi %add3A_53, %mul3A_51 : vector<16xi32>
    %select_n3A_55 = arith.select %lt3A_36, %add3A_45, %add3A_54 : vector<16xi1>, vector<16xi32>
    %broadcast_in_dim3A = arith.constant 1.000000e+00 : f32
    %broadcast_in_dim3A_56 = vector.broadcast %broadcast_in_dim3A : f32 to vector<16xf32>
    %broadcast_in_dim3A_57 = arith.constant 0.000000e+00 : f32
    %broadcast_in_dim3A_58 = vector.broadcast %broadcast_in_dim3A_57 : f32 to vector<16xf32>
    %add3A_59 = arith.constant 0 : i32
    %add3A_60 = arith.addi %mul3A_2, %add3A_59 : i32
    %dma_start3A = arith.constant 0 : i32
    %dma_start3A_61 = tpu.memref_slice %arg2[%add3A_60, %dma_start3A] : memref<16384x100xf32, #tpu.memory_space<hbm>> -> memref<16x100xf32, #tpu.memory_space<hbm>>
    %dma_start3A_62 = arith.constant 0 : i32
    %dma_start3A_63 = tpu.memref_slice %arg2[%add3A_60, %dma_start3A_62] : memref<16384x100xf32, #tpu.memory_space<hbm>> -> memref<16x100xf32, #tpu.memory_space<hbm>>
    tpu.enqueue_dma source(%dma_start3A_63 : memref<16x100xf32, #tpu.memory_space<hbm>>) target(%arg5 : memref<16x100xf32, #tpu.memory_space<vmem>>) target_semaphore(%arg13 : memref<!tpu.dma_semaphore, #tpu.memory_space<semaphore_mem>>)
    %add3A_64 = arith.constant 16 : i32
    %add3A_65 = arith.addi %mul3A_2, %add3A_64 : i32
    %dma_start3A_66 = arith.constant 0 : i32
    %dma_start3A_67 = tpu.memref_slice %arg2[%add3A_65, %dma_start3A_66] : memref<16384x100xf32, #tpu.memory_space<hbm>> -> memref<16x100xf32, #tpu.memory_space<hbm>>
    %dma_start3A_68 = arith.constant 0 : i32
    %dma_start3A_69 = tpu.memref_slice %arg2[%add3A_65, %dma_start3A_68] : memref<16384x100xf32, #tpu.memory_space<hbm>> -> memref<16x100xf32, #tpu.memory_space<hbm>>
    tpu.enqueue_dma source(%dma_start3A_69 : memref<16x100xf32, #tpu.memory_space<hbm>>) target(%arg6 : memref<16x100xf32, #tpu.memory_space<vmem>>) target_semaphore(%arg14 : memref<!tpu.dma_semaphore, #tpu.memory_space<semaphore_mem>>)
    "tpu.region"() ({
      %run_scoped3A = tpu.sem_alloc : memref<!tpu.dma_semaphore, #tpu.memory_space<semaphore_mem>>
      tpu.enqueue_dma source(%arg3 : memref<16x3080xf32, #tpu.memory_space<hbm>>) target(%arg7 : memref<16x3080xf32, #tpu.memory_space<vmem>>) target_semaphore(%run_scoped3A : memref<!tpu.dma_semaphore, #tpu.memory_space<semaphore_mem>>)
      tpu.wait_dma2 semaphore(%run_scoped3A : memref<!tpu.dma_semaphore, #tpu.memory_space<semaphore_mem>>) src(%arg3 : memref<16x3080xf32, #tpu.memory_space<hbm>>) dst(%arg7 : memref<16x3080xf32, #tpu.memory_space<vmem>>)
      tpu.yield
    }) : () -> ()
    "tpu.region"() ({
      %run_scoped3A = tpu.sem_alloc : memref<!tpu.dma_semaphore, #tpu.memory_space<semaphore_mem>>
      tpu.enqueue_dma source(%arg3 : memref<16x3080xf32, #tpu.memory_space<hbm>>) target(%arg8 : memref<16x3080xf32, #tpu.memory_space<vmem>>) target_semaphore(%run_scoped3A : memref<!tpu.dma_semaphore, #tpu.memory_space<semaphore_mem>>)
      tpu.wait_dma2 semaphore(%run_scoped3A : memref<!tpu.dma_semaphore, #tpu.memory_space<semaphore_mem>>) src(%arg3 : memref<16x3080xf32, #tpu.memory_space<hbm>>) dst(%arg8 : memref<16x3080xf32, #tpu.memory_space<vmem>>)
      tpu.yield
    }) : () -> ()
    %scan3A = arith.constant 0 : i32
    %scan3A_70 = arith.constant 0 : i32
    %scan3A_71 = arith.constant 16 : i32
    %scan3A_72 = arith.addi %scan3A_70, %scan3A_71 : i32
    %scan3A_73 = arith.constant 1 : i32
    %scan3A_74 = scf.for %scan3A_87 = %scan3A_70 to %scan3A_72 step %scan3A_73 iter_args(%scan3A_88 = %scan3A) -> (i32)  : i32 {
      %mul3A_89 = arith.constant 2 : i32
      %mul3A_90 = arith.muli %mul3A_89, %scan3A_87 : i32
      %add3A_91 = arith.constant 0 : i32
      %add3A_92 = arith.addi %mul3A_90, %add3A_91 : i32
      %ge3A = arith.constant 1 : i32
      %ge3A_93 = arith.cmpi sge, %scan3A_87, %ge3A : i32
      %convert_element_type3A = arith.extui %ge3A_93 : i1 to i32
      %cond3A = arith.constant 0 : i32
      %cond3A_94 = arith.cmpi ne, %convert_element_type3A, %cond3A : i32
      scf.if %cond3A_94 {
        %mul3A_1997 = arith.constant 16 : i32
        %mul3A_1998 = arith.muli %add3A_92, %mul3A_1997 : i32
        %add3A_1999 = arith.addi %mul3A_2, %mul3A_1998 : i32
        %dma_wait3A_2000 = arith.constant 0 : i32
        %dma_wait3A_2001 = tpu.memref_slice %arg4[%add3A_1999, %dma_wait3A_2000] : memref<16384x3080xf32, #tpu.memory_space<hbm>> -> memref<16x3080xf32, #tpu.memory_space<hbm>>
        %dma_wait3A_2002 = arith.constant 0 : i32
        %dma_wait3A_2003 = tpu.memref_slice %arg4[%add3A_1999, %dma_wait3A_2002] : memref<16384x3080xf32, #tpu.memory_space<hbm>> -> memref<16x3080xf32, #tpu.memory_space<hbm>>
        tpu.wait_dma2 semaphore(%arg11 : memref<!tpu.dma_semaphore, #tpu.memory_space<semaphore_mem>>) src(%arg7 : memref<16x3080xf32, #tpu.memory_space<vmem>>) dst(%dma_wait3A_2003 : memref<16x3080xf32, #tpu.memory_space<hbm>>)
        %broadcast_in_dim3A_2004 = arith.constant 0 : i32
        %broadcast_in_dim3A_2005 = vector.broadcast %broadcast_in_dim3A_2004 : i32 to vector<16xi32>
        %get3A_2006 = arith.constant 0 : index
        %get3A_2007 = tpu.vector_load %arg9[%get3A_2006] {strides = array<i32>} : memref<1024xi32, #tpu.memory_space<vmem>>, vector<16xi32>,
        tpu.vector_store_idx %arg7[%broadcast_in_dim3A_2005, %get3A_2007], %broadcast_in_dim3A_58 : memref<16x3080xf32, #tpu.memory_space<vmem>>[vector<16xi32>, vector<16xi32>], vector<16xf32>,
        %get3A_2008 = arith.constant 16 : index
        %get3A_2009 = tpu.vector_load %arg9[%get3A_2008] {strides = array<i32>} : memref<1024xi32, #tpu.memory_space<vmem>>, vector<16xi32>,
        tpu.vector_store_idx %arg7[%broadcast_in_dim3A_2005, %get3A_2009], %broadcast_in_dim3A_58 : memref<16x3080xf32, #tpu.memory_space<vmem>>[vector<16xi32>, vector<16xi32>], vector<16xf32>,
        %get3A_2010 = arith.constant 32 : index
        %get3A_2011 = tpu.vector_load %arg9[%get3A_2010] {strides = array<i32>} : memref<1024xi32, #tpu.memory_space<vmem>>, vector<16xi32>,
        tpu.vector_store_idx %arg7[%broadcast_in_dim3A_2005, %get3A_2011], %broadcast_in_dim3A_58 : memref<16x3080xf32, #tpu.memory_space<vmem>>[vector<16xi32>, vector<16xi32>], vector<16xf32>,
        %get3A_2012 = arith.constant 48 : index
        %get3A_2013 = tpu.vector_load %arg9[%get3A_2012] {strides = array<i32>} : memref<1024xi32, #tpu.memory_space<vmem>>, vector<16xi32>,
        tpu.vector_store_idx %arg7[%broadcast_in_dim3A_2005, %get3A_2013], %broadcast_in_dim3A_58 : memref<16x3080xf32, #tpu.memory_space<vmem>>[vector<16xi32>, vector<16xi32>], vector<16xf32>,
        %broadcast_in_dim3A_2014 = arith.constant 1 : i32
        %broadcast_in_dim3A_2015 = vector.broadcast %broadcast_in_dim3A_2014 : i32 to vector<16xi32>
        %get3A_2016 = arith.constant 64 : index
        %get3A_2017 = tpu.vector_load %arg9[%get3A_2016] {strides = array<i32>} : memref<1024xi32, #tpu.memory_space<vmem>>, vector<16xi32>,
        tpu.vector_store_idx %arg7[%broadcast_in_dim3A_2015, %get3A_2017], %broadcast_in_dim3A_58 : memref<16x3080xf32, #tpu.memory_space<vmem>>[vector<16xi32>, vector<16xi32>], vector<16xf32>,
        %get3A_2018 = arith.constant 80 : index
        %get3A_2019 = tpu.vector_load %arg9[%get3A_2018] {strides = array<i32>} : memref<1024xi32, #tpu.memory_space<vmem>>, vector<16xi32>,
        tpu.vector_store_idx %arg7[%broadcast_in_dim3A_2015, %get3A_2019], %broadcast_in_dim3A_58 : memref<16x3080xf32, #tpu.memory_space<vmem>>[vector<16xi32>, vector<16xi32>], vector<16xf32>,
        %get3A_2020 = arith.constant 96 : index
        %get3A_2021 = tpu.vector_load %arg9[%get3A_2020] {strides = array<i32>} : memref<1024xi32, #tpu.memory_space<vmem>>, vector<16xi32>,
        tpu.vector_store_idx %arg7[%broadcast_in_dim3A_2015, %get3A_2021], %broadcast_in_dim3A_58 : memref<16x3080xf32, #tpu.memory_space<vmem>>[vector<16xi32>, vector<16xi32>], vector<16xf32>,
        %get3A_2022 = arith.constant 112 : index
        %get3A_2023 = tpu.vector_load %arg9[%get3A_2022] {strides = array<i32>} : memref<1024xi32, #tpu.memory_space<vmem>>, vector<16xi32>,
        tpu.vector_store_idx %arg7[%broadcast_in_dim3A_2015, %get3A_2023], %broadcast_in_dim3A_58 : memref<16x3080xf32, #tpu.memory_space<vmem>>[vector<16xi32>, vector<16xi32>], vector<16xf32>,
        %broadcast_in_dim3A_2024 = arith.constant 2 : i32
        %broadcast_in_dim3A_2025 = vector.broadcast %broadcast_in_dim3A_2024 : i32 to vector<16xi32>
        %get3A_2026 = arith.constant 128 : index
        %get3A_2027 = tpu.vector_load %arg9[%get3A_2026] {strides = array<i32>} : memref<1024xi32, #tpu.memory_space<vmem>>, vector<16xi32>,
        tpu.vector_store_idx %arg7[%broadcast_in_dim3A_2025, %get3A_2027], %broadcast_in_dim3A_58 : memref<16x3080xf32, #tpu.memory_space<vmem>>[vector<16xi32>, vector<16xi32>], vector<16xf32>,
        %get3A_2028 = arith.constant 144 : index
        %get3A_2029 = tpu.vector_load %arg9[%get3A_2028] {strides = array<i32>} : memref<1024xi32, #tpu.memory_space<vmem>>, vector<16xi32>,
        tpu.vector_store_idx %arg7[%broadcast_in_dim3A_2025, %get3A_2029], %broadcast_in_dim3A_58 : memref<16x3080xf32, #tpu.memory_space<vmem>>[vector<16xi32>, vector<16xi32>], vector<16xf32>,
        %get3A_2030 = arith.constant 160 : index
        %get3A_2031 = tpu.vector_load %arg9[%get3A_2030] {strides = array<i32>} : memref<1024xi32, #tpu.memory_space<vmem>>, vector<16xi32>,
        tpu.vector_store_idx %arg7[%broadcast_in_dim3A_2025, %get3A_2031], %broadcast_in_dim3A_58 : memref<16x3080xf32, #tpu.memory_space<vmem>>[vector<16xi32>, vector<16xi32>], vector<16xf32>,
        %get3A_2032 = arith.constant 176 : index
        %get3A_2033 = tpu.vector_load %arg9[%get3A_2032] {strides = array<i32>} : memref<1024xi32, #tpu.memory_space<vmem>>, vector<16xi32>,
        tpu.vector_store_idx %arg7[%broadcast_in_dim3A_2025, %get3A_2033], %broadcast_in_dim3A_58 : memref<16x3080xf32, #tpu.memory_space<vmem>>[vector<16xi32>, vector<16xi32>], vector<16xf32>,
        %broadcast_in_dim3A_2034 = arith.constant 3 : i32
        %broadcast_in_dim3A_2035 = vector.broadcast %broadcast_in_dim3A_2034 : i32 to vector<16xi32>
        %get3A_2036 = arith.constant 192 : index
        %get3A_2037 = tpu.vector_load %arg9[%get3A_2036] {strides = array<i32>} : memref<1024xi32, #tpu.memory_space<vmem>>, vector<16xi32>,
        tpu.vector_store_idx %arg7[%broadcast_in_dim3A_2035, %get3A_2037], %broadcast_in_dim3A_58 : memref<16x3080xf32, #tpu.memory_space<vmem>>[vector<16xi32>, vector<16xi32>], vector<16xf32>,
        %get3A_2038 = arith.constant 208 : index
        %get3A_2039 = tpu.vector_load %arg9[%get3A_2038] {strides = array<i32>} : memref<1024xi32, #tpu.memory_space<vmem>>, vector<16xi32>,
        tpu.vector_store_idx %arg7[%broadcast_in_dim3A_2035, %get3A_2039], %broadcast_in_dim3A_58 : memref<16x3080xf32, #tpu.memory_space<vmem>>[vector<16xi32>, vector<16xi32>], vector<16xf32>,
        %get3A_2040 = arith.constant 224 : index
        %get3A_2041 = tpu.vector_load %arg9[%get3A_2040] {strides = array<i32>} : memref<1024xi32, #tpu.memory_space<vmem>>, vector<16xi32>,
        tpu.vector_store_idx %arg7[%broadcast_in_dim3A_2035, %get3A_2041], %broadcast_in_dim3A_58 : memref<16x3080xf32, #tpu.memory_space<vmem>>[vector<16xi32>, vector<16xi32>], vector<16xf32>,
        %get3A_2042 = arith.constant 240 : index
        %get3A_2043 = tpu.vector_load %arg9[%get3A_2042] {strides = array<i32>} : memref<1024xi32, #tpu.memory_space<vmem>>, vector<16xi32>,
        tpu.vector_store_idx %arg7[%broadcast_in_dim3A_2035, %get3A_2043], %broadcast_in_dim3A_58 : memref<16x3080xf32, #tpu.memory_space<vmem>>[vector<16xi32>, vector<16xi32>], vector<16xf32>,
        %broadcast_in_dim3A_2044 = arith.constant 4 : i32
        %broadcast_in_dim3A_2045 = vector.broadcast %broadcast_in_dim3A_2044 : i32 to vector<16xi32>
        %get3A_2046 = arith.constant 256 : index
        %get3A_2047 = tpu.vector_load %arg9[%get3A_2046] {strides = array<i32>} : memref<1024xi32, #tpu.memory_space<vmem>>, vector<16xi32>,
        tpu.vector_store_idx %arg7[%broadcast_in_dim3A_2045, %get3A_2047], %broadcast_in_dim3A_58 : memref<16x3080xf32, #tpu.memory_space<vmem>>[vector<16xi32>, vector<16xi32>], vector<16xf32>,
        %get3A_2048 = arith.constant 272 : index
        %get3A_2049 = tpu.vector_load %arg9[%get3A_2048] {strides = array<i32>} : memref<1024xi32, #tpu.memory_space<vmem>>, vector<16xi32>,
        tpu.vector_store_idx %arg7[%broadcast_in_dim3A_2045, %get3A_2049], %broadcast_in_dim3A_58 : memref<16x3080xf32, #tpu.memory_space<vmem>>[vector<16xi32>, vector<16xi32>], vector<16xf32>,
        %get3A_2050 = arith.constant 288 : index
        %get3A_2051 = tpu.vector_load %arg9[%get3A_2050] {strides = array<i32>} : memref<1024xi32, #tpu.memory_space<vmem>>, vector<16xi32>,
        tpu.vector_store_idx %arg7[%broadcast_in_dim3A_2045, %get3A_2051], %broadcast_in_dim3A_58 : memref<16x3080xf32, #tpu.memory_space<vmem>>[vector<16xi32>, vector<16xi32>], vector<16xf32>,
        %get3A_2052 = arith.constant 304 : index
        %get3A_2053 = tpu.vector_load %arg9[%get3A_2052] {strides = array<i32>} : memref<1024xi32, #tpu.memory_space<vmem>>, vector<16xi32>,
        tpu.vector_store_idx %arg7[%broadcast_in_dim3A_2045, %get3A_2053], %broadcast_in_dim3A_58 : memref<16x3080xf32, #tpu.memory_space<vmem>>[vector<16xi32>, vector<16xi32>], vector<16xf32>,
        %broadcast_in_dim3A_2054 = arith.constant 5 : i32
        %broadcast_in_dim3A_2055 = vector.broadcast %broadcast_in_dim3A_2054 : i32 to vector<16xi32>
        %get3A_2056 = arith.constant 320 : index
        %get3A_2057 = tpu.vector_load %arg9[%get3A_2056] {strides = array<i32>} : memref<1024xi32, #tpu.memory_space<vmem>>, vector<16xi32>,
        tpu.vector_store_idx %arg7[%broadcast_in_dim3A_2055, %get3A_2057], %broadcast_in_dim3A_58 : memref<16x3080xf32, #tpu.memory_space<vmem>>[vector<16xi32>, vector<16xi32>], vector<16xf32>,
        %get3A_2058 = arith.constant 336 : index
        %get3A_2059 = tpu.vector_load %arg9[%get3A_2058] {strides = array<i32>} : memref<1024xi32, #tpu.memory_space<vmem>>, vector<16xi32>,
        tpu.vector_store_idx %arg7[%broadcast_in_dim3A_2055, %get3A_2059], %broadcast_in_dim3A_58 : memref<16x3080xf32, #tpu.memory_space<vmem>>[vector<16xi32>, vector<16xi32>], vector<16xf32>,
        %get3A_2060 = arith.constant 352 : index
        %get3A_2061 = tpu.vector_load %arg9[%get3A_2060] {strides = array<i32>} : memref<1024xi32, #tpu.memory_space<vmem>>, vector<16xi32>,
        tpu.vector_store_idx %arg7[%broadcast_in_dim3A_2055, %get3A_2061], %broadcast_in_dim3A_58 : memref<16x3080xf32, #tpu.memory_space<vmem>>[vector<16xi32>, vector<16xi32>], vector<16xf32>,
        %get3A_2062 = arith.constant 368 : index
        %get3A_2063 = tpu.vector_load %arg9[%get3A_2062] {strides = array<i32>} : memref<1024xi32, #tpu.memory_space<vmem>>, vector<16xi32>,
        tpu.vector_store_idx %arg7[%broadcast_in_dim3A_2055, %get3A_2063], %broadcast_in_dim3A_58 : memref<16x3080xf32, #tpu.memory_space<vmem>>[vector<16xi32>, vector<16xi32>], vector<16xf32>,
        %broadcast_in_dim3A_2064 = arith.constant 6 : i32
        %broadcast_in_dim3A_2065 = vector.broadcast %broadcast_in_dim3A_2064 : i32 to vector<16xi32>
        %get3A_2066 = arith.constant 384 : index
        %get3A_2067 = tpu.vector_load %arg9[%get3A_2066] {strides = array<i32>} : memref<1024xi32, #tpu.memory_space<vmem>>, vector<16xi32>,
        tpu.vector_store_idx %arg7[%broadcast_in_dim3A_2065, %get3A_2067], %broadcast_in_dim3A_58 : memref<16x3080xf32, #tpu.memory_space<vmem>>[vector<16xi32>, vector<16xi32>], vector<16xf32>,
        %get3A_2068 = arith.constant 400 : index
        %get3A_2069 = tpu.vector_load %arg9[%get3A_2068] {strides = array<i32>} : memref<1024xi32, #tpu.memory_space<vmem>>, vector<16xi32>,
        tpu.vector_store_idx %arg7[%broadcast_in_dim3A_2065, %get3A_2069], %broadcast_in_dim3A_58 : memref<16x3080xf32, #tpu.memory_space<vmem>>[vector<16xi32>, vector<16xi32>], vector<16xf32>,
        %get3A_2070 = arith.constant 416 : index
        %get3A_2071 = tpu.vector_load %arg9[%get3A_2070] {strides = array<i32>} : memref<1024xi32, #tpu.memory_space<vmem>>, vector<16xi32>,
        tpu.vector_store_idx %arg7[%broadcast_in_dim3A_2065, %get3A_2071], %broadcast_in_dim3A_58 : memref<16x3080xf32, #tpu.memory_space<vmem>>[vector<16xi32>, vector<16xi32>], vector<16xf32>,
        %get3A_2072 = arith.constant 432 : index
        %get3A_2073 = tpu.vector_load %arg9[%get3A_2072] {strides = array<i32>} : memref<1024xi32, #tpu.memory_space<vmem>>, vector<16xi32>,
        tpu.vector_store_idx %arg7[%broadcast_in_dim3A_2065, %get3A_2073], %broadcast_in_dim3A_58 : memref<16x3080xf32, #tpu.memory_space<vmem>>[vector<16xi32>, vector<16xi32>], vector<16xf32>,
        %broadcast_in_dim3A_2074 = arith.constant 7 : i32
        %broadcast_in_dim3A_2075 = vector.broadcast %broadcast_in_dim3A_2074 : i32 to vector<16xi32>
        %get3A_2076 = arith.constant 448 : index
        %get3A_2077 = tpu.vector_load %arg9[%get3A_2076] {strides = array<i32>} : memref<1024xi32, #tpu.memory_space<vmem>>, vector<16xi32>,
        tpu.vector_store_idx %arg7[%broadcast_in_dim3A_2075, %get3A_2077], %broadcast_in_dim3A_58 : memref<16x3080xf32, #tpu.memory_space<vmem>>[vector<16xi32>, vector<16xi32>], vector<16xf32>,
        %get3A_2078 = arith.constant 464 : index
        %get3A_2079 = tpu.vector_load %arg9[%get3A_2078] {strides = array<i32>} : memref<1024xi32, #tpu.memory_space<vmem>>, vector<16xi32>,
        tpu.vector_store_idx %arg7[%broadcast_in_dim3A_2075, %get3A_2079], %broadcast_in_dim3A_58 : memref<16x3080xf32, #tpu.memory_space<vmem>>[vector<16xi32>, vector<16xi32>], vector<16xf32>,
        %get3A_2080 = arith.constant 480 : index
        %get3A_2081 = tpu.vector_load %arg9[%get3A_2080] {strides = array<i32>} : memref<1024xi32, #tpu.memory_space<vmem>>, vector<16xi32>,
        tpu.vector_store_idx %arg7[%broadcast_in_dim3A_2075, %get3A_2081], %broadcast_in_dim3A_58 : memref<16x3080xf32, #tpu.memory_space<vmem>>[vector<16xi32>, vector<16xi32>], vector<16xf32>,
        %get3A_2082 = arith.constant 496 : index
        %get3A_2083 = tpu.vector_load %arg9[%get3A_2082] {strides = array<i32>} : memref<1024xi32, #tpu.memory_space<vmem>>, vector<16xi32>,
        tpu.vector_store_idx %arg7[%broadcast_in_dim3A_2075, %get3A_2083], %broadcast_in_dim3A_58 : memref<16x3080xf32, #tpu.memory_space<vmem>>[vector<16xi32>, vector<16xi32>], vector<16xf32>,
        %broadcast_in_dim3A_2084 = arith.constant 8 : i32
        %broadcast_in_dim3A_2085 = vector.broadcast %broadcast_in_dim3A_2084 : i32 to vector<16xi32>
        %get3A_2086 = arith.constant 512 : index
        %get3A_2087 = tpu.vector_load %arg9[%get3A_2086] {strides = array<i32>} : memref<1024xi32, #tpu.memory_space<vmem>>, vector<16xi32>,
        tpu.vector_store_idx %arg7[%broadcast_in_dim3A_2085, %get3A_2087], %broadcast_in_dim3A_58 : memref<16x3080xf32, #tpu.memory_space<vmem>>[vector<16xi32>, vector<16xi32>], vector<16xf32>,
        %get3A_2088 = arith.constant 528 : index
        %get3A_2089 = tpu.vector_load %arg9[%get3A_2088] {strides = array<i32>} : memref<1024xi32, #tpu.memory_space<vmem>>, vector<16xi32>,
        tpu.vector_store_idx %arg7[%broadcast_in_dim3A_2085, %get3A_2089], %broadcast_in_dim3A_58 : memref<16x3080xf32, #tpu.memory_space<vmem>>[vector<16xi32>, vector<16xi32>], vector<16xf32>,
        %get3A_2090 = arith.constant 544 : index
        %get3A_2091 = tpu.vector_load %arg9[%get3A_2090] {strides = array<i32>} : memref<1024xi32, #tpu.memory_space<vmem>>, vector<16xi32>,
        tpu.vector_store_idx %arg7[%broadcast_in_dim3A_2085, %get3A_2091], %broadcast_in_dim3A_58 : memref<16x3080xf32, #tpu.memory_space<vmem>>[vector<16xi32>, vector<16xi32>], vector<16xf32>,
        %get3A_2092 = arith.constant 560 : index
        %get3A_2093 = tpu.vector_load %arg9[%get3A_2092] {strides = array<i32>} : memref<1024xi32, #tpu.memory_space<vmem>>, vector<16xi32>,
        tpu.vector_store_idx %arg7[%broadcast_in_dim3A_2085, %get3A_2093], %broadcast_in_dim3A_58 : memref<16x3080xf32, #tpu.memory_space<vmem>>[vector<16xi32>, vector<16xi32>], vector<16xf32>,
        %broadcast_in_dim3A_2094 = arith.constant 9 : i32
        %broadcast_in_dim3A_2095 = vector.broadcast %broadcast_in_dim3A_2094 : i32 to vector<16xi32>
        %get3A_2096 = arith.constant 576 : index
        %get3A_2097 = tpu.vector_load %arg9[%get3A_2096] {strides = array<i32>} : memref<1024xi32, #tpu.memory_space<vmem>>, vector<16xi32>,
        tpu.vector_store_idx %arg7[%broadcast_in_dim3A_2095, %get3A_2097], %broadcast_in_dim3A_58 : memref<16x3080xf32, #tpu.memory_space<vmem>>[vector<16xi32>, vector<16xi32>], vector<16xf32>,
        %get3A_2098 = arith.constant 592 : index
        %get3A_2099 = tpu.vector_load %arg9[%get3A_2098] {strides = array<i32>} : memref<1024xi32, #tpu.memory_space<vmem>>, vector<16xi32>,
        tpu.vector_store_idx %arg7[%broadcast_in_dim3A_2095, %get3A_2099], %broadcast_in_dim3A_58 : memref<16x3080xf32, #tpu.memory_space<vmem>>[vector<16xi32>, vector<16xi32>], vector<16xf32>,
        %get3A_2100 = arith.constant 608 : index
        %get3A_2101 = tpu.vector_load %arg9[%get3A_2100] {strides = array<i32>} : memref<1024xi32, #tpu.memory_space<vmem>>, vector<16xi32>,
        tpu.vector_store_idx %arg7[%broadcast_in_dim3A_2095, %get3A_2101], %broadcast_in_dim3A_58 : memref<16x3080xf32, #tpu.memory_space<vmem>>[vector<16xi32>, vector<16xi32>], vector<16xf32>,
        %get3A_2102 = arith.constant 624 : index
        %get3A_2103 = tpu.vector_load %arg9[%get3A_2102] {strides = array<i32>} : memref<1024xi32, #tpu.memory_space<vmem>>, vector<16xi32>,
        tpu.vector_store_idx %arg7[%broadcast_in_dim3A_2095, %get3A_2103], %broadcast_in_dim3A_58 : memref<16x3080xf32, #tpu.memory_space<vmem>>[vector<16xi32>, vector<16xi32>], vector<16xf32>,
        %broadcast_in_dim3A_2104 = arith.constant 10 : i32
        %broadcast_in_dim3A_2105 = vector.broadcast %broadcast_in_dim3A_2104 : i32 to vector<16xi32>
        %get3A_2106 = arith.constant 640 : index
        %get3A_2107 = tpu.vector_load %arg9[%get3A_2106] {strides = array<i32>} : memref<1024xi32, #tpu.memory_space<vmem>>, vector<16xi32>,
        tpu.vector_store_idx %arg7[%broadcast_in_dim3A_2105, %get3A_2107], %broadcast_in_dim3A_58 : memref<16x3080xf32, #tpu.memory_space<vmem>>[vector<16xi32>, vector<16xi32>], vector<16xf32>,
        %get3A_2108 = arith.constant 656 : index
        %get3A_2109 = tpu.vector_load %arg9[%get3A_2108] {strides = array<i32>} : memref<1024xi32, #tpu.memory_space<vmem>>, vector<16xi32>,
        tpu.vector_store_idx %arg7[%broadcast_in_dim3A_2105, %get3A_2109], %broadcast_in_dim3A_58 : memref<16x3080xf32, #tpu.memory_space<vmem>>[vector<16xi32>, vector<16xi32>], vector<16xf32>,
        %get3A_2110 = arith.constant 672 : index
        %get3A_2111 = tpu.vector_load %arg9[%get3A_2110] {strides = array<i32>} : memref<1024xi32, #tpu.memory_space<vmem>>, vector<16xi32>,
        tpu.vector_store_idx %arg7[%broadcast_in_dim3A_2105, %get3A_2111], %broadcast_in_dim3A_58 : memref<16x3080xf32, #tpu.memory_space<vmem>>[vector<16xi32>, vector<16xi32>], vector<16xf32>,
        %get3A_2112 = arith.constant 688 : index
        %get3A_2113 = tpu.vector_load %arg9[%get3A_2112] {strides = array<i32>} : memref<1024xi32, #tpu.memory_space<vmem>>, vector<16xi32>,
        tpu.vector_store_idx %arg7[%broadcast_in_dim3A_2105, %get3A_2113], %broadcast_in_dim3A_58 : memref<16x3080xf32, #tpu.memory_space<vmem>>[vector<16xi32>, vector<16xi32>], vector<16xf32>,
        %broadcast_in_dim3A_2114 = arith.constant 11 : i32
        %broadcast_in_dim3A_2115 = vector.broadcast %broadcast_in_dim3A_2114 : i32 to vector<16xi32>
        %get3A_2116 = arith.constant 704 : index
        %get3A_2117 = tpu.vector_load %arg9[%get3A_2116] {strides = array<i32>} : memref<1024xi32, #tpu.memory_space<vmem>>, vector<16xi32>,
        tpu.vector_store_idx %arg7[%broadcast_in_dim3A_2115, %get3A_2117], %broadcast_in_dim3A_58 : memref<16x3080xf32, #tpu.memory_space<vmem>>[vector<16xi32>, vector<16xi32>], vector<16xf32>,
        %get3A_2118 = arith.constant 720 : index
        %get3A_2119 = tpu.vector_load %arg9[%get3A_2118] {strides = array<i32>} : memref<1024xi32, #tpu.memory_space<vmem>>, vector<16xi32>,
        tpu.vector_store_idx %arg7[%broadcast_in_dim3A_2115, %get3A_2119], %broadcast_in_dim3A_58 : memref<16x3080xf32, #tpu.memory_space<vmem>>[vector<16xi32>, vector<16xi32>], vector<16xf32>,
        %get3A_2120 = arith.constant 736 : index
        %get3A_2121 = tpu.vector_load %arg9[%get3A_2120] {strides = array<i32>} : memref<1024xi32, #tpu.memory_space<vmem>>, vector<16xi32>,
        tpu.vector_store_idx %arg7[%broadcast_in_dim3A_2115, %get3A_2121], %broadcast_in_dim3A_58 : memref<16x3080xf32, #tpu.memory_space<vmem>>[vector<16xi32>, vector<16xi32>], vector<16xf32>,
        %get3A_2122 = arith.constant 752 : index
        %get3A_2123 = tpu.vector_load %arg9[%get3A_2122] {strides = array<i32>} : memref<1024xi32, #tpu.memory_space<vmem>>, vector<16xi32>,
        tpu.vector_store_idx %arg7[%broadcast_in_dim3A_2115, %get3A_2123], %broadcast_in_dim3A_58 : memref<16x3080xf32, #tpu.memory_space<vmem>>[vector<16xi32>, vector<16xi32>], vector<16xf32>,
        %broadcast_in_dim3A_2124 = arith.constant 12 : i32
        %broadcast_in_dim3A_2125 = vector.broadcast %broadcast_in_dim3A_2124 : i32 to vector<16xi32>
        %get3A_2126 = arith.constant 768 : index
        %get3A_2127 = tpu.vector_load %arg9[%get3A_2126] {strides = array<i32>} : memref<1024xi32, #tpu.memory_space<vmem>>, vector<16xi32>,
        tpu.vector_store_idx %arg7[%broadcast_in_dim3A_2125, %get3A_2127], %broadcast_in_dim3A_58 : memref<16x3080xf32, #tpu.memory_space<vmem>>[vector<16xi32>, vector<16xi32>], vector<16xf32>,
        %get3A_2128 = arith.constant 784 : index
        %get3A_2129 = tpu.vector_load %arg9[%get3A_2128] {strides = array<i32>} : memref<1024xi32, #tpu.memory_space<vmem>>, vector<16xi32>,
        tpu.vector_store_idx %arg7[%broadcast_in_dim3A_2125, %get3A_2129], %broadcast_in_dim3A_58 : memref<16x3080xf32, #tpu.memory_space<vmem>>[vector<16xi32>, vector<16xi32>], vector<16xf32>,
        %get3A_2130 = arith.constant 800 : index
        %get3A_2131 = tpu.vector_load %arg9[%get3A_2130] {strides = array<i32>} : memref<1024xi32, #tpu.memory_space<vmem>>, vector<16xi32>,
        tpu.vector_store_idx %arg7[%broadcast_in_dim3A_2125, %get3A_2131], %broadcast_in_dim3A_58 : memref<16x3080xf32, #tpu.memory_space<vmem>>[vector<16xi32>, vector<16xi32>], vector<16xf32>,
        %get3A_2132 = arith.constant 816 : index
        %get3A_2133 = tpu.vector_load %arg9[%get3A_2132] {strides = array<i32>} : memref<1024xi32, #tpu.memory_space<vmem>>, vector<16xi32>,
        tpu.vector_store_idx %arg7[%broadcast_in_dim3A_2125, %get3A_2133], %broadcast_in_dim3A_58 : memref<16x3080xf32, #tpu.memory_space<vmem>>[vector<16xi32>, vector<16xi32>], vector<16xf32>,
        %broadcast_in_dim3A_2134 = arith.constant 13 : i32
        %broadcast_in_dim3A_2135 = vector.broadcast %broadcast_in_dim3A_2134 : i32 to vector<16xi32>
        %get3A_2136 = arith.constant 832 : index
        %get3A_2137 = tpu.vector_load %arg9[%get3A_2136] {strides = array<i32>} : memref<1024xi32, #tpu.memory_space<vmem>>, vector<16xi32>,
        tpu.vector_store_idx %arg7[%broadcast_in_dim3A_2135, %get3A_2137], %broadcast_in_dim3A_58 : memref<16x3080xf32, #tpu.memory_space<vmem>>[vector<16xi32>, vector<16xi32>], vector<16xf32>,
        %get3A_2138 = arith.constant 848 : index
        %get3A_2139 = tpu.vector_load %arg9[%get3A_2138] {strides = array<i32>} : memref<1024xi32, #tpu.memory_space<vmem>>, vector<16xi32>,
        tpu.vector_store_idx %arg7[%broadcast_in_dim3A_2135, %get3A_2139], %broadcast_in_dim3A_58 : memref<16x3080xf32, #tpu.memory_space<vmem>>[vector<16xi32>, vector<16xi32>], vector<16xf32>,
        %get3A_2140 = arith.constant 864 : index
        %get3A_2141 = tpu.vector_load %arg9[%get3A_2140] {strides = array<i32>} : memref<1024xi32, #tpu.memory_space<vmem>>, vector<16xi32>,
        tpu.vector_store_idx %arg7[%broadcast_in_dim3A_2135, %get3A_2141], %broadcast_in_dim3A_58 : memref<16x3080xf32, #tpu.memory_space<vmem>>[vector<16xi32>, vector<16xi32>], vector<16xf32>,
        %get3A_2142 = arith.constant 880 : index
        %get3A_2143 = tpu.vector_load %arg9[%get3A_2142] {strides = array<i32>} : memref<1024xi32, #tpu.memory_space<vmem>>, vector<16xi32>,
        tpu.vector_store_idx %arg7[%broadcast_in_dim3A_2135, %get3A_2143], %broadcast_in_dim3A_58 : memref<16x3080xf32, #tpu.memory_space<vmem>>[vector<16xi32>, vector<16xi32>], vector<16xf32>,
        %broadcast_in_dim3A_2144 = arith.constant 14 : i32
        %broadcast_in_dim3A_2145 = vector.broadcast %broadcast_in_dim3A_2144 : i32 to vector<16xi32>
        %get3A_2146 = arith.constant 896 : index
        %get3A_2147 = tpu.vector_load %arg9[%get3A_2146] {strides = array<i32>} : memref<1024xi32, #tpu.memory_space<vmem>>, vector<16xi32>,
        tpu.vector_store_idx %arg7[%broadcast_in_dim3A_2145, %get3A_2147], %broadcast_in_dim3A_58 : memref<16x3080xf32, #tpu.memory_space<vmem>>[vector<16xi32>, vector<16xi32>], vector<16xf32>,
        %get3A_2148 = arith.constant 912 : index
        %get3A_2149 = tpu.vector_load %arg9[%get3A_2148] {strides = array<i32>} : memref<1024xi32, #tpu.memory_space<vmem>>, vector<16xi32>,
        tpu.vector_store_idx %arg7[%broadcast_in_dim3A_2145, %get3A_2149], %broadcast_in_dim3A_58 : memref<16x3080xf32, #tpu.memory_space<vmem>>[vector<16xi32>, vector<16xi32>], vector<16xf32>,
        %get3A_2150 = arith.constant 928 : index
        %get3A_2151 = tpu.vector_load %arg9[%get3A_2150] {strides = array<i32>} : memref<1024xi32, #tpu.memory_space<vmem>>, vector<16xi32>,
        tpu.vector_store_idx %arg7[%broadcast_in_dim3A_2145, %get3A_2151], %broadcast_in_dim3A_58 : memref<16x3080xf32, #tpu.memory_space<vmem>>[vector<16xi32>, vector<16xi32>], vector<16xf32>,
        %get3A_2152 = arith.constant 944 : index
        %get3A_2153 = tpu.vector_load %arg9[%get3A_2152] {strides = array<i32>} : memref<1024xi32, #tpu.memory_space<vmem>>, vector<16xi32>,
        tpu.vector_store_idx %arg7[%broadcast_in_dim3A_2145, %get3A_2153], %broadcast_in_dim3A_58 : memref<16x3080xf32, #tpu.memory_space<vmem>>[vector<16xi32>, vector<16xi32>], vector<16xf32>,
        %broadcast_in_dim3A_2154 = arith.constant 15 : i32
        %broadcast_in_dim3A_2155 = vector.broadcast %broadcast_in_dim3A_2154 : i32 to vector<16xi32>
        %get3A_2156 = arith.constant 960 : index
        %get3A_2157 = tpu.vector_load %arg9[%get3A_2156] {strides = array<i32>} : memref<1024xi32, #tpu.memory_space<vmem>>, vector<16xi32>,
        tpu.vector_store_idx %arg7[%broadcast_in_dim3A_2155, %get3A_2157], %broadcast_in_dim3A_58 : memref<16x3080xf32, #tpu.memory_space<vmem>>[vector<16xi32>, vector<16xi32>], vector<16xf32>,
        %get3A_2158 = arith.constant 976 : index
        %get3A_2159 = tpu.vector_load %arg9[%get3A_2158] {strides = array<i32>} : memref<1024xi32, #tpu.memory_space<vmem>>, vector<16xi32>,
        tpu.vector_store_idx %arg7[%broadcast_in_dim3A_2155, %get3A_2159], %broadcast_in_dim3A_58 : memref<16x3080xf32, #tpu.memory_space<vmem>>[vector<16xi32>, vector<16xi32>], vector<16xf32>,
        %get3A_2160 = arith.constant 992 : index
        %get3A_2161 = tpu.vector_load %arg9[%get3A_2160] {strides = array<i32>} : memref<1024xi32, #tpu.memory_space<vmem>>, vector<16xi32>,
        tpu.vector_store_idx %arg7[%broadcast_in_dim3A_2155, %get3A_2161], %broadcast_in_dim3A_58 : memref<16x3080xf32, #tpu.memory_space<vmem>>[vector<16xi32>, vector<16xi32>], vector<16xf32>,
        %get3A_2162 = arith.constant 1008 : index
        %get3A_2163 = tpu.vector_load %arg9[%get3A_2162] {strides = array<i32>} : memref<1024xi32, #tpu.memory_space<vmem>>, vector<16xi32>,
        tpu.vector_store_idx %arg7[%broadcast_in_dim3A_2155, %get3A_2163], %broadcast_in_dim3A_58 : memref<16x3080xf32, #tpu.memory_space<vmem>>[vector<16xi32>, vector<16xi32>], vector<16xf32>,
      } else {
      }
      %mul3A_95 = arith.constant 16 : i32
      %mul3A_96 = arith.muli %add3A_92, %mul3A_95 : i32
      %add3A_97 = arith.addi %mul3A_2, %mul3A_96 : i32
      %dma_wait3A_98 = arith.constant 0 : i32
      %dma_wait3A_99 = tpu.memref_slice %arg2[%add3A_97, %dma_wait3A_98] : memref<16384x100xf32, #tpu.memory_space<hbm>> -> memref<16x100xf32, #tpu.memory_space<hbm>>
      %dma_wait3A_100 = arith.constant 0 : i32
      %dma_wait3A_101 = tpu.memref_slice %arg2[%add3A_97, %dma_wait3A_100] : memref<16384x100xf32, #tpu.memory_space<hbm>> -> memref<16x100xf32, #tpu.memory_space<hbm>>
      tpu.wait_dma2 semaphore(%arg13 : memref<!tpu.dma_semaphore, #tpu.memory_space<semaphore_mem>>) src(%dma_wait3A_101 : memref<16x100xf32, #tpu.memory_space<hbm>>) dst(%arg5 : memref<16x100xf32, #tpu.memory_space<vmem>>)
      %broadcast_in_dim3A_102 = arith.constant 0 : i32
      %broadcast_in_dim3A_103 = vector.broadcast %broadcast_in_dim3A_102 : i32 to vector<16xi32>
      %get3A = arith.constant 0 : i32
      %get3A_104 = arith.index_cast %get3A : i32 to index
      %get3A_105 = arith.constant 0 : index
      %get3A_106 = tpu.vector_load %arg5[%get3A_104, %get3A_105] {strides = array<i32>} : memref<16x100xf32, #tpu.memory_space<vmem>>, vector<16xf32>,
      %swap3A = arith.constant 0 : i32
      %swap3A_107 = arith.index_cast %swap3A : i32 to index
      %swap3A_108 = arith.constant 0 : index
      %swap3A_109 = tpu.vector_load %arg7[%swap3A_107, %swap3A_108] {strides = array<i32>} : memref<16x3080xf32, #tpu.memory_space<vmem>>, vector<16xf32>,
      tpu.vector_store %arg7[%swap3A_107, %swap3A_108], %get3A_106 {strides = array<i32>} : memref<16x3080xf32, #tpu.memory_space<vmem>>, vector<16xf32>,
      %get3A_110 = arith.constant 0 : i32
      %get3A_111 = arith.index_cast %get3A_110 : i32 to index
      %get3A_112 = arith.constant 16 : index
      %get3A_113 = tpu.vector_load %arg5[%get3A_111, %get3A_112] {strides = array<i32>} : memref<16x100xf32, #tpu.memory_space<vmem>>, vector<16xf32>,
      %swap3A_114 = arith.constant 0 : i32
      %swap3A_115 = arith.index_cast %swap3A_114 : i32 to index
      %swap3A_116 = arith.constant 16 : index
      %swap3A_117 = tpu.vector_load %arg7[%swap3A_115, %swap3A_116] {strides = array<i32>} : memref<16x3080xf32, #tpu.memory_space<vmem>>, vector<16xf32>,
      tpu.vector_store %arg7[%swap3A_115, %swap3A_116], %get3A_113 {strides = array<i32>} : memref<16x3080xf32, #tpu.memory_space<vmem>>, vector<16xf32>,
      %get3A_118 = arith.constant 0 : i32
      %get3A_119 = arith.index_cast %get3A_118 : i32 to index
      %get3A_120 = arith.constant 24 : index
      %get3A_121 = tpu.vector_load %arg5[%get3A_119, %get3A_120] {strides = array<i32>} : memref<16x100xf32, #tpu.memory_space<vmem>>, vector<16xf32>,
      %swap3A_122 = arith.constant 0 : i32
      %swap3A_123 = arith.index_cast %swap3A_122 : i32 to index
      %swap3A_124 = arith.constant 24 : index
      %swap3A_125 = tpu.vector_load %arg7[%swap3A_123, %swap3A_124] {strides = array<i32>} : memref<16x3080xf32, #tpu.memory_space<vmem>>, vector<16xf32>,
      tpu.vector_store %arg7[%swap3A_123, %swap3A_124], %get3A_121 {strides = array<i32>} : memref<16x3080xf32, #tpu.memory_space<vmem>>, vector<16xf32>,
      %get3A_126 = arith.constant 0 : i32
      %get3A_127 = arith.index_cast %get3A_126 : i32 to index
      %get3A_128 = arith.constant 40 : index
      %get3A_129 = tpu.vector_load %arg5[%get3A_127, %get3A_128] {strides = array<i32>} : memref<16x100xf32, #tpu.memory_space<vmem>>, vector<16xf32>,
      %convert_element_type3A_130 = arith.fptosi %get3A_129 : vector<16xf32> to vector<16xi32>
      %add3A_131 = arith.addi %add3A_8, %convert_element_type3A_130 : vector<16xi32>
      %swap3A_132 = arith.constant 0 : index
      %swap3A_133 = tpu.vector_load %arg9[%swap3A_132] {strides = array<i32>} : memref<1024xi32, #tpu.memory_space<vmem>>, vector<16xi32>,
      tpu.vector_store %arg9[%swap3A_132], %add3A_131 {strides = array<i32>} : memref<1024xi32, #tpu.memory_space<vmem>>, vector<16xi32>,
      tpu.vector_store_idx %arg7[%broadcast_in_dim3A_103, %add3A_131], %broadcast_in_dim3A_56 : memref<16x3080xf32, #tpu.memory_space<vmem>>[vector<16xi32>, vector<16xi32>], vector<16xf32>,
      %get3A_134 = arith.constant 0 : i32
      %get3A_135 = arith.index_cast %get3A_134 : i32 to index
      %get3A_136 = arith.constant 56 : index
      %get3A_137 = tpu.vector_load %arg5[%get3A_135, %get3A_136] {strides = array<i32>} : memref<16x100xf32, #tpu.memory_space<vmem>>, vector<16xf32>,
      %convert_element_type3A_138 = arith.fptosi %get3A_137 : vector<16xf32> to vector<16xi32>
      %add3A_139 = arith.addi %select_n3A, %convert_element_type3A_138 : vector<16xi32>
      %swap3A_140 = arith.constant 16 : index
      %swap3A_141 = tpu.vector_load %arg9[%swap3A_140] {strides = array<i32>} : memref<1024xi32, #tpu.memory_space<vmem>>, vector<16xi32>,
      tpu.vector_store %arg9[%swap3A_140], %add3A_139 {strides = array<i32>} : memref<1024xi32, #tpu.memory_space<vmem>>, vector<16xi32>,
      tpu.vector_store_idx %arg7[%broadcast_in_dim3A_103, %add3A_139], %broadcast_in_dim3A_56 : memref<16x3080xf32, #tpu.memory_space<vmem>>[vector<16xi32>, vector<16xi32>], vector<16xf32>,
      %get3A_142 = arith.constant 0 : i32
      %get3A_143 = arith.index_cast %get3A_142 : i32 to index
      %get3A_144 = arith.constant 72 : index
      %get3A_145 = tpu.vector_load %arg5[%get3A_143, %get3A_144] {strides = array<i32>} : memref<16x100xf32, #tpu.memory_space<vmem>>, vector<16xf32>,
      %convert_element_type3A_146 = arith.fptosi %get3A_145 : vector<16xf32> to vector<16xi32>
      %add3A_147 = arith.addi %add3A_33, %convert_element_type3A_146 : vector<16xi32>
      %swap3A_148 = arith.constant 32 : index
      %swap3A_149 = tpu.vector_load %arg9[%swap3A_148] {strides = array<i32>} : memref<1024xi32, #tpu.memory_space<vmem>>, vector<16xi32>,
      tpu.vector_store %arg9[%swap3A_148], %add3A_147 {strides = array<i32>} : memref<1024xi32, #tpu.memory_space<vmem>>, vector<16xi32>,
      tpu.vector_store_idx %arg7[%broadcast_in_dim3A_103, %add3A_147], %broadcast_in_dim3A_56 : memref<16x3080xf32, #tpu.memory_space<vmem>>[vector<16xi32>, vector<16xi32>], vector<16xf32>,
      %get3A_150 = arith.constant 0 : i32
      %get3A_151 = arith.index_cast %get3A_150 : i32 to index
      %get3A_152 = arith.constant 84 : index
      %get3A_153 = tpu.vector_load %arg5[%get3A_151, %get3A_152] {strides = array<i32>} : memref<16x100xf32, #tpu.memory_space<vmem>>, vector<16xf32>,
      %convert_element_type3A_154 = arith.fptosi %get3A_153 : vector<16xf32> to vector<16xi32>
      %add3A_155 = arith.addi %select_n3A_55, %convert_element_type3A_154 : vector<16xi32>
      %swap3A_156 = arith.constant 48 : index
      %swap3A_157 = tpu.vector_load %arg9[%swap3A_156] {strides = array<i32>} : memref<1024xi32, #tpu.memory_space<vmem>>, vector<16xi32>,
      tpu.vector_store %arg9[%swap3A_156], %add3A_155 {strides = array<i32>} : memref<1024xi32, #tpu.memory_space<vmem>>, vector<16xi32>,
      tpu.vector_store_idx %arg7[%broadcast_in_dim3A_103, %add3A_155], %broadcast_in_dim3A_56 : memref<16x3080xf32, #tpu.memory_space<vmem>>[vector<16xi32>, vector<16xi32>], vector<16xf32>,
      %broadcast_in_dim3A_158 = arith.constant 1 : i32
      %broadcast_in_dim3A_159 = vector.broadcast %broadcast_in_dim3A_158 : i32 to vector<16xi32>
      %get3A_160 = arith.constant 1 : i32
      %get3A_161 = arith.index_cast %get3A_160 : i32 to index
      %get3A_162 = arith.constant 0 : index
      %get3A_163 = tpu.vector_load %arg5[%get3A_161, %get3A_162] {strides = array<i32>} : memref<16x100xf32, #tpu.memory_space<vmem>>, vector<16xf32>,
      %swap3A_164 = arith.constant 1 : i32
      %swap3A_165 = arith.index_cast %swap3A_164 : i32 to index
      %swap3A_166 = arith.constant 0 : index
      %swap3A_167 = tpu.vector_load %arg7[%swap3A_165, %swap3A_166] {strides = array<i32>} : memref<16x3080xf32, #tpu.memory_space<vmem>>, vector<16xf32>,
      tpu.vector_store %arg7[%swap3A_165, %swap3A_166], %get3A_163 {strides = array<i32>} : memref<16x3080xf32, #tpu.memory_space<vmem>>, vector<16xf32>,
      %get3A_168 = arith.constant 1 : i32
      %get3A_169 = arith.index_cast %get3A_168 : i32 to index
      %get3A_170 = arith.constant 16 : index
      %get3A_171 = tpu.vector_load %arg5[%get3A_169, %get3A_170] {strides = array<i32>} : memref<16x100xf32, #tpu.memory_space<vmem>>, vector<16xf32>,
      %swap3A_172 = arith.constant 1 : i32
      %swap3A_173 = arith.index_cast %swap3A_172 : i32 to index
      %swap3A_174 = arith.constant 16 : index
      %swap3A_175 = tpu.vector_load %arg7[%swap3A_173, %swap3A_174] {strides = array<i32>} : memref<16x3080xf32, #tpu.memory_space<vmem>>, vector<16xf32>,
      tpu.vector_store %arg7[%swap3A_173, %swap3A_174], %get3A_171 {strides = array<i32>} : memref<16x3080xf32, #tpu.memory_space<vmem>>, vector<16xf32>,
      %get3A_176 = arith.constant 1 : i32
      %get3A_177 = arith.index_cast %get3A_176 : i32 to index
      %get3A_178 = arith.constant 24 : index
      %get3A_179 = tpu.vector_load %arg5[%get3A_177, %get3A_178] {strides = array<i32>} : memref<16x100xf32, #tpu.memory_space<vmem>>, vector<16xf32>,
      %swap3A_180 = arith.constant 1 : i32
      %swap3A_181 = arith.index_cast %swap3A_180 : i32 to index
      %swap3A_182 = arith.constant 24 : index
      %swap3A_183 = tpu.vector_load %arg7[%swap3A_181, %swap3A_182] {strides = array<i32>} : memref<16x3080xf32, #tpu.memory_space<vmem>>, vector<16xf32>,
      tpu.vector_store %arg7[%swap3A_181, %swap3A_182], %get3A_179 {strides = array<i32>} : memref<16x3080xf32, #tpu.memory_space<vmem>>, vector<16xf32>,
      %get3A_184 = arith.constant 1 : i32
      %get3A_185 = arith.index_cast %get3A_184 : i32 to index
      %get3A_186 = arith.constant 40 : index
      %get3A_187 = tpu.vector_load %arg5[%get3A_185, %get3A_186] {strides = array<i32>} : memref<16x100xf32, #tpu.memory_space<vmem>>, vector<16xf32>,
      %convert_element_type3A_188 = arith.fptosi %get3A_187 : vector<16xf32> to vector<16xi32>
      %add3A_189 = arith.addi %add3A_8, %convert_element_type3A_188 : vector<16xi32>
      %swap3A_190 = arith.constant 64 : index
      %swap3A_191 = tpu.vector_load %arg9[%swap3A_190] {strides = array<i32>} : memref<1024xi32, #tpu.memory_space<vmem>>, vector<16xi32>,
      tpu.vector_store %arg9[%swap3A_190], %add3A_189 {strides = array<i32>} : memref<1024xi32, #tpu.memory_space<vmem>>, vector<16xi32>,
      tpu.vector_store_idx %arg7[%broadcast_in_dim3A_159, %add3A_189], %broadcast_in_dim3A_56 : memref<16x3080xf32, #tpu.memory_space<vmem>>[vector<16xi32>, vector<16xi32>], vector<16xf32>,
      %get3A_192 = arith.constant 1 : i32
      %get3A_193 = arith.index_cast %get3A_192 : i32 to index
      %get3A_194 = arith.constant 56 : index
      %get3A_195 = tpu.vector_load %arg5[%get3A_193, %get3A_194] {strides = array<i32>} : memref<16x100xf32, #tpu.memory_space<vmem>>, vector<16xf32>,
      %convert_element_type3A_196 = arith.fptosi %get3A_195 : vector<16xf32> to vector<16xi32>
      %add3A_197 = arith.addi %select_n3A, %convert_element_type3A_196 : vector<16xi32>
      %swap3A_198 = arith.constant 80 : index
      %swap3A_199 = tpu.vector_load %arg9[%swap3A_198] {strides = array<i32>} : memref<1024xi32, #tpu.memory_space<vmem>>, vector<16xi32>,
      tpu.vector_store %arg9[%swap3A_198], %add3A_197 {strides = array<i32>} : memref<1024xi32, #tpu.memory_space<vmem>>, vector<16xi32>,
      tpu.vector_store_idx %arg7[%broadcast_in_dim3A_159, %add3A_197], %broadcast_in_dim3A_56 : memref<16x3080xf32, #tpu.memory_space<vmem>>[vector<16xi32>, vector<16xi32>], vector<16xf32>,
      %get3A_200 = arith.constant 1 : i32
      %get3A_201 = arith.index_cast %get3A_200 : i32 to index
      %get3A_202 = arith.constant 72 : index
      %get3A_203 = tpu.vector_load %arg5[%get3A_201, %get3A_202] {strides = array<i32>} : memref<16x100xf32, #tpu.memory_space<vmem>>, vector<16xf32>,
      %convert_element_type3A_204 = arith.fptosi %get3A_203 : vector<16xf32> to vector<16xi32>
      %add3A_205 = arith.addi %add3A_33, %convert_element_type3A_204 : vector<16xi32>
      %swap3A_206 = arith.constant 96 : index
      %swap3A_207 = tpu.vector_load %arg9[%swap3A_206] {strides = array<i32>} : memref<1024xi32, #tpu.memory_space<vmem>>, vector<16xi32>,
      tpu.vector_store %arg9[%swap3A_206], %add3A_205 {strides = array<i32>} : memref<1024xi32, #tpu.memory_space<vmem>>, vector<16xi32>,
      tpu.vector_store_idx %arg7[%broadcast_in_dim3A_159, %add3A_205], %broadcast_in_dim3A_56 : memref<16x3080xf32, #tpu.memory_space<vmem>>[vector<16xi32>, vector<16xi32>], vector<16xf32>,
      %get3A_208 = arith.constant 1 : i32
      %get3A_209 = arith.index_cast %get3A_208 : i32 to index
      %get3A_210 = arith.constant 84 : index
      %get3A_211 = tpu.vector_load %arg5[%get3A_209, %get3A_210] {strides = array<i32>} : memref<16x100xf32, #tpu.memory_space<vmem>>, vector<16xf32>,
      %convert_element_type3A_212 = arith.fptosi %get3A_211 : vector<16xf32> to vector<16xi32>
      %add3A_213 = arith.addi %select_n3A_55, %convert_element_type3A_212 : vector<16xi32>
      %swap3A_214 = arith.constant 112 : index
      %swap3A_215 = tpu.vector_load %arg9[%swap3A_214] {strides = array<i32>} : memref<1024xi32, #tpu.memory_space<vmem>>, vector<16xi32>,
      tpu.vector_store %arg9[%swap3A_214], %add3A_213 {strides = array<i32>} : memref<1024xi32, #tpu.memory_space<vmem>>, vector<16xi32>,
      tpu.vector_store_idx %arg7[%broadcast_in_dim3A_159, %add3A_213], %broadcast_in_dim3A_56 : memref<16x3080xf32, #tpu.memory_space<vmem>>[vector<16xi32>, vector<16xi32>], vector<16xf32>,
      %broadcast_in_dim3A_216 = arith.constant 2 : i32
      %broadcast_in_dim3A_217 = vector.broadcast %broadcast_in_dim3A_216 : i32 to vector<16xi32>
      %get3A_218 = arith.constant 2 : i32
      %get3A_219 = arith.index_cast %get3A_218 : i32 to index
      %get3A_220 = arith.constant 0 : index
      %get3A_221 = tpu.vector_load %arg5[%get3A_219, %get3A_220] {strides = array<i32>} : memref<16x100xf32, #tpu.memory_space<vmem>>, vector<16xf32>,
      %swap3A_222 = arith.constant 2 : i32
      %swap3A_223 = arith.index_cast %swap3A_222 : i32 to index
      %swap3A_224 = arith.constant 0 : index
      %swap3A_225 = tpu.vector_load %arg7[%swap3A_223, %swap3A_224] {strides = array<i32>} : memref<16x3080xf32, #tpu.memory_space<vmem>>, vector<16xf32>,
      tpu.vector_store %arg7[%swap3A_223, %swap3A_224], %get3A_221 {strides = array<i32>} : memref<16x3080xf32, #tpu.memory_space<vmem>>, vector<16xf32>,
      %get3A_226 = arith.constant 2 : i32
      %get3A_227 = arith.index_cast %get3A_226 : i32 to index
      %get3A_228 = arith.constant 16 : index
      %get3A_229 = tpu.vector_load %arg5[%get3A_227, %get3A_228] {strides = array<i32>} : memref<16x100xf32, #tpu.memory_space<vmem>>, vector<16xf32>,
      %swap3A_230 = arith.constant 2 : i32
      %swap3A_231 = arith.index_cast %swap3A_230 : i32 to index
      %swap3A_232 = arith.constant 16 : index
      %swap3A_233 = tpu.vector_load %arg7[%swap3A_231, %swap3A_232] {strides = array<i32>} : memref<16x3080xf32, #tpu.memory_space<vmem>>, vector<16xf32>,
      tpu.vector_store %arg7[%swap3A_231, %swap3A_232], %get3A_229 {strides = array<i32>} : memref<16x3080xf32, #tpu.memory_space<vmem>>, vector<16xf32>,
      %get3A_234 = arith.constant 2 : i32
      %get3A_235 = arith.index_cast %get3A_234 : i32 to index
      %get3A_236 = arith.constant 24 : index
      %get3A_237 = tpu.vector_load %arg5[%get3A_235, %get3A_236] {strides = array<i32>} : memref<16x100xf32, #tpu.memory_space<vmem>>, vector<16xf32>,
      %swap3A_238 = arith.constant 2 : i32
      %swap3A_239 = arith.index_cast %swap3A_238 : i32 to index
      %swap3A_240 = arith.constant 24 : index
      %swap3A_241 = tpu.vector_load %arg7[%swap3A_239, %swap3A_240] {strides = array<i32>} : memref<16x3080xf32, #tpu.memory_space<vmem>>, vector<16xf32>,
      tpu.vector_store %arg7[%swap3A_239, %swap3A_240], %get3A_237 {strides = array<i32>} : memref<16x3080xf32, #tpu.memory_space<vmem>>, vector<16xf32>,
      %get3A_242 = arith.constant 2 : i32
      %get3A_243 = arith.index_cast %get3A_242 : i32 to index
      %get3A_244 = arith.constant 40 : index
      %get3A_245 = tpu.vector_load %arg5[%get3A_243, %get3A_244] {strides = array<i32>} : memref<16x100xf32, #tpu.memory_space<vmem>>, vector<16xf32>,
      %convert_element_type3A_246 = arith.fptosi %get3A_245 : vector<16xf32> to vector<16xi32>
      %add3A_247 = arith.addi %add3A_8, %convert_element_type3A_246 : vector<16xi32>
      %swap3A_248 = arith.constant 128 : index
      %swap3A_249 = tpu.vector_load %arg9[%swap3A_248] {strides = array<i32>} : memref<1024xi32, #tpu.memory_space<vmem>>, vector<16xi32>,
      tpu.vector_store %arg9[%swap3A_248], %add3A_247 {strides = array<i32>} : memref<1024xi32, #tpu.memory_space<vmem>>, vector<16xi32>,
      tpu.vector_store_idx %arg7[%broadcast_in_dim3A_217, %add3A_247], %broadcast_in_dim3A_56 : memref<16x3080xf32, #tpu.memory_space<vmem>>[vector<16xi32>, vector<16xi32>], vector<16xf32>,
      %get3A_250 = arith.constant 2 : i32
      %get3A_251 = arith.index_cast %get3A_250 : i32 to index
      %get3A_252 = arith.constant 56 : index
      %get3A_253 = tpu.vector_load %arg5[%get3A_251, %get3A_252] {strides = array<i32>} : memref<16x100xf32, #tpu.memory_space<vmem>>, vector<16xf32>,
      %convert_element_type3A_254 = arith.fptosi %get3A_253 : vector<16xf32> to vector<16xi32>
      %add3A_255 = arith.addi %select_n3A, %convert_element_type3A_254 : vector<16xi32>
      %swap3A_256 = arith.constant 144 : index
      %swap3A_257 = tpu.vector_load %arg9[%swap3A_256] {strides = array<i32>} : memref<1024xi32, #tpu.memory_space<vmem>>, vector<16xi32>,
      tpu.vector_store %arg9[%swap3A_256], %add3A_255 {strides = array<i32>} : memref<1024xi32, #tpu.memory_space<vmem>>, vector<16xi32>,
      tpu.vector_store_idx %arg7[%broadcast_in_dim3A_217, %add3A_255], %broadcast_in_dim3A_56 : memref<16x3080xf32, #tpu.memory_space<vmem>>[vector<16xi32>, vector<16xi32>], vector<16xf32>,
      %get3A_258 = arith.constant 2 : i32
      %get3A_259 = arith.index_cast %get3A_258 : i32 to index
      %get3A_260 = arith.constant 72 : index
      %get3A_261 = tpu.vector_load %arg5[%get3A_259, %get3A_260] {strides = array<i32>} : memref<16x100xf32, #tpu.memory_space<vmem>>, vector<16xf32>,
      %convert_element_type3A_262 = arith.fptosi %get3A_261 : vector<16xf32> to vector<16xi32>
      %add3A_263 = arith.addi %add3A_33, %convert_element_type3A_262 : vector<16xi32>
      %swap3A_264 = arith.constant 160 : index
      %swap3A_265 = tpu.vector_load %arg9[%swap3A_264] {strides = array<i32>} : memref<1024xi32, #tpu.memory_space<vmem>>, vector<16xi32>,
      tpu.vector_store %arg9[%swap3A_264], %add3A_263 {strides = array<i32>} : memref<1024xi32, #tpu.memory_space<vmem>>, vector<16xi32>,
      tpu.vector_store_idx %arg7[%broadcast_in_dim3A_217, %add3A_263], %broadcast_in_dim3A_56 : memref<16x3080xf32, #tpu.memory_space<vmem>>[vector<16xi32>, vector<16xi32>], vector<16xf32>,
      %get3A_266 = arith.constant 2 : i32
      %get3A_267 = arith.index_cast %get3A_266 : i32 to index
      %get3A_268 = arith.constant 84 : index
      %get3A_269 = tpu.vector_load %arg5[%get3A_267, %get3A_268] {strides = array<i32>} : memref<16x100xf32, #tpu.memory_space<vmem>>, vector<16xf32>,
      %convert_element_type3A_270 = arith.fptosi %get3A_269 : vector<16xf32> to vector<16xi32>
      %add3A_271 = arith.addi %select_n3A_55, %convert_element_type3A_270 : vector<16xi32>
      %swap3A_272 = arith.constant 176 : index
      %swap3A_273 = tpu.vector_load %arg9[%swap3A_272] {strides = array<i32>} : memref<1024xi32, #tpu.memory_space<vmem>>, vector<16xi32>,
      tpu.vector_store %arg9[%swap3A_272], %add3A_271 {strides = array<i32>} : memref<1024xi32, #tpu.memory_space<vmem>>, vector<16xi32>,
      tpu.vector_store_idx %arg7[%broadcast_in_dim3A_217, %add3A_271], %broadcast_in_dim3A_56 : memref<16x3080xf32, #tpu.memory_space<vmem>>[vector<16xi32>, vector<16xi32>], vector<16xf32>,
      %broadcast_in_dim3A_274 = arith.constant 3 : i32
      %broadcast_in_dim3A_275 = vector.broadcast %broadcast_in_dim3A_274 : i32 to vector<16xi32>
      %get3A_276 = arith.constant 3 : i32
      %get3A_277 = arith.index_cast %get3A_276 : i32 to index
      %get3A_278 = arith.constant 0 : index
      %get3A_279 = tpu.vector_load %arg5[%get3A_277, %get3A_278] {strides = array<i32>} : memref<16x100xf32, #tpu.memory_space<vmem>>, vector<16xf32>,
      %swap3A_280 = arith.constant 3 : i32
      %swap3A_281 = arith.index_cast %swap3A_280 : i32 to index
      %swap3A_282 = arith.constant 0 : index
      %swap3A_283 = tpu.vector_load %arg7[%swap3A_281, %swap3A_282] {strides = array<i32>} : memref<16x3080xf32, #tpu.memory_space<vmem>>, vector<16xf32>,
      tpu.vector_store %arg7[%swap3A_281, %swap3A_282], %get3A_279 {strides = array<i32>} : memref<16x3080xf32, #tpu.memory_space<vmem>>, vector<16xf32>,
      %get3A_284 = arith.constant 3 : i32
      %get3A_285 = arith.index_cast %get3A_284 : i32 to index
      %get3A_286 = arith.constant 16 : index
      %get3A_287 = tpu.vector_load %arg5[%get3A_285, %get3A_286] {strides = array<i32>} : memref<16x100xf32, #tpu.memory_space<vmem>>, vector<16xf32>,
      %swap3A_288 = arith.constant 3 : i32
      %swap3A_289 = arith.index_cast %swap3A_288 : i32 to index
      %swap3A_290 = arith.constant 16 : index
      %swap3A_291 = tpu.vector_load %arg7[%swap3A_289, %swap3A_290] {strides = array<i32>} : memref<16x3080xf32, #tpu.memory_space<vmem>>, vector<16xf32>,
      tpu.vector_store %arg7[%swap3A_289, %swap3A_290], %get3A_287 {strides = array<i32>} : memref<16x3080xf32, #tpu.memory_space<vmem>>, vector<16xf32>,
      %get3A_292 = arith.constant 3 : i32
      %get3A_293 = arith.index_cast %get3A_292 : i32 to index
      %get3A_294 = arith.constant 24 : index
      %get3A_295 = tpu.vector_load %arg5[%get3A_293, %get3A_294] {strides = array<i32>} : memref<16x100xf32, #tpu.memory_space<vmem>>, vector<16xf32>,
      %swap3A_296 = arith.constant 3 : i32
      %swap3A_297 = arith.index_cast %swap3A_296 : i32 to index
      %swap3A_298 = arith.constant 24 : index
      %swap3A_299 = tpu.vector_load %arg7[%swap3A_297, %swap3A_298] {strides = array<i32>} : memref<16x3080xf32, #tpu.memory_space<vmem>>, vector<16xf32>,
      tpu.vector_store %arg7[%swap3A_297, %swap3A_298], %get3A_295 {strides = array<i32>} : memref<16x3080xf32, #tpu.memory_space<vmem>>, vector<16xf32>,
      %get3A_300 = arith.constant 3 : i32
      %get3A_301 = arith.index_cast %get3A_300 : i32 to index
      %get3A_302 = arith.constant 40 : index
      %get3A_303 = tpu.vector_load %arg5[%get3A_301, %get3A_302] {strides = array<i32>} : memref<16x100xf32, #tpu.memory_space<vmem>>, vector<16xf32>,
      %convert_element_type3A_304 = arith.fptosi %get3A_303 : vector<16xf32> to vector<16xi32>
      %add3A_305 = arith.addi %add3A_8, %convert_element_type3A_304 : vector<16xi32>
      %swap3A_306 = arith.constant 192 : index
      %swap3A_307 = tpu.vector_load %arg9[%swap3A_306] {strides = array<i32>} : memref<1024xi32, #tpu.memory_space<vmem>>, vector<16xi32>,
      tpu.vector_store %arg9[%swap3A_306], %add3A_305 {strides = array<i32>} : memref<1024xi32, #tpu.memory_space<vmem>>, vector<16xi32>,
      tpu.vector_store_idx %arg7[%broadcast_in_dim3A_275, %add3A_305], %broadcast_in_dim3A_56 : memref<16x3080xf32, #tpu.memory_space<vmem>>[vector<16xi32>, vector<16xi32>], vector<16xf32>,
      %get3A_308 = arith.constant 3 : i32
      %get3A_309 = arith.index_cast %get3A_308 : i32 to index
      %get3A_310 = arith.constant 56 : index
      %get3A_311 = tpu.vector_load %arg5[%get3A_309, %get3A_310] {strides = array<i32>} : memref<16x100xf32, #tpu.memory_space<vmem>>, vector<16xf32>,
      %convert_element_type3A_312 = arith.fptosi %get3A_311 : vector<16xf32> to vector<16xi32>
      %add3A_313 = arith.addi %select_n3A, %convert_element_type3A_312 : vector<16xi32>
      %swap3A_314 = arith.constant 208 : index
      %swap3A_315 = tpu.vector_load %arg9[%swap3A_314] {strides = array<i32>} : memref<1024xi32, #tpu.memory_space<vmem>>, vector<16xi32>,
      tpu.vector_store %arg9[%swap3A_314], %add3A_313 {strides = array<i32>} : memref<1024xi32, #tpu.memory_space<vmem>>, vector<16xi32>,
      tpu.vector_store_idx %arg7[%broadcast_in_dim3A_275, %add3A_313], %broadcast_in_dim3A_56 : memref<16x3080xf32, #tpu.memory_space<vmem>>[vector<16xi32>, vector<16xi32>], vector<16xf32>,
      %get3A_316 = arith.constant 3 : i32
      %get3A_317 = arith.index_cast %get3A_316 : i32 to index
      %get3A_318 = arith.constant 72 : index
      %get3A_319 = tpu.vector_load %arg5[%get3A_317, %get3A_318] {strides = array<i32>} : memref<16x100xf32, #tpu.memory_space<vmem>>, vector<16xf32>,
      %convert_element_type3A_320 = arith.fptosi %get3A_319 : vector<16xf32> to vector<16xi32>
      %add3A_321 = arith.addi %add3A_33, %convert_element_type3A_320 : vector<16xi32>
      %swap3A_322 = arith.constant 224 : index
      %swap3A_323 = tpu.vector_load %arg9[%swap3A_322] {strides = array<i32>} : memref<1024xi32, #tpu.memory_space<vmem>>, vector<16xi32>,
      tpu.vector_store %arg9[%swap3A_322], %add3A_321 {strides = array<i32>} : memref<1024xi32, #tpu.memory_space<vmem>>, vector<16xi32>,
      tpu.vector_store_idx %arg7[%broadcast_in_dim3A_275, %add3A_321], %broadcast_in_dim3A_56 : memref<16x3080xf32, #tpu.memory_space<vmem>>[vector<16xi32>, vector<16xi32>], vector<16xf32>,
      %get3A_324 = arith.constant 3 : i32
      %get3A_325 = arith.index_cast %get3A_324 : i32 to index
      %get3A_326 = arith.constant 84 : index
      %get3A_327 = tpu.vector_load %arg5[%get3A_325, %get3A_326] {strides = array<i32>} : memref<16x100xf32, #tpu.memory_space<vmem>>, vector<16xf32>,
      %convert_element_type3A_328 = arith.fptosi %get3A_327 : vector<16xf32> to vector<16xi32>
      %add3A_329 = arith.addi %select_n3A_55, %convert_element_type3A_328 : vector<16xi32>
      %swap3A_330 = arith.constant 240 : index
      %swap3A_331 = tpu.vector_load %arg9[%swap3A_330] {strides = array<i32>} : memref<1024xi32, #tpu.memory_space<vmem>>, vector<16xi32>,
      tpu.vector_store %arg9[%swap3A_330], %add3A_329 {strides = array<i32>} : memref<1024xi32, #tpu.memory_space<vmem>>, vector<16xi32>,
      tpu.vector_store_idx %arg7[%broadcast_in_dim3A_275, %add3A_329], %broadcast_in_dim3A_56 : memref<16x3080xf32, #tpu.memory_space<vmem>>[vector<16xi32>, vector<16xi32>], vector<16xf32>,
      %broadcast_in_dim3A_332 = arith.constant 4 : i32
      %broadcast_in_dim3A_333 = vector.broadcast %broadcast_in_dim3A_332 : i32 to vector<16xi32>
      %get3A_334 = arith.constant 4 : i32
      %get3A_335 = arith.index_cast %get3A_334 : i32 to index
      %get3A_336 = arith.constant 0 : index
      %get3A_337 = tpu.vector_load %arg5[%get3A_335, %get3A_336] {strides = array<i32>} : memref<16x100xf32, #tpu.memory_space<vmem>>, vector<16xf32>,
      %swap3A_338 = arith.constant 4 : i32
      %swap3A_339 = arith.index_cast %swap3A_338 : i32 to index
      %swap3A_340 = arith.constant 0 : index
      %swap3A_341 = tpu.vector_load %arg7[%swap3A_339, %swap3A_340] {strides = array<i32>} : memref<16x3080xf32, #tpu.memory_space<vmem>>, vector<16xf32>,
      tpu.vector_store %arg7[%swap3A_339, %swap3A_340], %get3A_337 {strides = array<i32>} : memref<16x3080xf32, #tpu.memory_space<vmem>>, vector<16xf32>,
      %get3A_342 = arith.constant 4 : i32
      %get3A_343 = arith.index_cast %get3A_342 : i32 to index
      %get3A_344 = arith.constant 16 : index
      %get3A_345 = tpu.vector_load %arg5[%get3A_343, %get3A_344] {strides = array<i32>} : memref<16x100xf32, #tpu.memory_space<vmem>>, vector<16xf32>,
      %swap3A_346 = arith.constant 4 : i32
      %swap3A_347 = arith.index_cast %swap3A_346 : i32 to index
      %swap3A_348 = arith.constant 16 : index
      %swap3A_349 = tpu.vector_load %arg7[%swap3A_347, %swap3A_348] {strides = array<i32>} : memref<16x3080xf32, #tpu.memory_space<vmem>>, vector<16xf32>,
      tpu.vector_store %arg7[%swap3A_347, %swap3A_348], %get3A_345 {strides = array<i32>} : memref<16x3080xf32, #tpu.memory_space<vmem>>, vector<16xf32>,
      %get3A_350 = arith.constant 4 : i32
      %get3A_351 = arith.index_cast %get3A_350 : i32 to index
      %get3A_352 = arith.constant 24 : index
      %get3A_353 = tpu.vector_load %arg5[%get3A_351, %get3A_352] {strides = array<i32>} : memref<16x100xf32, #tpu.memory_space<vmem>>, vector<16xf32>,
      %swap3A_354 = arith.constant 4 : i32
      %swap3A_355 = arith.index_cast %swap3A_354 : i32 to index
      %swap3A_356 = arith.constant 24 : index
      %swap3A_357 = tpu.vector_load %arg7[%swap3A_355, %swap3A_356] {strides = array<i32>} : memref<16x3080xf32, #tpu.memory_space<vmem>>, vector<16xf32>,
      tpu.vector_store %arg7[%swap3A_355, %swap3A_356], %get3A_353 {strides = array<i32>} : memref<16x3080xf32, #tpu.memory_space<vmem>>, vector<16xf32>,
      %get3A_358 = arith.constant 4 : i32
      %get3A_359 = arith.index_cast %get3A_358 : i32 to index
      %get3A_360 = arith.constant 40 : index
      %get3A_361 = tpu.vector_load %arg5[%get3A_359, %get3A_360] {strides = array<i32>} : memref<16x100xf32, #tpu.memory_space<vmem>>, vector<16xf32>,
      %convert_element_type3A_362 = arith.fptosi %get3A_361 : vector<16xf32> to vector<16xi32>
      %add3A_363 = arith.addi %add3A_8, %convert_element_type3A_362 : vector<16xi32>
      %swap3A_364 = arith.constant 256 : index
      %swap3A_365 = tpu.vector_load %arg9[%swap3A_364] {strides = array<i32>} : memref<1024xi32, #tpu.memory_space<vmem>>, vector<16xi32>,
      tpu.vector_store %arg9[%swap3A_364], %add3A_363 {strides = array<i32>} : memref<1024xi32, #tpu.memory_space<vmem>>, vector<16xi32>,
      tpu.vector_store_idx %arg7[%broadcast_in_dim3A_333, %add3A_363], %broadcast_in_dim3A_56 : memref<16x3080xf32, #tpu.memory_space<vmem>>[vector<16xi32>, vector<16xi32>], vector<16xf32>,
      %get3A_366 = arith.constant 4 : i32
      %get3A_367 = arith.index_cast %get3A_366 : i32 to index
      %get3A_368 = arith.constant 56 : index
      %get3A_369 = tpu.vector_load %arg5[%get3A_367, %get3A_368] {strides = array<i32>} : memref<16x100xf32, #tpu.memory_space<vmem>>, vector<16xf32>,
      %convert_element_type3A_370 = arith.fptosi %get3A_369 : vector<16xf32> to vector<16xi32>
      %add3A_371 = arith.addi %select_n3A, %convert_element_type3A_370 : vector<16xi32>
      %swap3A_372 = arith.constant 272 : index
      %swap3A_373 = tpu.vector_load %arg9[%swap3A_372] {strides = array<i32>} : memref<1024xi32, #tpu.memory_space<vmem>>, vector<16xi32>,
      tpu.vector_store %arg9[%swap3A_372], %add3A_371 {strides = array<i32>} : memref<1024xi32, #tpu.memory_space<vmem>>, vector<16xi32>,
      tpu.vector_store_idx %arg7[%broadcast_in_dim3A_333, %add3A_371], %broadcast_in_dim3A_56 : memref<16x3080xf32, #tpu.memory_space<vmem>>[vector<16xi32>, vector<16xi32>], vector<16xf32>,
      %get3A_374 = arith.constant 4 : i32
      %get3A_375 = arith.index_cast %get3A_374 : i32 to index
      %get3A_376 = arith.constant 72 : index
      %get3A_377 = tpu.vector_load %arg5[%get3A_375, %get3A_376] {strides = array<i32>} : memref<16x100xf32, #tpu.memory_space<vmem>>, vector<16xf32>,
      %convert_element_type3A_378 = arith.fptosi %get3A_377 : vector<16xf32> to vector<16xi32>
      %add3A_379 = arith.addi %add3A_33, %convert_element_type3A_378 : vector<16xi32>
      %swap3A_380 = arith.constant 288 : index
      %swap3A_381 = tpu.vector_load %arg9[%swap3A_380] {strides = array<i32>} : memref<1024xi32, #tpu.memory_space<vmem>>, vector<16xi32>,
      tpu.vector_store %arg9[%swap3A_380], %add3A_379 {strides = array<i32>} : memref<1024xi32, #tpu.memory_space<vmem>>, vector<16xi32>,
      tpu.vector_store_idx %arg7[%broadcast_in_dim3A_333, %add3A_379], %broadcast_in_dim3A_56 : memref<16x3080xf32, #tpu.memory_space<vmem>>[vector<16xi32>, vector<16xi32>], vector<16xf32>,
      %get3A_382 = arith.constant 4 : i32
      %get3A_383 = arith.index_cast %get3A_382 : i32 to index
      %get3A_384 = arith.constant 84 : index
      %get3A_385 = tpu.vector_load %arg5[%get3A_383, %get3A_384] {strides = array<i32>} : memref<16x100xf32, #tpu.memory_space<vmem>>, vector<16xf32>,
      %convert_element_type3A_386 = arith.fptosi %get3A_385 : vector<16xf32> to vector<16xi32>
      %add3A_387 = arith.addi %select_n3A_55, %convert_element_type3A_386 : vector<16xi32>
      %swap3A_388 = arith.constant 304 : index
      %swap3A_389 = tpu.vector_load %arg9[%swap3A_388] {strides = array<i32>} : memref<1024xi32, #tpu.memory_space<vmem>>, vector<16xi32>,
      tpu.vector_store %arg9[%swap3A_388], %add3A_387 {strides = array<i32>} : memref<1024xi32, #tpu.memory_space<vmem>>, vector<16xi32>,
      tpu.vector_store_idx %arg7[%broadcast_in_dim3A_333, %add3A_387], %broadcast_in_dim3A_56 : memref<16x3080xf32, #tpu.memory_space<vmem>>[vector<16xi32>, vector<16xi32>], vector<16xf32>,
      %broadcast_in_dim3A_390 = arith.constant 5 : i32
      %broadcast_in_dim3A_391 = vector.broadcast %broadcast_in_dim3A_390 : i32 to vector<16xi32>
      %get3A_392 = arith.constant 5 : i32
      %get3A_393 = arith.index_cast %get3A_392 : i32 to index
      %get3A_394 = arith.constant 0 : index
      %get3A_395 = tpu.vector_load %arg5[%get3A_393, %get3A_394] {strides = array<i32>} : memref<16x100xf32, #tpu.memory_space<vmem>>, vector<16xf32>,
      %swap3A_396 = arith.constant 5 : i32
      %swap3A_397 = arith.index_cast %swap3A_396 : i32 to index
      %swap3A_398 = arith.constant 0 : index
      %swap3A_399 = tpu.vector_load %arg7[%swap3A_397, %swap3A_398] {strides = array<i32>} : memref<16x3080xf32, #tpu.memory_space<vmem>>, vector<16xf32>,
      tpu.vector_store %arg7[%swap3A_397, %swap3A_398], %get3A_395 {strides = array<i32>} : memref<16x3080xf32, #tpu.memory_space<vmem>>, vector<16xf32>,
      %get3A_400 = arith.constant 5 : i32
      %get3A_401 = arith.index_cast %get3A_400 : i32 to index
      %get3A_402 = arith.constant 16 : index
      %get3A_403 = tpu.vector_load %arg5[%get3A_401, %get3A_402] {strides = array<i32>} : memref<16x100xf32, #tpu.memory_space<vmem>>, vector<16xf32>,
      %swap3A_404 = arith.constant 5 : i32
      %swap3A_405 = arith.index_cast %swap3A_404 : i32 to index
      %swap3A_406 = arith.constant 16 : index
      %swap3A_407 = tpu.vector_load %arg7[%swap3A_405, %swap3A_406] {strides = array<i32>} : memref<16x3080xf32, #tpu.memory_space<vmem>>, vector<16xf32>,
      tpu.vector_store %arg7[%swap3A_405, %swap3A_406], %get3A_403 {strides = array<i32>} : memref<16x3080xf32, #tpu.memory_space<vmem>>, vector<16xf32>,
      %get3A_408 = arith.constant 5 : i32
      %get3A_409 = arith.index_cast %get3A_408 : i32 to index
      %get3A_410 = arith.constant 24 : index
      %get3A_411 = tpu.vector_load %arg5[%get3A_409, %get3A_410] {strides = array<i32>} : memref<16x100xf32, #tpu.memory_space<vmem>>, vector<16xf32>,
      %swap3A_412 = arith.constant 5 : i32
      %swap3A_413 = arith.index_cast %swap3A_412 : i32 to index
      %swap3A_414 = arith.constant 24 : index
      %swap3A_415 = tpu.vector_load %arg7[%swap3A_413, %swap3A_414] {strides = array<i32>} : memref<16x3080xf32, #tpu.memory_space<vmem>>, vector<16xf32>,
      tpu.vector_store %arg7[%swap3A_413, %swap3A_414], %get3A_411 {strides = array<i32>} : memref<16x3080xf32, #tpu.memory_space<vmem>>, vector<16xf32>,
      %get3A_416 = arith.constant 5 : i32
      %get3A_417 = arith.index_cast %get3A_416 : i32 to index
      %get3A_418 = arith.constant 40 : index
      %get3A_419 = tpu.vector_load %arg5[%get3A_417, %get3A_418] {strides = array<i32>} : memref<16x100xf32, #tpu.memory_space<vmem>>, vector<16xf32>,
      %convert_element_type3A_420 = arith.fptosi %get3A_419 : vector<16xf32> to vector<16xi32>
      %add3A_421 = arith.addi %add3A_8, %convert_element_type3A_420 : vector<16xi32>
      %swap3A_422 = arith.constant 320 : index
      %swap3A_423 = tpu.vector_load %arg9[%swap3A_422] {strides = array<i32>} : memref<1024xi32, #tpu.memory_space<vmem>>, vector<16xi32>,
      tpu.vector_store %arg9[%swap3A_422], %add3A_421 {strides = array<i32>} : memref<1024xi32, #tpu.memory_space<vmem>>, vector<16xi32>,
      tpu.vector_store_idx %arg7[%broadcast_in_dim3A_391, %add3A_421], %broadcast_in_dim3A_56 : memref<16x3080xf32, #tpu.memory_space<vmem>>[vector<16xi32>, vector<16xi32>], vector<16xf32>,
      %get3A_424 = arith.constant 5 : i32
      %get3A_425 = arith.index_cast %get3A_424 : i32 to index
      %get3A_426 = arith.constant 56 : index
      %get3A_427 = tpu.vector_load %arg5[%get3A_425, %get3A_426] {strides = array<i32>} : memref<16x100xf32, #tpu.memory_space<vmem>>, vector<16xf32>,
      %convert_element_type3A_428 = arith.fptosi %get3A_427 : vector<16xf32> to vector<16xi32>
      %add3A_429 = arith.addi %select_n3A, %convert_element_type3A_428 : vector<16xi32>
      %swap3A_430 = arith.constant 336 : index
      %swap3A_431 = tpu.vector_load %arg9[%swap3A_430] {strides = array<i32>} : memref<1024xi32, #tpu.memory_space<vmem>>, vector<16xi32>,
      tpu.vector_store %arg9[%swap3A_430], %add3A_429 {strides = array<i32>} : memref<1024xi32, #tpu.memory_space<vmem>>, vector<16xi32>,
      tpu.vector_store_idx %arg7[%broadcast_in_dim3A_391, %add3A_429], %broadcast_in_dim3A_56 : memref<16x3080xf32, #tpu.memory_space<vmem>>[vector<16xi32>, vector<16xi32>], vector<16xf32>,
      %get3A_432 = arith.constant 5 : i32
      %get3A_433 = arith.index_cast %get3A_432 : i32 to index
      %get3A_434 = arith.constant 72 : index
      %get3A_435 = tpu.vector_load %arg5[%get3A_433, %get3A_434] {strides = array<i32>} : memref<16x100xf32, #tpu.memory_space<vmem>>, vector<16xf32>,
      %convert_element_type3A_436 = arith.fptosi %get3A_435 : vector<16xf32> to vector<16xi32>
      %add3A_437 = arith.addi %add3A_33, %convert_element_type3A_436 : vector<16xi32>
      %swap3A_438 = arith.constant 352 : index
      %swap3A_439 = tpu.vector_load %arg9[%swap3A_438] {strides = array<i32>} : memref<1024xi32, #tpu.memory_space<vmem>>, vector<16xi32>,
      tpu.vector_store %arg9[%swap3A_438], %add3A_437 {strides = array<i32>} : memref<1024xi32, #tpu.memory_space<vmem>>, vector<16xi32>,
      tpu.vector_store_idx %arg7[%broadcast_in_dim3A_391, %add3A_437], %broadcast_in_dim3A_56 : memref<16x3080xf32, #tpu.memory_space<vmem>>[vector<16xi32>, vector<16xi32>], vector<16xf32>,
      %get3A_440 = arith.constant 5 : i32
      %get3A_441 = arith.index_cast %get3A_440 : i32 to index
      %get3A_442 = arith.constant 84 : index
      %get3A_443 = tpu.vector_load %arg5[%get3A_441, %get3A_442] {strides = array<i32>} : memref<16x100xf32, #tpu.memory_space<vmem>>, vector<16xf32>,
      %convert_element_type3A_444 = arith.fptosi %get3A_443 : vector<16xf32> to vector<16xi32>
      %add3A_445 = arith.addi %select_n3A_55, %convert_element_type3A_444 : vector<16xi32>
      %swap3A_446 = arith.constant 368 : index
      %swap3A_447 = tpu.vector_load %arg9[%swap3A_446] {strides = array<i32>} : memref<1024xi32, #tpu.memory_space<vmem>>, vector<16xi32>,
      tpu.vector_store %arg9[%swap3A_446], %add3A_445 {strides = array<i32>} : memref<1024xi32, #tpu.memory_space<vmem>>, vector<16xi32>,
      tpu.vector_store_idx %arg7[%broadcast_in_dim3A_391, %add3A_445], %broadcast_in_dim3A_56 : memref<16x3080xf32, #tpu.memory_space<vmem>>[vector<16xi32>, vector<16xi32>], vector<16xf32>,
      %broadcast_in_dim3A_448 = arith.constant 6 : i32
      %broadcast_in_dim3A_449 = vector.broadcast %broadcast_in_dim3A_448 : i32 to vector<16xi32>
      %get3A_450 = arith.constant 6 : i32
      %get3A_451 = arith.index_cast %get3A_450 : i32 to index
      %get3A_452 = arith.constant 0 : index
      %get3A_453 = tpu.vector_load %arg5[%get3A_451, %get3A_452] {strides = array<i32>} : memref<16x100xf32, #tpu.memory_space<vmem>>, vector<16xf32>,
      %swap3A_454 = arith.constant 6 : i32
      %swap3A_455 = arith.index_cast %swap3A_454 : i32 to index
      %swap3A_456 = arith.constant 0 : index
      %swap3A_457 = tpu.vector_load %arg7[%swap3A_455, %swap3A_456] {strides = array<i32>} : memref<16x3080xf32, #tpu.memory_space<vmem>>, vector<16xf32>,
      tpu.vector_store %arg7[%swap3A_455, %swap3A_456], %get3A_453 {strides = array<i32>} : memref<16x3080xf32, #tpu.memory_space<vmem>>, vector<16xf32>,
      %get3A_458 = arith.constant 6 : i32
      %get3A_459 = arith.index_cast %get3A_458 : i32 to index
      %get3A_460 = arith.constant 16 : index
      %get3A_461 = tpu.vector_load %arg5[%get3A_459, %get3A_460] {strides = array<i32>} : memref<16x100xf32, #tpu.memory_space<vmem>>, vector<16xf32>,
      %swap3A_462 = arith.constant 6 : i32
      %swap3A_463 = arith.index_cast %swap3A_462 : i32 to index
      %swap3A_464 = arith.constant 16 : index
      %swap3A_465 = tpu.vector_load %arg7[%swap3A_463, %swap3A_464] {strides = array<i32>} : memref<16x3080xf32, #tpu.memory_space<vmem>>, vector<16xf32>,
      tpu.vector_store %arg7[%swap3A_463, %swap3A_464], %get3A_461 {strides = array<i32>} : memref<16x3080xf32, #tpu.memory_space<vmem>>, vector<16xf32>,
      %get3A_466 = arith.constant 6 : i32
      %get3A_467 = arith.index_cast %get3A_466 : i32 to index
      %get3A_468 = arith.constant 24 : index
      %get3A_469 = tpu.vector_load %arg5[%get3A_467, %get3A_468] {strides = array<i32>} : memref<16x100xf32, #tpu.memory_space<vmem>>, vector<16xf32>,
      %swap3A_470 = arith.constant 6 : i32
      %swap3A_471 = arith.index_cast %swap3A_470 : i32 to index
      %swap3A_472 = arith.constant 24 : index
      %swap3A_473 = tpu.vector_load %arg7[%swap3A_471, %swap3A_472] {strides = array<i32>} : memref<16x3080xf32, #tpu.memory_space<vmem>>, vector<16xf32>,
      tpu.vector_store %arg7[%swap3A_471, %swap3A_472], %get3A_469 {strides = array<i32>} : memref<16x3080xf32, #tpu.memory_space<vmem>>, vector<16xf32>,
      %get3A_474 = arith.constant 6 : i32
      %get3A_475 = arith.index_cast %get3A_474 : i32 to index
      %get3A_476 = arith.constant 40 : index
      %get3A_477 = tpu.vector_load %arg5[%get3A_475, %get3A_476] {strides = array<i32>} : memref<16x100xf32, #tpu.memory_space<vmem>>, vector<16xf32>,
      %convert_element_type3A_478 = arith.fptosi %get3A_477 : vector<16xf32> to vector<16xi32>
      %add3A_479 = arith.addi %add3A_8, %convert_element_type3A_478 : vector<16xi32>
      %swap3A_480 = arith.constant 384 : index
      %swap3A_481 = tpu.vector_load %arg9[%swap3A_480] {strides = array<i32>} : memref<1024xi32, #tpu.memory_space<vmem>>, vector<16xi32>,
      tpu.vector_store %arg9[%swap3A_480], %add3A_479 {strides = array<i32>} : memref<1024xi32, #tpu.memory_space<vmem>>, vector<16xi32>,
      tpu.vector_store_idx %arg7[%broadcast_in_dim3A_449, %add3A_479], %broadcast_in_dim3A_56 : memref<16x3080xf32, #tpu.memory_space<vmem>>[vector<16xi32>, vector<16xi32>], vector<16xf32>,
      %get3A_482 = arith.constant 6 : i32
      %get3A_483 = arith.index_cast %get3A_482 : i32 to index
      %get3A_484 = arith.constant 56 : index
      %get3A_485 = tpu.vector_load %arg5[%get3A_483, %get3A_484] {strides = array<i32>} : memref<16x100xf32, #tpu.memory_space<vmem>>, vector<16xf32>,
      %convert_element_type3A_486 = arith.fptosi %get3A_485 : vector<16xf32> to vector<16xi32>
      %add3A_487 = arith.addi %select_n3A, %convert_element_type3A_486 : vector<16xi32>
      %swap3A_488 = arith.constant 400 : index
      %swap3A_489 = tpu.vector_load %arg9[%swap3A_488] {strides = array<i32>} : memref<1024xi32, #tpu.memory_space<vmem>>, vector<16xi32>,
      tpu.vector_store %arg9[%swap3A_488], %add3A_487 {strides = array<i32>} : memref<1024xi32, #tpu.memory_space<vmem>>, vector<16xi32>,
      tpu.vector_store_idx %arg7[%broadcast_in_dim3A_449, %add3A_487], %broadcast_in_dim3A_56 : memref<16x3080xf32, #tpu.memory_space<vmem>>[vector<16xi32>, vector<16xi32>], vector<16xf32>,
      %get3A_490 = arith.constant 6 : i32
      %get3A_491 = arith.index_cast %get3A_490 : i32 to index
      %get3A_492 = arith.constant 72 : index
      %get3A_493 = tpu.vector_load %arg5[%get3A_491, %get3A_492] {strides = array<i32>} : memref<16x100xf32, #tpu.memory_space<vmem>>, vector<16xf32>,
      %convert_element_type3A_494 = arith.fptosi %get3A_493 : vector<16xf32> to vector<16xi32>
      %add3A_495 = arith.addi %add3A_33, %convert_element_type3A_494 : vector<16xi32>
      %swap3A_496 = arith.constant 416 : index
      %swap3A_497 = tpu.vector_load %arg9[%swap3A_496] {strides = array<i32>} : memref<1024xi32, #tpu.memory_space<vmem>>, vector<16xi32>,
      tpu.vector_store %arg9[%swap3A_496], %add3A_495 {strides = array<i32>} : memref<1024xi32, #tpu.memory_space<vmem>>, vector<16xi32>,
      tpu.vector_store_idx %arg7[%broadcast_in_dim3A_449, %add3A_495], %broadcast_in_dim3A_56 : memref<16x3080xf32, #tpu.memory_space<vmem>>[vector<16xi32>, vector<16xi32>], vector<16xf32>,
      %get3A_498 = arith.constant 6 : i32
      %get3A_499 = arith.index_cast %get3A_498 : i32 to index
      %get3A_500 = arith.constant 84 : index
      %get3A_501 = tpu.vector_load %arg5[%get3A_499, %get3A_500] {strides = array<i32>} : memref<16x100xf32, #tpu.memory_space<vmem>>, vector<16xf32>,
      %convert_element_type3A_502 = arith.fptosi %get3A_501 : vector<16xf32> to vector<16xi32>
      %add3A_503 = arith.addi %select_n3A_55, %convert_element_type3A_502 : vector<16xi32>
      %swap3A_504 = arith.constant 432 : index
      %swap3A_505 = tpu.vector_load %arg9[%swap3A_504] {strides = array<i32>} : memref<1024xi32, #tpu.memory_space<vmem>>, vector<16xi32>,
      tpu.vector_store %arg9[%swap3A_504], %add3A_503 {strides = array<i32>} : memref<1024xi32, #tpu.memory_space<vmem>>, vector<16xi32>,
      tpu.vector_store_idx %arg7[%broadcast_in_dim3A_449, %add3A_503], %broadcast_in_dim3A_56 : memref<16x3080xf32, #tpu.memory_space<vmem>>[vector<16xi32>, vector<16xi32>], vector<16xf32>,
      %broadcast_in_dim3A_506 = arith.constant 7 : i32
      %broadcast_in_dim3A_507 = vector.broadcast %broadcast_in_dim3A_506 : i32 to vector<16xi32>
      %get3A_508 = arith.constant 7 : i32
      %get3A_509 = arith.index_cast %get3A_508 : i32 to index
      %get3A_510 = arith.constant 0 : index
      %get3A_511 = tpu.vector_load %arg5[%get3A_509, %get3A_510] {strides = array<i32>} : memref<16x100xf32, #tpu.memory_space<vmem>>, vector<16xf32>,
      %swap3A_512 = arith.constant 7 : i32
      %swap3A_513 = arith.index_cast %swap3A_512 : i32 to index
      %swap3A_514 = arith.constant 0 : index
      %swap3A_515 = tpu.vector_load %arg7[%swap3A_513, %swap3A_514] {strides = array<i32>} : memref<16x3080xf32, #tpu.memory_space<vmem>>, vector<16xf32>,
      tpu.vector_store %arg7[%swap3A_513, %swap3A_514], %get3A_511 {strides = array<i32>} : memref<16x3080xf32, #tpu.memory_space<vmem>>, vector<16xf32>,
      %get3A_516 = arith.constant 7 : i32
      %get3A_517 = arith.index_cast %get3A_516 : i32 to index
      %get3A_518 = arith.constant 16 : index
      %get3A_519 = tpu.vector_load %arg5[%get3A_517, %get3A_518] {strides = array<i32>} : memref<16x100xf32, #tpu.memory_space<vmem>>, vector<16xf32>,
      %swap3A_520 = arith.constant 7 : i32
      %swap3A_521 = arith.index_cast %swap3A_520 : i32 to index
      %swap3A_522 = arith.constant 16 : index
      %swap3A_523 = tpu.vector_load %arg7[%swap3A_521, %swap3A_522] {strides = array<i32>} : memref<16x3080xf32, #tpu.memory_space<vmem>>, vector<16xf32>,
      tpu.vector_store %arg7[%swap3A_521, %swap3A_522], %get3A_519 {strides = array<i32>} : memref<16x3080xf32, #tpu.memory_space<vmem>>, vector<16xf32>,
      %get3A_524 = arith.constant 7 : i32
      %get3A_525 = arith.index_cast %get3A_524 : i32 to index
      %get3A_526 = arith.constant 24 : index
      %get3A_527 = tpu.vector_load %arg5[%get3A_525, %get3A_526] {strides = array<i32>} : memref<16x100xf32, #tpu.memory_space<vmem>>, vector<16xf32>,
      %swap3A_528 = arith.constant 7 : i32
      %swap3A_529 = arith.index_cast %swap3A_528 : i32 to index
      %swap3A_530 = arith.constant 24 : index
      %swap3A_531 = tpu.vector_load %arg7[%swap3A_529, %swap3A_530] {strides = array<i32>} : memref<16x3080xf32, #tpu.memory_space<vmem>>, vector<16xf32>,
      tpu.vector_store %arg7[%swap3A_529, %swap3A_530], %get3A_527 {strides = array<i32>} : memref<16x3080xf32, #tpu.memory_space<vmem>>, vector<16xf32>,
      %get3A_532 = arith.constant 7 : i32
      %get3A_533 = arith.index_cast %get3A_532 : i32 to index
      %get3A_534 = arith.constant 40 : index
      %get3A_535 = tpu.vector_load %arg5[%get3A_533, %get3A_534] {strides = array<i32>} : memref<16x100xf32, #tpu.memory_space<vmem>>, vector<16xf32>,
      %convert_element_type3A_536 = arith.fptosi %get3A_535 : vector<16xf32> to vector<16xi32>
      %add3A_537 = arith.addi %add3A_8, %convert_element_type3A_536 : vector<16xi32>
      %swap3A_538 = arith.constant 448 : index
      %swap3A_539 = tpu.vector_load %arg9[%swap3A_538] {strides = array<i32>} : memref<1024xi32, #tpu.memory_space<vmem>>, vector<16xi32>,
      tpu.vector_store %arg9[%swap3A_538], %add3A_537 {strides = array<i32>} : memref<1024xi32, #tpu.memory_space<vmem>>, vector<16xi32>,
      tpu.vector_store_idx %arg7[%broadcast_in_dim3A_507, %add3A_537], %broadcast_in_dim3A_56 : memref<16x3080xf32, #tpu.memory_space<vmem>>[vector<16xi32>, vector<16xi32>], vector<16xf32>,
      %get3A_540 = arith.constant 7 : i32
      %get3A_541 = arith.index_cast %get3A_540 : i32 to index
      %get3A_542 = arith.constant 56 : index
      %get3A_543 = tpu.vector_load %arg5[%get3A_541, %get3A_542] {strides = array<i32>} : memref<16x100xf32, #tpu.memory_space<vmem>>, vector<16xf32>,
      %convert_element_type3A_544 = arith.fptosi %get3A_543 : vector<16xf32> to vector<16xi32>
      %add3A_545 = arith.addi %select_n3A, %convert_element_type3A_544 : vector<16xi32>
      %swap3A_546 = arith.constant 464 : index
      %swap3A_547 = tpu.vector_load %arg9[%swap3A_546] {strides = array<i32>} : memref<1024xi32, #tpu.memory_space<vmem>>, vector<16xi32>,
      tpu.vector_store %arg9[%swap3A_546], %add3A_545 {strides = array<i32>} : memref<1024xi32, #tpu.memory_space<vmem>>, vector<16xi32>,
      tpu.vector_store_idx %arg7[%broadcast_in_dim3A_507, %add3A_545], %broadcast_in_dim3A_56 : memref<16x3080xf32, #tpu.memory_space<vmem>>[vector<16xi32>, vector<16xi32>], vector<16xf32>,
      %get3A_548 = arith.constant 7 : i32
      %get3A_549 = arith.index_cast %get3A_548 : i32 to index
      %get3A_550 = arith.constant 72 : index
      %get3A_551 = tpu.vector_load %arg5[%get3A_549, %get3A_550] {strides = array<i32>} : memref<16x100xf32, #tpu.memory_space<vmem>>, vector<16xf32>,
      %convert_element_type3A_552 = arith.fptosi %get3A_551 : vector<16xf32> to vector<16xi32>
      %add3A_553 = arith.addi %add3A_33, %convert_element_type3A_552 : vector<16xi32>
      %swap3A_554 = arith.constant 480 : index
      %swap3A_555 = tpu.vector_load %arg9[%swap3A_554] {strides = array<i32>} : memref<1024xi32, #tpu.memory_space<vmem>>, vector<16xi32>,
      tpu.vector_store %arg9[%swap3A_554], %add3A_553 {strides = array<i32>} : memref<1024xi32, #tpu.memory_space<vmem>>, vector<16xi32>,
      tpu.vector_store_idx %arg7[%broadcast_in_dim3A_507, %add3A_553], %broadcast_in_dim3A_56 : memref<16x3080xf32, #tpu.memory_space<vmem>>[vector<16xi32>, vector<16xi32>], vector<16xf32>,
      %get3A_556 = arith.constant 7 : i32
      %get3A_557 = arith.index_cast %get3A_556 : i32 to index
      %get3A_558 = arith.constant 84 : index
      %get3A_559 = tpu.vector_load %arg5[%get3A_557, %get3A_558] {strides = array<i32>} : memref<16x100xf32, #tpu.memory_space<vmem>>, vector<16xf32>,
      %convert_element_type3A_560 = arith.fptosi %get3A_559 : vector<16xf32> to vector<16xi32>
      %add3A_561 = arith.addi %select_n3A_55, %convert_element_type3A_560 : vector<16xi32>
      %swap3A_562 = arith.constant 496 : index
      %swap3A_563 = tpu.vector_load %arg9[%swap3A_562] {strides = array<i32>} : memref<1024xi32, #tpu.memory_space<vmem>>, vector<16xi32>,
      tpu.vector_store %arg9[%swap3A_562], %add3A_561 {strides = array<i32>} : memref<1024xi32, #tpu.memory_space<vmem>>, vector<16xi32>,
      tpu.vector_store_idx %arg7[%broadcast_in_dim3A_507, %add3A_561], %broadcast_in_dim3A_56 : memref<16x3080xf32, #tpu.memory_space<vmem>>[vector<16xi32>, vector<16xi32>], vector<16xf32>,
      %broadcast_in_dim3A_564 = arith.constant 8 : i32
      %broadcast_in_dim3A_565 = vector.broadcast %broadcast_in_dim3A_564 : i32 to vector<16xi32>
      %get3A_566 = arith.constant 8 : i32
      %get3A_567 = arith.index_cast %get3A_566 : i32 to index
      %get3A_568 = arith.constant 0 : index
      %get3A_569 = tpu.vector_load %arg5[%get3A_567, %get3A_568] {strides = array<i32>} : memref<16x100xf32, #tpu.memory_space<vmem>>, vector<16xf32>,
      %swap3A_570 = arith.constant 8 : i32
      %swap3A_571 = arith.index_cast %swap3A_570 : i32 to index
      %swap3A_572 = arith.constant 0 : index
      %swap3A_573 = tpu.vector_load %arg7[%swap3A_571, %swap3A_572] {strides = array<i32>} : memref<16x3080xf32, #tpu.memory_space<vmem>>, vector<16xf32>,
      tpu.vector_store %arg7[%swap3A_571, %swap3A_572], %get3A_569 {strides = array<i32>} : memref<16x3080xf32, #tpu.memory_space<vmem>>, vector<16xf32>,
      %get3A_574 = arith.constant 8 : i32
      %get3A_575 = arith.index_cast %get3A_574 : i32 to index
      %get3A_576 = arith.constant 16 : index
      %get3A_577 = tpu.vector_load %arg5[%get3A_575, %get3A_576] {strides = array<i32>} : memref<16x100xf32, #tpu.memory_space<vmem>>, vector<16xf32>,
      %swap3A_578 = arith.constant 8 : i32
      %swap3A_579 = arith.index_cast %swap3A_578 : i32 to index
      %swap3A_580 = arith.constant 16 : index
      %swap3A_581 = tpu.vector_load %arg7[%swap3A_579, %swap3A_580] {strides = array<i32>} : memref<16x3080xf32, #tpu.memory_space<vmem>>, vector<16xf32>,
      tpu.vector_store %arg7[%swap3A_579, %swap3A_580], %get3A_577 {strides = array<i32>} : memref<16x3080xf32, #tpu.memory_space<vmem>>, vector<16xf32>,
      %get3A_582 = arith.constant 8 : i32
      %get3A_583 = arith.index_cast %get3A_582 : i32 to index
      %get3A_584 = arith.constant 24 : index
      %get3A_585 = tpu.vector_load %arg5[%get3A_583, %get3A_584] {strides = array<i32>} : memref<16x100xf32, #tpu.memory_space<vmem>>, vector<16xf32>,
      %swap3A_586 = arith.constant 8 : i32
      %swap3A_587 = arith.index_cast %swap3A_586 : i32 to index
      %swap3A_588 = arith.constant 24 : index
      %swap3A_589 = tpu.vector_load %arg7[%swap3A_587, %swap3A_588] {strides = array<i32>} : memref<16x3080xf32, #tpu.memory_space<vmem>>, vector<16xf32>,
      tpu.vector_store %arg7[%swap3A_587, %swap3A_588], %get3A_585 {strides = array<i32>} : memref<16x3080xf32, #tpu.memory_space<vmem>>, vector<16xf32>,
      %get3A_590 = arith.constant 8 : i32
      %get3A_591 = arith.index_cast %get3A_590 : i32 to index
      %get3A_592 = arith.constant 40 : index
      %get3A_593 = tpu.vector_load %arg5[%get3A_591, %get3A_592] {strides = array<i32>} : memref<16x100xf32, #tpu.memory_space<vmem>>, vector<16xf32>,
      %convert_element_type3A_594 = arith.fptosi %get3A_593 : vector<16xf32> to vector<16xi32>
      %add3A_595 = arith.addi %add3A_8, %convert_element_type3A_594 : vector<16xi32>
      %swap3A_596 = arith.constant 512 : index
      %swap3A_597 = tpu.vector_load %arg9[%swap3A_596] {strides = array<i32>} : memref<1024xi32, #tpu.memory_space<vmem>>, vector<16xi32>,
      tpu.vector_store %arg9[%swap3A_596], %add3A_595 {strides = array<i32>} : memref<1024xi32, #tpu.memory_space<vmem>>, vector<16xi32>,
      tpu.vector_store_idx %arg7[%broadcast_in_dim3A_565, %add3A_595], %broadcast_in_dim3A_56 : memref<16x3080xf32, #tpu.memory_space<vmem>>[vector<16xi32>, vector<16xi32>], vector<16xf32>,
      %get3A_598 = arith.constant 8 : i32
      %get3A_599 = arith.index_cast %get3A_598 : i32 to index
      %get3A_600 = arith.constant 56 : index
      %get3A_601 = tpu.vector_load %arg5[%get3A_599, %get3A_600] {strides = array<i32>} : memref<16x100xf32, #tpu.memory_space<vmem>>, vector<16xf32>,
      %convert_element_type3A_602 = arith.fptosi %get3A_601 : vector<16xf32> to vector<16xi32>
      %add3A_603 = arith.addi %select_n3A, %convert_element_type3A_602 : vector<16xi32>
      %swap3A_604 = arith.constant 528 : index
      %swap3A_605 = tpu.vector_load %arg9[%swap3A_604] {strides = array<i32>} : memref<1024xi32, #tpu.memory_space<vmem>>, vector<16xi32>,
      tpu.vector_store %arg9[%swap3A_604], %add3A_603 {strides = array<i32>} : memref<1024xi32, #tpu.memory_space<vmem>>, vector<16xi32>,
      tpu.vector_store_idx %arg7[%broadcast_in_dim3A_565, %add3A_603], %broadcast_in_dim3A_56 : memref<16x3080xf32, #tpu.memory_space<vmem>>[vector<16xi32>, vector<16xi32>], vector<16xf32>,
      %get3A_606 = arith.constant 8 : i32
      %get3A_607 = arith.index_cast %get3A_606 : i32 to index
      %get3A_608 = arith.constant 72 : index
      %get3A_609 = tpu.vector_load %arg5[%get3A_607, %get3A_608] {strides = array<i32>} : memref<16x100xf32, #tpu.memory_space<vmem>>, vector<16xf32>,
      %convert_element_type3A_610 = arith.fptosi %get3A_609 : vector<16xf32> to vector<16xi32>
      %add3A_611 = arith.addi %add3A_33, %convert_element_type3A_610 : vector<16xi32>
      %swap3A_612 = arith.constant 544 : index
      %swap3A_613 = tpu.vector_load %arg9[%swap3A_612] {strides = array<i32>} : memref<1024xi32, #tpu.memory_space<vmem>>, vector<16xi32>,
      tpu.vector_store %arg9[%swap3A_612], %add3A_611 {strides = array<i32>} : memref<1024xi32, #tpu.memory_space<vmem>>, vector<16xi32>,
      tpu.vector_store_idx %arg7[%broadcast_in_dim3A_565, %add3A_611], %broadcast_in_dim3A_56 : memref<16x3080xf32, #tpu.memory_space<vmem>>[vector<16xi32>, vector<16xi32>], vector<16xf32>,
      %get3A_614 = arith.constant 8 : i32
      %get3A_615 = arith.index_cast %get3A_614 : i32 to index
      %get3A_616 = arith.constant 84 : index
      %get3A_617 = tpu.vector_load %arg5[%get3A_615, %get3A_616] {strides = array<i32>} : memref<16x100xf32, #tpu.memory_space<vmem>>, vector<16xf32>,
      %convert_element_type3A_618 = arith.fptosi %get3A_617 : vector<16xf32> to vector<16xi32>
      %add3A_619 = arith.addi %select_n3A_55, %convert_element_type3A_618 : vector<16xi32>
      %swap3A_620 = arith.constant 560 : index
      %swap3A_621 = tpu.vector_load %arg9[%swap3A_620] {strides = array<i32>} : memref<1024xi32, #tpu.memory_space<vmem>>, vector<16xi32>,
      tpu.vector_store %arg9[%swap3A_620], %add3A_619 {strides = array<i32>} : memref<1024xi32, #tpu.memory_space<vmem>>, vector<16xi32>,
      tpu.vector_store_idx %arg7[%broadcast_in_dim3A_565, %add3A_619], %broadcast_in_dim3A_56 : memref<16x3080xf32, #tpu.memory_space<vmem>>[vector<16xi32>, vector<16xi32>], vector<16xf32>,
      %broadcast_in_dim3A_622 = arith.constant 9 : i32
      %broadcast_in_dim3A_623 = vector.broadcast %broadcast_in_dim3A_622 : i32 to vector<16xi32>
      %get3A_624 = arith.constant 9 : i32
      %get3A_625 = arith.index_cast %get3A_624 : i32 to index
      %get3A_626 = arith.constant 0 : index
      %get3A_627 = tpu.vector_load %arg5[%get3A_625, %get3A_626] {strides = array<i32>} : memref<16x100xf32, #tpu.memory_space<vmem>>, vector<16xf32>,
      %swap3A_628 = arith.constant 9 : i32
      %swap3A_629 = arith.index_cast %swap3A_628 : i32 to index
      %swap3A_630 = arith.constant 0 : index
      %swap3A_631 = tpu.vector_load %arg7[%swap3A_629, %swap3A_630] {strides = array<i32>} : memref<16x3080xf32, #tpu.memory_space<vmem>>, vector<16xf32>,
      tpu.vector_store %arg7[%swap3A_629, %swap3A_630], %get3A_627 {strides = array<i32>} : memref<16x3080xf32, #tpu.memory_space<vmem>>, vector<16xf32>,
      %get3A_632 = arith.constant 9 : i32
      %get3A_633 = arith.index_cast %get3A_632 : i32 to index
      %get3A_634 = arith.constant 16 : index
      %get3A_635 = tpu.vector_load %arg5[%get3A_633, %get3A_634] {strides = array<i32>} : memref<16x100xf32, #tpu.memory_space<vmem>>, vector<16xf32>,
      %swap3A_636 = arith.constant 9 : i32
      %swap3A_637 = arith.index_cast %swap3A_636 : i32 to index
      %swap3A_638 = arith.constant 16 : index
      %swap3A_639 = tpu.vector_load %arg7[%swap3A_637, %swap3A_638] {strides = array<i32>} : memref<16x3080xf32, #tpu.memory_space<vmem>>, vector<16xf32>,
      tpu.vector_store %arg7[%swap3A_637, %swap3A_638], %get3A_635 {strides = array<i32>} : memref<16x3080xf32, #tpu.memory_space<vmem>>, vector<16xf32>,
      %get3A_640 = arith.constant 9 : i32
      %get3A_641 = arith.index_cast %get3A_640 : i32 to index
      %get3A_642 = arith.constant 24 : index
      %get3A_643 = tpu.vector_load %arg5[%get3A_641, %get3A_642] {strides = array<i32>} : memref<16x100xf32, #tpu.memory_space<vmem>>, vector<16xf32>,
      %swap3A_644 = arith.constant 9 : i32
      %swap3A_645 = arith.index_cast %swap3A_644 : i32 to index
      %swap3A_646 = arith.constant 24 : index
      %swap3A_647 = tpu.vector_load %arg7[%swap3A_645, %swap3A_646] {strides = array<i32>} : memref<16x3080xf32, #tpu.memory_space<vmem>>, vector<16xf32>,
      tpu.vector_store %arg7[%swap3A_645, %swap3A_646], %get3A_643 {strides = array<i32>} : memref<16x3080xf32, #tpu.memory_space<vmem>>, vector<16xf32>,
      %get3A_648 = arith.constant 9 : i32
      %get3A_649 = arith.index_cast %get3A_648 : i32 to index
      %get3A_650 = arith.constant 40 : index
      %get3A_651 = tpu.vector_load %arg5[%get3A_649, %get3A_650] {strides = array<i32>} : memref<16x100xf32, #tpu.memory_space<vmem>>, vector<16xf32>,
      %convert_element_type3A_652 = arith.fptosi %get3A_651 : vector<16xf32> to vector<16xi32>
      %add3A_653 = arith.addi %add3A_8, %convert_element_type3A_652 : vector<16xi32>
      %swap3A_654 = arith.constant 576 : index
      %swap3A_655 = tpu.vector_load %arg9[%swap3A_654] {strides = array<i32>} : memref<1024xi32, #tpu.memory_space<vmem>>, vector<16xi32>,
      tpu.vector_store %arg9[%swap3A_654], %add3A_653 {strides = array<i32>} : memref<1024xi32, #tpu.memory_space<vmem>>, vector<16xi32>,
      tpu.vector_store_idx %arg7[%broadcast_in_dim3A_623, %add3A_653], %broadcast_in_dim3A_56 : memref<16x3080xf32, #tpu.memory_space<vmem>>[vector<16xi32>, vector<16xi32>], vector<16xf32>,
      %get3A_656 = arith.constant 9 : i32
      %get3A_657 = arith.index_cast %get3A_656 : i32 to index
      %get3A_658 = arith.constant 56 : index
      %get3A_659 = tpu.vector_load %arg5[%get3A_657, %get3A_658] {strides = array<i32>} : memref<16x100xf32, #tpu.memory_space<vmem>>, vector<16xf32>,
      %convert_element_type3A_660 = arith.fptosi %get3A_659 : vector<16xf32> to vector<16xi32>
      %add3A_661 = arith.addi %select_n3A, %convert_element_type3A_660 : vector<16xi32>
      %swap3A_662 = arith.constant 592 : index
      %swap3A_663 = tpu.vector_load %arg9[%swap3A_662] {strides = array<i32>} : memref<1024xi32, #tpu.memory_space<vmem>>, vector<16xi32>,
      tpu.vector_store %arg9[%swap3A_662], %add3A_661 {strides = array<i32>} : memref<1024xi32, #tpu.memory_space<vmem>>, vector<16xi32>,
      tpu.vector_store_idx %arg7[%broadcast_in_dim3A_623, %add3A_661], %broadcast_in_dim3A_56 : memref<16x3080xf32, #tpu.memory_space<vmem>>[vector<16xi32>, vector<16xi32>], vector<16xf32>,
      %get3A_664 = arith.constant 9 : i32
      %get3A_665 = arith.index_cast %get3A_664 : i32 to index
      %get3A_666 = arith.constant 72 : index
      %get3A_667 = tpu.vector_load %arg5[%get3A_665, %get3A_666] {strides = array<i32>} : memref<16x100xf32, #tpu.memory_space<vmem>>, vector<16xf32>,
      %convert_element_type3A_668 = arith.fptosi %get3A_667 : vector<16xf32> to vector<16xi32>
      %add3A_669 = arith.addi %add3A_33, %convert_element_type3A_668 : vector<16xi32>
      %swap3A_670 = arith.constant 608 : index
      %swap3A_671 = tpu.vector_load %arg9[%swap3A_670] {strides = array<i32>} : memref<1024xi32, #tpu.memory_space<vmem>>, vector<16xi32>,
      tpu.vector_store %arg9[%swap3A_670], %add3A_669 {strides = array<i32>} : memref<1024xi32, #tpu.memory_space<vmem>>, vector<16xi32>,
      tpu.vector_store_idx %arg7[%broadcast_in_dim3A_623, %add3A_669], %broadcast_in_dim3A_56 : memref<16x3080xf32, #tpu.memory_space<vmem>>[vector<16xi32>, vector<16xi32>], vector<16xf32>,
      %get3A_672 = arith.constant 9 : i32
      %get3A_673 = arith.index_cast %get3A_672 : i32 to index
      %get3A_674 = arith.constant 84 : index
      %get3A_675 = tpu.vector_load %arg5[%get3A_673, %get3A_674] {strides = array<i32>} : memref<16x100xf32, #tpu.memory_space<vmem>>, vector<16xf32>,
      %convert_element_type3A_676 = arith.fptosi %get3A_675 : vector<16xf32> to vector<16xi32>
      %add3A_677 = arith.addi %select_n3A_55, %convert_element_type3A_676 : vector<16xi32>
      %swap3A_678 = arith.constant 624 : index
      %swap3A_679 = tpu.vector_load %arg9[%swap3A_678] {strides = array<i32>} : memref<1024xi32, #tpu.memory_space<vmem>>, vector<16xi32>,
      tpu.vector_store %arg9[%swap3A_678], %add3A_677 {strides = array<i32>} : memref<1024xi32, #tpu.memory_space<vmem>>, vector<16xi32>,
      tpu.vector_store_idx %arg7[%broadcast_in_dim3A_623, %add3A_677], %broadcast_in_dim3A_56 : memref<16x3080xf32, #tpu.memory_space<vmem>>[vector<16xi32>, vector<16xi32>], vector<16xf32>,
      %broadcast_in_dim3A_680 = arith.constant 10 : i32
      %broadcast_in_dim3A_681 = vector.broadcast %broadcast_in_dim3A_680 : i32 to vector<16xi32>
      %get3A_682 = arith.constant 10 : i32
      %get3A_683 = arith.index_cast %get3A_682 : i32 to index
      %get3A_684 = arith.constant 0 : index
      %get3A_685 = tpu.vector_load %arg5[%get3A_683, %get3A_684] {strides = array<i32>} : memref<16x100xf32, #tpu.memory_space<vmem>>, vector<16xf32>,
      %swap3A_686 = arith.constant 10 : i32
      %swap3A_687 = arith.index_cast %swap3A_686 : i32 to index
      %swap3A_688 = arith.constant 0 : index
      %swap3A_689 = tpu.vector_load %arg7[%swap3A_687, %swap3A_688] {strides = array<i32>} : memref<16x3080xf32, #tpu.memory_space<vmem>>, vector<16xf32>,
      tpu.vector_store %arg7[%swap3A_687, %swap3A_688], %get3A_685 {strides = array<i32>} : memref<16x3080xf32, #tpu.memory_space<vmem>>, vector<16xf32>,
      %get3A_690 = arith.constant 10 : i32
      %get3A_691 = arith.index_cast %get3A_690 : i32 to index
      %get3A_692 = arith.constant 16 : index
      %get3A_693 = tpu.vector_load %arg5[%get3A_691, %get3A_692] {strides = array<i32>} : memref<16x100xf32, #tpu.memory_space<vmem>>, vector<16xf32>,
      %swap3A_694 = arith.constant 10 : i32
      %swap3A_695 = arith.index_cast %swap3A_694 : i32 to index
      %swap3A_696 = arith.constant 16 : index
      %swap3A_697 = tpu.vector_load %arg7[%swap3A_695, %swap3A_696] {strides = array<i32>} : memref<16x3080xf32, #tpu.memory_space<vmem>>, vector<16xf32>,
      tpu.vector_store %arg7[%swap3A_695, %swap3A_696], %get3A_693 {strides = array<i32>} : memref<16x3080xf32, #tpu.memory_space<vmem>>, vector<16xf32>,
      %get3A_698 = arith.constant 10 : i32
      %get3A_699 = arith.index_cast %get3A_698 : i32 to index
      %get3A_700 = arith.constant 24 : index
      %get3A_701 = tpu.vector_load %arg5[%get3A_699, %get3A_700] {strides = array<i32>} : memref<16x100xf32, #tpu.memory_space<vmem>>, vector<16xf32>,
      %swap3A_702 = arith.constant 10 : i32
      %swap3A_703 = arith.index_cast %swap3A_702 : i32 to index
      %swap3A_704 = arith.constant 24 : index
      %swap3A_705 = tpu.vector_load %arg7[%swap3A_703, %swap3A_704] {strides = array<i32>} : memref<16x3080xf32, #tpu.memory_space<vmem>>, vector<16xf32>,
      tpu.vector_store %arg7[%swap3A_703, %swap3A_704], %get3A_701 {strides = array<i32>} : memref<16x3080xf32, #tpu.memory_space<vmem>>, vector<16xf32>,
      %get3A_706 = arith.constant 10 : i32
      %get3A_707 = arith.index_cast %get3A_706 : i32 to index
      %get3A_708 = arith.constant 40 : index
      %get3A_709 = tpu.vector_load %arg5[%get3A_707, %get3A_708] {strides = array<i32>} : memref<16x100xf32, #tpu.memory_space<vmem>>, vector<16xf32>,
      %convert_element_type3A_710 = arith.fptosi %get3A_709 : vector<16xf32> to vector<16xi32>
      %add3A_711 = arith.addi %add3A_8, %convert_element_type3A_710 : vector<16xi32>
      %swap3A_712 = arith.constant 640 : index
      %swap3A_713 = tpu.vector_load %arg9[%swap3A_712] {strides = array<i32>} : memref<1024xi32, #tpu.memory_space<vmem>>, vector<16xi32>,
      tpu.vector_store %arg9[%swap3A_712], %add3A_711 {strides = array<i32>} : memref<1024xi32, #tpu.memory_space<vmem>>, vector<16xi32>,
      tpu.vector_store_idx %arg7[%broadcast_in_dim3A_681, %add3A_711], %broadcast_in_dim3A_56 : memref<16x3080xf32, #tpu.memory_space<vmem>>[vector<16xi32>, vector<16xi32>], vector<16xf32>,
      %get3A_714 = arith.constant 10 : i32
      %get3A_715 = arith.index_cast %get3A_714 : i32 to index
      %get3A_716 = arith.constant 56 : index
      %get3A_717 = tpu.vector_load %arg5[%get3A_715, %get3A_716] {strides = array<i32>} : memref<16x100xf32, #tpu.memory_space<vmem>>, vector<16xf32>,
      %convert_element_type3A_718 = arith.fptosi %get3A_717 : vector<16xf32> to vector<16xi32>
      %add3A_719 = arith.addi %select_n3A, %convert_element_type3A_718 : vector<16xi32>
      %swap3A_720 = arith.constant 656 : index
      %swap3A_721 = tpu.vector_load %arg9[%swap3A_720] {strides = array<i32>} : memref<1024xi32, #tpu.memory_space<vmem>>, vector<16xi32>,
      tpu.vector_store %arg9[%swap3A_720], %add3A_719 {strides = array<i32>} : memref<1024xi32, #tpu.memory_space<vmem>>, vector<16xi32>,
      tpu.vector_store_idx %arg7[%broadcast_in_dim3A_681, %add3A_719], %broadcast_in_dim3A_56 : memref<16x3080xf32, #tpu.memory_space<vmem>>[vector<16xi32>, vector<16xi32>], vector<16xf32>,
      %get3A_722 = arith.constant 10 : i32
      %get3A_723 = arith.index_cast %get3A_722 : i32 to index
      %get3A_724 = arith.constant 72 : index
      %get3A_725 = tpu.vector_load %arg5[%get3A_723, %get3A_724] {strides = array<i32>} : memref<16x100xf32, #tpu.memory_space<vmem>>, vector<16xf32>,
      %convert_element_type3A_726 = arith.fptosi %get3A_725 : vector<16xf32> to vector<16xi32>
      %add3A_727 = arith.addi %add3A_33, %convert_element_type3A_726 : vector<16xi32>
      %swap3A_728 = arith.constant 672 : index
      %swap3A_729 = tpu.vector_load %arg9[%swap3A_728] {strides = array<i32>} : memref<1024xi32, #tpu.memory_space<vmem>>, vector<16xi32>,
      tpu.vector_store %arg9[%swap3A_728], %add3A_727 {strides = array<i32>} : memref<1024xi32, #tpu.memory_space<vmem>>, vector<16xi32>,
      tpu.vector_store_idx %arg7[%broadcast_in_dim3A_681, %add3A_727], %broadcast_in_dim3A_56 : memref<16x3080xf32, #tpu.memory_space<vmem>>[vector<16xi32>, vector<16xi32>], vector<16xf32>,
      %get3A_730 = arith.constant 10 : i32
      %get3A_731 = arith.index_cast %get3A_730 : i32 to index
      %get3A_732 = arith.constant 84 : index
      %get3A_733 = tpu.vector_load %arg5[%get3A_731, %get3A_732] {strides = array<i32>} : memref<16x100xf32, #tpu.memory_space<vmem>>, vector<16xf32>,
      %convert_element_type3A_734 = arith.fptosi %get3A_733 : vector<16xf32> to vector<16xi32>
      %add3A_735 = arith.addi %select_n3A_55, %convert_element_type3A_734 : vector<16xi32>
      %swap3A_736 = arith.constant 688 : index
      %swap3A_737 = tpu.vector_load %arg9[%swap3A_736] {strides = array<i32>} : memref<1024xi32, #tpu.memory_space<vmem>>, vector<16xi32>,
      tpu.vector_store %arg9[%swap3A_736], %add3A_735 {strides = array<i32>} : memref<1024xi32, #tpu.memory_space<vmem>>, vector<16xi32>,
      tpu.vector_store_idx %arg7[%broadcast_in_dim3A_681, %add3A_735], %broadcast_in_dim3A_56 : memref<16x3080xf32, #tpu.memory_space<vmem>>[vector<16xi32>, vector<16xi32>], vector<16xf32>,
      %broadcast_in_dim3A_738 = arith.constant 11 : i32
      %broadcast_in_dim3A_739 = vector.broadcast %broadcast_in_dim3A_738 : i32 to vector<16xi32>
      %get3A_740 = arith.constant 11 : i32
      %get3A_741 = arith.index_cast %get3A_740 : i32 to index
      %get3A_742 = arith.constant 0 : index
      %get3A_743 = tpu.vector_load %arg5[%get3A_741, %get3A_742] {strides = array<i32>} : memref<16x100xf32, #tpu.memory_space<vmem>>, vector<16xf32>,
      %swap3A_744 = arith.constant 11 : i32
      %swap3A_745 = arith.index_cast %swap3A_744 : i32 to index
      %swap3A_746 = arith.constant 0 : index
      %swap3A_747 = tpu.vector_load %arg7[%swap3A_745, %swap3A_746] {strides = array<i32>} : memref<16x3080xf32, #tpu.memory_space<vmem>>, vector<16xf32>,
      tpu.vector_store %arg7[%swap3A_745, %swap3A_746], %get3A_743 {strides = array<i32>} : memref<16x3080xf32, #tpu.memory_space<vmem>>, vector<16xf32>,
      %get3A_748 = arith.constant 11 : i32
      %get3A_749 = arith.index_cast %get3A_748 : i32 to index
      %get3A_750 = arith.constant 16 : index
      %get3A_751 = tpu.vector_load %arg5[%get3A_749, %get3A_750] {strides = array<i32>} : memref<16x100xf32, #tpu.memory_space<vmem>>, vector<16xf32>,
      %swap3A_752 = arith.constant 11 : i32
      %swap3A_753 = arith.index_cast %swap3A_752 : i32 to index
      %swap3A_754 = arith.constant 16 : index
      %swap3A_755 = tpu.vector_load %arg7[%swap3A_753, %swap3A_754] {strides = array<i32>} : memref<16x3080xf32, #tpu.memory_space<vmem>>, vector<16xf32>,
      tpu.vector_store %arg7[%swap3A_753, %swap3A_754], %get3A_751 {strides = array<i32>} : memref<16x3080xf32, #tpu.memory_space<vmem>>, vector<16xf32>,
      %get3A_756 = arith.constant 11 : i32
      %get3A_757 = arith.index_cast %get3A_756 : i32 to index
      %get3A_758 = arith.constant 24 : index
      %get3A_759 = tpu.vector_load %arg5[%get3A_757, %get3A_758] {strides = array<i32>} : memref<16x100xf32, #tpu.memory_space<vmem>>, vector<16xf32>,
      %swap3A_760 = arith.constant 11 : i32
      %swap3A_761 = arith.index_cast %swap3A_760 : i32 to index
      %swap3A_762 = arith.constant 24 : index
      %swap3A_763 = tpu.vector_load %arg7[%swap3A_761, %swap3A_762] {strides = array<i32>} : memref<16x3080xf32, #tpu.memory_space<vmem>>, vector<16xf32>,
      tpu.vector_store %arg7[%swap3A_761, %swap3A_762], %get3A_759 {strides = array<i32>} : memref<16x3080xf32, #tpu.memory_space<vmem>>, vector<16xf32>,
      %get3A_764 = arith.constant 11 : i32
      %get3A_765 = arith.index_cast %get3A_764 : i32 to index
      %get3A_766 = arith.constant 40 : index
      %get3A_767 = tpu.vector_load %arg5[%get3A_765, %get3A_766] {strides = array<i32>} : memref<16x100xf32, #tpu.memory_space<vmem>>, vector<16xf32>,
      %convert_element_type3A_768 = arith.fptosi %get3A_767 : vector<16xf32> to vector<16xi32>
      %add3A_769 = arith.addi %add3A_8, %convert_element_type3A_768 : vector<16xi32>
      %swap3A_770 = arith.constant 704 : index
      %swap3A_771 = tpu.vector_load %arg9[%swap3A_770] {strides = array<i32>} : memref<1024xi32, #tpu.memory_space<vmem>>, vector<16xi32>,
      tpu.vector_store %arg9[%swap3A_770], %add3A_769 {strides = array<i32>} : memref<1024xi32, #tpu.memory_space<vmem>>, vector<16xi32>,
      tpu.vector_store_idx %arg7[%broadcast_in_dim3A_739, %add3A_769], %broadcast_in_dim3A_56 : memref<16x3080xf32, #tpu.memory_space<vmem>>[vector<16xi32>, vector<16xi32>], vector<16xf32>,
      %get3A_772 = arith.constant 11 : i32
      %get3A_773 = arith.index_cast %get3A_772 : i32 to index
      %get3A_774 = arith.constant 56 : index
      %get3A_775 = tpu.vector_load %arg5[%get3A_773, %get3A_774] {strides = array<i32>} : memref<16x100xf32, #tpu.memory_space<vmem>>, vector<16xf32>,
      %convert_element_type3A_776 = arith.fptosi %get3A_775 : vector<16xf32> to vector<16xi32>
      %add3A_777 = arith.addi %select_n3A, %convert_element_type3A_776 : vector<16xi32>
      %swap3A_778 = arith.constant 720 : index
      %swap3A_779 = tpu.vector_load %arg9[%swap3A_778] {strides = array<i32>} : memref<1024xi32, #tpu.memory_space<vmem>>, vector<16xi32>,
      tpu.vector_store %arg9[%swap3A_778], %add3A_777 {strides = array<i32>} : memref<1024xi32, #tpu.memory_space<vmem>>, vector<16xi32>,
      tpu.vector_store_idx %arg7[%broadcast_in_dim3A_739, %add3A_777], %broadcast_in_dim3A_56 : memref<16x3080xf32, #tpu.memory_space<vmem>>[vector<16xi32>, vector<16xi32>], vector<16xf32>,
      %get3A_780 = arith.constant 11 : i32
      %get3A_781 = arith.index_cast %get3A_780 : i32 to index
      %get3A_782 = arith.constant 72 : index
      %get3A_783 = tpu.vector_load %arg5[%get3A_781, %get3A_782] {strides = array<i32>} : memref<16x100xf32, #tpu.memory_space<vmem>>, vector<16xf32>,
      %convert_element_type3A_784 = arith.fptosi %get3A_783 : vector<16xf32> to vector<16xi32>
      %add3A_785 = arith.addi %add3A_33, %convert_element_type3A_784 : vector<16xi32>
      %swap3A_786 = arith.constant 736 : index
      %swap3A_787 = tpu.vector_load %arg9[%swap3A_786] {strides = array<i32>} : memref<1024xi32, #tpu.memory_space<vmem>>, vector<16xi32>,
      tpu.vector_store %arg9[%swap3A_786], %add3A_785 {strides = array<i32>} : memref<1024xi32, #tpu.memory_space<vmem>>, vector<16xi32>,
      tpu.vector_store_idx %arg7[%broadcast_in_dim3A_739, %add3A_785], %broadcast_in_dim3A_56 : memref<16x3080xf32, #tpu.memory_space<vmem>>[vector<16xi32>, vector<16xi32>], vector<16xf32>,
      %get3A_788 = arith.constant 11 : i32
      %get3A_789 = arith.index_cast %get3A_788 : i32 to index
      %get3A_790 = arith.constant 84 : index
      %get3A_791 = tpu.vector_load %arg5[%get3A_789, %get3A_790] {strides = array<i32>} : memref<16x100xf32, #tpu.memory_space<vmem>>, vector<16xf32>,
      %convert_element_type3A_792 = arith.fptosi %get3A_791 : vector<16xf32> to vector<16xi32>
      %add3A_793 = arith.addi %select_n3A_55, %convert_element_type3A_792 : vector<16xi32>
      %swap3A_794 = arith.constant 752 : index
      %swap3A_795 = tpu.vector_load %arg9[%swap3A_794] {strides = array<i32>} : memref<1024xi32, #tpu.memory_space<vmem>>, vector<16xi32>,
      tpu.vector_store %arg9[%swap3A_794], %add3A_793 {strides = array<i32>} : memref<1024xi32, #tpu.memory_space<vmem>>, vector<16xi32>,
      tpu.vector_store_idx %arg7[%broadcast_in_dim3A_739, %add3A_793], %broadcast_in_dim3A_56 : memref<16x3080xf32, #tpu.memory_space<vmem>>[vector<16xi32>, vector<16xi32>], vector<16xf32>,
      %broadcast_in_dim3A_796 = arith.constant 12 : i32
      %broadcast_in_dim3A_797 = vector.broadcast %broadcast_in_dim3A_796 : i32 to vector<16xi32>
      %get3A_798 = arith.constant 12 : i32
      %get3A_799 = arith.index_cast %get3A_798 : i32 to index
      %get3A_800 = arith.constant 0 : index
      %get3A_801 = tpu.vector_load %arg5[%get3A_799, %get3A_800] {strides = array<i32>} : memref<16x100xf32, #tpu.memory_space<vmem>>, vector<16xf32>,
      %swap3A_802 = arith.constant 12 : i32
      %swap3A_803 = arith.index_cast %swap3A_802 : i32 to index
      %swap3A_804 = arith.constant 0 : index
      %swap3A_805 = tpu.vector_load %arg7[%swap3A_803, %swap3A_804] {strides = array<i32>} : memref<16x3080xf32, #tpu.memory_space<vmem>>, vector<16xf32>,
      tpu.vector_store %arg7[%swap3A_803, %swap3A_804], %get3A_801 {strides = array<i32>} : memref<16x3080xf32, #tpu.memory_space<vmem>>, vector<16xf32>,
      %get3A_806 = arith.constant 12 : i32
      %get3A_807 = arith.index_cast %get3A_806 : i32 to index
      %get3A_808 = arith.constant 16 : index
      %get3A_809 = tpu.vector_load %arg5[%get3A_807, %get3A_808] {strides = array<i32>} : memref<16x100xf32, #tpu.memory_space<vmem>>, vector<16xf32>,
      %swap3A_810 = arith.constant 12 : i32
      %swap3A_811 = arith.index_cast %swap3A_810 : i32 to index
      %swap3A_812 = arith.constant 16 : index
      %swap3A_813 = tpu.vector_load %arg7[%swap3A_811, %swap3A_812] {strides = array<i32>} : memref<16x3080xf32, #tpu.memory_space<vmem>>, vector<16xf32>,
      tpu.vector_store %arg7[%swap3A_811, %swap3A_812], %get3A_809 {strides = array<i32>} : memref<16x3080xf32, #tpu.memory_space<vmem>>, vector<16xf32>,
      %get3A_814 = arith.constant 12 : i32
      %get3A_815 = arith.index_cast %get3A_814 : i32 to index
      %get3A_816 = arith.constant 24 : index
      %get3A_817 = tpu.vector_load %arg5[%get3A_815, %get3A_816] {strides = array<i32>} : memref<16x100xf32, #tpu.memory_space<vmem>>, vector<16xf32>,
      %swap3A_818 = arith.constant 12 : i32
      %swap3A_819 = arith.index_cast %swap3A_818 : i32 to index
      %swap3A_820 = arith.constant 24 : index
      %swap3A_821 = tpu.vector_load %arg7[%swap3A_819, %swap3A_820] {strides = array<i32>} : memref<16x3080xf32, #tpu.memory_space<vmem>>, vector<16xf32>,
      tpu.vector_store %arg7[%swap3A_819, %swap3A_820], %get3A_817 {strides = array<i32>} : memref<16x3080xf32, #tpu.memory_space<vmem>>, vector<16xf32>,
      %get3A_822 = arith.constant 12 : i32
      %get3A_823 = arith.index_cast %get3A_822 : i32 to index
      %get3A_824 = arith.constant 40 : index
      %get3A_825 = tpu.vector_load %arg5[%get3A_823, %get3A_824] {strides = array<i32>} : memref<16x100xf32, #tpu.memory_space<vmem>>, vector<16xf32>,
      %convert_element_type3A_826 = arith.fptosi %get3A_825 : vector<16xf32> to vector<16xi32>
      %add3A_827 = arith.addi %add3A_8, %convert_element_type3A_826 : vector<16xi32>
      %swap3A_828 = arith.constant 768 : index
      %swap3A_829 = tpu.vector_load %arg9[%swap3A_828] {strides = array<i32>} : memref<1024xi32, #tpu.memory_space<vmem>>, vector<16xi32>,
      tpu.vector_store %arg9[%swap3A_828], %add3A_827 {strides = array<i32>} : memref<1024xi32, #tpu.memory_space<vmem>>, vector<16xi32>,
      tpu.vector_store_idx %arg7[%broadcast_in_dim3A_797, %add3A_827], %broadcast_in_dim3A_56 : memref<16x3080xf32, #tpu.memory_space<vmem>>[vector<16xi32>, vector<16xi32>], vector<16xf32>,
      %get3A_830 = arith.constant 12 : i32
      %get3A_831 = arith.index_cast %get3A_830 : i32 to index
      %get3A_832 = arith.constant 56 : index
      %get3A_833 = tpu.vector_load %arg5[%get3A_831, %get3A_832] {strides = array<i32>} : memref<16x100xf32, #tpu.memory_space<vmem>>, vector<16xf32>,
      %convert_element_type3A_834 = arith.fptosi %get3A_833 : vector<16xf32> to vector<16xi32>
      %add3A_835 = arith.addi %select_n3A, %convert_element_type3A_834 : vector<16xi32>
      %swap3A_836 = arith.constant 784 : index
      %swap3A_837 = tpu.vector_load %arg9[%swap3A_836] {strides = array<i32>} : memref<1024xi32, #tpu.memory_space<vmem>>, vector<16xi32>,
      tpu.vector_store %arg9[%swap3A_836], %add3A_835 {strides = array<i32>} : memref<1024xi32, #tpu.memory_space<vmem>>, vector<16xi32>,
      tpu.vector_store_idx %arg7[%broadcast_in_dim3A_797, %add3A_835], %broadcast_in_dim3A_56 : memref<16x3080xf32, #tpu.memory_space<vmem>>[vector<16xi32>, vector<16xi32>], vector<16xf32>,
      %get3A_838 = arith.constant 12 : i32
      %get3A_839 = arith.index_cast %get3A_838 : i32 to index
      %get3A_840 = arith.constant 72 : index
      %get3A_841 = tpu.vector_load %arg5[%get3A_839, %get3A_840] {strides = array<i32>} : memref<16x100xf32, #tpu.memory_space<vmem>>, vector<16xf32>,
      %convert_element_type3A_842 = arith.fptosi %get3A_841 : vector<16xf32> to vector<16xi32>
      %add3A_843 = arith.addi %add3A_33, %convert_element_type3A_842 : vector<16xi32>
      %swap3A_844 = arith.constant 800 : index
      %swap3A_845 = tpu.vector_load %arg9[%swap3A_844] {strides = array<i32>} : memref<1024xi32, #tpu.memory_space<vmem>>, vector<16xi32>,
      tpu.vector_store %arg9[%swap3A_844], %add3A_843 {strides = array<i32>} : memref<1024xi32, #tpu.memory_space<vmem>>, vector<16xi32>,
      tpu.vector_store_idx %arg7[%broadcast_in_dim3A_797, %add3A_843], %broadcast_in_dim3A_56 : memref<16x3080xf32, #tpu.memory_space<vmem>>[vector<16xi32>, vector<16xi32>], vector<16xf32>,
      %get3A_846 = arith.constant 12 : i32
      %get3A_847 = arith.index_cast %get3A_846 : i32 to index
      %get3A_848 = arith.constant 84 : index
      %get3A_849 = tpu.vector_load %arg5[%get3A_847, %get3A_848] {strides = array<i32>} : memref<16x100xf32, #tpu.memory_space<vmem>>, vector<16xf32>,
      %convert_element_type3A_850 = arith.fptosi %get3A_849 : vector<16xf32> to vector<16xi32>
      %add3A_851 = arith.addi %select_n3A_55, %convert_element_type3A_850 : vector<16xi32>
      %swap3A_852 = arith.constant 816 : index
      %swap3A_853 = tpu.vector_load %arg9[%swap3A_852] {strides = array<i32>} : memref<1024xi32, #tpu.memory_space<vmem>>, vector<16xi32>,
      tpu.vector_store %arg9[%swap3A_852], %add3A_851 {strides = array<i32>} : memref<1024xi32, #tpu.memory_space<vmem>>, vector<16xi32>,
      tpu.vector_store_idx %arg7[%broadcast_in_dim3A_797, %add3A_851], %broadcast_in_dim3A_56 : memref<16x3080xf32, #tpu.memory_space<vmem>>[vector<16xi32>, vector<16xi32>], vector<16xf32>,
      %broadcast_in_dim3A_854 = arith.constant 13 : i32
      %broadcast_in_dim3A_855 = vector.broadcast %broadcast_in_dim3A_854 : i32 to vector<16xi32>
      %get3A_856 = arith.constant 13 : i32
      %get3A_857 = arith.index_cast %get3A_856 : i32 to index
      %get3A_858 = arith.constant 0 : index
      %get3A_859 = tpu.vector_load %arg5[%get3A_857, %get3A_858] {strides = array<i32>} : memref<16x100xf32, #tpu.memory_space<vmem>>, vector<16xf32>,
      %swap3A_860 = arith.constant 13 : i32
      %swap3A_861 = arith.index_cast %swap3A_860 : i32 to index
      %swap3A_862 = arith.constant 0 : index
      %swap3A_863 = tpu.vector_load %arg7[%swap3A_861, %swap3A_862] {strides = array<i32>} : memref<16x3080xf32, #tpu.memory_space<vmem>>, vector<16xf32>,
      tpu.vector_store %arg7[%swap3A_861, %swap3A_862], %get3A_859 {strides = array<i32>} : memref<16x3080xf32, #tpu.memory_space<vmem>>, vector<16xf32>,
      %get3A_864 = arith.constant 13 : i32
      %get3A_865 = arith.index_cast %get3A_864 : i32 to index
      %get3A_866 = arith.constant 16 : index
      %get3A_867 = tpu.vector_load %arg5[%get3A_865, %get3A_866] {strides = array<i32>} : memref<16x100xf32, #tpu.memory_space<vmem>>, vector<16xf32>,
      %swap3A_868 = arith.constant 13 : i32
      %swap3A_869 = arith.index_cast %swap3A_868 : i32 to index
      %swap3A_870 = arith.constant 16 : index
      %swap3A_871 = tpu.vector_load %arg7[%swap3A_869, %swap3A_870] {strides = array<i32>} : memref<16x3080xf32, #tpu.memory_space<vmem>>, vector<16xf32>,
      tpu.vector_store %arg7[%swap3A_869, %swap3A_870], %get3A_867 {strides = array<i32>} : memref<16x3080xf32, #tpu.memory_space<vmem>>, vector<16xf32>,
      %get3A_872 = arith.constant 13 : i32
      %get3A_873 = arith.index_cast %get3A_872 : i32 to index
      %get3A_874 = arith.constant 24 : index
      %get3A_875 = tpu.vector_load %arg5[%get3A_873, %get3A_874] {strides = array<i32>} : memref<16x100xf32, #tpu.memory_space<vmem>>, vector<16xf32>,
      %swap3A_876 = arith.constant 13 : i32
      %swap3A_877 = arith.index_cast %swap3A_876 : i32 to index
      %swap3A_878 = arith.constant 24 : index
      %swap3A_879 = tpu.vector_load %arg7[%swap3A_877, %swap3A_878] {strides = array<i32>} : memref<16x3080xf32, #tpu.memory_space<vmem>>, vector<16xf32>,
      tpu.vector_store %arg7[%swap3A_877, %swap3A_878], %get3A_875 {strides = array<i32>} : memref<16x3080xf32, #tpu.memory_space<vmem>>, vector<16xf32>,
      %get3A_880 = arith.constant 13 : i32
      %get3A_881 = arith.index_cast %get3A_880 : i32 to index
      %get3A_882 = arith.constant 40 : index
      %get3A_883 = tpu.vector_load %arg5[%get3A_881, %get3A_882] {strides = array<i32>} : memref<16x100xf32, #tpu.memory_space<vmem>>, vector<16xf32>,
      %convert_element_type3A_884 = arith.fptosi %get3A_883 : vector<16xf32> to vector<16xi32>
      %add3A_885 = arith.addi %add3A_8, %convert_element_type3A_884 : vector<16xi32>
      %swap3A_886 = arith.constant 832 : index
      %swap3A_887 = tpu.vector_load %arg9[%swap3A_886] {strides = array<i32>} : memref<1024xi32, #tpu.memory_space<vmem>>, vector<16xi32>,
      tpu.vector_store %arg9[%swap3A_886], %add3A_885 {strides = array<i32>} : memref<1024xi32, #tpu.memory_space<vmem>>, vector<16xi32>,
      tpu.vector_store_idx %arg7[%broadcast_in_dim3A_855, %add3A_885], %broadcast_in_dim3A_56 : memref<16x3080xf32, #tpu.memory_space<vmem>>[vector<16xi32>, vector<16xi32>], vector<16xf32>,
      %get3A_888 = arith.constant 13 : i32
      %get3A_889 = arith.index_cast %get3A_888 : i32 to index
      %get3A_890 = arith.constant 56 : index
      %get3A_891 = tpu.vector_load %arg5[%get3A_889, %get3A_890] {strides = array<i32>} : memref<16x100xf32, #tpu.memory_space<vmem>>, vector<16xf32>,
      %convert_element_type3A_892 = arith.fptosi %get3A_891 : vector<16xf32> to vector<16xi32>
      %add3A_893 = arith.addi %select_n3A, %convert_element_type3A_892 : vector<16xi32>
      %swap3A_894 = arith.constant 848 : index
      %swap3A_895 = tpu.vector_load %arg9[%swap3A_894] {strides = array<i32>} : memref<1024xi32, #tpu.memory_space<vmem>>, vector<16xi32>,
      tpu.vector_store %arg9[%swap3A_894], %add3A_893 {strides = array<i32>} : memref<1024xi32, #tpu.memory_space<vmem>>, vector<16xi32>,
      tpu.vector_store_idx %arg7[%broadcast_in_dim3A_855, %add3A_893], %broadcast_in_dim3A_56 : memref<16x3080xf32, #tpu.memory_space<vmem>>[vector<16xi32>, vector<16xi32>], vector<16xf32>,
      %get3A_896 = arith.constant 13 : i32
      %get3A_897 = arith.index_cast %get3A_896 : i32 to index
      %get3A_898 = arith.constant 72 : index
      %get3A_899 = tpu.vector_load %arg5[%get3A_897, %get3A_898] {strides = array<i32>} : memref<16x100xf32, #tpu.memory_space<vmem>>, vector<16xf32>,
      %convert_element_type3A_900 = arith.fptosi %get3A_899 : vector<16xf32> to vector<16xi32>
      %add3A_901 = arith.addi %add3A_33, %convert_element_type3A_900 : vector<16xi32>
      %swap3A_902 = arith.constant 864 : index
      %swap3A_903 = tpu.vector_load %arg9[%swap3A_902] {strides = array<i32>} : memref<1024xi32, #tpu.memory_space<vmem>>, vector<16xi32>,
      tpu.vector_store %arg9[%swap3A_902], %add3A_901 {strides = array<i32>} : memref<1024xi32, #tpu.memory_space<vmem>>, vector<16xi32>,
      tpu.vector_store_idx %arg7[%broadcast_in_dim3A_855, %add3A_901], %broadcast_in_dim3A_56 : memref<16x3080xf32, #tpu.memory_space<vmem>>[vector<16xi32>, vector<16xi32>], vector<16xf32>,
      %get3A_904 = arith.constant 13 : i32
      %get3A_905 = arith.index_cast %get3A_904 : i32 to index
      %get3A_906 = arith.constant 84 : index
      %get3A_907 = tpu.vector_load %arg5[%get3A_905, %get3A_906] {strides = array<i32>} : memref<16x100xf32, #tpu.memory_space<vmem>>, vector<16xf32>,
      %convert_element_type3A_908 = arith.fptosi %get3A_907 : vector<16xf32> to vector<16xi32>
      %add3A_909 = arith.addi %select_n3A_55, %convert_element_type3A_908 : vector<16xi32>
      %swap3A_910 = arith.constant 880 : index
      %swap3A_911 = tpu.vector_load %arg9[%swap3A_910] {strides = array<i32>} : memref<1024xi32, #tpu.memory_space<vmem>>, vector<16xi32>,
      tpu.vector_store %arg9[%swap3A_910], %add3A_909 {strides = array<i32>} : memref<1024xi32, #tpu.memory_space<vmem>>, vector<16xi32>,
      tpu.vector_store_idx %arg7[%broadcast_in_dim3A_855, %add3A_909], %broadcast_in_dim3A_56 : memref<16x3080xf32, #tpu.memory_space<vmem>>[vector<16xi32>, vector<16xi32>], vector<16xf32>,
      %broadcast_in_dim3A_912 = arith.constant 14 : i32
      %broadcast_in_dim3A_913 = vector.broadcast %broadcast_in_dim3A_912 : i32 to vector<16xi32>
      %get3A_914 = arith.constant 14 : i32
      %get3A_915 = arith.index_cast %get3A_914 : i32 to index
      %get3A_916 = arith.constant 0 : index
      %get3A_917 = tpu.vector_load %arg5[%get3A_915, %get3A_916] {strides = array<i32>} : memref<16x100xf32, #tpu.memory_space<vmem>>, vector<16xf32>,
      %swap3A_918 = arith.constant 14 : i32
      %swap3A_919 = arith.index_cast %swap3A_918 : i32 to index
      %swap3A_920 = arith.constant 0 : index
      %swap3A_921 = tpu.vector_load %arg7[%swap3A_919, %swap3A_920] {strides = array<i32>} : memref<16x3080xf32, #tpu.memory_space<vmem>>, vector<16xf32>,
      tpu.vector_store %arg7[%swap3A_919, %swap3A_920], %get3A_917 {strides = array<i32>} : memref<16x3080xf32, #tpu.memory_space<vmem>>, vector<16xf32>,
      %get3A_922 = arith.constant 14 : i32
      %get3A_923 = arith.index_cast %get3A_922 : i32 to index
      %get3A_924 = arith.constant 16 : index
      %get3A_925 = tpu.vector_load %arg5[%get3A_923, %get3A_924] {strides = array<i32>} : memref<16x100xf32, #tpu.memory_space<vmem>>, vector<16xf32>,
      %swap3A_926 = arith.constant 14 : i32
      %swap3A_927 = arith.index_cast %swap3A_926 : i32 to index
      %swap3A_928 = arith.constant 16 : index
      %swap3A_929 = tpu.vector_load %arg7[%swap3A_927, %swap3A_928] {strides = array<i32>} : memref<16x3080xf32, #tpu.memory_space<vmem>>, vector<16xf32>,
      tpu.vector_store %arg7[%swap3A_927, %swap3A_928], %get3A_925 {strides = array<i32>} : memref<16x3080xf32, #tpu.memory_space<vmem>>, vector<16xf32>,
      %get3A_930 = arith.constant 14 : i32
      %get3A_931 = arith.index_cast %get3A_930 : i32 to index
      %get3A_932 = arith.constant 24 : index
      %get3A_933 = tpu.vector_load %arg5[%get3A_931, %get3A_932] {strides = array<i32>} : memref<16x100xf32, #tpu.memory_space<vmem>>, vector<16xf32>,
      %swap3A_934 = arith.constant 14 : i32
      %swap3A_935 = arith.index_cast %swap3A_934 : i32 to index
      %swap3A_936 = arith.constant 24 : index
      %swap3A_937 = tpu.vector_load %arg7[%swap3A_935, %swap3A_936] {strides = array<i32>} : memref<16x3080xf32, #tpu.memory_space<vmem>>, vector<16xf32>,
      tpu.vector_store %arg7[%swap3A_935, %swap3A_936], %get3A_933 {strides = array<i32>} : memref<16x3080xf32, #tpu.memory_space<vmem>>, vector<16xf32>,
      %get3A_938 = arith.constant 14 : i32
      %get3A_939 = arith.index_cast %get3A_938 : i32 to index
      %get3A_940 = arith.constant 40 : index
      %get3A_941 = tpu.vector_load %arg5[%get3A_939, %get3A_940] {strides = array<i32>} : memref<16x100xf32, #tpu.memory_space<vmem>>, vector<16xf32>,
      %convert_element_type3A_942 = arith.fptosi %get3A_941 : vector<16xf32> to vector<16xi32>
      %add3A_943 = arith.addi %add3A_8, %convert_element_type3A_942 : vector<16xi32>
      %swap3A_944 = arith.constant 896 : index
      %swap3A_945 = tpu.vector_load %arg9[%swap3A_944] {strides = array<i32>} : memref<1024xi32, #tpu.memory_space<vmem>>, vector<16xi32>,
      tpu.vector_store %arg9[%swap3A_944], %add3A_943 {strides = array<i32>} : memref<1024xi32, #tpu.memory_space<vmem>>, vector<16xi32>,
      tpu.vector_store_idx %arg7[%broadcast_in_dim3A_913, %add3A_943], %broadcast_in_dim3A_56 : memref<16x3080xf32, #tpu.memory_space<vmem>>[vector<16xi32>, vector<16xi32>], vector<16xf32>,
      %get3A_946 = arith.constant 14 : i32
      %get3A_947 = arith.index_cast %get3A_946 : i32 to index
      %get3A_948 = arith.constant 56 : index
      %get3A_949 = tpu.vector_load %arg5[%get3A_947, %get3A_948] {strides = array<i32>} : memref<16x100xf32, #tpu.memory_space<vmem>>, vector<16xf32>,
      %convert_element_type3A_950 = arith.fptosi %get3A_949 : vector<16xf32> to vector<16xi32>
      %add3A_951 = arith.addi %select_n3A, %convert_element_type3A_950 : vector<16xi32>
      %swap3A_952 = arith.constant 912 : index
      %swap3A_953 = tpu.vector_load %arg9[%swap3A_952] {strides = array<i32>} : memref<1024xi32, #tpu.memory_space<vmem>>, vector<16xi32>,
      tpu.vector_store %arg9[%swap3A_952], %add3A_951 {strides = array<i32>} : memref<1024xi32, #tpu.memory_space<vmem>>, vector<16xi32>,
      tpu.vector_store_idx %arg7[%broadcast_in_dim3A_913, %add3A_951], %broadcast_in_dim3A_56 : memref<16x3080xf32, #tpu.memory_space<vmem>>[vector<16xi32>, vector<16xi32>], vector<16xf32>,
      %get3A_954 = arith.constant 14 : i32
      %get3A_955 = arith.index_cast %get3A_954 : i32 to index
      %get3A_956 = arith.constant 72 : index
      %get3A_957 = tpu.vector_load %arg5[%get3A_955, %get3A_956] {strides = array<i32>} : memref<16x100xf32, #tpu.memory_space<vmem>>, vector<16xf32>,
      %convert_element_type3A_958 = arith.fptosi %get3A_957 : vector<16xf32> to vector<16xi32>
      %add3A_959 = arith.addi %add3A_33, %convert_element_type3A_958 : vector<16xi32>
      %swap3A_960 = arith.constant 928 : index
      %swap3A_961 = tpu.vector_load %arg9[%swap3A_960] {strides = array<i32>} : memref<1024xi32, #tpu.memory_space<vmem>>, vector<16xi32>,
      tpu.vector_store %arg9[%swap3A_960], %add3A_959 {strides = array<i32>} : memref<1024xi32, #tpu.memory_space<vmem>>, vector<16xi32>,
      tpu.vector_store_idx %arg7[%broadcast_in_dim3A_913, %add3A_959], %broadcast_in_dim3A_56 : memref<16x3080xf32, #tpu.memory_space<vmem>>[vector<16xi32>, vector<16xi32>], vector<16xf32>,
      %get3A_962 = arith.constant 14 : i32
      %get3A_963 = arith.index_cast %get3A_962 : i32 to index
      %get3A_964 = arith.constant 84 : index
      %get3A_965 = tpu.vector_load %arg5[%get3A_963, %get3A_964] {strides = array<i32>} : memref<16x100xf32, #tpu.memory_space<vmem>>, vector<16xf32>,
      %convert_element_type3A_966 = arith.fptosi %get3A_965 : vector<16xf32> to vector<16xi32>
      %add3A_967 = arith.addi %select_n3A_55, %convert_element_type3A_966 : vector<16xi32>
      %swap3A_968 = arith.constant 944 : index
      %swap3A_969 = tpu.vector_load %arg9[%swap3A_968] {strides = array<i32>} : memref<1024xi32, #tpu.memory_space<vmem>>, vector<16xi32>,
      tpu.vector_store %arg9[%swap3A_968], %add3A_967 {strides = array<i32>} : memref<1024xi32, #tpu.memory_space<vmem>>, vector<16xi32>,
      tpu.vector_store_idx %arg7[%broadcast_in_dim3A_913, %add3A_967], %broadcast_in_dim3A_56 : memref<16x3080xf32, #tpu.memory_space<vmem>>[vector<16xi32>, vector<16xi32>], vector<16xf32>,
      %broadcast_in_dim3A_970 = arith.constant 15 : i32
      %broadcast_in_dim3A_971 = vector.broadcast %broadcast_in_dim3A_970 : i32 to vector<16xi32>
      %get3A_972 = arith.constant 15 : i32
      %get3A_973 = arith.index_cast %get3A_972 : i32 to index
      %get3A_974 = arith.constant 0 : index
      %get3A_975 = tpu.vector_load %arg5[%get3A_973, %get3A_974] {strides = array<i32>} : memref<16x100xf32, #tpu.memory_space<vmem>>, vector<16xf32>,
      %swap3A_976 = arith.constant 15 : i32
      %swap3A_977 = arith.index_cast %swap3A_976 : i32 to index
      %swap3A_978 = arith.constant 0 : index
      %swap3A_979 = tpu.vector_load %arg7[%swap3A_977, %swap3A_978] {strides = array<i32>} : memref<16x3080xf32, #tpu.memory_space<vmem>>, vector<16xf32>,
      tpu.vector_store %arg7[%swap3A_977, %swap3A_978], %get3A_975 {strides = array<i32>} : memref<16x3080xf32, #tpu.memory_space<vmem>>, vector<16xf32>,
      %get3A_980 = arith.constant 15 : i32
      %get3A_981 = arith.index_cast %get3A_980 : i32 to index
      %get3A_982 = arith.constant 16 : index
      %get3A_983 = tpu.vector_load %arg5[%get3A_981, %get3A_982] {strides = array<i32>} : memref<16x100xf32, #tpu.memory_space<vmem>>, vector<16xf32>,
      %swap3A_984 = arith.constant 15 : i32
      %swap3A_985 = arith.index_cast %swap3A_984 : i32 to index
      %swap3A_986 = arith.constant 16 : index
      %swap3A_987 = tpu.vector_load %arg7[%swap3A_985, %swap3A_986] {strides = array<i32>} : memref<16x3080xf32, #tpu.memory_space<vmem>>, vector<16xf32>,
      tpu.vector_store %arg7[%swap3A_985, %swap3A_986], %get3A_983 {strides = array<i32>} : memref<16x3080xf32, #tpu.memory_space<vmem>>, vector<16xf32>,
      %get3A_988 = arith.constant 15 : i32
      %get3A_989 = arith.index_cast %get3A_988 : i32 to index
      %get3A_990 = arith.constant 24 : index
      %get3A_991 = tpu.vector_load %arg5[%get3A_989, %get3A_990] {strides = array<i32>} : memref<16x100xf32, #tpu.memory_space<vmem>>, vector<16xf32>,
      %swap3A_992 = arith.constant 15 : i32
      %swap3A_993 = arith.index_cast %swap3A_992 : i32 to index
      %swap3A_994 = arith.constant 24 : index
      %swap3A_995 = tpu.vector_load %arg7[%swap3A_993, %swap3A_994] {strides = array<i32>} : memref<16x3080xf32, #tpu.memory_space<vmem>>, vector<16xf32>,
      tpu.vector_store %arg7[%swap3A_993, %swap3A_994], %get3A_991 {strides = array<i32>} : memref<16x3080xf32, #tpu.memory_space<vmem>>, vector<16xf32>,
      %get3A_996 = arith.constant 15 : i32
      %get3A_997 = arith.index_cast %get3A_996 : i32 to index
      %get3A_998 = arith.constant 40 : index
      %get3A_999 = tpu.vector_load %arg5[%get3A_997, %get3A_998] {strides = array<i32>} : memref<16x100xf32, #tpu.memory_space<vmem>>, vector<16xf32>,
      %convert_element_type3A_1000 = arith.fptosi %get3A_999 : vector<16xf32> to vector<16xi32>
      %add3A_1001 = arith.addi %add3A_8, %convert_element_type3A_1000 : vector<16xi32>
      %swap3A_1002 = arith.constant 960 : index
      %swap3A_1003 = tpu.vector_load %arg9[%swap3A_1002] {strides = array<i32>} : memref<1024xi32, #tpu.memory_space<vmem>>, vector<16xi32>,
      tpu.vector_store %arg9[%swap3A_1002], %add3A_1001 {strides = array<i32>} : memref<1024xi32, #tpu.memory_space<vmem>>, vector<16xi32>,
      tpu.vector_store_idx %arg7[%broadcast_in_dim3A_971, %add3A_1001], %broadcast_in_dim3A_56 : memref<16x3080xf32, #tpu.memory_space<vmem>>[vector<16xi32>, vector<16xi32>], vector<16xf32>,
      %get3A_1004 = arith.constant 15 : i32
      %get3A_1005 = arith.index_cast %get3A_1004 : i32 to index
      %get3A_1006 = arith.constant 56 : index
      %get3A_1007 = tpu.vector_load %arg5[%get3A_1005, %get3A_1006] {strides = array<i32>} : memref<16x100xf32, #tpu.memory_space<vmem>>, vector<16xf32>,
      %convert_element_type3A_1008 = arith.fptosi %get3A_1007 : vector<16xf32> to vector<16xi32>
      %add3A_1009 = arith.addi %select_n3A, %convert_element_type3A_1008 : vector<16xi32>
      %swap3A_1010 = arith.constant 976 : index
      %swap3A_1011 = tpu.vector_load %arg9[%swap3A_1010] {strides = array<i32>} : memref<1024xi32, #tpu.memory_space<vmem>>, vector<16xi32>,
      tpu.vector_store %arg9[%swap3A_1010], %add3A_1009 {strides = array<i32>} : memref<1024xi32, #tpu.memory_space<vmem>>, vector<16xi32>,
      tpu.vector_store_idx %arg7[%broadcast_in_dim3A_971, %add3A_1009], %broadcast_in_dim3A_56 : memref<16x3080xf32, #tpu.memory_space<vmem>>[vector<16xi32>, vector<16xi32>], vector<16xf32>,
      %get3A_1012 = arith.constant 15 : i32
      %get3A_1013 = arith.index_cast %get3A_1012 : i32 to index
      %get3A_1014 = arith.constant 72 : index
      %get3A_1015 = tpu.vector_load %arg5[%get3A_1013, %get3A_1014] {strides = array<i32>} : memref<16x100xf32, #tpu.memory_space<vmem>>, vector<16xf32>,
      %convert_element_type3A_1016 = arith.fptosi %get3A_1015 : vector<16xf32> to vector<16xi32>
      %add3A_1017 = arith.addi %add3A_33, %convert_element_type3A_1016 : vector<16xi32>
      %swap3A_1018 = arith.constant 992 : index
      %swap3A_1019 = tpu.vector_load %arg9[%swap3A_1018] {strides = array<i32>} : memref<1024xi32, #tpu.memory_space<vmem>>, vector<16xi32>,
      tpu.vector_store %arg9[%swap3A_1018], %add3A_1017 {strides = array<i32>} : memref<1024xi32, #tpu.memory_space<vmem>>, vector<16xi32>,
      tpu.vector_store_idx %arg7[%broadcast_in_dim3A_971, %add3A_1017], %broadcast_in_dim3A_56 : memref<16x3080xf32, #tpu.memory_space<vmem>>[vector<16xi32>, vector<16xi32>], vector<16xf32>,
      %get3A_1020 = arith.constant 15 : i32
      %get3A_1021 = arith.index_cast %get3A_1020 : i32 to index
      %get3A_1022 = arith.constant 84 : index
      %get3A_1023 = tpu.vector_load %arg5[%get3A_1021, %get3A_1022] {strides = array<i32>} : memref<16x100xf32, #tpu.memory_space<vmem>>, vector<16xf32>,
      %convert_element_type3A_1024 = arith.fptosi %get3A_1023 : vector<16xf32> to vector<16xi32>
      %add3A_1025 = arith.addi %select_n3A_55, %convert_element_type3A_1024 : vector<16xi32>
      %swap3A_1026 = arith.constant 1008 : index
      %swap3A_1027 = tpu.vector_load %arg9[%swap3A_1026] {strides = array<i32>} : memref<1024xi32, #tpu.memory_space<vmem>>, vector<16xi32>,
      tpu.vector_store %arg9[%swap3A_1026], %add3A_1025 {strides = array<i32>} : memref<1024xi32, #tpu.memory_space<vmem>>, vector<16xi32>,
      tpu.vector_store_idx %arg7[%broadcast_in_dim3A_971, %add3A_1025], %broadcast_in_dim3A_56 : memref<16x3080xf32, #tpu.memory_space<vmem>>[vector<16xi32>, vector<16xi32>], vector<16xf32>,
      %mul3A_1028 = arith.constant 16 : i32
      %mul3A_1029 = arith.muli %add3A_92, %mul3A_1028 : i32
      %add3A_1030 = arith.addi %mul3A_2, %mul3A_1029 : i32
      %dma_start3A_1031 = arith.constant 0 : i32
      %dma_start3A_1032 = tpu.memref_slice %arg4[%add3A_1030, %dma_start3A_1031] : memref<16384x3080xf32, #tpu.memory_space<hbm>> -> memref<16x3080xf32, #tpu.memory_space<hbm>>
      %dma_start3A_1033 = arith.constant 0 : i32
      %dma_start3A_1034 = tpu.memref_slice %arg4[%add3A_1030, %dma_start3A_1033] : memref<16384x3080xf32, #tpu.memory_space<hbm>> -> memref<16x3080xf32, #tpu.memory_space<hbm>>
      tpu.enqueue_dma source(%arg7 : memref<16x3080xf32, #tpu.memory_space<vmem>>) target(%dma_start3A_1034 : memref<16x3080xf32, #tpu.memory_space<hbm>>) target_semaphore(%arg11 : memref<!tpu.dma_semaphore, #tpu.memory_space<semaphore_mem>>)
      %lt3A_1035 = arith.constant 15 : i32
      %lt3A_1036 = arith.cmpi slt, %scan3A_87, %lt3A_1035 : i32
      %convert_element_type3A_1037 = arith.extui %lt3A_1036 : i1 to i32
      %cond3A_1038 = arith.constant 0 : i32
      %cond3A_1039 = arith.cmpi ne, %convert_element_type3A_1037, %cond3A_1038 : i32
      scf.if %cond3A_1039 {
        %add3A_1997 = arith.constant 2 : i32
        %add3A_1998 = arith.addi %add3A_92, %add3A_1997 : i32
        %mul3A_1999 = arith.constant 16 : i32
        %mul3A_2000 = arith.muli %add3A_1998, %mul3A_1999 : i32
        %add3A_2001 = arith.addi %mul3A_2, %mul3A_2000 : i32
        %dma_start3A_2002 = arith.constant 0 : i32
        %dma_start3A_2003 = tpu.memref_slice %arg2[%add3A_2001, %dma_start3A_2002] : memref<16384x100xf32, #tpu.memory_space<hbm>> -> memref<16x100xf32, #tpu.memory_space<hbm>>
        %dma_start3A_2004 = arith.constant 0 : i32
        %dma_start3A_2005 = tpu.memref_slice %arg2[%add3A_2001, %dma_start3A_2004] : memref<16384x100xf32, #tpu.memory_space<hbm>> -> memref<16x100xf32, #tpu.memory_space<hbm>>
        tpu.enqueue_dma source(%dma_start3A_2005 : memref<16x100xf32, #tpu.memory_space<hbm>>) target(%arg5 : memref<16x100xf32, #tpu.memory_space<vmem>>) target_semaphore(%arg13 : memref<!tpu.dma_semaphore, #tpu.memory_space<semaphore_mem>>)
      } else {
      }
      %mul3A_1040 = arith.constant 2 : i32
      %mul3A_1041 = arith.muli %mul3A_1040, %scan3A_87 : i32
      %add3A_1042 = arith.constant 1 : i32
      %add3A_1043 = arith.addi %mul3A_1041, %add3A_1042 : i32
      %ge3A_1044 = arith.constant 1 : i32
      %ge3A_1045 = arith.cmpi sge, %scan3A_87, %ge3A_1044 : i32
      %convert_element_type3A_1046 = arith.extui %ge3A_1045 : i1 to i32
      %cond3A_1047 = arith.constant 0 : i32
      %cond3A_1048 = arith.cmpi ne, %convert_element_type3A_1046, %cond3A_1047 : i32
      scf.if %cond3A_1048 {
        %mul3A_1997 = arith.constant 16 : i32
        %mul3A_1998 = arith.muli %add3A_1043, %mul3A_1997 : i32
        %add3A_1999 = arith.addi %mul3A_2, %mul3A_1998 : i32
        %dma_wait3A_2000 = arith.constant 0 : i32
        %dma_wait3A_2001 = tpu.memref_slice %arg4[%add3A_1999, %dma_wait3A_2000] : memref<16384x3080xf32, #tpu.memory_space<hbm>> -> memref<16x3080xf32, #tpu.memory_space<hbm>>
        %dma_wait3A_2002 = arith.constant 0 : i32
        %dma_wait3A_2003 = tpu.memref_slice %arg4[%add3A_1999, %dma_wait3A_2002] : memref<16384x3080xf32, #tpu.memory_space<hbm>> -> memref<16x3080xf32, #tpu.memory_space<hbm>>
        tpu.wait_dma2 semaphore(%arg12 : memref<!tpu.dma_semaphore, #tpu.memory_space<semaphore_mem>>) src(%arg8 : memref<16x3080xf32, #tpu.memory_space<vmem>>) dst(%dma_wait3A_2003 : memref<16x3080xf32, #tpu.memory_space<hbm>>)
        %broadcast_in_dim3A_2004 = arith.constant 0 : i32
        %broadcast_in_dim3A_2005 = vector.broadcast %broadcast_in_dim3A_2004 : i32 to vector<16xi32>
        %get3A_2006 = arith.constant 0 : index
        %get3A_2007 = tpu.vector_load %arg10[%get3A_2006] {strides = array<i32>} : memref<1024xi32, #tpu.memory_space<vmem>>, vector<16xi32>,
        tpu.vector_store_idx %arg8[%broadcast_in_dim3A_2005, %get3A_2007], %broadcast_in_dim3A_58 : memref<16x3080xf32, #tpu.memory_space<vmem>>[vector<16xi32>, vector<16xi32>], vector<16xf32>,
        %get3A_2008 = arith.constant 16 : index
        %get3A_2009 = tpu.vector_load %arg10[%get3A_2008] {strides = array<i32>} : memref<1024xi32, #tpu.memory_space<vmem>>, vector<16xi32>,
        tpu.vector_store_idx %arg8[%broadcast_in_dim3A_2005, %get3A_2009], %broadcast_in_dim3A_58 : memref<16x3080xf32, #tpu.memory_space<vmem>>[vector<16xi32>, vector<16xi32>], vector<16xf32>,
        %get3A_2010 = arith.constant 32 : index
        %get3A_2011 = tpu.vector_load %arg10[%get3A_2010] {strides = array<i32>} : memref<1024xi32, #tpu.memory_space<vmem>>, vector<16xi32>,
        tpu.vector_store_idx %arg8[%broadcast_in_dim3A_2005, %get3A_2011], %broadcast_in_dim3A_58 : memref<16x3080xf32, #tpu.memory_space<vmem>>[vector<16xi32>, vector<16xi32>], vector<16xf32>,
        %get3A_2012 = arith.constant 48 : index
        %get3A_2013 = tpu.vector_load %arg10[%get3A_2012] {strides = array<i32>} : memref<1024xi32, #tpu.memory_space<vmem>>, vector<16xi32>,
        tpu.vector_store_idx %arg8[%broadcast_in_dim3A_2005, %get3A_2013], %broadcast_in_dim3A_58 : memref<16x3080xf32, #tpu.memory_space<vmem>>[vector<16xi32>, vector<16xi32>], vector<16xf32>,
        %broadcast_in_dim3A_2014 = arith.constant 1 : i32
        %broadcast_in_dim3A_2015 = vector.broadcast %broadcast_in_dim3A_2014 : i32 to vector<16xi32>
        %get3A_2016 = arith.constant 64 : index
        %get3A_2017 = tpu.vector_load %arg10[%get3A_2016] {strides = array<i32>} : memref<1024xi32, #tpu.memory_space<vmem>>, vector<16xi32>,
        tpu.vector_store_idx %arg8[%broadcast_in_dim3A_2015, %get3A_2017], %broadcast_in_dim3A_58 : memref<16x3080xf32, #tpu.memory_space<vmem>>[vector<16xi32>, vector<16xi32>], vector<16xf32>,
        %get3A_2018 = arith.constant 80 : index
        %get3A_2019 = tpu.vector_load %arg10[%get3A_2018] {strides = array<i32>} : memref<1024xi32, #tpu.memory_space<vmem>>, vector<16xi32>,
        tpu.vector_store_idx %arg8[%broadcast_in_dim3A_2015, %get3A_2019], %broadcast_in_dim3A_58 : memref<16x3080xf32, #tpu.memory_space<vmem>>[vector<16xi32>, vector<16xi32>], vector<16xf32>,
        %get3A_2020 = arith.constant 96 : index
        %get3A_2021 = tpu.vector_load %arg10[%get3A_2020] {strides = array<i32>} : memref<1024xi32, #tpu.memory_space<vmem>>, vector<16xi32>,
        tpu.vector_store_idx %arg8[%broadcast_in_dim3A_2015, %get3A_2021], %broadcast_in_dim3A_58 : memref<16x3080xf32, #tpu.memory_space<vmem>>[vector<16xi32>, vector<16xi32>], vector<16xf32>,
        %get3A_2022 = arith.constant 112 : index
        %get3A_2023 = tpu.vector_load %arg10[%get3A_2022] {strides = array<i32>} : memref<1024xi32, #tpu.memory_space<vmem>>, vector<16xi32>,
        tpu.vector_store_idx %arg8[%broadcast_in_dim3A_2015, %get3A_2023], %broadcast_in_dim3A_58 : memref<16x3080xf32, #tpu.memory_space<vmem>>[vector<16xi32>, vector<16xi32>], vector<16xf32>,
        %broadcast_in_dim3A_2024 = arith.constant 2 : i32
        %broadcast_in_dim3A_2025 = vector.broadcast %broadcast_in_dim3A_2024 : i32 to vector<16xi32>
        %get3A_2026 = arith.constant 128 : index
        %get3A_2027 = tpu.vector_load %arg10[%get3A_2026] {strides = array<i32>} : memref<1024xi32, #tpu.memory_space<vmem>>, vector<16xi32>,
        tpu.vector_store_idx %arg8[%broadcast_in_dim3A_2025, %get3A_2027], %broadcast_in_dim3A_58 : memref<16x3080xf32, #tpu.memory_space<vmem>>[vector<16xi32>, vector<16xi32>], vector<16xf32>,
        %get3A_2028 = arith.constant 144 : index
        %get3A_2029 = tpu.vector_load %arg10[%get3A_2028] {strides = array<i32>} : memref<1024xi32, #tpu.memory_space<vmem>>, vector<16xi32>,
        tpu.vector_store_idx %arg8[%broadcast_in_dim3A_2025, %get3A_2029], %broadcast_in_dim3A_58 : memref<16x3080xf32, #tpu.memory_space<vmem>>[vector<16xi32>, vector<16xi32>], vector<16xf32>,
        %get3A_2030 = arith.constant 160 : index
        %get3A_2031 = tpu.vector_load %arg10[%get3A_2030] {strides = array<i32>} : memref<1024xi32, #tpu.memory_space<vmem>>, vector<16xi32>,
        tpu.vector_store_idx %arg8[%broadcast_in_dim3A_2025, %get3A_2031], %broadcast_in_dim3A_58 : memref<16x3080xf32, #tpu.memory_space<vmem>>[vector<16xi32>, vector<16xi32>], vector<16xf32>,
        %get3A_2032 = arith.constant 176 : index
        %get3A_2033 = tpu.vector_load %arg10[%get3A_2032] {strides = array<i32>} : memref<1024xi32, #tpu.memory_space<vmem>>, vector<16xi32>,
        tpu.vector_store_idx %arg8[%broadcast_in_dim3A_2025, %get3A_2033], %broadcast_in_dim3A_58 : memref<16x3080xf32, #tpu.memory_space<vmem>>[vector<16xi32>, vector<16xi32>], vector<16xf32>,
        %broadcast_in_dim3A_2034 = arith.constant 3 : i32
        %broadcast_in_dim3A_2035 = vector.broadcast %broadcast_in_dim3A_2034 : i32 to vector<16xi32>
        %get3A_2036 = arith.constant 192 : index
        %get3A_2037 = tpu.vector_load %arg10[%get3A_2036] {strides = array<i32>} : memref<1024xi32, #tpu.memory_space<vmem>>, vector<16xi32>,
        tpu.vector_store_idx %arg8[%broadcast_in_dim3A_2035, %get3A_2037], %broadcast_in_dim3A_58 : memref<16x3080xf32, #tpu.memory_space<vmem>>[vector<16xi32>, vector<16xi32>], vector<16xf32>,
        %get3A_2038 = arith.constant 208 : index
        %get3A_2039 = tpu.vector_load %arg10[%get3A_2038] {strides = array<i32>} : memref<1024xi32, #tpu.memory_space<vmem>>, vector<16xi32>,
        tpu.vector_store_idx %arg8[%broadcast_in_dim3A_2035, %get3A_2039], %broadcast_in_dim3A_58 : memref<16x3080xf32, #tpu.memory_space<vmem>>[vector<16xi32>, vector<16xi32>], vector<16xf32>,
        %get3A_2040 = arith.constant 224 : index
        %get3A_2041 = tpu.vector_load %arg10[%get3A_2040] {strides = array<i32>} : memref<1024xi32, #tpu.memory_space<vmem>>, vector<16xi32>,
        tpu.vector_store_idx %arg8[%broadcast_in_dim3A_2035, %get3A_2041], %broadcast_in_dim3A_58 : memref<16x3080xf32, #tpu.memory_space<vmem>>[vector<16xi32>, vector<16xi32>], vector<16xf32>,
        %get3A_2042 = arith.constant 240 : index
        %get3A_2043 = tpu.vector_load %arg10[%get3A_2042] {strides = array<i32>} : memref<1024xi32, #tpu.memory_space<vmem>>, vector<16xi32>,
        tpu.vector_store_idx %arg8[%broadcast_in_dim3A_2035, %get3A_2043], %broadcast_in_dim3A_58 : memref<16x3080xf32, #tpu.memory_space<vmem>>[vector<16xi32>, vector<16xi32>], vector<16xf32>,
        %broadcast_in_dim3A_2044 = arith.constant 4 : i32
        %broadcast_in_dim3A_2045 = vector.broadcast %broadcast_in_dim3A_2044 : i32 to vector<16xi32>
        %get3A_2046 = arith.constant 256 : index
        %get3A_2047 = tpu.vector_load %arg10[%get3A_2046] {strides = array<i32>} : memref<1024xi32, #tpu.memory_space<vmem>>, vector<16xi32>,
        tpu.vector_store_idx %arg8[%broadcast_in_dim3A_2045, %get3A_2047], %broadcast_in_dim3A_58 : memref<16x3080xf32, #tpu.memory_space<vmem>>[vector<16xi32>, vector<16xi32>], vector<16xf32>,
        %get3A_2048 = arith.constant 272 : index
        %get3A_2049 = tpu.vector_load %arg10[%get3A_2048] {strides = array<i32>} : memref<1024xi32, #tpu.memory_space<vmem>>, vector<16xi32>,
        tpu.vector_store_idx %arg8[%broadcast_in_dim3A_2045, %get3A_2049], %broadcast_in_dim3A_58 : memref<16x3080xf32, #tpu.memory_space<vmem>>[vector<16xi32>, vector<16xi32>], vector<16xf32>,
        %get3A_2050 = arith.constant 288 : index
        %get3A_2051 = tpu.vector_load %arg10[%get3A_2050] {strides = array<i32>} : memref<1024xi32, #tpu.memory_space<vmem>>, vector<16xi32>,
        tpu.vector_store_idx %arg8[%broadcast_in_dim3A_2045, %get3A_2051], %broadcast_in_dim3A_58 : memref<16x3080xf32, #tpu.memory_space<vmem>>[vector<16xi32>, vector<16xi32>], vector<16xf32>,
        %get3A_2052 = arith.constant 304 : index
        %get3A_2053 = tpu.vector_load %arg10[%get3A_2052] {strides = array<i32>} : memref<1024xi32, #tpu.memory_space<vmem>>, vector<16xi32>,
        tpu.vector_store_idx %arg8[%broadcast_in_dim3A_2045, %get3A_2053], %broadcast_in_dim3A_58 : memref<16x3080xf32, #tpu.memory_space<vmem>>[vector<16xi32>, vector<16xi32>], vector<16xf32>,
        %broadcast_in_dim3A_2054 = arith.constant 5 : i32
        %broadcast_in_dim3A_2055 = vector.broadcast %broadcast_in_dim3A_2054 : i32 to vector<16xi32>
        %get3A_2056 = arith.constant 320 : index
        %get3A_2057 = tpu.vector_load %arg10[%get3A_2056] {strides = array<i32>} : memref<1024xi32, #tpu.memory_space<vmem>>, vector<16xi32>,
        tpu.vector_store_idx %arg8[%broadcast_in_dim3A_2055, %get3A_2057], %broadcast_in_dim3A_58 : memref<16x3080xf32, #tpu.memory_space<vmem>>[vector<16xi32>, vector<16xi32>], vector<16xf32>,
        %get3A_2058 = arith.constant 336 : index
        %get3A_2059 = tpu.vector_load %arg10[%get3A_2058] {strides = array<i32>} : memref<1024xi32, #tpu.memory_space<vmem>>, vector<16xi32>,
        tpu.vector_store_idx %arg8[%broadcast_in_dim3A_2055, %get3A_2059], %broadcast_in_dim3A_58 : memref<16x3080xf32, #tpu.memory_space<vmem>>[vector<16xi32>, vector<16xi32>], vector<16xf32>,
        %get3A_2060 = arith.constant 352 : index
        %get3A_2061 = tpu.vector_load %arg10[%get3A_2060] {strides = array<i32>} : memref<1024xi32, #tpu.memory_space<vmem>>, vector<16xi32>,
        tpu.vector_store_idx %arg8[%broadcast_in_dim3A_2055, %get3A_2061], %broadcast_in_dim3A_58 : memref<16x3080xf32, #tpu.memory_space<vmem>>[vector<16xi32>, vector<16xi32>], vector<16xf32>,
        %get3A_2062 = arith.constant 368 : index
        %get3A_2063 = tpu.vector_load %arg10[%get3A_2062] {strides = array<i32>} : memref<1024xi32, #tpu.memory_space<vmem>>, vector<16xi32>,
        tpu.vector_store_idx %arg8[%broadcast_in_dim3A_2055, %get3A_2063], %broadcast_in_dim3A_58 : memref<16x3080xf32, #tpu.memory_space<vmem>>[vector<16xi32>, vector<16xi32>], vector<16xf32>,
        %broadcast_in_dim3A_2064 = arith.constant 6 : i32
        %broadcast_in_dim3A_2065 = vector.broadcast %broadcast_in_dim3A_2064 : i32 to vector<16xi32>
        %get3A_2066 = arith.constant 384 : index
        %get3A_2067 = tpu.vector_load %arg10[%get3A_2066] {strides = array<i32>} : memref<1024xi32, #tpu.memory_space<vmem>>, vector<16xi32>,
        tpu.vector_store_idx %arg8[%broadcast_in_dim3A_2065, %get3A_2067], %broadcast_in_dim3A_58 : memref<16x3080xf32, #tpu.memory_space<vmem>>[vector<16xi32>, vector<16xi32>], vector<16xf32>,
        %get3A_2068 = arith.constant 400 : index
        %get3A_2069 = tpu.vector_load %arg10[%get3A_2068] {strides = array<i32>} : memref<1024xi32, #tpu.memory_space<vmem>>, vector<16xi32>,
        tpu.vector_store_idx %arg8[%broadcast_in_dim3A_2065, %get3A_2069], %broadcast_in_dim3A_58 : memref<16x3080xf32, #tpu.memory_space<vmem>>[vector<16xi32>, vector<16xi32>], vector<16xf32>,
        %get3A_2070 = arith.constant 416 : index
        %get3A_2071 = tpu.vector_load %arg10[%get3A_2070] {strides = array<i32>} : memref<1024xi32, #tpu.memory_space<vmem>>, vector<16xi32>,
        tpu.vector_store_idx %arg8[%broadcast_in_dim3A_2065, %get3A_2071], %broadcast_in_dim3A_58 : memref<16x3080xf32, #tpu.memory_space<vmem>>[vector<16xi32>, vector<16xi32>], vector<16xf32>,
        %get3A_2072 = arith.constant 432 : index
        %get3A_2073 = tpu.vector_load %arg10[%get3A_2072] {strides = array<i32>} : memref<1024xi32, #tpu.memory_space<vmem>>, vector<16xi32>,
        tpu.vector_store_idx %arg8[%broadcast_in_dim3A_2065, %get3A_2073], %broadcast_in_dim3A_58 : memref<16x3080xf32, #tpu.memory_space<vmem>>[vector<16xi32>, vector<16xi32>], vector<16xf32>,
        %broadcast_in_dim3A_2074 = arith.constant 7 : i32
        %broadcast_in_dim3A_2075 = vector.broadcast %broadcast_in_dim3A_2074 : i32 to vector<16xi32>
        %get3A_2076 = arith.constant 448 : index
        %get3A_2077 = tpu.vector_load %arg10[%get3A_2076] {strides = array<i32>} : memref<1024xi32, #tpu.memory_space<vmem>>, vector<16xi32>,
        tpu.vector_store_idx %arg8[%broadcast_in_dim3A_2075, %get3A_2077], %broadcast_in_dim3A_58 : memref<16x3080xf32, #tpu.memory_space<vmem>>[vector<16xi32>, vector<16xi32>], vector<16xf32>,
        %get3A_2078 = arith.constant 464 : index
        %get3A_2079 = tpu.vector_load %arg10[%get3A_2078] {strides = array<i32>} : memref<1024xi32, #tpu.memory_space<vmem>>, vector<16xi32>,
        tpu.vector_store_idx %arg8[%broadcast_in_dim3A_2075, %get3A_2079], %broadcast_in_dim3A_58 : memref<16x3080xf32, #tpu.memory_space<vmem>>[vector<16xi32>, vector<16xi32>], vector<16xf32>,
        %get3A_2080 = arith.constant 480 : index
        %get3A_2081 = tpu.vector_load %arg10[%get3A_2080] {strides = array<i32>} : memref<1024xi32, #tpu.memory_space<vmem>>, vector<16xi32>,
        tpu.vector_store_idx %arg8[%broadcast_in_dim3A_2075, %get3A_2081], %broadcast_in_dim3A_58 : memref<16x3080xf32, #tpu.memory_space<vmem>>[vector<16xi32>, vector<16xi32>], vector<16xf32>,
        %get3A_2082 = arith.constant 496 : index
        %get3A_2083 = tpu.vector_load %arg10[%get3A_2082] {strides = array<i32>} : memref<1024xi32, #tpu.memory_space<vmem>>, vector<16xi32>,
        tpu.vector_store_idx %arg8[%broadcast_in_dim3A_2075, %get3A_2083], %broadcast_in_dim3A_58 : memref<16x3080xf32, #tpu.memory_space<vmem>>[vector<16xi32>, vector<16xi32>], vector<16xf32>,
        %broadcast_in_dim3A_2084 = arith.constant 8 : i32
        %broadcast_in_dim3A_2085 = vector.broadcast %broadcast_in_dim3A_2084 : i32 to vector<16xi32>
        %get3A_2086 = arith.constant 512 : index
        %get3A_2087 = tpu.vector_load %arg10[%get3A_2086] {strides = array<i32>} : memref<1024xi32, #tpu.memory_space<vmem>>, vector<16xi32>,
        tpu.vector_store_idx %arg8[%broadcast_in_dim3A_2085, %get3A_2087], %broadcast_in_dim3A_58 : memref<16x3080xf32, #tpu.memory_space<vmem>>[vector<16xi32>, vector<16xi32>], vector<16xf32>,
        %get3A_2088 = arith.constant 528 : index
        %get3A_2089 = tpu.vector_load %arg10[%get3A_2088] {strides = array<i32>} : memref<1024xi32, #tpu.memory_space<vmem>>, vector<16xi32>,
        tpu.vector_store_idx %arg8[%broadcast_in_dim3A_2085, %get3A_2089], %broadcast_in_dim3A_58 : memref<16x3080xf32, #tpu.memory_space<vmem>>[vector<16xi32>, vector<16xi32>], vector<16xf32>,
        %get3A_2090 = arith.constant 544 : index
        %get3A_2091 = tpu.vector_load %arg10[%get3A_2090] {strides = array<i32>} : memref<1024xi32, #tpu.memory_space<vmem>>, vector<16xi32>,
        tpu.vector_store_idx %arg8[%broadcast_in_dim3A_2085, %get3A_2091], %broadcast_in_dim3A_58 : memref<16x3080xf32, #tpu.memory_space<vmem>>[vector<16xi32>, vector<16xi32>], vector<16xf32>,
        %get3A_2092 = arith.constant 560 : index
        %get3A_2093 = tpu.vector_load %arg10[%get3A_2092] {strides = array<i32>} : memref<1024xi32, #tpu.memory_space<vmem>>, vector<16xi32>,
        tpu.vector_store_idx %arg8[%broadcast_in_dim3A_2085, %get3A_2093], %broadcast_in_dim3A_58 : memref<16x3080xf32, #tpu.memory_space<vmem>>[vector<16xi32>, vector<16xi32>], vector<16xf32>,
        %broadcast_in_dim3A_2094 = arith.constant 9 : i32
        %broadcast_in_dim3A_2095 = vector.broadcast %broadcast_in_dim3A_2094 : i32 to vector<16xi32>
        %get3A_2096 = arith.constant 576 : index
        %get3A_2097 = tpu.vector_load %arg10[%get3A_2096] {strides = array<i32>} : memref<1024xi32, #tpu.memory_space<vmem>>, vector<16xi32>,
        tpu.vector_store_idx %arg8[%broadcast_in_dim3A_2095, %get3A_2097], %broadcast_in_dim3A_58 : memref<16x3080xf32, #tpu.memory_space<vmem>>[vector<16xi32>, vector<16xi32>], vector<16xf32>,
        %get3A_2098 = arith.constant 592 : index
        %get3A_2099 = tpu.vector_load %arg10[%get3A_2098] {strides = array<i32>} : memref<1024xi32, #tpu.memory_space<vmem>>, vector<16xi32>,
        tpu.vector_store_idx %arg8[%broadcast_in_dim3A_2095, %get3A_2099], %broadcast_in_dim3A_58 : memref<16x3080xf32, #tpu.memory_space<vmem>>[vector<16xi32>, vector<16xi32>], vector<16xf32>,
        %get3A_2100 = arith.constant 608 : index
        %get3A_2101 = tpu.vector_load %arg10[%get3A_2100] {strides = array<i32>} : memref<1024xi32, #tpu.memory_space<vmem>>, vector<16xi32>,
        tpu.vector_store_idx %arg8[%broadcast_in_dim3A_2095, %get3A_2101], %broadcast_in_dim3A_58 : memref<16x3080xf32, #tpu.memory_space<vmem>>[vector<16xi32>, vector<16xi32>], vector<16xf32>,
        %get3A_2102 = arith.constant 624 : index
        %get3A_2103 = tpu.vector_load %arg10[%get3A_2102] {strides = array<i32>} : memref<1024xi32, #tpu.memory_space<vmem>>, vector<16xi32>,
        tpu.vector_store_idx %arg8[%broadcast_in_dim3A_2095, %get3A_2103], %broadcast_in_dim3A_58 : memref<16x3080xf32, #tpu.memory_space<vmem>>[vector<16xi32>, vector<16xi32>], vector<16xf32>,
        %broadcast_in_dim3A_2104 = arith.constant 10 : i32
        %broadcast_in_dim3A_2105 = vector.broadcast %broadcast_in_dim3A_2104 : i32 to vector<16xi32>
        %get3A_2106 = arith.constant 640 : index
        %get3A_2107 = tpu.vector_load %arg10[%get3A_2106] {strides = array<i32>} : memref<1024xi32, #tpu.memory_space<vmem>>, vector<16xi32>,
        tpu.vector_store_idx %arg8[%broadcast_in_dim3A_2105, %get3A_2107], %broadcast_in_dim3A_58 : memref<16x3080xf32, #tpu.memory_space<vmem>>[vector<16xi32>, vector<16xi32>], vector<16xf32>,
        %get3A_2108 = arith.constant 656 : index
        %get3A_2109 = tpu.vector_load %arg10[%get3A_2108] {strides = array<i32>} : memref<1024xi32, #tpu.memory_space<vmem>>, vector<16xi32>,
        tpu.vector_store_idx %arg8[%broadcast_in_dim3A_2105, %get3A_2109], %broadcast_in_dim3A_58 : memref<16x3080xf32, #tpu.memory_space<vmem>>[vector<16xi32>, vector<16xi32>], vector<16xf32>,
        %get3A_2110 = arith.constant 672 : index
        %get3A_2111 = tpu.vector_load %arg10[%get3A_2110] {strides = array<i32>} : memref<1024xi32, #tpu.memory_space<vmem>>, vector<16xi32>,
        tpu.vector_store_idx %arg8[%broadcast_in_dim3A_2105, %get3A_2111], %broadcast_in_dim3A_58 : memref<16x3080xf32, #tpu.memory_space<vmem>>[vector<16xi32>, vector<16xi32>], vector<16xf32>,
        %get3A_2112 = arith.constant 688 : index
        %get3A_2113 = tpu.vector_load %arg10[%get3A_2112] {strides = array<i32>} : memref<1024xi32, #tpu.memory_space<vmem>>, vector<16xi32>,
        tpu.vector_store_idx %arg8[%broadcast_in_dim3A_2105, %get3A_2113], %broadcast_in_dim3A_58 : memref<16x3080xf32, #tpu.memory_space<vmem>>[vector<16xi32>, vector<16xi32>], vector<16xf32>,
        %broadcast_in_dim3A_2114 = arith.constant 11 : i32
        %broadcast_in_dim3A_2115 = vector.broadcast %broadcast_in_dim3A_2114 : i32 to vector<16xi32>
        %get3A_2116 = arith.constant 704 : index
        %get3A_2117 = tpu.vector_load %arg10[%get3A_2116] {strides = array<i32>} : memref<1024xi32, #tpu.memory_space<vmem>>, vector<16xi32>,
        tpu.vector_store_idx %arg8[%broadcast_in_dim3A_2115, %get3A_2117], %broadcast_in_dim3A_58 : memref<16x3080xf32, #tpu.memory_space<vmem>>[vector<16xi32>, vector<16xi32>], vector<16xf32>,
        %get3A_2118 = arith.constant 720 : index
        %get3A_2119 = tpu.vector_load %arg10[%get3A_2118] {strides = array<i32>} : memref<1024xi32, #tpu.memory_space<vmem>>, vector<16xi32>,
        tpu.vector_store_idx %arg8[%broadcast_in_dim3A_2115, %get3A_2119], %broadcast_in_dim3A_58 : memref<16x3080xf32, #tpu.memory_space<vmem>>[vector<16xi32>, vector<16xi32>], vector<16xf32>,
        %get3A_2120 = arith.constant 736 : index
        %get3A_2121 = tpu.vector_load %arg10[%get3A_2120] {strides = array<i32>} : memref<1024xi32, #tpu.memory_space<vmem>>, vector<16xi32>,
        tpu.vector_store_idx %arg8[%broadcast_in_dim3A_2115, %get3A_2121], %broadcast_in_dim3A_58 : memref<16x3080xf32, #tpu.memory_space<vmem>>[vector<16xi32>, vector<16xi32>], vector<16xf32>,
        %get3A_2122 = arith.constant 752 : index
        %get3A_2123 = tpu.vector_load %arg10[%get3A_2122] {strides = array<i32>} : memref<1024xi32, #tpu.memory_space<vmem>>, vector<16xi32>,
        tpu.vector_store_idx %arg8[%broadcast_in_dim3A_2115, %get3A_2123], %broadcast_in_dim3A_58 : memref<16x3080xf32, #tpu.memory_space<vmem>>[vector<16xi32>, vector<16xi32>], vector<16xf32>,
        %broadcast_in_dim3A_2124 = arith.constant 12 : i32
        %broadcast_in_dim3A_2125 = vector.broadcast %broadcast_in_dim3A_2124 : i32 to vector<16xi32>
        %get3A_2126 = arith.constant 768 : index
        %get3A_2127 = tpu.vector_load %arg10[%get3A_2126] {strides = array<i32>} : memref<1024xi32, #tpu.memory_space<vmem>>, vector<16xi32>,
        tpu.vector_store_idx %arg8[%broadcast_in_dim3A_2125, %get3A_2127], %broadcast_in_dim3A_58 : memref<16x3080xf32, #tpu.memory_space<vmem>>[vector<16xi32>, vector<16xi32>], vector<16xf32>,
        %get3A_2128 = arith.constant 784 : index
        %get3A_2129 = tpu.vector_load %arg10[%get3A_2128] {strides = array<i32>} : memref<1024xi32, #tpu.memory_space<vmem>>, vector<16xi32>,
        tpu.vector_store_idx %arg8[%broadcast_in_dim3A_2125, %get3A_2129], %broadcast_in_dim3A_58 : memref<16x3080xf32, #tpu.memory_space<vmem>>[vector<16xi32>, vector<16xi32>], vector<16xf32>,
        %get3A_2130 = arith.constant 800 : index
        %get3A_2131 = tpu.vector_load %arg10[%get3A_2130] {strides = array<i32>} : memref<1024xi32, #tpu.memory_space<vmem>>, vector<16xi32>,
        tpu.vector_store_idx %arg8[%broadcast_in_dim3A_2125, %get3A_2131], %broadcast_in_dim3A_58 : memref<16x3080xf32, #tpu.memory_space<vmem>>[vector<16xi32>, vector<16xi32>], vector<16xf32>,
        %get3A_2132 = arith.constant 816 : index
        %get3A_2133 = tpu.vector_load %arg10[%get3A_2132] {strides = array<i32>} : memref<1024xi32, #tpu.memory_space<vmem>>, vector<16xi32>,
        tpu.vector_store_idx %arg8[%broadcast_in_dim3A_2125, %get3A_2133], %broadcast_in_dim3A_58 : memref<16x3080xf32, #tpu.memory_space<vmem>>[vector<16xi32>, vector<16xi32>], vector<16xf32>,
        %broadcast_in_dim3A_2134 = arith.constant 13 : i32
        %broadcast_in_dim3A_2135 = vector.broadcast %broadcast_in_dim3A_2134 : i32 to vector<16xi32>
        %get3A_2136 = arith.constant 832 : index
        %get3A_2137 = tpu.vector_load %arg10[%get3A_2136] {strides = array<i32>} : memref<1024xi32, #tpu.memory_space<vmem>>, vector<16xi32>,
        tpu.vector_store_idx %arg8[%broadcast_in_dim3A_2135, %get3A_2137], %broadcast_in_dim3A_58 : memref<16x3080xf32, #tpu.memory_space<vmem>>[vector<16xi32>, vector<16xi32>], vector<16xf32>,
        %get3A_2138 = arith.constant 848 : index
        %get3A_2139 = tpu.vector_load %arg10[%get3A_2138] {strides = array<i32>} : memref<1024xi32, #tpu.memory_space<vmem>>, vector<16xi32>,
        tpu.vector_store_idx %arg8[%broadcast_in_dim3A_2135, %get3A_2139], %broadcast_in_dim3A_58 : memref<16x3080xf32, #tpu.memory_space<vmem>>[vector<16xi32>, vector<16xi32>], vector<16xf32>,
        %get3A_2140 = arith.constant 864 : index
        %get3A_2141 = tpu.vector_load %arg10[%get3A_2140] {strides = array<i32>} : memref<1024xi32, #tpu.memory_space<vmem>>, vector<16xi32>,
        tpu.vector_store_idx %arg8[%broadcast_in_dim3A_2135, %get3A_2141], %broadcast_in_dim3A_58 : memref<16x3080xf32, #tpu.memory_space<vmem>>[vector<16xi32>, vector<16xi32>], vector<16xf32>,
        %get3A_2142 = arith.constant 880 : index
        %get3A_2143 = tpu.vector_load %arg10[%get3A_2142] {strides = array<i32>} : memref<1024xi32, #tpu.memory_space<vmem>>, vector<16xi32>,
        tpu.vector_store_idx %arg8[%broadcast_in_dim3A_2135, %get3A_2143], %broadcast_in_dim3A_58 : memref<16x3080xf32, #tpu.memory_space<vmem>>[vector<16xi32>, vector<16xi32>], vector<16xf32>,
        %broadcast_in_dim3A_2144 = arith.constant 14 : i32
        %broadcast_in_dim3A_2145 = vector.broadcast %broadcast_in_dim3A_2144 : i32 to vector<16xi32>
        %get3A_2146 = arith.constant 896 : index
        %get3A_2147 = tpu.vector_load %arg10[%get3A_2146] {strides = array<i32>} : memref<1024xi32, #tpu.memory_space<vmem>>, vector<16xi32>,
        tpu.vector_store_idx %arg8[%broadcast_in_dim3A_2145, %get3A_2147], %broadcast_in_dim3A_58 : memref<16x3080xf32, #tpu.memory_space<vmem>>[vector<16xi32>, vector<16xi32>], vector<16xf32>,
        %get3A_2148 = arith.constant 912 : index
        %get3A_2149 = tpu.vector_load %arg10[%get3A_2148] {strides = array<i32>} : memref<1024xi32, #tpu.memory_space<vmem>>, vector<16xi32>,
        tpu.vector_store_idx %arg8[%broadcast_in_dim3A_2145, %get3A_2149], %broadcast_in_dim3A_58 : memref<16x3080xf32, #tpu.memory_space<vmem>>[vector<16xi32>, vector<16xi32>], vector<16xf32>,
        %get3A_2150 = arith.constant 928 : index
        %get3A_2151 = tpu.vector_load %arg10[%get3A_2150] {strides = array<i32>} : memref<1024xi32, #tpu.memory_space<vmem>>, vector<16xi32>,
        tpu.vector_store_idx %arg8[%broadcast_in_dim3A_2145, %get3A_2151], %broadcast_in_dim3A_58 : memref<16x3080xf32, #tpu.memory_space<vmem>>[vector<16xi32>, vector<16xi32>], vector<16xf32>,
        %get3A_2152 = arith.constant 944 : index
        %get3A_2153 = tpu.vector_load %arg10[%get3A_2152] {strides = array<i32>} : memref<1024xi32, #tpu.memory_space<vmem>>, vector<16xi32>,
        tpu.vector_store_idx %arg8[%broadcast_in_dim3A_2145, %get3A_2153], %broadcast_in_dim3A_58 : memref<16x3080xf32, #tpu.memory_space<vmem>>[vector<16xi32>, vector<16xi32>], vector<16xf32>,
        %broadcast_in_dim3A_2154 = arith.constant 15 : i32
        %broadcast_in_dim3A_2155 = vector.broadcast %broadcast_in_dim3A_2154 : i32 to vector<16xi32>
        %get3A_2156 = arith.constant 960 : index
        %get3A_2157 = tpu.vector_load %arg10[%get3A_2156] {strides = array<i32>} : memref<1024xi32, #tpu.memory_space<vmem>>, vector<16xi32>,
        tpu.vector_store_idx %arg8[%broadcast_in_dim3A_2155, %get3A_2157], %broadcast_in_dim3A_58 : memref<16x3080xf32, #tpu.memory_space<vmem>>[vector<16xi32>, vector<16xi32>], vector<16xf32>,
        %get3A_2158 = arith.constant 976 : index
        %get3A_2159 = tpu.vector_load %arg10[%get3A_2158] {strides = array<i32>} : memref<1024xi32, #tpu.memory_space<vmem>>, vector<16xi32>,
        tpu.vector_store_idx %arg8[%broadcast_in_dim3A_2155, %get3A_2159], %broadcast_in_dim3A_58 : memref<16x3080xf32, #tpu.memory_space<vmem>>[vector<16xi32>, vector<16xi32>], vector<16xf32>,
        %get3A_2160 = arith.constant 992 : index
        %get3A_2161 = tpu.vector_load %arg10[%get3A_2160] {strides = array<i32>} : memref<1024xi32, #tpu.memory_space<vmem>>, vector<16xi32>,
        tpu.vector_store_idx %arg8[%broadcast_in_dim3A_2155, %get3A_2161], %broadcast_in_dim3A_58 : memref<16x3080xf32, #tpu.memory_space<vmem>>[vector<16xi32>, vector<16xi32>], vector<16xf32>,
        %get3A_2162 = arith.constant 1008 : index
        %get3A_2163 = tpu.vector_load %arg10[%get3A_2162] {strides = array<i32>} : memref<1024xi32, #tpu.memory_space<vmem>>, vector<16xi32>,
        tpu.vector_store_idx %arg8[%broadcast_in_dim3A_2155, %get3A_2163], %broadcast_in_dim3A_58 : memref<16x3080xf32, #tpu.memory_space<vmem>>[vector<16xi32>, vector<16xi32>], vector<16xf32>,
      } else {
      }
      %mul3A_1049 = arith.constant 16 : i32
      %mul3A_1050 = arith.muli %add3A_1043, %mul3A_1049 : i32
      %add3A_1051 = arith.addi %mul3A_2, %mul3A_1050 : i32
      %dma_wait3A_1052 = arith.constant 0 : i32
      %dma_wait3A_1053 = tpu.memref_slice %arg2[%add3A_1051, %dma_wait3A_1052] : memref<16384x100xf32, #tpu.memory_space<hbm>> -> memref<16x100xf32, #tpu.memory_space<hbm>>
      %dma_wait3A_1054 = arith.constant 0 : i32
      %dma_wait3A_1055 = tpu.memref_slice %arg2[%add3A_1051, %dma_wait3A_1054] : memref<16384x100xf32, #tpu.memory_space<hbm>> -> memref<16x100xf32, #tpu.memory_space<hbm>>
      tpu.wait_dma2 semaphore(%arg14 : memref<!tpu.dma_semaphore, #tpu.memory_space<semaphore_mem>>) src(%dma_wait3A_1055 : memref<16x100xf32, #tpu.memory_space<hbm>>) dst(%arg6 : memref<16x100xf32, #tpu.memory_space<vmem>>)
      %broadcast_in_dim3A_1056 = arith.constant 0 : i32
      %broadcast_in_dim3A_1057 = vector.broadcast %broadcast_in_dim3A_1056 : i32 to vector<16xi32>
      %get3A_1058 = arith.constant 0 : i32
      %get3A_1059 = arith.index_cast %get3A_1058 : i32 to index
      %get3A_1060 = arith.constant 0 : index
      %get3A_1061 = tpu.vector_load %arg6[%get3A_1059, %get3A_1060] {strides = array<i32>} : memref<16x100xf32, #tpu.memory_space<vmem>>, vector<16xf32>,
      %swap3A_1062 = arith.constant 0 : i32
      %swap3A_1063 = arith.index_cast %swap3A_1062 : i32 to index
      %swap3A_1064 = arith.constant 0 : index
      %swap3A_1065 = tpu.vector_load %arg8[%swap3A_1063, %swap3A_1064] {strides = array<i32>} : memref<16x3080xf32, #tpu.memory_space<vmem>>, vector<16xf32>,
      tpu.vector_store %arg8[%swap3A_1063, %swap3A_1064], %get3A_1061 {strides = array<i32>} : memref<16x3080xf32, #tpu.memory_space<vmem>>, vector<16xf32>,
      %get3A_1066 = arith.constant 0 : i32
      %get3A_1067 = arith.index_cast %get3A_1066 : i32 to index
      %get3A_1068 = arith.constant 16 : index
      %get3A_1069 = tpu.vector_load %arg6[%get3A_1067, %get3A_1068] {strides = array<i32>} : memref<16x100xf32, #tpu.memory_space<vmem>>, vector<16xf32>,
      %swap3A_1070 = arith.constant 0 : i32
      %swap3A_1071 = arith.index_cast %swap3A_1070 : i32 to index
      %swap3A_1072 = arith.constant 16 : index
      %swap3A_1073 = tpu.vector_load %arg8[%swap3A_1071, %swap3A_1072] {strides = array<i32>} : memref<16x3080xf32, #tpu.memory_space<vmem>>, vector<16xf32>,
      tpu.vector_store %arg8[%swap3A_1071, %swap3A_1072], %get3A_1069 {strides = array<i32>} : memref<16x3080xf32, #tpu.memory_space<vmem>>, vector<16xf32>,
      %get3A_1074 = arith.constant 0 : i32
      %get3A_1075 = arith.index_cast %get3A_1074 : i32 to index
      %get3A_1076 = arith.constant 24 : index
      %get3A_1077 = tpu.vector_load %arg6[%get3A_1075, %get3A_1076] {strides = array<i32>} : memref<16x100xf32, #tpu.memory_space<vmem>>, vector<16xf32>,
      %swap3A_1078 = arith.constant 0 : i32
      %swap3A_1079 = arith.index_cast %swap3A_1078 : i32 to index
      %swap3A_1080 = arith.constant 24 : index
      %swap3A_1081 = tpu.vector_load %arg8[%swap3A_1079, %swap3A_1080] {strides = array<i32>} : memref<16x3080xf32, #tpu.memory_space<vmem>>, vector<16xf32>,
      tpu.vector_store %arg8[%swap3A_1079, %swap3A_1080], %get3A_1077 {strides = array<i32>} : memref<16x3080xf32, #tpu.memory_space<vmem>>, vector<16xf32>,
      %get3A_1082 = arith.constant 0 : i32
      %get3A_1083 = arith.index_cast %get3A_1082 : i32 to index
      %get3A_1084 = arith.constant 40 : index
      %get3A_1085 = tpu.vector_load %arg6[%get3A_1083, %get3A_1084] {strides = array<i32>} : memref<16x100xf32, #tpu.memory_space<vmem>>, vector<16xf32>,
      %convert_element_type3A_1086 = arith.fptosi %get3A_1085 : vector<16xf32> to vector<16xi32>
      %add3A_1087 = arith.addi %add3A_8, %convert_element_type3A_1086 : vector<16xi32>
      %swap3A_1088 = arith.constant 0 : index
      %swap3A_1089 = tpu.vector_load %arg10[%swap3A_1088] {strides = array<i32>} : memref<1024xi32, #tpu.memory_space<vmem>>, vector<16xi32>,
      tpu.vector_store %arg10[%swap3A_1088], %add3A_1087 {strides = array<i32>} : memref<1024xi32, #tpu.memory_space<vmem>>, vector<16xi32>,
      tpu.vector_store_idx %arg8[%broadcast_in_dim3A_1057, %add3A_1087], %broadcast_in_dim3A_56 : memref<16x3080xf32, #tpu.memory_space<vmem>>[vector<16xi32>, vector<16xi32>], vector<16xf32>,
      %get3A_1090 = arith.constant 0 : i32
      %get3A_1091 = arith.index_cast %get3A_1090 : i32 to index
      %get3A_1092 = arith.constant 56 : index
      %get3A_1093 = tpu.vector_load %arg6[%get3A_1091, %get3A_1092] {strides = array<i32>} : memref<16x100xf32, #tpu.memory_space<vmem>>, vector<16xf32>,
      %convert_element_type3A_1094 = arith.fptosi %get3A_1093 : vector<16xf32> to vector<16xi32>
      %add3A_1095 = arith.addi %select_n3A, %convert_element_type3A_1094 : vector<16xi32>
      %swap3A_1096 = arith.constant 16 : index
      %swap3A_1097 = tpu.vector_load %arg10[%swap3A_1096] {strides = array<i32>} : memref<1024xi32, #tpu.memory_space<vmem>>, vector<16xi32>,
      tpu.vector_store %arg10[%swap3A_1096], %add3A_1095 {strides = array<i32>} : memref<1024xi32, #tpu.memory_space<vmem>>, vector<16xi32>,
      tpu.vector_store_idx %arg8[%broadcast_in_dim3A_1057, %add3A_1095], %broadcast_in_dim3A_56 : memref<16x3080xf32, #tpu.memory_space<vmem>>[vector<16xi32>, vector<16xi32>], vector<16xf32>,
      %get3A_1098 = arith.constant 0 : i32
      %get3A_1099 = arith.index_cast %get3A_1098 : i32 to index
      %get3A_1100 = arith.constant 72 : index
      %get3A_1101 = tpu.vector_load %arg6[%get3A_1099, %get3A_1100] {strides = array<i32>} : memref<16x100xf32, #tpu.memory_space<vmem>>, vector<16xf32>,
      %convert_element_type3A_1102 = arith.fptosi %get3A_1101 : vector<16xf32> to vector<16xi32>
      %add3A_1103 = arith.addi %add3A_33, %convert_element_type3A_1102 : vector<16xi32>
      %swap3A_1104 = arith.constant 32 : index
      %swap3A_1105 = tpu.vector_load %arg10[%swap3A_1104] {strides = array<i32>} : memref<1024xi32, #tpu.memory_space<vmem>>, vector<16xi32>,
      tpu.vector_store %arg10[%swap3A_1104], %add3A_1103 {strides = array<i32>} : memref<1024xi32, #tpu.memory_space<vmem>>, vector<16xi32>,
      tpu.vector_store_idx %arg8[%broadcast_in_dim3A_1057, %add3A_1103], %broadcast_in_dim3A_56 : memref<16x3080xf32, #tpu.memory_space<vmem>>[vector<16xi32>, vector<16xi32>], vector<16xf32>,
      %get3A_1106 = arith.constant 0 : i32
      %get3A_1107 = arith.index_cast %get3A_1106 : i32 to index
      %get3A_1108 = arith.constant 84 : index
      %get3A_1109 = tpu.vector_load %arg6[%get3A_1107, %get3A_1108] {strides = array<i32>} : memref<16x100xf32, #tpu.memory_space<vmem>>, vector<16xf32>,
      %convert_element_type3A_1110 = arith.fptosi %get3A_1109 : vector<16xf32> to vector<16xi32>
      %add3A_1111 = arith.addi %select_n3A_55, %convert_element_type3A_1110 : vector<16xi32>
      %swap3A_1112 = arith.constant 48 : index
      %swap3A_1113 = tpu.vector_load %arg10[%swap3A_1112] {strides = array<i32>} : memref<1024xi32, #tpu.memory_space<vmem>>, vector<16xi32>,
      tpu.vector_store %arg10[%swap3A_1112], %add3A_1111 {strides = array<i32>} : memref<1024xi32, #tpu.memory_space<vmem>>, vector<16xi32>,
      tpu.vector_store_idx %arg8[%broadcast_in_dim3A_1057, %add3A_1111], %broadcast_in_dim3A_56 : memref<16x3080xf32, #tpu.memory_space<vmem>>[vector<16xi32>, vector<16xi32>], vector<16xf32>,
      %broadcast_in_dim3A_1114 = arith.constant 1 : i32
      %broadcast_in_dim3A_1115 = vector.broadcast %broadcast_in_dim3A_1114 : i32 to vector<16xi32>
      %get3A_1116 = arith.constant 1 : i32
      %get3A_1117 = arith.index_cast %get3A_1116 : i32 to index
      %get3A_1118 = arith.constant 0 : index
      %get3A_1119 = tpu.vector_load %arg6[%get3A_1117, %get3A_1118] {strides = array<i32>} : memref<16x100xf32, #tpu.memory_space<vmem>>, vector<16xf32>,
      %swap3A_1120 = arith.constant 1 : i32
      %swap3A_1121 = arith.index_cast %swap3A_1120 : i32 to index
      %swap3A_1122 = arith.constant 0 : index
      %swap3A_1123 = tpu.vector_load %arg8[%swap3A_1121, %swap3A_1122] {strides = array<i32>} : memref<16x3080xf32, #tpu.memory_space<vmem>>, vector<16xf32>,
      tpu.vector_store %arg8[%swap3A_1121, %swap3A_1122], %get3A_1119 {strides = array<i32>} : memref<16x3080xf32, #tpu.memory_space<vmem>>, vector<16xf32>,
      %get3A_1124 = arith.constant 1 : i32
      %get3A_1125 = arith.index_cast %get3A_1124 : i32 to index
      %get3A_1126 = arith.constant 16 : index
      %get3A_1127 = tpu.vector_load %arg6[%get3A_1125, %get3A_1126] {strides = array<i32>} : memref<16x100xf32, #tpu.memory_space<vmem>>, vector<16xf32>,
      %swap3A_1128 = arith.constant 1 : i32
      %swap3A_1129 = arith.index_cast %swap3A_1128 : i32 to index
      %swap3A_1130 = arith.constant 16 : index
      %swap3A_1131 = tpu.vector_load %arg8[%swap3A_1129, %swap3A_1130] {strides = array<i32>} : memref<16x3080xf32, #tpu.memory_space<vmem>>, vector<16xf32>,
      tpu.vector_store %arg8[%swap3A_1129, %swap3A_1130], %get3A_1127 {strides = array<i32>} : memref<16x3080xf32, #tpu.memory_space<vmem>>, vector<16xf32>,
      %get3A_1132 = arith.constant 1 : i32
      %get3A_1133 = arith.index_cast %get3A_1132 : i32 to index
      %get3A_1134 = arith.constant 24 : index
      %get3A_1135 = tpu.vector_load %arg6[%get3A_1133, %get3A_1134] {strides = array<i32>} : memref<16x100xf32, #tpu.memory_space<vmem>>, vector<16xf32>,
      %swap3A_1136 = arith.constant 1 : i32
      %swap3A_1137 = arith.index_cast %swap3A_1136 : i32 to index
      %swap3A_1138 = arith.constant 24 : index
      %swap3A_1139 = tpu.vector_load %arg8[%swap3A_1137, %swap3A_1138] {strides = array<i32>} : memref<16x3080xf32, #tpu.memory_space<vmem>>, vector<16xf32>,
      tpu.vector_store %arg8[%swap3A_1137, %swap3A_1138], %get3A_1135 {strides = array<i32>} : memref<16x3080xf32, #tpu.memory_space<vmem>>, vector<16xf32>,
      %get3A_1140 = arith.constant 1 : i32
      %get3A_1141 = arith.index_cast %get3A_1140 : i32 to index
      %get3A_1142 = arith.constant 40 : index
      %get3A_1143 = tpu.vector_load %arg6[%get3A_1141, %get3A_1142] {strides = array<i32>} : memref<16x100xf32, #tpu.memory_space<vmem>>, vector<16xf32>,
      %convert_element_type3A_1144 = arith.fptosi %get3A_1143 : vector<16xf32> to vector<16xi32>
      %add3A_1145 = arith.addi %add3A_8, %convert_element_type3A_1144 : vector<16xi32>
      %swap3A_1146 = arith.constant 64 : index
      %swap3A_1147 = tpu.vector_load %arg10[%swap3A_1146] {strides = array<i32>} : memref<1024xi32, #tpu.memory_space<vmem>>, vector<16xi32>,
      tpu.vector_store %arg10[%swap3A_1146], %add3A_1145 {strides = array<i32>} : memref<1024xi32, #tpu.memory_space<vmem>>, vector<16xi32>,
      tpu.vector_store_idx %arg8[%broadcast_in_dim3A_1115, %add3A_1145], %broadcast_in_dim3A_56 : memref<16x3080xf32, #tpu.memory_space<vmem>>[vector<16xi32>, vector<16xi32>], vector<16xf32>,
      %get3A_1148 = arith.constant 1 : i32
      %get3A_1149 = arith.index_cast %get3A_1148 : i32 to index
      %get3A_1150 = arith.constant 56 : index
      %get3A_1151 = tpu.vector_load %arg6[%get3A_1149, %get3A_1150] {strides = array<i32>} : memref<16x100xf32, #tpu.memory_space<vmem>>, vector<16xf32>,
      %convert_element_type3A_1152 = arith.fptosi %get3A_1151 : vector<16xf32> to vector<16xi32>
      %add3A_1153 = arith.addi %select_n3A, %convert_element_type3A_1152 : vector<16xi32>
      %swap3A_1154 = arith.constant 80 : index
      %swap3A_1155 = tpu.vector_load %arg10[%swap3A_1154] {strides = array<i32>} : memref<1024xi32, #tpu.memory_space<vmem>>, vector<16xi32>,
      tpu.vector_store %arg10[%swap3A_1154], %add3A_1153 {strides = array<i32>} : memref<1024xi32, #tpu.memory_space<vmem>>, vector<16xi32>,
      tpu.vector_store_idx %arg8[%broadcast_in_dim3A_1115, %add3A_1153], %broadcast_in_dim3A_56 : memref<16x3080xf32, #tpu.memory_space<vmem>>[vector<16xi32>, vector<16xi32>], vector<16xf32>,
      %get3A_1156 = arith.constant 1 : i32
      %get3A_1157 = arith.index_cast %get3A_1156 : i32 to index
      %get3A_1158 = arith.constant 72 : index
      %get3A_1159 = tpu.vector_load %arg6[%get3A_1157, %get3A_1158] {strides = array<i32>} : memref<16x100xf32, #tpu.memory_space<vmem>>, vector<16xf32>,
      %convert_element_type3A_1160 = arith.fptosi %get3A_1159 : vector<16xf32> to vector<16xi32>
      %add3A_1161 = arith.addi %add3A_33, %convert_element_type3A_1160 : vector<16xi32>
      %swap3A_1162 = arith.constant 96 : index
      %swap3A_1163 = tpu.vector_load %arg10[%swap3A_1162] {strides = array<i32>} : memref<1024xi32, #tpu.memory_space<vmem>>, vector<16xi32>,
      tpu.vector_store %arg10[%swap3A_1162], %add3A_1161 {strides = array<i32>} : memref<1024xi32, #tpu.memory_space<vmem>>, vector<16xi32>,
      tpu.vector_store_idx %arg8[%broadcast_in_dim3A_1115, %add3A_1161], %broadcast_in_dim3A_56 : memref<16x3080xf32, #tpu.memory_space<vmem>>[vector<16xi32>, vector<16xi32>], vector<16xf32>,
      %get3A_1164 = arith.constant 1 : i32
      %get3A_1165 = arith.index_cast %get3A_1164 : i32 to index
      %get3A_1166 = arith.constant 84 : index
      %get3A_1167 = tpu.vector_load %arg6[%get3A_1165, %get3A_1166] {strides = array<i32>} : memref<16x100xf32, #tpu.memory_space<vmem>>, vector<16xf32>,
      %convert_element_type3A_1168 = arith.fptosi %get3A_1167 : vector<16xf32> to vector<16xi32>
      %add3A_1169 = arith.addi %select_n3A_55, %convert_element_type3A_1168 : vector<16xi32>
      %swap3A_1170 = arith.constant 112 : index
      %swap3A_1171 = tpu.vector_load %arg10[%swap3A_1170] {strides = array<i32>} : memref<1024xi32, #tpu.memory_space<vmem>>, vector<16xi32>,
      tpu.vector_store %arg10[%swap3A_1170], %add3A_1169 {strides = array<i32>} : memref<1024xi32, #tpu.memory_space<vmem>>, vector<16xi32>,
      tpu.vector_store_idx %arg8[%broadcast_in_dim3A_1115, %add3A_1169], %broadcast_in_dim3A_56 : memref<16x3080xf32, #tpu.memory_space<vmem>>[vector<16xi32>, vector<16xi32>], vector<16xf32>,
      %broadcast_in_dim3A_1172 = arith.constant 2 : i32
      %broadcast_in_dim3A_1173 = vector.broadcast %broadcast_in_dim3A_1172 : i32 to vector<16xi32>
      %get3A_1174 = arith.constant 2 : i32
      %get3A_1175 = arith.index_cast %get3A_1174 : i32 to index
      %get3A_1176 = arith.constant 0 : index
      %get3A_1177 = tpu.vector_load %arg6[%get3A_1175, %get3A_1176] {strides = array<i32>} : memref<16x100xf32, #tpu.memory_space<vmem>>, vector<16xf32>,
      %swap3A_1178 = arith.constant 2 : i32
      %swap3A_1179 = arith.index_cast %swap3A_1178 : i32 to index
      %swap3A_1180 = arith.constant 0 : index
      %swap3A_1181 = tpu.vector_load %arg8[%swap3A_1179, %swap3A_1180] {strides = array<i32>} : memref<16x3080xf32, #tpu.memory_space<vmem>>, vector<16xf32>,
      tpu.vector_store %arg8[%swap3A_1179, %swap3A_1180], %get3A_1177 {strides = array<i32>} : memref<16x3080xf32, #tpu.memory_space<vmem>>, vector<16xf32>,
      %get3A_1182 = arith.constant 2 : i32
      %get3A_1183 = arith.index_cast %get3A_1182 : i32 to index
      %get3A_1184 = arith.constant 16 : index
      %get3A_1185 = tpu.vector_load %arg6[%get3A_1183, %get3A_1184] {strides = array<i32>} : memref<16x100xf32, #tpu.memory_space<vmem>>, vector<16xf32>,
      %swap3A_1186 = arith.constant 2 : i32
      %swap3A_1187 = arith.index_cast %swap3A_1186 : i32 to index
      %swap3A_1188 = arith.constant 16 : index
      %swap3A_1189 = tpu.vector_load %arg8[%swap3A_1187, %swap3A_1188] {strides = array<i32>} : memref<16x3080xf32, #tpu.memory_space<vmem>>, vector<16xf32>,
      tpu.vector_store %arg8[%swap3A_1187, %swap3A_1188], %get3A_1185 {strides = array<i32>} : memref<16x3080xf32, #tpu.memory_space<vmem>>, vector<16xf32>,
      %get3A_1190 = arith.constant 2 : i32
      %get3A_1191 = arith.index_cast %get3A_1190 : i32 to index
      %get3A_1192 = arith.constant 24 : index
      %get3A_1193 = tpu.vector_load %arg6[%get3A_1191, %get3A_1192] {strides = array<i32>} : memref<16x100xf32, #tpu.memory_space<vmem>>, vector<16xf32>,
      %swap3A_1194 = arith.constant 2 : i32
      %swap3A_1195 = arith.index_cast %swap3A_1194 : i32 to index
      %swap3A_1196 = arith.constant 24 : index
      %swap3A_1197 = tpu.vector_load %arg8[%swap3A_1195, %swap3A_1196] {strides = array<i32>} : memref<16x3080xf32, #tpu.memory_space<vmem>>, vector<16xf32>,
      tpu.vector_store %arg8[%swap3A_1195, %swap3A_1196], %get3A_1193 {strides = array<i32>} : memref<16x3080xf32, #tpu.memory_space<vmem>>, vector<16xf32>,
      %get3A_1198 = arith.constant 2 : i32
      %get3A_1199 = arith.index_cast %get3A_1198 : i32 to index
      %get3A_1200 = arith.constant 40 : index
      %get3A_1201 = tpu.vector_load %arg6[%get3A_1199, %get3A_1200] {strides = array<i32>} : memref<16x100xf32, #tpu.memory_space<vmem>>, vector<16xf32>,
      %convert_element_type3A_1202 = arith.fptosi %get3A_1201 : vector<16xf32> to vector<16xi32>
      %add3A_1203 = arith.addi %add3A_8, %convert_element_type3A_1202 : vector<16xi32>
      %swap3A_1204 = arith.constant 128 : index
      %swap3A_1205 = tpu.vector_load %arg10[%swap3A_1204] {strides = array<i32>} : memref<1024xi32, #tpu.memory_space<vmem>>, vector<16xi32>,
      tpu.vector_store %arg10[%swap3A_1204], %add3A_1203 {strides = array<i32>} : memref<1024xi32, #tpu.memory_space<vmem>>, vector<16xi32>,
      tpu.vector_store_idx %arg8[%broadcast_in_dim3A_1173, %add3A_1203], %broadcast_in_dim3A_56 : memref<16x3080xf32, #tpu.memory_space<vmem>>[vector<16xi32>, vector<16xi32>], vector<16xf32>,
      %get3A_1206 = arith.constant 2 : i32
      %get3A_1207 = arith.index_cast %get3A_1206 : i32 to index
      %get3A_1208 = arith.constant 56 : index
      %get3A_1209 = tpu.vector_load %arg6[%get3A_1207, %get3A_1208] {strides = array<i32>} : memref<16x100xf32, #tpu.memory_space<vmem>>, vector<16xf32>,
      %convert_element_type3A_1210 = arith.fptosi %get3A_1209 : vector<16xf32> to vector<16xi32>
      %add3A_1211 = arith.addi %select_n3A, %convert_element_type3A_1210 : vector<16xi32>
      %swap3A_1212 = arith.constant 144 : index
      %swap3A_1213 = tpu.vector_load %arg10[%swap3A_1212] {strides = array<i32>} : memref<1024xi32, #tpu.memory_space<vmem>>, vector<16xi32>,
      tpu.vector_store %arg10[%swap3A_1212], %add3A_1211 {strides = array<i32>} : memref<1024xi32, #tpu.memory_space<vmem>>, vector<16xi32>,
      tpu.vector_store_idx %arg8[%broadcast_in_dim3A_1173, %add3A_1211], %broadcast_in_dim3A_56 : memref<16x3080xf32, #tpu.memory_space<vmem>>[vector<16xi32>, vector<16xi32>], vector<16xf32>,
      %get3A_1214 = arith.constant 2 : i32
      %get3A_1215 = arith.index_cast %get3A_1214 : i32 to index
      %get3A_1216 = arith.constant 72 : index
      %get3A_1217 = tpu.vector_load %arg6[%get3A_1215, %get3A_1216] {strides = array<i32>} : memref<16x100xf32, #tpu.memory_space<vmem>>, vector<16xf32>,
      %convert_element_type3A_1218 = arith.fptosi %get3A_1217 : vector<16xf32> to vector<16xi32>
      %add3A_1219 = arith.addi %add3A_33, %convert_element_type3A_1218 : vector<16xi32>
      %swap3A_1220 = arith.constant 160 : index
      %swap3A_1221 = tpu.vector_load %arg10[%swap3A_1220] {strides = array<i32>} : memref<1024xi32, #tpu.memory_space<vmem>>, vector<16xi32>,
      tpu.vector_store %arg10[%swap3A_1220], %add3A_1219 {strides = array<i32>} : memref<1024xi32, #tpu.memory_space<vmem>>, vector<16xi32>,
      tpu.vector_store_idx %arg8[%broadcast_in_dim3A_1173, %add3A_1219], %broadcast_in_dim3A_56 : memref<16x3080xf32, #tpu.memory_space<vmem>>[vector<16xi32>, vector<16xi32>], vector<16xf32>,
      %get3A_1222 = arith.constant 2 : i32
      %get3A_1223 = arith.index_cast %get3A_1222 : i32 to index
      %get3A_1224 = arith.constant 84 : index
      %get3A_1225 = tpu.vector_load %arg6[%get3A_1223, %get3A_1224] {strides = array<i32>} : memref<16x100xf32, #tpu.memory_space<vmem>>, vector<16xf32>,
      %convert_element_type3A_1226 = arith.fptosi %get3A_1225 : vector<16xf32> to vector<16xi32>
      %add3A_1227 = arith.addi %select_n3A_55, %convert_element_type3A_1226 : vector<16xi32>
      %swap3A_1228 = arith.constant 176 : index
      %swap3A_1229 = tpu.vector_load %arg10[%swap3A_1228] {strides = array<i32>} : memref<1024xi32, #tpu.memory_space<vmem>>, vector<16xi32>,
      tpu.vector_store %arg10[%swap3A_1228], %add3A_1227 {strides = array<i32>} : memref<1024xi32, #tpu.memory_space<vmem>>, vector<16xi32>,
      tpu.vector_store_idx %arg8[%broadcast_in_dim3A_1173, %add3A_1227], %broadcast_in_dim3A_56 : memref<16x3080xf32, #tpu.memory_space<vmem>>[vector<16xi32>, vector<16xi32>], vector<16xf32>,
      %broadcast_in_dim3A_1230 = arith.constant 3 : i32
      %broadcast_in_dim3A_1231 = vector.broadcast %broadcast_in_dim3A_1230 : i32 to vector<16xi32>
      %get3A_1232 = arith.constant 3 : i32
      %get3A_1233 = arith.index_cast %get3A_1232 : i32 to index
      %get3A_1234 = arith.constant 0 : index
      %get3A_1235 = tpu.vector_load %arg6[%get3A_1233, %get3A_1234] {strides = array<i32>} : memref<16x100xf32, #tpu.memory_space<vmem>>, vector<16xf32>,
      %swap3A_1236 = arith.constant 3 : i32
      %swap3A_1237 = arith.index_cast %swap3A_1236 : i32 to index
      %swap3A_1238 = arith.constant 0 : index
      %swap3A_1239 = tpu.vector_load %arg8[%swap3A_1237, %swap3A_1238] {strides = array<i32>} : memref<16x3080xf32, #tpu.memory_space<vmem>>, vector<16xf32>,
      tpu.vector_store %arg8[%swap3A_1237, %swap3A_1238], %get3A_1235 {strides = array<i32>} : memref<16x3080xf32, #tpu.memory_space<vmem>>, vector<16xf32>,
      %get3A_1240 = arith.constant 3 : i32
      %get3A_1241 = arith.index_cast %get3A_1240 : i32 to index
      %get3A_1242 = arith.constant 16 : index
      %get3A_1243 = tpu.vector_load %arg6[%get3A_1241, %get3A_1242] {strides = array<i32>} : memref<16x100xf32, #tpu.memory_space<vmem>>, vector<16xf32>,
      %swap3A_1244 = arith.constant 3 : i32
      %swap3A_1245 = arith.index_cast %swap3A_1244 : i32 to index
      %swap3A_1246 = arith.constant 16 : index
      %swap3A_1247 = tpu.vector_load %arg8[%swap3A_1245, %swap3A_1246] {strides = array<i32>} : memref<16x3080xf32, #tpu.memory_space<vmem>>, vector<16xf32>,
      tpu.vector_store %arg8[%swap3A_1245, %swap3A_1246], %get3A_1243 {strides = array<i32>} : memref<16x3080xf32, #tpu.memory_space<vmem>>, vector<16xf32>,
      %get3A_1248 = arith.constant 3 : i32
      %get3A_1249 = arith.index_cast %get3A_1248 : i32 to index
      %get3A_1250 = arith.constant 24 : index
      %get3A_1251 = tpu.vector_load %arg6[%get3A_1249, %get3A_1250] {strides = array<i32>} : memref<16x100xf32, #tpu.memory_space<vmem>>, vector<16xf32>,
      %swap3A_1252 = arith.constant 3 : i32
      %swap3A_1253 = arith.index_cast %swap3A_1252 : i32 to index
      %swap3A_1254 = arith.constant 24 : index
      %swap3A_1255 = tpu.vector_load %arg8[%swap3A_1253, %swap3A_1254] {strides = array<i32>} : memref<16x3080xf32, #tpu.memory_space<vmem>>, vector<16xf32>,
      tpu.vector_store %arg8[%swap3A_1253, %swap3A_1254], %get3A_1251 {strides = array<i32>} : memref<16x3080xf32, #tpu.memory_space<vmem>>, vector<16xf32>,
      %get3A_1256 = arith.constant 3 : i32
      %get3A_1257 = arith.index_cast %get3A_1256 : i32 to index
      %get3A_1258 = arith.constant 40 : index
      %get3A_1259 = tpu.vector_load %arg6[%get3A_1257, %get3A_1258] {strides = array<i32>} : memref<16x100xf32, #tpu.memory_space<vmem>>, vector<16xf32>,
      %convert_element_type3A_1260 = arith.fptosi %get3A_1259 : vector<16xf32> to vector<16xi32>
      %add3A_1261 = arith.addi %add3A_8, %convert_element_type3A_1260 : vector<16xi32>
      %swap3A_1262 = arith.constant 192 : index
      %swap3A_1263 = tpu.vector_load %arg10[%swap3A_1262] {strides = array<i32>} : memref<1024xi32, #tpu.memory_space<vmem>>, vector<16xi32>,
      tpu.vector_store %arg10[%swap3A_1262], %add3A_1261 {strides = array<i32>} : memref<1024xi32, #tpu.memory_space<vmem>>, vector<16xi32>,
      tpu.vector_store_idx %arg8[%broadcast_in_dim3A_1231, %add3A_1261], %broadcast_in_dim3A_56 : memref<16x3080xf32, #tpu.memory_space<vmem>>[vector<16xi32>, vector<16xi32>], vector<16xf32>,
      %get3A_1264 = arith.constant 3 : i32
      %get3A_1265 = arith.index_cast %get3A_1264 : i32 to index
      %get3A_1266 = arith.constant 56 : index
      %get3A_1267 = tpu.vector_load %arg6[%get3A_1265, %get3A_1266] {strides = array<i32>} : memref<16x100xf32, #tpu.memory_space<vmem>>, vector<16xf32>,
      %convert_element_type3A_1268 = arith.fptosi %get3A_1267 : vector<16xf32> to vector<16xi32>
      %add3A_1269 = arith.addi %select_n3A, %convert_element_type3A_1268 : vector<16xi32>
      %swap3A_1270 = arith.constant 208 : index
      %swap3A_1271 = tpu.vector_load %arg10[%swap3A_1270] {strides = array<i32>} : memref<1024xi32, #tpu.memory_space<vmem>>, vector<16xi32>,
      tpu.vector_store %arg10[%swap3A_1270], %add3A_1269 {strides = array<i32>} : memref<1024xi32, #tpu.memory_space<vmem>>, vector<16xi32>,
      tpu.vector_store_idx %arg8[%broadcast_in_dim3A_1231, %add3A_1269], %broadcast_in_dim3A_56 : memref<16x3080xf32, #tpu.memory_space<vmem>>[vector<16xi32>, vector<16xi32>], vector<16xf32>,
      %get3A_1272 = arith.constant 3 : i32
      %get3A_1273 = arith.index_cast %get3A_1272 : i32 to index
      %get3A_1274 = arith.constant 72 : index
      %get3A_1275 = tpu.vector_load %arg6[%get3A_1273, %get3A_1274] {strides = array<i32>} : memref<16x100xf32, #tpu.memory_space<vmem>>, vector<16xf32>,
      %convert_element_type3A_1276 = arith.fptosi %get3A_1275 : vector<16xf32> to vector<16xi32>
      %add3A_1277 = arith.addi %add3A_33, %convert_element_type3A_1276 : vector<16xi32>
      %swap3A_1278 = arith.constant 224 : index
      %swap3A_1279 = tpu.vector_load %arg10[%swap3A_1278] {strides = array<i32>} : memref<1024xi32, #tpu.memory_space<vmem>>, vector<16xi32>,
      tpu.vector_store %arg10[%swap3A_1278], %add3A_1277 {strides = array<i32>} : memref<1024xi32, #tpu.memory_space<vmem>>, vector<16xi32>,
      tpu.vector_store_idx %arg8[%broadcast_in_dim3A_1231, %add3A_1277], %broadcast_in_dim3A_56 : memref<16x3080xf32, #tpu.memory_space<vmem>>[vector<16xi32>, vector<16xi32>], vector<16xf32>,
      %get3A_1280 = arith.constant 3 : i32
      %get3A_1281 = arith.index_cast %get3A_1280 : i32 to index
      %get3A_1282 = arith.constant 84 : index
      %get3A_1283 = tpu.vector_load %arg6[%get3A_1281, %get3A_1282] {strides = array<i32>} : memref<16x100xf32, #tpu.memory_space<vmem>>, vector<16xf32>,
      %convert_element_type3A_1284 = arith.fptosi %get3A_1283 : vector<16xf32> to vector<16xi32>
      %add3A_1285 = arith.addi %select_n3A_55, %convert_element_type3A_1284 : vector<16xi32>
      %swap3A_1286 = arith.constant 240 : index
      %swap3A_1287 = tpu.vector_load %arg10[%swap3A_1286] {strides = array<i32>} : memref<1024xi32, #tpu.memory_space<vmem>>, vector<16xi32>,
      tpu.vector_store %arg10[%swap3A_1286], %add3A_1285 {strides = array<i32>} : memref<1024xi32, #tpu.memory_space<vmem>>, vector<16xi32>,
      tpu.vector_store_idx %arg8[%broadcast_in_dim3A_1231, %add3A_1285], %broadcast_in_dim3A_56 : memref<16x3080xf32, #tpu.memory_space<vmem>>[vector<16xi32>, vector<16xi32>], vector<16xf32>,
      %broadcast_in_dim3A_1288 = arith.constant 4 : i32
      %broadcast_in_dim3A_1289 = vector.broadcast %broadcast_in_dim3A_1288 : i32 to vector<16xi32>
      %get3A_1290 = arith.constant 4 : i32
      %get3A_1291 = arith.index_cast %get3A_1290 : i32 to index
      %get3A_1292 = arith.constant 0 : index
      %get3A_1293 = tpu.vector_load %arg6[%get3A_1291, %get3A_1292] {strides = array<i32>} : memref<16x100xf32, #tpu.memory_space<vmem>>, vector<16xf32>,
      %swap3A_1294 = arith.constant 4 : i32
      %swap3A_1295 = arith.index_cast %swap3A_1294 : i32 to index
      %swap3A_1296 = arith.constant 0 : index
      %swap3A_1297 = tpu.vector_load %arg8[%swap3A_1295, %swap3A_1296] {strides = array<i32>} : memref<16x3080xf32, #tpu.memory_space<vmem>>, vector<16xf32>,
      tpu.vector_store %arg8[%swap3A_1295, %swap3A_1296], %get3A_1293 {strides = array<i32>} : memref<16x3080xf32, #tpu.memory_space<vmem>>, vector<16xf32>,
      %get3A_1298 = arith.constant 4 : i32
      %get3A_1299 = arith.index_cast %get3A_1298 : i32 to index
      %get3A_1300 = arith.constant 16 : index
      %get3A_1301 = tpu.vector_load %arg6[%get3A_1299, %get3A_1300] {strides = array<i32>} : memref<16x100xf32, #tpu.memory_space<vmem>>, vector<16xf32>,
      %swap3A_1302 = arith.constant 4 : i32
      %swap3A_1303 = arith.index_cast %swap3A_1302 : i32 to index
      %swap3A_1304 = arith.constant 16 : index
      %swap3A_1305 = tpu.vector_load %arg8[%swap3A_1303, %swap3A_1304] {strides = array<i32>} : memref<16x3080xf32, #tpu.memory_space<vmem>>, vector<16xf32>,
      tpu.vector_store %arg8[%swap3A_1303, %swap3A_1304], %get3A_1301 {strides = array<i32>} : memref<16x3080xf32, #tpu.memory_space<vmem>>, vector<16xf32>,
      %get3A_1306 = arith.constant 4 : i32
      %get3A_1307 = arith.index_cast %get3A_1306 : i32 to index
      %get3A_1308 = arith.constant 24 : index
      %get3A_1309 = tpu.vector_load %arg6[%get3A_1307, %get3A_1308] {strides = array<i32>} : memref<16x100xf32, #tpu.memory_space<vmem>>, vector<16xf32>,
      %swap3A_1310 = arith.constant 4 : i32
      %swap3A_1311 = arith.index_cast %swap3A_1310 : i32 to index
      %swap3A_1312 = arith.constant 24 : index
      %swap3A_1313 = tpu.vector_load %arg8[%swap3A_1311, %swap3A_1312] {strides = array<i32>} : memref<16x3080xf32, #tpu.memory_space<vmem>>, vector<16xf32>,
      tpu.vector_store %arg8[%swap3A_1311, %swap3A_1312], %get3A_1309 {strides = array<i32>} : memref<16x3080xf32, #tpu.memory_space<vmem>>, vector<16xf32>,
      %get3A_1314 = arith.constant 4 : i32
      %get3A_1315 = arith.index_cast %get3A_1314 : i32 to index
      %get3A_1316 = arith.constant 40 : index
      %get3A_1317 = tpu.vector_load %arg6[%get3A_1315, %get3A_1316] {strides = array<i32>} : memref<16x100xf32, #tpu.memory_space<vmem>>, vector<16xf32>,
      %convert_element_type3A_1318 = arith.fptosi %get3A_1317 : vector<16xf32> to vector<16xi32>
      %add3A_1319 = arith.addi %add3A_8, %convert_element_type3A_1318 : vector<16xi32>
      %swap3A_1320 = arith.constant 256 : index
      %swap3A_1321 = tpu.vector_load %arg10[%swap3A_1320] {strides = array<i32>} : memref<1024xi32, #tpu.memory_space<vmem>>, vector<16xi32>,
      tpu.vector_store %arg10[%swap3A_1320], %add3A_1319 {strides = array<i32>} : memref<1024xi32, #tpu.memory_space<vmem>>, vector<16xi32>,
      tpu.vector_store_idx %arg8[%broadcast_in_dim3A_1289, %add3A_1319], %broadcast_in_dim3A_56 : memref<16x3080xf32, #tpu.memory_space<vmem>>[vector<16xi32>, vector<16xi32>], vector<16xf32>,
      %get3A_1322 = arith.constant 4 : i32
      %get3A_1323 = arith.index_cast %get3A_1322 : i32 to index
      %get3A_1324 = arith.constant 56 : index
      %get3A_1325 = tpu.vector_load %arg6[%get3A_1323, %get3A_1324] {strides = array<i32>} : memref<16x100xf32, #tpu.memory_space<vmem>>, vector<16xf32>,
      %convert_element_type3A_1326 = arith.fptosi %get3A_1325 : vector<16xf32> to vector<16xi32>
      %add3A_1327 = arith.addi %select_n3A, %convert_element_type3A_1326 : vector<16xi32>
      %swap3A_1328 = arith.constant 272 : index
      %swap3A_1329 = tpu.vector_load %arg10[%swap3A_1328] {strides = array<i32>} : memref<1024xi32, #tpu.memory_space<vmem>>, vector<16xi32>,
      tpu.vector_store %arg10[%swap3A_1328], %add3A_1327 {strides = array<i32>} : memref<1024xi32, #tpu.memory_space<vmem>>, vector<16xi32>,
      tpu.vector_store_idx %arg8[%broadcast_in_dim3A_1289, %add3A_1327], %broadcast_in_dim3A_56 : memref<16x3080xf32, #tpu.memory_space<vmem>>[vector<16xi32>, vector<16xi32>], vector<16xf32>,
      %get3A_1330 = arith.constant 4 : i32
      %get3A_1331 = arith.index_cast %get3A_1330 : i32 to index
      %get3A_1332 = arith.constant 72 : index
      %get3A_1333 = tpu.vector_load %arg6[%get3A_1331, %get3A_1332] {strides = array<i32>} : memref<16x100xf32, #tpu.memory_space<vmem>>, vector<16xf32>,
      %convert_element_type3A_1334 = arith.fptosi %get3A_1333 : vector<16xf32> to vector<16xi32>
      %add3A_1335 = arith.addi %add3A_33, %convert_element_type3A_1334 : vector<16xi32>
      %swap3A_1336 = arith.constant 288 : index
      %swap3A_1337 = tpu.vector_load %arg10[%swap3A_1336] {strides = array<i32>} : memref<1024xi32, #tpu.memory_space<vmem>>, vector<16xi32>,
      tpu.vector_store %arg10[%swap3A_1336], %add3A_1335 {strides = array<i32>} : memref<1024xi32, #tpu.memory_space<vmem>>, vector<16xi32>,
      tpu.vector_store_idx %arg8[%broadcast_in_dim3A_1289, %add3A_1335], %broadcast_in_dim3A_56 : memref<16x3080xf32, #tpu.memory_space<vmem>>[vector<16xi32>, vector<16xi32>], vector<16xf32>,
      %get3A_1338 = arith.constant 4 : i32
      %get3A_1339 = arith.index_cast %get3A_1338 : i32 to index
      %get3A_1340 = arith.constant 84 : index
      %get3A_1341 = tpu.vector_load %arg6[%get3A_1339, %get3A_1340] {strides = array<i32>} : memref<16x100xf32, #tpu.memory_space<vmem>>, vector<16xf32>,
      %convert_element_type3A_1342 = arith.fptosi %get3A_1341 : vector<16xf32> to vector<16xi32>
      %add3A_1343 = arith.addi %select_n3A_55, %convert_element_type3A_1342 : vector<16xi32>
      %swap3A_1344 = arith.constant 304 : index
      %swap3A_1345 = tpu.vector_load %arg10[%swap3A_1344] {strides = array<i32>} : memref<1024xi32, #tpu.memory_space<vmem>>, vector<16xi32>,
      tpu.vector_store %arg10[%swap3A_1344], %add3A_1343 {strides = array<i32>} : memref<1024xi32, #tpu.memory_space<vmem>>, vector<16xi32>,
      tpu.vector_store_idx %arg8[%broadcast_in_dim3A_1289, %add3A_1343], %broadcast_in_dim3A_56 : memref<16x3080xf32, #tpu.memory_space<vmem>>[vector<16xi32>, vector<16xi32>], vector<16xf32>,
      %broadcast_in_dim3A_1346 = arith.constant 5 : i32
      %broadcast_in_dim3A_1347 = vector.broadcast %broadcast_in_dim3A_1346 : i32 to vector<16xi32>
      %get3A_1348 = arith.constant 5 : i32
      %get3A_1349 = arith.index_cast %get3A_1348 : i32 to index
      %get3A_1350 = arith.constant 0 : index
      %get3A_1351 = tpu.vector_load %arg6[%get3A_1349, %get3A_1350] {strides = array<i32>} : memref<16x100xf32, #tpu.memory_space<vmem>>, vector<16xf32>,
      %swap3A_1352 = arith.constant 5 : i32
      %swap3A_1353 = arith.index_cast %swap3A_1352 : i32 to index
      %swap3A_1354 = arith.constant 0 : index
      %swap3A_1355 = tpu.vector_load %arg8[%swap3A_1353, %swap3A_1354] {strides = array<i32>} : memref<16x3080xf32, #tpu.memory_space<vmem>>, vector<16xf32>,
      tpu.vector_store %arg8[%swap3A_1353, %swap3A_1354], %get3A_1351 {strides = array<i32>} : memref<16x3080xf32, #tpu.memory_space<vmem>>, vector<16xf32>,
      %get3A_1356 = arith.constant 5 : i32
      %get3A_1357 = arith.index_cast %get3A_1356 : i32 to index
      %get3A_1358 = arith.constant 16 : index
      %get3A_1359 = tpu.vector_load %arg6[%get3A_1357, %get3A_1358] {strides = array<i32>} : memref<16x100xf32, #tpu.memory_space<vmem>>, vector<16xf32>,
      %swap3A_1360 = arith.constant 5 : i32
      %swap3A_1361 = arith.index_cast %swap3A_1360 : i32 to index
      %swap3A_1362 = arith.constant 16 : index
      %swap3A_1363 = tpu.vector_load %arg8[%swap3A_1361, %swap3A_1362] {strides = array<i32>} : memref<16x3080xf32, #tpu.memory_space<vmem>>, vector<16xf32>,
      tpu.vector_store %arg8[%swap3A_1361, %swap3A_1362], %get3A_1359 {strides = array<i32>} : memref<16x3080xf32, #tpu.memory_space<vmem>>, vector<16xf32>,
      %get3A_1364 = arith.constant 5 : i32
      %get3A_1365 = arith.index_cast %get3A_1364 : i32 to index
      %get3A_1366 = arith.constant 24 : index
      %get3A_1367 = tpu.vector_load %arg6[%get3A_1365, %get3A_1366] {strides = array<i32>} : memref<16x100xf32, #tpu.memory_space<vmem>>, vector<16xf32>,
      %swap3A_1368 = arith.constant 5 : i32
      %swap3A_1369 = arith.index_cast %swap3A_1368 : i32 to index
      %swap3A_1370 = arith.constant 24 : index
      %swap3A_1371 = tpu.vector_load %arg8[%swap3A_1369, %swap3A_1370] {strides = array<i32>} : memref<16x3080xf32, #tpu.memory_space<vmem>>, vector<16xf32>,
      tpu.vector_store %arg8[%swap3A_1369, %swap3A_1370], %get3A_1367 {strides = array<i32>} : memref<16x3080xf32, #tpu.memory_space<vmem>>, vector<16xf32>,
      %get3A_1372 = arith.constant 5 : i32
      %get3A_1373 = arith.index_cast %get3A_1372 : i32 to index
      %get3A_1374 = arith.constant 40 : index
      %get3A_1375 = tpu.vector_load %arg6[%get3A_1373, %get3A_1374] {strides = array<i32>} : memref<16x100xf32, #tpu.memory_space<vmem>>, vector<16xf32>,
      %convert_element_type3A_1376 = arith.fptosi %get3A_1375 : vector<16xf32> to vector<16xi32>
      %add3A_1377 = arith.addi %add3A_8, %convert_element_type3A_1376 : vector<16xi32>
      %swap3A_1378 = arith.constant 320 : index
      %swap3A_1379 = tpu.vector_load %arg10[%swap3A_1378] {strides = array<i32>} : memref<1024xi32, #tpu.memory_space<vmem>>, vector<16xi32>,
      tpu.vector_store %arg10[%swap3A_1378], %add3A_1377 {strides = array<i32>} : memref<1024xi32, #tpu.memory_space<vmem>>, vector<16xi32>,
      tpu.vector_store_idx %arg8[%broadcast_in_dim3A_1347, %add3A_1377], %broadcast_in_dim3A_56 : memref<16x3080xf32, #tpu.memory_space<vmem>>[vector<16xi32>, vector<16xi32>], vector<16xf32>,
      %get3A_1380 = arith.constant 5 : i32
      %get3A_1381 = arith.index_cast %get3A_1380 : i32 to index
      %get3A_1382 = arith.constant 56 : index
      %get3A_1383 = tpu.vector_load %arg6[%get3A_1381, %get3A_1382] {strides = array<i32>} : memref<16x100xf32, #tpu.memory_space<vmem>>, vector<16xf32>,
      %convert_element_type3A_1384 = arith.fptosi %get3A_1383 : vector<16xf32> to vector<16xi32>
      %add3A_1385 = arith.addi %select_n3A, %convert_element_type3A_1384 : vector<16xi32>
      %swap3A_1386 = arith.constant 336 : index
      %swap3A_1387 = tpu.vector_load %arg10[%swap3A_1386] {strides = array<i32>} : memref<1024xi32, #tpu.memory_space<vmem>>, vector<16xi32>,
      tpu.vector_store %arg10[%swap3A_1386], %add3A_1385 {strides = array<i32>} : memref<1024xi32, #tpu.memory_space<vmem>>, vector<16xi32>,
      tpu.vector_store_idx %arg8[%broadcast_in_dim3A_1347, %add3A_1385], %broadcast_in_dim3A_56 : memref<16x3080xf32, #tpu.memory_space<vmem>>[vector<16xi32>, vector<16xi32>], vector<16xf32>,
      %get3A_1388 = arith.constant 5 : i32
      %get3A_1389 = arith.index_cast %get3A_1388 : i32 to index
      %get3A_1390 = arith.constant 72 : index
      %get3A_1391 = tpu.vector_load %arg6[%get3A_1389, %get3A_1390] {strides = array<i32>} : memref<16x100xf32, #tpu.memory_space<vmem>>, vector<16xf32>,
      %convert_element_type3A_1392 = arith.fptosi %get3A_1391 : vector<16xf32> to vector<16xi32>
      %add3A_1393 = arith.addi %add3A_33, %convert_element_type3A_1392 : vector<16xi32>
      %swap3A_1394 = arith.constant 352 : index
      %swap3A_1395 = tpu.vector_load %arg10[%swap3A_1394] {strides = array<i32>} : memref<1024xi32, #tpu.memory_space<vmem>>, vector<16xi32>,
      tpu.vector_store %arg10[%swap3A_1394], %add3A_1393 {strides = array<i32>} : memref<1024xi32, #tpu.memory_space<vmem>>, vector<16xi32>,
      tpu.vector_store_idx %arg8[%broadcast_in_dim3A_1347, %add3A_1393], %broadcast_in_dim3A_56 : memref<16x3080xf32, #tpu.memory_space<vmem>>[vector<16xi32>, vector<16xi32>], vector<16xf32>,
      %get3A_1396 = arith.constant 5 : i32
      %get3A_1397 = arith.index_cast %get3A_1396 : i32 to index
      %get3A_1398 = arith.constant 84 : index
      %get3A_1399 = tpu.vector_load %arg6[%get3A_1397, %get3A_1398] {strides = array<i32>} : memref<16x100xf32, #tpu.memory_space<vmem>>, vector<16xf32>,
      %convert_element_type3A_1400 = arith.fptosi %get3A_1399 : vector<16xf32> to vector<16xi32>
      %add3A_1401 = arith.addi %select_n3A_55, %convert_element_type3A_1400 : vector<16xi32>
      %swap3A_1402 = arith.constant 368 : index
      %swap3A_1403 = tpu.vector_load %arg10[%swap3A_1402] {strides = array<i32>} : memref<1024xi32, #tpu.memory_space<vmem>>, vector<16xi32>,
      tpu.vector_store %arg10[%swap3A_1402], %add3A_1401 {strides = array<i32>} : memref<1024xi32, #tpu.memory_space<vmem>>, vector<16xi32>,
      tpu.vector_store_idx %arg8[%broadcast_in_dim3A_1347, %add3A_1401], %broadcast_in_dim3A_56 : memref<16x3080xf32, #tpu.memory_space<vmem>>[vector<16xi32>, vector<16xi32>], vector<16xf32>,
      %broadcast_in_dim3A_1404 = arith.constant 6 : i32
      %broadcast_in_dim3A_1405 = vector.broadcast %broadcast_in_dim3A_1404 : i32 to vector<16xi32>
      %get3A_1406 = arith.constant 6 : i32
      %get3A_1407 = arith.index_cast %get3A_1406 : i32 to index
      %get3A_1408 = arith.constant 0 : index
      %get3A_1409 = tpu.vector_load %arg6[%get3A_1407, %get3A_1408] {strides = array<i32>} : memref<16x100xf32, #tpu.memory_space<vmem>>, vector<16xf32>,
      %swap3A_1410 = arith.constant 6 : i32
      %swap3A_1411 = arith.index_cast %swap3A_1410 : i32 to index
      %swap3A_1412 = arith.constant 0 : index
      %swap3A_1413 = tpu.vector_load %arg8[%swap3A_1411, %swap3A_1412] {strides = array<i32>} : memref<16x3080xf32, #tpu.memory_space<vmem>>, vector<16xf32>,
      tpu.vector_store %arg8[%swap3A_1411, %swap3A_1412], %get3A_1409 {strides = array<i32>} : memref<16x3080xf32, #tpu.memory_space<vmem>>, vector<16xf32>,
      %get3A_1414 = arith.constant 6 : i32
      %get3A_1415 = arith.index_cast %get3A_1414 : i32 to index
      %get3A_1416 = arith.constant 16 : index
      %get3A_1417 = tpu.vector_load %arg6[%get3A_1415, %get3A_1416] {strides = array<i32>} : memref<16x100xf32, #tpu.memory_space<vmem>>, vector<16xf32>,
      %swap3A_1418 = arith.constant 6 : i32
      %swap3A_1419 = arith.index_cast %swap3A_1418 : i32 to index
      %swap3A_1420 = arith.constant 16 : index
      %swap3A_1421 = tpu.vector_load %arg8[%swap3A_1419, %swap3A_1420] {strides = array<i32>} : memref<16x3080xf32, #tpu.memory_space<vmem>>, vector<16xf32>,
      tpu.vector_store %arg8[%swap3A_1419, %swap3A_1420], %get3A_1417 {strides = array<i32>} : memref<16x3080xf32, #tpu.memory_space<vmem>>, vector<16xf32>,
      %get3A_1422 = arith.constant 6 : i32
      %get3A_1423 = arith.index_cast %get3A_1422 : i32 to index
      %get3A_1424 = arith.constant 24 : index
      %get3A_1425 = tpu.vector_load %arg6[%get3A_1423, %get3A_1424] {strides = array<i32>} : memref<16x100xf32, #tpu.memory_space<vmem>>, vector<16xf32>,
      %swap3A_1426 = arith.constant 6 : i32
      %swap3A_1427 = arith.index_cast %swap3A_1426 : i32 to index
      %swap3A_1428 = arith.constant 24 : index
      %swap3A_1429 = tpu.vector_load %arg8[%swap3A_1427, %swap3A_1428] {strides = array<i32>} : memref<16x3080xf32, #tpu.memory_space<vmem>>, vector<16xf32>,
      tpu.vector_store %arg8[%swap3A_1427, %swap3A_1428], %get3A_1425 {strides = array<i32>} : memref<16x3080xf32, #tpu.memory_space<vmem>>, vector<16xf32>,
      %get3A_1430 = arith.constant 6 : i32
      %get3A_1431 = arith.index_cast %get3A_1430 : i32 to index
      %get3A_1432 = arith.constant 40 : index
      %get3A_1433 = tpu.vector_load %arg6[%get3A_1431, %get3A_1432] {strides = array<i32>} : memref<16x100xf32, #tpu.memory_space<vmem>>, vector<16xf32>,
      %convert_element_type3A_1434 = arith.fptosi %get3A_1433 : vector<16xf32> to vector<16xi32>
      %add3A_1435 = arith.addi %add3A_8, %convert_element_type3A_1434 : vector<16xi32>
      %swap3A_1436 = arith.constant 384 : index
      %swap3A_1437 = tpu.vector_load %arg10[%swap3A_1436] {strides = array<i32>} : memref<1024xi32, #tpu.memory_space<vmem>>, vector<16xi32>,
      tpu.vector_store %arg10[%swap3A_1436], %add3A_1435 {strides = array<i32>} : memref<1024xi32, #tpu.memory_space<vmem>>, vector<16xi32>,
      tpu.vector_store_idx %arg8[%broadcast_in_dim3A_1405, %add3A_1435], %broadcast_in_dim3A_56 : memref<16x3080xf32, #tpu.memory_space<vmem>>[vector<16xi32>, vector<16xi32>], vector<16xf32>,
      %get3A_1438 = arith.constant 6 : i32
      %get3A_1439 = arith.index_cast %get3A_1438 : i32 to index
      %get3A_1440 = arith.constant 56 : index
      %get3A_1441 = tpu.vector_load %arg6[%get3A_1439, %get3A_1440] {strides = array<i32>} : memref<16x100xf32, #tpu.memory_space<vmem>>, vector<16xf32>,
      %convert_element_type3A_1442 = arith.fptosi %get3A_1441 : vector<16xf32> to vector<16xi32>
      %add3A_1443 = arith.addi %select_n3A, %convert_element_type3A_1442 : vector<16xi32>
      %swap3A_1444 = arith.constant 400 : index
      %swap3A_1445 = tpu.vector_load %arg10[%swap3A_1444] {strides = array<i32>} : memref<1024xi32, #tpu.memory_space<vmem>>, vector<16xi32>,
      tpu.vector_store %arg10[%swap3A_1444], %add3A_1443 {strides = array<i32>} : memref<1024xi32, #tpu.memory_space<vmem>>, vector<16xi32>,
      tpu.vector_store_idx %arg8[%broadcast_in_dim3A_1405, %add3A_1443], %broadcast_in_dim3A_56 : memref<16x3080xf32, #tpu.memory_space<vmem>>[vector<16xi32>, vector<16xi32>], vector<16xf32>,
      %get3A_1446 = arith.constant 6 : i32
      %get3A_1447 = arith.index_cast %get3A_1446 : i32 to index
      %get3A_1448 = arith.constant 72 : index
      %get3A_1449 = tpu.vector_load %arg6[%get3A_1447, %get3A_1448] {strides = array<i32>} : memref<16x100xf32, #tpu.memory_space<vmem>>, vector<16xf32>,
      %convert_element_type3A_1450 = arith.fptosi %get3A_1449 : vector<16xf32> to vector<16xi32>
      %add3A_1451 = arith.addi %add3A_33, %convert_element_type3A_1450 : vector<16xi32>
      %swap3A_1452 = arith.constant 416 : index
      %swap3A_1453 = tpu.vector_load %arg10[%swap3A_1452] {strides = array<i32>} : memref<1024xi32, #tpu.memory_space<vmem>>, vector<16xi32>,
      tpu.vector_store %arg10[%swap3A_1452], %add3A_1451 {strides = array<i32>} : memref<1024xi32, #tpu.memory_space<vmem>>, vector<16xi32>,
      tpu.vector_store_idx %arg8[%broadcast_in_dim3A_1405, %add3A_1451], %broadcast_in_dim3A_56 : memref<16x3080xf32, #tpu.memory_space<vmem>>[vector<16xi32>, vector<16xi32>], vector<16xf32>,
      %get3A_1454 = arith.constant 6 : i32
      %get3A_1455 = arith.index_cast %get3A_1454 : i32 to index
      %get3A_1456 = arith.constant 84 : index
      %get3A_1457 = tpu.vector_load %arg6[%get3A_1455, %get3A_1456] {strides = array<i32>} : memref<16x100xf32, #tpu.memory_space<vmem>>, vector<16xf32>,
      %convert_element_type3A_1458 = arith.fptosi %get3A_1457 : vector<16xf32> to vector<16xi32>
      %add3A_1459 = arith.addi %select_n3A_55, %convert_element_type3A_1458 : vector<16xi32>
      %swap3A_1460 = arith.constant 432 : index
      %swap3A_1461 = tpu.vector_load %arg10[%swap3A_1460] {strides = array<i32>} : memref<1024xi32, #tpu.memory_space<vmem>>, vector<16xi32>,
      tpu.vector_store %arg10[%swap3A_1460], %add3A_1459 {strides = array<i32>} : memref<1024xi32, #tpu.memory_space<vmem>>, vector<16xi32>,
      tpu.vector_store_idx %arg8[%broadcast_in_dim3A_1405, %add3A_1459], %broadcast_in_dim3A_56 : memref<16x3080xf32, #tpu.memory_space<vmem>>[vector<16xi32>, vector<16xi32>], vector<16xf32>,
      %broadcast_in_dim3A_1462 = arith.constant 7 : i32
      %broadcast_in_dim3A_1463 = vector.broadcast %broadcast_in_dim3A_1462 : i32 to vector<16xi32>
      %get3A_1464 = arith.constant 7 : i32
      %get3A_1465 = arith.index_cast %get3A_1464 : i32 to index
      %get3A_1466 = arith.constant 0 : index
      %get3A_1467 = tpu.vector_load %arg6[%get3A_1465, %get3A_1466] {strides = array<i32>} : memref<16x100xf32, #tpu.memory_space<vmem>>, vector<16xf32>,
      %swap3A_1468 = arith.constant 7 : i32
      %swap3A_1469 = arith.index_cast %swap3A_1468 : i32 to index
      %swap3A_1470 = arith.constant 0 : index
      %swap3A_1471 = tpu.vector_load %arg8[%swap3A_1469, %swap3A_1470] {strides = array<i32>} : memref<16x3080xf32, #tpu.memory_space<vmem>>, vector<16xf32>,
      tpu.vector_store %arg8[%swap3A_1469, %swap3A_1470], %get3A_1467 {strides = array<i32>} : memref<16x3080xf32, #tpu.memory_space<vmem>>, vector<16xf32>,
      %get3A_1472 = arith.constant 7 : i32
      %get3A_1473 = arith.index_cast %get3A_1472 : i32 to index
      %get3A_1474 = arith.constant 16 : index
      %get3A_1475 = tpu.vector_load %arg6[%get3A_1473, %get3A_1474] {strides = array<i32>} : memref<16x100xf32, #tpu.memory_space<vmem>>, vector<16xf32>,
      %swap3A_1476 = arith.constant 7 : i32
      %swap3A_1477 = arith.index_cast %swap3A_1476 : i32 to index
      %swap3A_1478 = arith.constant 16 : index
      %swap3A_1479 = tpu.vector_load %arg8[%swap3A_1477, %swap3A_1478] {strides = array<i32>} : memref<16x3080xf32, #tpu.memory_space<vmem>>, vector<16xf32>,
      tpu.vector_store %arg8[%swap3A_1477, %swap3A_1478], %get3A_1475 {strides = array<i32>} : memref<16x3080xf32, #tpu.memory_space<vmem>>, vector<16xf32>,
      %get3A_1480 = arith.constant 7 : i32
      %get3A_1481 = arith.index_cast %get3A_1480 : i32 to index
      %get3A_1482 = arith.constant 24 : index
      %get3A_1483 = tpu.vector_load %arg6[%get3A_1481, %get3A_1482] {strides = array<i32>} : memref<16x100xf32, #tpu.memory_space<vmem>>, vector<16xf32>,
      %swap3A_1484 = arith.constant 7 : i32
      %swap3A_1485 = arith.index_cast %swap3A_1484 : i32 to index
      %swap3A_1486 = arith.constant 24 : index
      %swap3A_1487 = tpu.vector_load %arg8[%swap3A_1485, %swap3A_1486] {strides = array<i32>} : memref<16x3080xf32, #tpu.memory_space<vmem>>, vector<16xf32>,
      tpu.vector_store %arg8[%swap3A_1485, %swap3A_1486], %get3A_1483 {strides = array<i32>} : memref<16x3080xf32, #tpu.memory_space<vmem>>, vector<16xf32>,
      %get3A_1488 = arith.constant 7 : i32
      %get3A_1489 = arith.index_cast %get3A_1488 : i32 to index
      %get3A_1490 = arith.constant 40 : index
      %get3A_1491 = tpu.vector_load %arg6[%get3A_1489, %get3A_1490] {strides = array<i32>} : memref<16x100xf32, #tpu.memory_space<vmem>>, vector<16xf32>,
      %convert_element_type3A_1492 = arith.fptosi %get3A_1491 : vector<16xf32> to vector<16xi32>
      %add3A_1493 = arith.addi %add3A_8, %convert_element_type3A_1492 : vector<16xi32>
      %swap3A_1494 = arith.constant 448 : index
      %swap3A_1495 = tpu.vector_load %arg10[%swap3A_1494] {strides = array<i32>} : memref<1024xi32, #tpu.memory_space<vmem>>, vector<16xi32>,
      tpu.vector_store %arg10[%swap3A_1494], %add3A_1493 {strides = array<i32>} : memref<1024xi32, #tpu.memory_space<vmem>>, vector<16xi32>,
      tpu.vector_store_idx %arg8[%broadcast_in_dim3A_1463, %add3A_1493], %broadcast_in_dim3A_56 : memref<16x3080xf32, #tpu.memory_space<vmem>>[vector<16xi32>, vector<16xi32>], vector<16xf32>,
      %get3A_1496 = arith.constant 7 : i32
      %get3A_1497 = arith.index_cast %get3A_1496 : i32 to index
      %get3A_1498 = arith.constant 56 : index
      %get3A_1499 = tpu.vector_load %arg6[%get3A_1497, %get3A_1498] {strides = array<i32>} : memref<16x100xf32, #tpu.memory_space<vmem>>, vector<16xf32>,
      %convert_element_type3A_1500 = arith.fptosi %get3A_1499 : vector<16xf32> to vector<16xi32>
      %add3A_1501 = arith.addi %select_n3A, %convert_element_type3A_1500 : vector<16xi32>
      %swap3A_1502 = arith.constant 464 : index
      %swap3A_1503 = tpu.vector_load %arg10[%swap3A_1502] {strides = array<i32>} : memref<1024xi32, #tpu.memory_space<vmem>>, vector<16xi32>,
      tpu.vector_store %arg10[%swap3A_1502], %add3A_1501 {strides = array<i32>} : memref<1024xi32, #tpu.memory_space<vmem>>, vector<16xi32>,
      tpu.vector_store_idx %arg8[%broadcast_in_dim3A_1463, %add3A_1501], %broadcast_in_dim3A_56 : memref<16x3080xf32, #tpu.memory_space<vmem>>[vector<16xi32>, vector<16xi32>], vector<16xf32>,
      %get3A_1504 = arith.constant 7 : i32
      %get3A_1505 = arith.index_cast %get3A_1504 : i32 to index
      %get3A_1506 = arith.constant 72 : index
      %get3A_1507 = tpu.vector_load %arg6[%get3A_1505, %get3A_1506] {strides = array<i32>} : memref<16x100xf32, #tpu.memory_space<vmem>>, vector<16xf32>,
      %convert_element_type3A_1508 = arith.fptosi %get3A_1507 : vector<16xf32> to vector<16xi32>
      %add3A_1509 = arith.addi %add3A_33, %convert_element_type3A_1508 : vector<16xi32>
      %swap3A_1510 = arith.constant 480 : index
      %swap3A_1511 = tpu.vector_load %arg10[%swap3A_1510] {strides = array<i32>} : memref<1024xi32, #tpu.memory_space<vmem>>, vector<16xi32>,
      tpu.vector_store %arg10[%swap3A_1510], %add3A_1509 {strides = array<i32>} : memref<1024xi32, #tpu.memory_space<vmem>>, vector<16xi32>,
      tpu.vector_store_idx %arg8[%broadcast_in_dim3A_1463, %add3A_1509], %broadcast_in_dim3A_56 : memref<16x3080xf32, #tpu.memory_space<vmem>>[vector<16xi32>, vector<16xi32>], vector<16xf32>,
      %get3A_1512 = arith.constant 7 : i32
      %get3A_1513 = arith.index_cast %get3A_1512 : i32 to index
      %get3A_1514 = arith.constant 84 : index
      %get3A_1515 = tpu.vector_load %arg6[%get3A_1513, %get3A_1514] {strides = array<i32>} : memref<16x100xf32, #tpu.memory_space<vmem>>, vector<16xf32>,
      %convert_element_type3A_1516 = arith.fptosi %get3A_1515 : vector<16xf32> to vector<16xi32>
      %add3A_1517 = arith.addi %select_n3A_55, %convert_element_type3A_1516 : vector<16xi32>
      %swap3A_1518 = arith.constant 496 : index
      %swap3A_1519 = tpu.vector_load %arg10[%swap3A_1518] {strides = array<i32>} : memref<1024xi32, #tpu.memory_space<vmem>>, vector<16xi32>,
      tpu.vector_store %arg10[%swap3A_1518], %add3A_1517 {strides = array<i32>} : memref<1024xi32, #tpu.memory_space<vmem>>, vector<16xi32>,
      tpu.vector_store_idx %arg8[%broadcast_in_dim3A_1463, %add3A_1517], %broadcast_in_dim3A_56 : memref<16x3080xf32, #tpu.memory_space<vmem>>[vector<16xi32>, vector<16xi32>], vector<16xf32>,
      %broadcast_in_dim3A_1520 = arith.constant 8 : i32
      %broadcast_in_dim3A_1521 = vector.broadcast %broadcast_in_dim3A_1520 : i32 to vector<16xi32>
      %get3A_1522 = arith.constant 8 : i32
      %get3A_1523 = arith.index_cast %get3A_1522 : i32 to index
      %get3A_1524 = arith.constant 0 : index
      %get3A_1525 = tpu.vector_load %arg6[%get3A_1523, %get3A_1524] {strides = array<i32>} : memref<16x100xf32, #tpu.memory_space<vmem>>, vector<16xf32>,
      %swap3A_1526 = arith.constant 8 : i32
      %swap3A_1527 = arith.index_cast %swap3A_1526 : i32 to index
      %swap3A_1528 = arith.constant 0 : index
      %swap3A_1529 = tpu.vector_load %arg8[%swap3A_1527, %swap3A_1528] {strides = array<i32>} : memref<16x3080xf32, #tpu.memory_space<vmem>>, vector<16xf32>,
      tpu.vector_store %arg8[%swap3A_1527, %swap3A_1528], %get3A_1525 {strides = array<i32>} : memref<16x3080xf32, #tpu.memory_space<vmem>>, vector<16xf32>,
      %get3A_1530 = arith.constant 8 : i32
      %get3A_1531 = arith.index_cast %get3A_1530 : i32 to index
      %get3A_1532 = arith.constant 16 : index
      %get3A_1533 = tpu.vector_load %arg6[%get3A_1531, %get3A_1532] {strides = array<i32>} : memref<16x100xf32, #tpu.memory_space<vmem>>, vector<16xf32>,
      %swap3A_1534 = arith.constant 8 : i32
      %swap3A_1535 = arith.index_cast %swap3A_1534 : i32 to index
      %swap3A_1536 = arith.constant 16 : index
      %swap3A_1537 = tpu.vector_load %arg8[%swap3A_1535, %swap3A_1536] {strides = array<i32>} : memref<16x3080xf32, #tpu.memory_space<vmem>>, vector<16xf32>,
      tpu.vector_store %arg8[%swap3A_1535, %swap3A_1536], %get3A_1533 {strides = array<i32>} : memref<16x3080xf32, #tpu.memory_space<vmem>>, vector<16xf32>,
      %get3A_1538 = arith.constant 8 : i32
      %get3A_1539 = arith.index_cast %get3A_1538 : i32 to index
      %get3A_1540 = arith.constant 24 : index
      %get3A_1541 = tpu.vector_load %arg6[%get3A_1539, %get3A_1540] {strides = array<i32>} : memref<16x100xf32, #tpu.memory_space<vmem>>, vector<16xf32>,
      %swap3A_1542 = arith.constant 8 : i32
      %swap3A_1543 = arith.index_cast %swap3A_1542 : i32 to index
      %swap3A_1544 = arith.constant 24 : index
      %swap3A_1545 = tpu.vector_load %arg8[%swap3A_1543, %swap3A_1544] {strides = array<i32>} : memref<16x3080xf32, #tpu.memory_space<vmem>>, vector<16xf32>,
      tpu.vector_store %arg8[%swap3A_1543, %swap3A_1544], %get3A_1541 {strides = array<i32>} : memref<16x3080xf32, #tpu.memory_space<vmem>>, vector<16xf32>,
      %get3A_1546 = arith.constant 8 : i32
      %get3A_1547 = arith.index_cast %get3A_1546 : i32 to index
      %get3A_1548 = arith.constant 40 : index
      %get3A_1549 = tpu.vector_load %arg6[%get3A_1547, %get3A_1548] {strides = array<i32>} : memref<16x100xf32, #tpu.memory_space<vmem>>, vector<16xf32>,
      %convert_element_type3A_1550 = arith.fptosi %get3A_1549 : vector<16xf32> to vector<16xi32>
      %add3A_1551 = arith.addi %add3A_8, %convert_element_type3A_1550 : vector<16xi32>
      %swap3A_1552 = arith.constant 512 : index
      %swap3A_1553 = tpu.vector_load %arg10[%swap3A_1552] {strides = array<i32>} : memref<1024xi32, #tpu.memory_space<vmem>>, vector<16xi32>,
      tpu.vector_store %arg10[%swap3A_1552], %add3A_1551 {strides = array<i32>} : memref<1024xi32, #tpu.memory_space<vmem>>, vector<16xi32>,
      tpu.vector_store_idx %arg8[%broadcast_in_dim3A_1521, %add3A_1551], %broadcast_in_dim3A_56 : memref<16x3080xf32, #tpu.memory_space<vmem>>[vector<16xi32>, vector<16xi32>], vector<16xf32>,
      %get3A_1554 = arith.constant 8 : i32
      %get3A_1555 = arith.index_cast %get3A_1554 : i32 to index
      %get3A_1556 = arith.constant 56 : index
      %get3A_1557 = tpu.vector_load %arg6[%get3A_1555, %get3A_1556] {strides = array<i32>} : memref<16x100xf32, #tpu.memory_space<vmem>>, vector<16xf32>,
      %convert_element_type3A_1558 = arith.fptosi %get3A_1557 : vector<16xf32> to vector<16xi32>
      %add3A_1559 = arith.addi %select_n3A, %convert_element_type3A_1558 : vector<16xi32>
      %swap3A_1560 = arith.constant 528 : index
      %swap3A_1561 = tpu.vector_load %arg10[%swap3A_1560] {strides = array<i32>} : memref<1024xi32, #tpu.memory_space<vmem>>, vector<16xi32>,
      tpu.vector_store %arg10[%swap3A_1560], %add3A_1559 {strides = array<i32>} : memref<1024xi32, #tpu.memory_space<vmem>>, vector<16xi32>,
      tpu.vector_store_idx %arg8[%broadcast_in_dim3A_1521, %add3A_1559], %broadcast_in_dim3A_56 : memref<16x3080xf32, #tpu.memory_space<vmem>>[vector<16xi32>, vector<16xi32>], vector<16xf32>,
      %get3A_1562 = arith.constant 8 : i32
      %get3A_1563 = arith.index_cast %get3A_1562 : i32 to index
      %get3A_1564 = arith.constant 72 : index
      %get3A_1565 = tpu.vector_load %arg6[%get3A_1563, %get3A_1564] {strides = array<i32>} : memref<16x100xf32, #tpu.memory_space<vmem>>, vector<16xf32>,
      %convert_element_type3A_1566 = arith.fptosi %get3A_1565 : vector<16xf32> to vector<16xi32>
      %add3A_1567 = arith.addi %add3A_33, %convert_element_type3A_1566 : vector<16xi32>
      %swap3A_1568 = arith.constant 544 : index
      %swap3A_1569 = tpu.vector_load %arg10[%swap3A_1568] {strides = array<i32>} : memref<1024xi32, #tpu.memory_space<vmem>>, vector<16xi32>,
      tpu.vector_store %arg10[%swap3A_1568], %add3A_1567 {strides = array<i32>} : memref<1024xi32, #tpu.memory_space<vmem>>, vector<16xi32>,
      tpu.vector_store_idx %arg8[%broadcast_in_dim3A_1521, %add3A_1567], %broadcast_in_dim3A_56 : memref<16x3080xf32, #tpu.memory_space<vmem>>[vector<16xi32>, vector<16xi32>], vector<16xf32>,
      %get3A_1570 = arith.constant 8 : i32
      %get3A_1571 = arith.index_cast %get3A_1570 : i32 to index
      %get3A_1572 = arith.constant 84 : index
      %get3A_1573 = tpu.vector_load %arg6[%get3A_1571, %get3A_1572] {strides = array<i32>} : memref<16x100xf32, #tpu.memory_space<vmem>>, vector<16xf32>,
      %convert_element_type3A_1574 = arith.fptosi %get3A_1573 : vector<16xf32> to vector<16xi32>
      %add3A_1575 = arith.addi %select_n3A_55, %convert_element_type3A_1574 : vector<16xi32>
      %swap3A_1576 = arith.constant 560 : index
      %swap3A_1577 = tpu.vector_load %arg10[%swap3A_1576] {strides = array<i32>} : memref<1024xi32, #tpu.memory_space<vmem>>, vector<16xi32>,
      tpu.vector_store %arg10[%swap3A_1576], %add3A_1575 {strides = array<i32>} : memref<1024xi32, #tpu.memory_space<vmem>>, vector<16xi32>,
      tpu.vector_store_idx %arg8[%broadcast_in_dim3A_1521, %add3A_1575], %broadcast_in_dim3A_56 : memref<16x3080xf32, #tpu.memory_space<vmem>>[vector<16xi32>, vector<16xi32>], vector<16xf32>,
      %broadcast_in_dim3A_1578 = arith.constant 9 : i32
      %broadcast_in_dim3A_1579 = vector.broadcast %broadcast_in_dim3A_1578 : i32 to vector<16xi32>
      %get3A_1580 = arith.constant 9 : i32
      %get3A_1581 = arith.index_cast %get3A_1580 : i32 to index
      %get3A_1582 = arith.constant 0 : index
      %get3A_1583 = tpu.vector_load %arg6[%get3A_1581, %get3A_1582] {strides = array<i32>} : memref<16x100xf32, #tpu.memory_space<vmem>>, vector<16xf32>,
      %swap3A_1584 = arith.constant 9 : i32
      %swap3A_1585 = arith.index_cast %swap3A_1584 : i32 to index
      %swap3A_1586 = arith.constant 0 : index
      %swap3A_1587 = tpu.vector_load %arg8[%swap3A_1585, %swap3A_1586] {strides = array<i32>} : memref<16x3080xf32, #tpu.memory_space<vmem>>, vector<16xf32>,
      tpu.vector_store %arg8[%swap3A_1585, %swap3A_1586], %get3A_1583 {strides = array<i32>} : memref<16x3080xf32, #tpu.memory_space<vmem>>, vector<16xf32>,
      %get3A_1588 = arith.constant 9 : i32
      %get3A_1589 = arith.index_cast %get3A_1588 : i32 to index
      %get3A_1590 = arith.constant 16 : index
      %get3A_1591 = tpu.vector_load %arg6[%get3A_1589, %get3A_1590] {strides = array<i32>} : memref<16x100xf32, #tpu.memory_space<vmem>>, vector<16xf32>,
      %swap3A_1592 = arith.constant 9 : i32
      %swap3A_1593 = arith.index_cast %swap3A_1592 : i32 to index
      %swap3A_1594 = arith.constant 16 : index
      %swap3A_1595 = tpu.vector_load %arg8[%swap3A_1593, %swap3A_1594] {strides = array<i32>} : memref<16x3080xf32, #tpu.memory_space<vmem>>, vector<16xf32>,
      tpu.vector_store %arg8[%swap3A_1593, %swap3A_1594], %get3A_1591 {strides = array<i32>} : memref<16x3080xf32, #tpu.memory_space<vmem>>, vector<16xf32>,
      %get3A_1596 = arith.constant 9 : i32
      %get3A_1597 = arith.index_cast %get3A_1596 : i32 to index
      %get3A_1598 = arith.constant 24 : index
      %get3A_1599 = tpu.vector_load %arg6[%get3A_1597, %get3A_1598] {strides = array<i32>} : memref<16x100xf32, #tpu.memory_space<vmem>>, vector<16xf32>,
      %swap3A_1600 = arith.constant 9 : i32
      %swap3A_1601 = arith.index_cast %swap3A_1600 : i32 to index
      %swap3A_1602 = arith.constant 24 : index
      %swap3A_1603 = tpu.vector_load %arg8[%swap3A_1601, %swap3A_1602] {strides = array<i32>} : memref<16x3080xf32, #tpu.memory_space<vmem>>, vector<16xf32>,
      tpu.vector_store %arg8[%swap3A_1601, %swap3A_1602], %get3A_1599 {strides = array<i32>} : memref<16x3080xf32, #tpu.memory_space<vmem>>, vector<16xf32>,
      %get3A_1604 = arith.constant 9 : i32
      %get3A_1605 = arith.index_cast %get3A_1604 : i32 to index
      %get3A_1606 = arith.constant 40 : index
      %get3A_1607 = tpu.vector_load %arg6[%get3A_1605, %get3A_1606] {strides = array<i32>} : memref<16x100xf32, #tpu.memory_space<vmem>>, vector<16xf32>,
      %convert_element_type3A_1608 = arith.fptosi %get3A_1607 : vector<16xf32> to vector<16xi32>
      %add3A_1609 = arith.addi %add3A_8, %convert_element_type3A_1608 : vector<16xi32>
      %swap3A_1610 = arith.constant 576 : index
      %swap3A_1611 = tpu.vector_load %arg10[%swap3A_1610] {strides = array<i32>} : memref<1024xi32, #tpu.memory_space<vmem>>, vector<16xi32>,
      tpu.vector_store %arg10[%swap3A_1610], %add3A_1609 {strides = array<i32>} : memref<1024xi32, #tpu.memory_space<vmem>>, vector<16xi32>,
      tpu.vector_store_idx %arg8[%broadcast_in_dim3A_1579, %add3A_1609], %broadcast_in_dim3A_56 : memref<16x3080xf32, #tpu.memory_space<vmem>>[vector<16xi32>, vector<16xi32>], vector<16xf32>,
      %get3A_1612 = arith.constant 9 : i32
      %get3A_1613 = arith.index_cast %get3A_1612 : i32 to index
      %get3A_1614 = arith.constant 56 : index
      %get3A_1615 = tpu.vector_load %arg6[%get3A_1613, %get3A_1614] {strides = array<i32>} : memref<16x100xf32, #tpu.memory_space<vmem>>, vector<16xf32>,
      %convert_element_type3A_1616 = arith.fptosi %get3A_1615 : vector<16xf32> to vector<16xi32>
      %add3A_1617 = arith.addi %select_n3A, %convert_element_type3A_1616 : vector<16xi32>
      %swap3A_1618 = arith.constant 592 : index
      %swap3A_1619 = tpu.vector_load %arg10[%swap3A_1618] {strides = array<i32>} : memref<1024xi32, #tpu.memory_space<vmem>>, vector<16xi32>,
      tpu.vector_store %arg10[%swap3A_1618], %add3A_1617 {strides = array<i32>} : memref<1024xi32, #tpu.memory_space<vmem>>, vector<16xi32>,
      tpu.vector_store_idx %arg8[%broadcast_in_dim3A_1579, %add3A_1617], %broadcast_in_dim3A_56 : memref<16x3080xf32, #tpu.memory_space<vmem>>[vector<16xi32>, vector<16xi32>], vector<16xf32>,
      %get3A_1620 = arith.constant 9 : i32
      %get3A_1621 = arith.index_cast %get3A_1620 : i32 to index
      %get3A_1622 = arith.constant 72 : index
      %get3A_1623 = tpu.vector_load %arg6[%get3A_1621, %get3A_1622] {strides = array<i32>} : memref<16x100xf32, #tpu.memory_space<vmem>>, vector<16xf32>,
      %convert_element_type3A_1624 = arith.fptosi %get3A_1623 : vector<16xf32> to vector<16xi32>
      %add3A_1625 = arith.addi %add3A_33, %convert_element_type3A_1624 : vector<16xi32>
      %swap3A_1626 = arith.constant 608 : index
      %swap3A_1627 = tpu.vector_load %arg10[%swap3A_1626] {strides = array<i32>} : memref<1024xi32, #tpu.memory_space<vmem>>, vector<16xi32>,
      tpu.vector_store %arg10[%swap3A_1626], %add3A_1625 {strides = array<i32>} : memref<1024xi32, #tpu.memory_space<vmem>>, vector<16xi32>,
      tpu.vector_store_idx %arg8[%broadcast_in_dim3A_1579, %add3A_1625], %broadcast_in_dim3A_56 : memref<16x3080xf32, #tpu.memory_space<vmem>>[vector<16xi32>, vector<16xi32>], vector<16xf32>,
      %get3A_1628 = arith.constant 9 : i32
      %get3A_1629 = arith.index_cast %get3A_1628 : i32 to index
      %get3A_1630 = arith.constant 84 : index
      %get3A_1631 = tpu.vector_load %arg6[%get3A_1629, %get3A_1630] {strides = array<i32>} : memref<16x100xf32, #tpu.memory_space<vmem>>, vector<16xf32>,
      %convert_element_type3A_1632 = arith.fptosi %get3A_1631 : vector<16xf32> to vector<16xi32>
      %add3A_1633 = arith.addi %select_n3A_55, %convert_element_type3A_1632 : vector<16xi32>
      %swap3A_1634 = arith.constant 624 : index
      %swap3A_1635 = tpu.vector_load %arg10[%swap3A_1634] {strides = array<i32>} : memref<1024xi32, #tpu.memory_space<vmem>>, vector<16xi32>,
      tpu.vector_store %arg10[%swap3A_1634], %add3A_1633 {strides = array<i32>} : memref<1024xi32, #tpu.memory_space<vmem>>, vector<16xi32>,
      tpu.vector_store_idx %arg8[%broadcast_in_dim3A_1579, %add3A_1633], %broadcast_in_dim3A_56 : memref<16x3080xf32, #tpu.memory_space<vmem>>[vector<16xi32>, vector<16xi32>], vector<16xf32>,
      %broadcast_in_dim3A_1636 = arith.constant 10 : i32
      %broadcast_in_dim3A_1637 = vector.broadcast %broadcast_in_dim3A_1636 : i32 to vector<16xi32>
      %get3A_1638 = arith.constant 10 : i32
      %get3A_1639 = arith.index_cast %get3A_1638 : i32 to index
      %get3A_1640 = arith.constant 0 : index
      %get3A_1641 = tpu.vector_load %arg6[%get3A_1639, %get3A_1640] {strides = array<i32>} : memref<16x100xf32, #tpu.memory_space<vmem>>, vector<16xf32>,
      %swap3A_1642 = arith.constant 10 : i32
      %swap3A_1643 = arith.index_cast %swap3A_1642 : i32 to index
      %swap3A_1644 = arith.constant 0 : index
      %swap3A_1645 = tpu.vector_load %arg8[%swap3A_1643, %swap3A_1644] {strides = array<i32>} : memref<16x3080xf32, #tpu.memory_space<vmem>>, vector<16xf32>,
      tpu.vector_store %arg8[%swap3A_1643, %swap3A_1644], %get3A_1641 {strides = array<i32>} : memref<16x3080xf32, #tpu.memory_space<vmem>>, vector<16xf32>,
      %get3A_1646 = arith.constant 10 : i32
      %get3A_1647 = arith.index_cast %get3A_1646 : i32 to index
      %get3A_1648 = arith.constant 16 : index
      %get3A_1649 = tpu.vector_load %arg6[%get3A_1647, %get3A_1648] {strides = array<i32>} : memref<16x100xf32, #tpu.memory_space<vmem>>, vector<16xf32>,
      %swap3A_1650 = arith.constant 10 : i32
      %swap3A_1651 = arith.index_cast %swap3A_1650 : i32 to index
      %swap3A_1652 = arith.constant 16 : index
      %swap3A_1653 = tpu.vector_load %arg8[%swap3A_1651, %swap3A_1652] {strides = array<i32>} : memref<16x3080xf32, #tpu.memory_space<vmem>>, vector<16xf32>,
      tpu.vector_store %arg8[%swap3A_1651, %swap3A_1652], %get3A_1649 {strides = array<i32>} : memref<16x3080xf32, #tpu.memory_space<vmem>>, vector<16xf32>,
      %get3A_1654 = arith.constant 10 : i32
      %get3A_1655 = arith.index_cast %get3A_1654 : i32 to index
      %get3A_1656 = arith.constant 24 : index
      %get3A_1657 = tpu.vector_load %arg6[%get3A_1655, %get3A_1656] {strides = array<i32>} : memref<16x100xf32, #tpu.memory_space<vmem>>, vector<16xf32>,
      %swap3A_1658 = arith.constant 10 : i32
      %swap3A_1659 = arith.index_cast %swap3A_1658 : i32 to index
      %swap3A_1660 = arith.constant 24 : index
      %swap3A_1661 = tpu.vector_load %arg8[%swap3A_1659, %swap3A_1660] {strides = array<i32>} : memref<16x3080xf32, #tpu.memory_space<vmem>>, vector<16xf32>,
      tpu.vector_store %arg8[%swap3A_1659, %swap3A_1660], %get3A_1657 {strides = array<i32>} : memref<16x3080xf32, #tpu.memory_space<vmem>>, vector<16xf32>,
      %get3A_1662 = arith.constant 10 : i32
      %get3A_1663 = arith.index_cast %get3A_1662 : i32 to index
      %get3A_1664 = arith.constant 40 : index
      %get3A_1665 = tpu.vector_load %arg6[%get3A_1663, %get3A_1664] {strides = array<i32>} : memref<16x100xf32, #tpu.memory_space<vmem>>, vector<16xf32>,
      %convert_element_type3A_1666 = arith.fptosi %get3A_1665 : vector<16xf32> to vector<16xi32>
      %add3A_1667 = arith.addi %add3A_8, %convert_element_type3A_1666 : vector<16xi32>
      %swap3A_1668 = arith.constant 640 : index
      %swap3A_1669 = tpu.vector_load %arg10[%swap3A_1668] {strides = array<i32>} : memref<1024xi32, #tpu.memory_space<vmem>>, vector<16xi32>,
      tpu.vector_store %arg10[%swap3A_1668], %add3A_1667 {strides = array<i32>} : memref<1024xi32, #tpu.memory_space<vmem>>, vector<16xi32>,
      tpu.vector_store_idx %arg8[%broadcast_in_dim3A_1637, %add3A_1667], %broadcast_in_dim3A_56 : memref<16x3080xf32, #tpu.memory_space<vmem>>[vector<16xi32>, vector<16xi32>], vector<16xf32>,
      %get3A_1670 = arith.constant 10 : i32
      %get3A_1671 = arith.index_cast %get3A_1670 : i32 to index
      %get3A_1672 = arith.constant 56 : index
      %get3A_1673 = tpu.vector_load %arg6[%get3A_1671, %get3A_1672] {strides = array<i32>} : memref<16x100xf32, #tpu.memory_space<vmem>>, vector<16xf32>,
      %convert_element_type3A_1674 = arith.fptosi %get3A_1673 : vector<16xf32> to vector<16xi32>
      %add3A_1675 = arith.addi %select_n3A, %convert_element_type3A_1674 : vector<16xi32>
      %swap3A_1676 = arith.constant 656 : index
      %swap3A_1677 = tpu.vector_load %arg10[%swap3A_1676] {strides = array<i32>} : memref<1024xi32, #tpu.memory_space<vmem>>, vector<16xi32>,
      tpu.vector_store %arg10[%swap3A_1676], %add3A_1675 {strides = array<i32>} : memref<1024xi32, #tpu.memory_space<vmem>>, vector<16xi32>,
      tpu.vector_store_idx %arg8[%broadcast_in_dim3A_1637, %add3A_1675], %broadcast_in_dim3A_56 : memref<16x3080xf32, #tpu.memory_space<vmem>>[vector<16xi32>, vector<16xi32>], vector<16xf32>,
      %get3A_1678 = arith.constant 10 : i32
      %get3A_1679 = arith.index_cast %get3A_1678 : i32 to index
      %get3A_1680 = arith.constant 72 : index
      %get3A_1681 = tpu.vector_load %arg6[%get3A_1679, %get3A_1680] {strides = array<i32>} : memref<16x100xf32, #tpu.memory_space<vmem>>, vector<16xf32>,
      %convert_element_type3A_1682 = arith.fptosi %get3A_1681 : vector<16xf32> to vector<16xi32>
      %add3A_1683 = arith.addi %add3A_33, %convert_element_type3A_1682 : vector<16xi32>
      %swap3A_1684 = arith.constant 672 : index
      %swap3A_1685 = tpu.vector_load %arg10[%swap3A_1684] {strides = array<i32>} : memref<1024xi32, #tpu.memory_space<vmem>>, vector<16xi32>,
      tpu.vector_store %arg10[%swap3A_1684], %add3A_1683 {strides = array<i32>} : memref<1024xi32, #tpu.memory_space<vmem>>, vector<16xi32>,
      tpu.vector_store_idx %arg8[%broadcast_in_dim3A_1637, %add3A_1683], %broadcast_in_dim3A_56 : memref<16x3080xf32, #tpu.memory_space<vmem>>[vector<16xi32>, vector<16xi32>], vector<16xf32>,
      %get3A_1686 = arith.constant 10 : i32
      %get3A_1687 = arith.index_cast %get3A_1686 : i32 to index
      %get3A_1688 = arith.constant 84 : index
      %get3A_1689 = tpu.vector_load %arg6[%get3A_1687, %get3A_1688] {strides = array<i32>} : memref<16x100xf32, #tpu.memory_space<vmem>>, vector<16xf32>,
      %convert_element_type3A_1690 = arith.fptosi %get3A_1689 : vector<16xf32> to vector<16xi32>
      %add3A_1691 = arith.addi %select_n3A_55, %convert_element_type3A_1690 : vector<16xi32>
      %swap3A_1692 = arith.constant 688 : index
      %swap3A_1693 = tpu.vector_load %arg10[%swap3A_1692] {strides = array<i32>} : memref<1024xi32, #tpu.memory_space<vmem>>, vector<16xi32>,
      tpu.vector_store %arg10[%swap3A_1692], %add3A_1691 {strides = array<i32>} : memref<1024xi32, #tpu.memory_space<vmem>>, vector<16xi32>,
      tpu.vector_store_idx %arg8[%broadcast_in_dim3A_1637, %add3A_1691], %broadcast_in_dim3A_56 : memref<16x3080xf32, #tpu.memory_space<vmem>>[vector<16xi32>, vector<16xi32>], vector<16xf32>,
      %broadcast_in_dim3A_1694 = arith.constant 11 : i32
      %broadcast_in_dim3A_1695 = vector.broadcast %broadcast_in_dim3A_1694 : i32 to vector<16xi32>
      %get3A_1696 = arith.constant 11 : i32
      %get3A_1697 = arith.index_cast %get3A_1696 : i32 to index
      %get3A_1698 = arith.constant 0 : index
      %get3A_1699 = tpu.vector_load %arg6[%get3A_1697, %get3A_1698] {strides = array<i32>} : memref<16x100xf32, #tpu.memory_space<vmem>>, vector<16xf32>,
      %swap3A_1700 = arith.constant 11 : i32
      %swap3A_1701 = arith.index_cast %swap3A_1700 : i32 to index
      %swap3A_1702 = arith.constant 0 : index
      %swap3A_1703 = tpu.vector_load %arg8[%swap3A_1701, %swap3A_1702] {strides = array<i32>} : memref<16x3080xf32, #tpu.memory_space<vmem>>, vector<16xf32>,
      tpu.vector_store %arg8[%swap3A_1701, %swap3A_1702], %get3A_1699 {strides = array<i32>} : memref<16x3080xf32, #tpu.memory_space<vmem>>, vector<16xf32>,
      %get3A_1704 = arith.constant 11 : i32
      %get3A_1705 = arith.index_cast %get3A_1704 : i32 to index
      %get3A_1706 = arith.constant 16 : index
      %get3A_1707 = tpu.vector_load %arg6[%get3A_1705, %get3A_1706] {strides = array<i32>} : memref<16x100xf32, #tpu.memory_space<vmem>>, vector<16xf32>,
      %swap3A_1708 = arith.constant 11 : i32
      %swap3A_1709 = arith.index_cast %swap3A_1708 : i32 to index
      %swap3A_1710 = arith.constant 16 : index
      %swap3A_1711 = tpu.vector_load %arg8[%swap3A_1709, %swap3A_1710] {strides = array<i32>} : memref<16x3080xf32, #tpu.memory_space<vmem>>, vector<16xf32>,
      tpu.vector_store %arg8[%swap3A_1709, %swap3A_1710], %get3A_1707 {strides = array<i32>} : memref<16x3080xf32, #tpu.memory_space<vmem>>, vector<16xf32>,
      %get3A_1712 = arith.constant 11 : i32
      %get3A_1713 = arith.index_cast %get3A_1712 : i32 to index
      %get3A_1714 = arith.constant 24 : index
      %get3A_1715 = tpu.vector_load %arg6[%get3A_1713, %get3A_1714] {strides = array<i32>} : memref<16x100xf32, #tpu.memory_space<vmem>>, vector<16xf32>,
      %swap3A_1716 = arith.constant 11 : i32
      %swap3A_1717 = arith.index_cast %swap3A_1716 : i32 to index
      %swap3A_1718 = arith.constant 24 : index
      %swap3A_1719 = tpu.vector_load %arg8[%swap3A_1717, %swap3A_1718] {strides = array<i32>} : memref<16x3080xf32, #tpu.memory_space<vmem>>, vector<16xf32>,
      tpu.vector_store %arg8[%swap3A_1717, %swap3A_1718], %get3A_1715 {strides = array<i32>} : memref<16x3080xf32, #tpu.memory_space<vmem>>, vector<16xf32>,
      %get3A_1720 = arith.constant 11 : i32
      %get3A_1721 = arith.index_cast %get3A_1720 : i32 to index
      %get3A_1722 = arith.constant 40 : index
      %get3A_1723 = tpu.vector_load %arg6[%get3A_1721, %get3A_1722] {strides = array<i32>} : memref<16x100xf32, #tpu.memory_space<vmem>>, vector<16xf32>,
      %convert_element_type3A_1724 = arith.fptosi %get3A_1723 : vector<16xf32> to vector<16xi32>
      %add3A_1725 = arith.addi %add3A_8, %convert_element_type3A_1724 : vector<16xi32>
      %swap3A_1726 = arith.constant 704 : index
      %swap3A_1727 = tpu.vector_load %arg10[%swap3A_1726] {strides = array<i32>} : memref<1024xi32, #tpu.memory_space<vmem>>, vector<16xi32>,
      tpu.vector_store %arg10[%swap3A_1726], %add3A_1725 {strides = array<i32>} : memref<1024xi32, #tpu.memory_space<vmem>>, vector<16xi32>,
      tpu.vector_store_idx %arg8[%broadcast_in_dim3A_1695, %add3A_1725], %broadcast_in_dim3A_56 : memref<16x3080xf32, #tpu.memory_space<vmem>>[vector<16xi32>, vector<16xi32>], vector<16xf32>,
      %get3A_1728 = arith.constant 11 : i32
      %get3A_1729 = arith.index_cast %get3A_1728 : i32 to index
      %get3A_1730 = arith.constant 56 : index
      %get3A_1731 = tpu.vector_load %arg6[%get3A_1729, %get3A_1730] {strides = array<i32>} : memref<16x100xf32, #tpu.memory_space<vmem>>, vector<16xf32>,
      %convert_element_type3A_1732 = arith.fptosi %get3A_1731 : vector<16xf32> to vector<16xi32>
      %add3A_1733 = arith.addi %select_n3A, %convert_element_type3A_1732 : vector<16xi32>
      %swap3A_1734 = arith.constant 720 : index
      %swap3A_1735 = tpu.vector_load %arg10[%swap3A_1734] {strides = array<i32>} : memref<1024xi32, #tpu.memory_space<vmem>>, vector<16xi32>,
      tpu.vector_store %arg10[%swap3A_1734], %add3A_1733 {strides = array<i32>} : memref<1024xi32, #tpu.memory_space<vmem>>, vector<16xi32>,
      tpu.vector_store_idx %arg8[%broadcast_in_dim3A_1695, %add3A_1733], %broadcast_in_dim3A_56 : memref<16x3080xf32, #tpu.memory_space<vmem>>[vector<16xi32>, vector<16xi32>], vector<16xf32>,
      %get3A_1736 = arith.constant 11 : i32
      %get3A_1737 = arith.index_cast %get3A_1736 : i32 to index
      %get3A_1738 = arith.constant 72 : index
      %get3A_1739 = tpu.vector_load %arg6[%get3A_1737, %get3A_1738] {strides = array<i32>} : memref<16x100xf32, #tpu.memory_space<vmem>>, vector<16xf32>,
      %convert_element_type3A_1740 = arith.fptosi %get3A_1739 : vector<16xf32> to vector<16xi32>
      %add3A_1741 = arith.addi %add3A_33, %convert_element_type3A_1740 : vector<16xi32>
      %swap3A_1742 = arith.constant 736 : index
      %swap3A_1743 = tpu.vector_load %arg10[%swap3A_1742] {strides = array<i32>} : memref<1024xi32, #tpu.memory_space<vmem>>, vector<16xi32>,
      tpu.vector_store %arg10[%swap3A_1742], %add3A_1741 {strides = array<i32>} : memref<1024xi32, #tpu.memory_space<vmem>>, vector<16xi32>,
      tpu.vector_store_idx %arg8[%broadcast_in_dim3A_1695, %add3A_1741], %broadcast_in_dim3A_56 : memref<16x3080xf32, #tpu.memory_space<vmem>>[vector<16xi32>, vector<16xi32>], vector<16xf32>,
      %get3A_1744 = arith.constant 11 : i32
      %get3A_1745 = arith.index_cast %get3A_1744 : i32 to index
      %get3A_1746 = arith.constant 84 : index
      %get3A_1747 = tpu.vector_load %arg6[%get3A_1745, %get3A_1746] {strides = array<i32>} : memref<16x100xf32, #tpu.memory_space<vmem>>, vector<16xf32>,
      %convert_element_type3A_1748 = arith.fptosi %get3A_1747 : vector<16xf32> to vector<16xi32>
      %add3A_1749 = arith.addi %select_n3A_55, %convert_element_type3A_1748 : vector<16xi32>
      %swap3A_1750 = arith.constant 752 : index
      %swap3A_1751 = tpu.vector_load %arg10[%swap3A_1750] {strides = array<i32>} : memref<1024xi32, #tpu.memory_space<vmem>>, vector<16xi32>,
      tpu.vector_store %arg10[%swap3A_1750], %add3A_1749 {strides = array<i32>} : memref<1024xi32, #tpu.memory_space<vmem>>, vector<16xi32>,
      tpu.vector_store_idx %arg8[%broadcast_in_dim3A_1695, %add3A_1749], %broadcast_in_dim3A_56 : memref<16x3080xf32, #tpu.memory_space<vmem>>[vector<16xi32>, vector<16xi32>], vector<16xf32>,
      %broadcast_in_dim3A_1752 = arith.constant 12 : i32
      %broadcast_in_dim3A_1753 = vector.broadcast %broadcast_in_dim3A_1752 : i32 to vector<16xi32>
      %get3A_1754 = arith.constant 12 : i32
      %get3A_1755 = arith.index_cast %get3A_1754 : i32 to index
      %get3A_1756 = arith.constant 0 : index
      %get3A_1757 = tpu.vector_load %arg6[%get3A_1755, %get3A_1756] {strides = array<i32>} : memref<16x100xf32, #tpu.memory_space<vmem>>, vector<16xf32>,
      %swap3A_1758 = arith.constant 12 : i32
      %swap3A_1759 = arith.index_cast %swap3A_1758 : i32 to index
      %swap3A_1760 = arith.constant 0 : index
      %swap3A_1761 = tpu.vector_load %arg8[%swap3A_1759, %swap3A_1760] {strides = array<i32>} : memref<16x3080xf32, #tpu.memory_space<vmem>>, vector<16xf32>,
      tpu.vector_store %arg8[%swap3A_1759, %swap3A_1760], %get3A_1757 {strides = array<i32>} : memref<16x3080xf32, #tpu.memory_space<vmem>>, vector<16xf32>,
      %get3A_1762 = arith.constant 12 : i32
      %get3A_1763 = arith.index_cast %get3A_1762 : i32 to index
      %get3A_1764 = arith.constant 16 : index
      %get3A_1765 = tpu.vector_load %arg6[%get3A_1763, %get3A_1764] {strides = array<i32>} : memref<16x100xf32, #tpu.memory_space<vmem>>, vector<16xf32>,
      %swap3A_1766 = arith.constant 12 : i32
      %swap3A_1767 = arith.index_cast %swap3A_1766 : i32 to index
      %swap3A_1768 = arith.constant 16 : index
      %swap3A_1769 = tpu.vector_load %arg8[%swap3A_1767, %swap3A_1768] {strides = array<i32>} : memref<16x3080xf32, #tpu.memory_space<vmem>>, vector<16xf32>,
      tpu.vector_store %arg8[%swap3A_1767, %swap3A_1768], %get3A_1765 {strides = array<i32>} : memref<16x3080xf32, #tpu.memory_space<vmem>>, vector<16xf32>,
      %get3A_1770 = arith.constant 12 : i32
      %get3A_1771 = arith.index_cast %get3A_1770 : i32 to index
      %get3A_1772 = arith.constant 24 : index
      %get3A_1773 = tpu.vector_load %arg6[%get3A_1771, %get3A_1772] {strides = array<i32>} : memref<16x100xf32, #tpu.memory_space<vmem>>, vector<16xf32>,
      %swap3A_1774 = arith.constant 12 : i32
      %swap3A_1775 = arith.index_cast %swap3A_1774 : i32 to index
      %swap3A_1776 = arith.constant 24 : index
      %swap3A_1777 = tpu.vector_load %arg8[%swap3A_1775, %swap3A_1776] {strides = array<i32>} : memref<16x3080xf32, #tpu.memory_space<vmem>>, vector<16xf32>,
      tpu.vector_store %arg8[%swap3A_1775, %swap3A_1776], %get3A_1773 {strides = array<i32>} : memref<16x3080xf32, #tpu.memory_space<vmem>>, vector<16xf32>,
      %get3A_1778 = arith.constant 12 : i32
      %get3A_1779 = arith.index_cast %get3A_1778 : i32 to index
      %get3A_1780 = arith.constant 40 : index
      %get3A_1781 = tpu.vector_load %arg6[%get3A_1779, %get3A_1780] {strides = array<i32>} : memref<16x100xf32, #tpu.memory_space<vmem>>, vector<16xf32>,
      %convert_element_type3A_1782 = arith.fptosi %get3A_1781 : vector<16xf32> to vector<16xi32>
      %add3A_1783 = arith.addi %add3A_8, %convert_element_type3A_1782 : vector<16xi32>
      %swap3A_1784 = arith.constant 768 : index
      %swap3A_1785 = tpu.vector_load %arg10[%swap3A_1784] {strides = array<i32>} : memref<1024xi32, #tpu.memory_space<vmem>>, vector<16xi32>,
      tpu.vector_store %arg10[%swap3A_1784], %add3A_1783 {strides = array<i32>} : memref<1024xi32, #tpu.memory_space<vmem>>, vector<16xi32>,
      tpu.vector_store_idx %arg8[%broadcast_in_dim3A_1753, %add3A_1783], %broadcast_in_dim3A_56 : memref<16x3080xf32, #tpu.memory_space<vmem>>[vector<16xi32>, vector<16xi32>], vector<16xf32>,
      %get3A_1786 = arith.constant 12 : i32
      %get3A_1787 = arith.index_cast %get3A_1786 : i32 to index
      %get3A_1788 = arith.constant 56 : index
      %get3A_1789 = tpu.vector_load %arg6[%get3A_1787, %get3A_1788] {strides = array<i32>} : memref<16x100xf32, #tpu.memory_space<vmem>>, vector<16xf32>,
      %convert_element_type3A_1790 = arith.fptosi %get3A_1789 : vector<16xf32> to vector<16xi32>
      %add3A_1791 = arith.addi %select_n3A, %convert_element_type3A_1790 : vector<16xi32>
      %swap3A_1792 = arith.constant 784 : index
      %swap3A_1793 = tpu.vector_load %arg10[%swap3A_1792] {strides = array<i32>} : memref<1024xi32, #tpu.memory_space<vmem>>, vector<16xi32>,
      tpu.vector_store %arg10[%swap3A_1792], %add3A_1791 {strides = array<i32>} : memref<1024xi32, #tpu.memory_space<vmem>>, vector<16xi32>,
      tpu.vector_store_idx %arg8[%broadcast_in_dim3A_1753, %add3A_1791], %broadcast_in_dim3A_56 : memref<16x3080xf32, #tpu.memory_space<vmem>>[vector<16xi32>, vector<16xi32>], vector<16xf32>,
      %get3A_1794 = arith.constant 12 : i32
      %get3A_1795 = arith.index_cast %get3A_1794 : i32 to index
      %get3A_1796 = arith.constant 72 : index
      %get3A_1797 = tpu.vector_load %arg6[%get3A_1795, %get3A_1796] {strides = array<i32>} : memref<16x100xf32, #tpu.memory_space<vmem>>, vector<16xf32>,
      %convert_element_type3A_1798 = arith.fptosi %get3A_1797 : vector<16xf32> to vector<16xi32>
      %add3A_1799 = arith.addi %add3A_33, %convert_element_type3A_1798 : vector<16xi32>
      %swap3A_1800 = arith.constant 800 : index
      %swap3A_1801 = tpu.vector_load %arg10[%swap3A_1800] {strides = array<i32>} : memref<1024xi32, #tpu.memory_space<vmem>>, vector<16xi32>,
      tpu.vector_store %arg10[%swap3A_1800], %add3A_1799 {strides = array<i32>} : memref<1024xi32, #tpu.memory_space<vmem>>, vector<16xi32>,
      tpu.vector_store_idx %arg8[%broadcast_in_dim3A_1753, %add3A_1799], %broadcast_in_dim3A_56 : memref<16x3080xf32, #tpu.memory_space<vmem>>[vector<16xi32>, vector<16xi32>], vector<16xf32>,
      %get3A_1802 = arith.constant 12 : i32
      %get3A_1803 = arith.index_cast %get3A_1802 : i32 to index
      %get3A_1804 = arith.constant 84 : index
      %get3A_1805 = tpu.vector_load %arg6[%get3A_1803, %get3A_1804] {strides = array<i32>} : memref<16x100xf32, #tpu.memory_space<vmem>>, vector<16xf32>,
      %convert_element_type3A_1806 = arith.fptosi %get3A_1805 : vector<16xf32> to vector<16xi32>
      %add3A_1807 = arith.addi %select_n3A_55, %convert_element_type3A_1806 : vector<16xi32>
      %swap3A_1808 = arith.constant 816 : index
      %swap3A_1809 = tpu.vector_load %arg10[%swap3A_1808] {strides = array<i32>} : memref<1024xi32, #tpu.memory_space<vmem>>, vector<16xi32>,
      tpu.vector_store %arg10[%swap3A_1808], %add3A_1807 {strides = array<i32>} : memref<1024xi32, #tpu.memory_space<vmem>>, vector<16xi32>,
      tpu.vector_store_idx %arg8[%broadcast_in_dim3A_1753, %add3A_1807], %broadcast_in_dim3A_56 : memref<16x3080xf32, #tpu.memory_space<vmem>>[vector<16xi32>, vector<16xi32>], vector<16xf32>,
      %broadcast_in_dim3A_1810 = arith.constant 13 : i32
      %broadcast_in_dim3A_1811 = vector.broadcast %broadcast_in_dim3A_1810 : i32 to vector<16xi32>
      %get3A_1812 = arith.constant 13 : i32
      %get3A_1813 = arith.index_cast %get3A_1812 : i32 to index
      %get3A_1814 = arith.constant 0 : index
      %get3A_1815 = tpu.vector_load %arg6[%get3A_1813, %get3A_1814] {strides = array<i32>} : memref<16x100xf32, #tpu.memory_space<vmem>>, vector<16xf32>,
      %swap3A_1816 = arith.constant 13 : i32
      %swap3A_1817 = arith.index_cast %swap3A_1816 : i32 to index
      %swap3A_1818 = arith.constant 0 : index
      %swap3A_1819 = tpu.vector_load %arg8[%swap3A_1817, %swap3A_1818] {strides = array<i32>} : memref<16x3080xf32, #tpu.memory_space<vmem>>, vector<16xf32>,
      tpu.vector_store %arg8[%swap3A_1817, %swap3A_1818], %get3A_1815 {strides = array<i32>} : memref<16x3080xf32, #tpu.memory_space<vmem>>, vector<16xf32>,
      %get3A_1820 = arith.constant 13 : i32
      %get3A_1821 = arith.index_cast %get3A_1820 : i32 to index
      %get3A_1822 = arith.constant 16 : index
      %get3A_1823 = tpu.vector_load %arg6[%get3A_1821, %get3A_1822] {strides = array<i32>} : memref<16x100xf32, #tpu.memory_space<vmem>>, vector<16xf32>,
      %swap3A_1824 = arith.constant 13 : i32
      %swap3A_1825 = arith.index_cast %swap3A_1824 : i32 to index
      %swap3A_1826 = arith.constant 16 : index
      %swap3A_1827 = tpu.vector_load %arg8[%swap3A_1825, %swap3A_1826] {strides = array<i32>} : memref<16x3080xf32, #tpu.memory_space<vmem>>, vector<16xf32>,
      tpu.vector_store %arg8[%swap3A_1825, %swap3A_1826], %get3A_1823 {strides = array<i32>} : memref<16x3080xf32, #tpu.memory_space<vmem>>, vector<16xf32>,
      %get3A_1828 = arith.constant 13 : i32
      %get3A_1829 = arith.index_cast %get3A_1828 : i32 to index
      %get3A_1830 = arith.constant 24 : index
      %get3A_1831 = tpu.vector_load %arg6[%get3A_1829, %get3A_1830] {strides = array<i32>} : memref<16x100xf32, #tpu.memory_space<vmem>>, vector<16xf32>,
      %swap3A_1832 = arith.constant 13 : i32
      %swap3A_1833 = arith.index_cast %swap3A_1832 : i32 to index
      %swap3A_1834 = arith.constant 24 : index
      %swap3A_1835 = tpu.vector_load %arg8[%swap3A_1833, %swap3A_1834] {strides = array<i32>} : memref<16x3080xf32, #tpu.memory_space<vmem>>, vector<16xf32>,
      tpu.vector_store %arg8[%swap3A_1833, %swap3A_1834], %get3A_1831 {strides = array<i32>} : memref<16x3080xf32, #tpu.memory_space<vmem>>, vector<16xf32>,
      %get3A_1836 = arith.constant 13 : i32
      %get3A_1837 = arith.index_cast %get3A_1836 : i32 to index
      %get3A_1838 = arith.constant 40 : index
      %get3A_1839 = tpu.vector_load %arg6[%get3A_1837, %get3A_1838] {strides = array<i32>} : memref<16x100xf32, #tpu.memory_space<vmem>>, vector<16xf32>,
      %convert_element_type3A_1840 = arith.fptosi %get3A_1839 : vector<16xf32> to vector<16xi32>
      %add3A_1841 = arith.addi %add3A_8, %convert_element_type3A_1840 : vector<16xi32>
      %swap3A_1842 = arith.constant 832 : index
      %swap3A_1843 = tpu.vector_load %arg10[%swap3A_1842] {strides = array<i32>} : memref<1024xi32, #tpu.memory_space<vmem>>, vector<16xi32>,
      tpu.vector_store %arg10[%swap3A_1842], %add3A_1841 {strides = array<i32>} : memref<1024xi32, #tpu.memory_space<vmem>>, vector<16xi32>,
      tpu.vector_store_idx %arg8[%broadcast_in_dim3A_1811, %add3A_1841], %broadcast_in_dim3A_56 : memref<16x3080xf32, #tpu.memory_space<vmem>>[vector<16xi32>, vector<16xi32>], vector<16xf32>,
      %get3A_1844 = arith.constant 13 : i32
      %get3A_1845 = arith.index_cast %get3A_1844 : i32 to index
      %get3A_1846 = arith.constant 56 : index
      %get3A_1847 = tpu.vector_load %arg6[%get3A_1845, %get3A_1846] {strides = array<i32>} : memref<16x100xf32, #tpu.memory_space<vmem>>, vector<16xf32>,
      %convert_element_type3A_1848 = arith.fptosi %get3A_1847 : vector<16xf32> to vector<16xi32>
      %add3A_1849 = arith.addi %select_n3A, %convert_element_type3A_1848 : vector<16xi32>
      %swap3A_1850 = arith.constant 848 : index
      %swap3A_1851 = tpu.vector_load %arg10[%swap3A_1850] {strides = array<i32>} : memref<1024xi32, #tpu.memory_space<vmem>>, vector<16xi32>,
      tpu.vector_store %arg10[%swap3A_1850], %add3A_1849 {strides = array<i32>} : memref<1024xi32, #tpu.memory_space<vmem>>, vector<16xi32>,
      tpu.vector_store_idx %arg8[%broadcast_in_dim3A_1811, %add3A_1849], %broadcast_in_dim3A_56 : memref<16x3080xf32, #tpu.memory_space<vmem>>[vector<16xi32>, vector<16xi32>], vector<16xf32>,
      %get3A_1852 = arith.constant 13 : i32
      %get3A_1853 = arith.index_cast %get3A_1852 : i32 to index
      %get3A_1854 = arith.constant 72 : index
      %get3A_1855 = tpu.vector_load %arg6[%get3A_1853, %get3A_1854] {strides = array<i32>} : memref<16x100xf32, #tpu.memory_space<vmem>>, vector<16xf32>,
      %convert_element_type3A_1856 = arith.fptosi %get3A_1855 : vector<16xf32> to vector<16xi32>
      %add3A_1857 = arith.addi %add3A_33, %convert_element_type3A_1856 : vector<16xi32>
      %swap3A_1858 = arith.constant 864 : index
      %swap3A_1859 = tpu.vector_load %arg10[%swap3A_1858] {strides = array<i32>} : memref<1024xi32, #tpu.memory_space<vmem>>, vector<16xi32>,
      tpu.vector_store %arg10[%swap3A_1858], %add3A_1857 {strides = array<i32>} : memref<1024xi32, #tpu.memory_space<vmem>>, vector<16xi32>,
      tpu.vector_store_idx %arg8[%broadcast_in_dim3A_1811, %add3A_1857], %broadcast_in_dim3A_56 : memref<16x3080xf32, #tpu.memory_space<vmem>>[vector<16xi32>, vector<16xi32>], vector<16xf32>,
      %get3A_1860 = arith.constant 13 : i32
      %get3A_1861 = arith.index_cast %get3A_1860 : i32 to index
      %get3A_1862 = arith.constant 84 : index
      %get3A_1863 = tpu.vector_load %arg6[%get3A_1861, %get3A_1862] {strides = array<i32>} : memref<16x100xf32, #tpu.memory_space<vmem>>, vector<16xf32>,
      %convert_element_type3A_1864 = arith.fptosi %get3A_1863 : vector<16xf32> to vector<16xi32>
      %add3A_1865 = arith.addi %select_n3A_55, %convert_element_type3A_1864 : vector<16xi32>
      %swap3A_1866 = arith.constant 880 : index
      %swap3A_1867 = tpu.vector_load %arg10[%swap3A_1866] {strides = array<i32>} : memref<1024xi32, #tpu.memory_space<vmem>>, vector<16xi32>,
      tpu.vector_store %arg10[%swap3A_1866], %add3A_1865 {strides = array<i32>} : memref<1024xi32, #tpu.memory_space<vmem>>, vector<16xi32>,
      tpu.vector_store_idx %arg8[%broadcast_in_dim3A_1811, %add3A_1865], %broadcast_in_dim3A_56 : memref<16x3080xf32, #tpu.memory_space<vmem>>[vector<16xi32>, vector<16xi32>], vector<16xf32>,
      %broadcast_in_dim3A_1868 = arith.constant 14 : i32
      %broadcast_in_dim3A_1869 = vector.broadcast %broadcast_in_dim3A_1868 : i32 to vector<16xi32>
      %get3A_1870 = arith.constant 14 : i32
      %get3A_1871 = arith.index_cast %get3A_1870 : i32 to index
      %get3A_1872 = arith.constant 0 : index
      %get3A_1873 = tpu.vector_load %arg6[%get3A_1871, %get3A_1872] {strides = array<i32>} : memref<16x100xf32, #tpu.memory_space<vmem>>, vector<16xf32>,
      %swap3A_1874 = arith.constant 14 : i32
      %swap3A_1875 = arith.index_cast %swap3A_1874 : i32 to index
      %swap3A_1876 = arith.constant 0 : index
      %swap3A_1877 = tpu.vector_load %arg8[%swap3A_1875, %swap3A_1876] {strides = array<i32>} : memref<16x3080xf32, #tpu.memory_space<vmem>>, vector<16xf32>,
      tpu.vector_store %arg8[%swap3A_1875, %swap3A_1876], %get3A_1873 {strides = array<i32>} : memref<16x3080xf32, #tpu.memory_space<vmem>>, vector<16xf32>,
      %get3A_1878 = arith.constant 14 : i32
      %get3A_1879 = arith.index_cast %get3A_1878 : i32 to index
      %get3A_1880 = arith.constant 16 : index
      %get3A_1881 = tpu.vector_load %arg6[%get3A_1879, %get3A_1880] {strides = array<i32>} : memref<16x100xf32, #tpu.memory_space<vmem>>, vector<16xf32>,
      %swap3A_1882 = arith.constant 14 : i32
      %swap3A_1883 = arith.index_cast %swap3A_1882 : i32 to index
      %swap3A_1884 = arith.constant 16 : index
      %swap3A_1885 = tpu.vector_load %arg8[%swap3A_1883, %swap3A_1884] {strides = array<i32>} : memref<16x3080xf32, #tpu.memory_space<vmem>>, vector<16xf32>,
      tpu.vector_store %arg8[%swap3A_1883, %swap3A_1884], %get3A_1881 {strides = array<i32>} : memref<16x3080xf32, #tpu.memory_space<vmem>>, vector<16xf32>,
      %get3A_1886 = arith.constant 14 : i32
      %get3A_1887 = arith.index_cast %get3A_1886 : i32 to index
      %get3A_1888 = arith.constant 24 : index
      %get3A_1889 = tpu.vector_load %arg6[%get3A_1887, %get3A_1888] {strides = array<i32>} : memref<16x100xf32, #tpu.memory_space<vmem>>, vector<16xf32>,
      %swap3A_1890 = arith.constant 14 : i32
      %swap3A_1891 = arith.index_cast %swap3A_1890 : i32 to index
      %swap3A_1892 = arith.constant 24 : index
      %swap3A_1893 = tpu.vector_load %arg8[%swap3A_1891, %swap3A_1892] {strides = array<i32>} : memref<16x3080xf32, #tpu.memory_space<vmem>>, vector<16xf32>,
      tpu.vector_store %arg8[%swap3A_1891, %swap3A_1892], %get3A_1889 {strides = array<i32>} : memref<16x3080xf32, #tpu.memory_space<vmem>>, vector<16xf32>,
      %get3A_1894 = arith.constant 14 : i32
      %get3A_1895 = arith.index_cast %get3A_1894 : i32 to index
      %get3A_1896 = arith.constant 40 : index
      %get3A_1897 = tpu.vector_load %arg6[%get3A_1895, %get3A_1896] {strides = array<i32>} : memref<16x100xf32, #tpu.memory_space<vmem>>, vector<16xf32>,
      %convert_element_type3A_1898 = arith.fptosi %get3A_1897 : vector<16xf32> to vector<16xi32>
      %add3A_1899 = arith.addi %add3A_8, %convert_element_type3A_1898 : vector<16xi32>
      %swap3A_1900 = arith.constant 896 : index
      %swap3A_1901 = tpu.vector_load %arg10[%swap3A_1900] {strides = array<i32>} : memref<1024xi32, #tpu.memory_space<vmem>>, vector<16xi32>,
      tpu.vector_store %arg10[%swap3A_1900], %add3A_1899 {strides = array<i32>} : memref<1024xi32, #tpu.memory_space<vmem>>, vector<16xi32>,
      tpu.vector_store_idx %arg8[%broadcast_in_dim3A_1869, %add3A_1899], %broadcast_in_dim3A_56 : memref<16x3080xf32, #tpu.memory_space<vmem>>[vector<16xi32>, vector<16xi32>], vector<16xf32>,
      %get3A_1902 = arith.constant 14 : i32
      %get3A_1903 = arith.index_cast %get3A_1902 : i32 to index
      %get3A_1904 = arith.constant 56 : index
      %get3A_1905 = tpu.vector_load %arg6[%get3A_1903, %get3A_1904] {strides = array<i32>} : memref<16x100xf32, #tpu.memory_space<vmem>>, vector<16xf32>,
      %convert_element_type3A_1906 = arith.fptosi %get3A_1905 : vector<16xf32> to vector<16xi32>
      %add3A_1907 = arith.addi %select_n3A, %convert_element_type3A_1906 : vector<16xi32>
      %swap3A_1908 = arith.constant 912 : index
      %swap3A_1909 = tpu.vector_load %arg10[%swap3A_1908] {strides = array<i32>} : memref<1024xi32, #tpu.memory_space<vmem>>, vector<16xi32>,
      tpu.vector_store %arg10[%swap3A_1908], %add3A_1907 {strides = array<i32>} : memref<1024xi32, #tpu.memory_space<vmem>>, vector<16xi32>,
      tpu.vector_store_idx %arg8[%broadcast_in_dim3A_1869, %add3A_1907], %broadcast_in_dim3A_56 : memref<16x3080xf32, #tpu.memory_space<vmem>>[vector<16xi32>, vector<16xi32>], vector<16xf32>,
      %get3A_1910 = arith.constant 14 : i32
      %get3A_1911 = arith.index_cast %get3A_1910 : i32 to index
      %get3A_1912 = arith.constant 72 : index
      %get3A_1913 = tpu.vector_load %arg6[%get3A_1911, %get3A_1912] {strides = array<i32>} : memref<16x100xf32, #tpu.memory_space<vmem>>, vector<16xf32>,
      %convert_element_type3A_1914 = arith.fptosi %get3A_1913 : vector<16xf32> to vector<16xi32>
      %add3A_1915 = arith.addi %add3A_33, %convert_element_type3A_1914 : vector<16xi32>
      %swap3A_1916 = arith.constant 928 : index
      %swap3A_1917 = tpu.vector_load %arg10[%swap3A_1916] {strides = array<i32>} : memref<1024xi32, #tpu.memory_space<vmem>>, vector<16xi32>,
      tpu.vector_store %arg10[%swap3A_1916], %add3A_1915 {strides = array<i32>} : memref<1024xi32, #tpu.memory_space<vmem>>, vector<16xi32>,
      tpu.vector_store_idx %arg8[%broadcast_in_dim3A_1869, %add3A_1915], %broadcast_in_dim3A_56 : memref<16x3080xf32, #tpu.memory_space<vmem>>[vector<16xi32>, vector<16xi32>], vector<16xf32>,
      %get3A_1918 = arith.constant 14 : i32
      %get3A_1919 = arith.index_cast %get3A_1918 : i32 to index
      %get3A_1920 = arith.constant 84 : index
      %get3A_1921 = tpu.vector_load %arg6[%get3A_1919, %get3A_1920] {strides = array<i32>} : memref<16x100xf32, #tpu.memory_space<vmem>>, vector<16xf32>,
      %convert_element_type3A_1922 = arith.fptosi %get3A_1921 : vector<16xf32> to vector<16xi32>
      %add3A_1923 = arith.addi %select_n3A_55, %convert_element_type3A_1922 : vector<16xi32>
      %swap3A_1924 = arith.constant 944 : index
      %swap3A_1925 = tpu.vector_load %arg10[%swap3A_1924] {strides = array<i32>} : memref<1024xi32, #tpu.memory_space<vmem>>, vector<16xi32>,
      tpu.vector_store %arg10[%swap3A_1924], %add3A_1923 {strides = array<i32>} : memref<1024xi32, #tpu.memory_space<vmem>>, vector<16xi32>,
      tpu.vector_store_idx %arg8[%broadcast_in_dim3A_1869, %add3A_1923], %broadcast_in_dim3A_56 : memref<16x3080xf32, #tpu.memory_space<vmem>>[vector<16xi32>, vector<16xi32>], vector<16xf32>,
      %broadcast_in_dim3A_1926 = arith.constant 15 : i32
      %broadcast_in_dim3A_1927 = vector.broadcast %broadcast_in_dim3A_1926 : i32 to vector<16xi32>
      %get3A_1928 = arith.constant 15 : i32
      %get3A_1929 = arith.index_cast %get3A_1928 : i32 to index
      %get3A_1930 = arith.constant 0 : index
      %get3A_1931 = tpu.vector_load %arg6[%get3A_1929, %get3A_1930] {strides = array<i32>} : memref<16x100xf32, #tpu.memory_space<vmem>>, vector<16xf32>,
      %swap3A_1932 = arith.constant 15 : i32
      %swap3A_1933 = arith.index_cast %swap3A_1932 : i32 to index
      %swap3A_1934 = arith.constant 0 : index
      %swap3A_1935 = tpu.vector_load %arg8[%swap3A_1933, %swap3A_1934] {strides = array<i32>} : memref<16x3080xf32, #tpu.memory_space<vmem>>, vector<16xf32>,
      tpu.vector_store %arg8[%swap3A_1933, %swap3A_1934], %get3A_1931 {strides = array<i32>} : memref<16x3080xf32, #tpu.memory_space<vmem>>, vector<16xf32>,
      %get3A_1936 = arith.constant 15 : i32
      %get3A_1937 = arith.index_cast %get3A_1936 : i32 to index
      %get3A_1938 = arith.constant 16 : index
      %get3A_1939 = tpu.vector_load %arg6[%get3A_1937, %get3A_1938] {strides = array<i32>} : memref<16x100xf32, #tpu.memory_space<vmem>>, vector<16xf32>,
      %swap3A_1940 = arith.constant 15 : i32
      %swap3A_1941 = arith.index_cast %swap3A_1940 : i32 to index
      %swap3A_1942 = arith.constant 16 : index
      %swap3A_1943 = tpu.vector_load %arg8[%swap3A_1941, %swap3A_1942] {strides = array<i32>} : memref<16x3080xf32, #tpu.memory_space<vmem>>, vector<16xf32>,
      tpu.vector_store %arg8[%swap3A_1941, %swap3A_1942], %get3A_1939 {strides = array<i32>} : memref<16x3080xf32, #tpu.memory_space<vmem>>, vector<16xf32>,
      %get3A_1944 = arith.constant 15 : i32
      %get3A_1945 = arith.index_cast %get3A_1944 : i32 to index
      %get3A_1946 = arith.constant 24 : index
      %get3A_1947 = tpu.vector_load %arg6[%get3A_1945, %get3A_1946] {strides = array<i32>} : memref<16x100xf32, #tpu.memory_space<vmem>>, vector<16xf32>,
      %swap3A_1948 = arith.constant 15 : i32
      %swap3A_1949 = arith.index_cast %swap3A_1948 : i32 to index
      %swap3A_1950 = arith.constant 24 : index
      %swap3A_1951 = tpu.vector_load %arg8[%swap3A_1949, %swap3A_1950] {strides = array<i32>} : memref<16x3080xf32, #tpu.memory_space<vmem>>, vector<16xf32>,
      tpu.vector_store %arg8[%swap3A_1949, %swap3A_1950], %get3A_1947 {strides = array<i32>} : memref<16x3080xf32, #tpu.memory_space<vmem>>, vector<16xf32>,
      %get3A_1952 = arith.constant 15 : i32
      %get3A_1953 = arith.index_cast %get3A_1952 : i32 to index
      %get3A_1954 = arith.constant 40 : index
      %get3A_1955 = tpu.vector_load %arg6[%get3A_1953, %get3A_1954] {strides = array<i32>} : memref<16x100xf32, #tpu.memory_space<vmem>>, vector<16xf32>,
      %convert_element_type3A_1956 = arith.fptosi %get3A_1955 : vector<16xf32> to vector<16xi32>
      %add3A_1957 = arith.addi %add3A_8, %convert_element_type3A_1956 : vector<16xi32>
      %swap3A_1958 = arith.constant 960 : index
      %swap3A_1959 = tpu.vector_load %arg10[%swap3A_1958] {strides = array<i32>} : memref<1024xi32, #tpu.memory_space<vmem>>, vector<16xi32>,
      tpu.vector_store %arg10[%swap3A_1958], %add3A_1957 {strides = array<i32>} : memref<1024xi32, #tpu.memory_space<vmem>>, vector<16xi32>,
      tpu.vector_store_idx %arg8[%broadcast_in_dim3A_1927, %add3A_1957], %broadcast_in_dim3A_56 : memref<16x3080xf32, #tpu.memory_space<vmem>>[vector<16xi32>, vector<16xi32>], vector<16xf32>,
      %get3A_1960 = arith.constant 15 : i32
      %get3A_1961 = arith.index_cast %get3A_1960 : i32 to index
      %get3A_1962 = arith.constant 56 : index
      %get3A_1963 = tpu.vector_load %arg6[%get3A_1961, %get3A_1962] {strides = array<i32>} : memref<16x100xf32, #tpu.memory_space<vmem>>, vector<16xf32>,
      %convert_element_type3A_1964 = arith.fptosi %get3A_1963 : vector<16xf32> to vector<16xi32>
      %add3A_1965 = arith.addi %select_n3A, %convert_element_type3A_1964 : vector<16xi32>
      %swap3A_1966 = arith.constant 976 : index
      %swap3A_1967 = tpu.vector_load %arg10[%swap3A_1966] {strides = array<i32>} : memref<1024xi32, #tpu.memory_space<vmem>>, vector<16xi32>,
      tpu.vector_store %arg10[%swap3A_1966], %add3A_1965 {strides = array<i32>} : memref<1024xi32, #tpu.memory_space<vmem>>, vector<16xi32>,
      tpu.vector_store_idx %arg8[%broadcast_in_dim3A_1927, %add3A_1965], %broadcast_in_dim3A_56 : memref<16x3080xf32, #tpu.memory_space<vmem>>[vector<16xi32>, vector<16xi32>], vector<16xf32>,
      %get3A_1968 = arith.constant 15 : i32
      %get3A_1969 = arith.index_cast %get3A_1968 : i32 to index
      %get3A_1970 = arith.constant 72 : index
      %get3A_1971 = tpu.vector_load %arg6[%get3A_1969, %get3A_1970] {strides = array<i32>} : memref<16x100xf32, #tpu.memory_space<vmem>>, vector<16xf32>,
      %convert_element_type3A_1972 = arith.fptosi %get3A_1971 : vector<16xf32> to vector<16xi32>
      %add3A_1973 = arith.addi %add3A_33, %convert_element_type3A_1972 : vector<16xi32>
      %swap3A_1974 = arith.constant 992 : index
      %swap3A_1975 = tpu.vector_load %arg10[%swap3A_1974] {strides = array<i32>} : memref<1024xi32, #tpu.memory_space<vmem>>, vector<16xi32>,
      tpu.vector_store %arg10[%swap3A_1974], %add3A_1973 {strides = array<i32>} : memref<1024xi32, #tpu.memory_space<vmem>>, vector<16xi32>,
      tpu.vector_store_idx %arg8[%broadcast_in_dim3A_1927, %add3A_1973], %broadcast_in_dim3A_56 : memref<16x3080xf32, #tpu.memory_space<vmem>>[vector<16xi32>, vector<16xi32>], vector<16xf32>,
      %get3A_1976 = arith.constant 15 : i32
      %get3A_1977 = arith.index_cast %get3A_1976 : i32 to index
      %get3A_1978 = arith.constant 84 : index
      %get3A_1979 = tpu.vector_load %arg6[%get3A_1977, %get3A_1978] {strides = array<i32>} : memref<16x100xf32, #tpu.memory_space<vmem>>, vector<16xf32>,
      %convert_element_type3A_1980 = arith.fptosi %get3A_1979 : vector<16xf32> to vector<16xi32>
      %add3A_1981 = arith.addi %select_n3A_55, %convert_element_type3A_1980 : vector<16xi32>
      %swap3A_1982 = arith.constant 1008 : index
      %swap3A_1983 = tpu.vector_load %arg10[%swap3A_1982] {strides = array<i32>} : memref<1024xi32, #tpu.memory_space<vmem>>, vector<16xi32>,
      tpu.vector_store %arg10[%swap3A_1982], %add3A_1981 {strides = array<i32>} : memref<1024xi32, #tpu.memory_space<vmem>>, vector<16xi32>,
      tpu.vector_store_idx %arg8[%broadcast_in_dim3A_1927, %add3A_1981], %broadcast_in_dim3A_56 : memref<16x3080xf32, #tpu.memory_space<vmem>>[vector<16xi32>, vector<16xi32>], vector<16xf32>,
      %mul3A_1984 = arith.constant 16 : i32
      %mul3A_1985 = arith.muli %add3A_1043, %mul3A_1984 : i32
      %add3A_1986 = arith.addi %mul3A_2, %mul3A_1985 : i32
      %dma_start3A_1987 = arith.constant 0 : i32
      %dma_start3A_1988 = tpu.memref_slice %arg4[%add3A_1986, %dma_start3A_1987] : memref<16384x3080xf32, #tpu.memory_space<hbm>> -> memref<16x3080xf32, #tpu.memory_space<hbm>>
      %dma_start3A_1989 = arith.constant 0 : i32
      %dma_start3A_1990 = tpu.memref_slice %arg4[%add3A_1986, %dma_start3A_1989] : memref<16384x3080xf32, #tpu.memory_space<hbm>> -> memref<16x3080xf32, #tpu.memory_space<hbm>>
      tpu.enqueue_dma source(%arg8 : memref<16x3080xf32, #tpu.memory_space<vmem>>) target(%dma_start3A_1990 : memref<16x3080xf32, #tpu.memory_space<hbm>>) target_semaphore(%arg12 : memref<!tpu.dma_semaphore, #tpu.memory_space<semaphore_mem>>)
      %lt3A_1991 = arith.constant 15 : i32
      %lt3A_1992 = arith.cmpi slt, %scan3A_87, %lt3A_1991 : i32
      %convert_element_type3A_1993 = arith.extui %lt3A_1992 : i1 to i32
      %cond3A_1994 = arith.constant 0 : i32
      %cond3A_1995 = arith.cmpi ne, %convert_element_type3A_1993, %cond3A_1994 : i32
      scf.if %cond3A_1995 {
        %add3A_1997 = arith.constant 2 : i32
        %add3A_1998 = arith.addi %add3A_1043, %add3A_1997 : i32
        %mul3A_1999 = arith.constant 16 : i32
        %mul3A_2000 = arith.muli %add3A_1998, %mul3A_1999 : i32
        %add3A_2001 = arith.addi %mul3A_2, %mul3A_2000 : i32
        %dma_start3A_2002 = arith.constant 0 : i32
        %dma_start3A_2003 = tpu.memref_slice %arg2[%add3A_2001, %dma_start3A_2002] : memref<16384x100xf32, #tpu.memory_space<hbm>> -> memref<16x100xf32, #tpu.memory_space<hbm>>
        %dma_start3A_2004 = arith.constant 0 : i32
        %dma_start3A_2005 = tpu.memref_slice %arg2[%add3A_2001, %dma_start3A_2004] : memref<16384x100xf32, #tpu.memory_space<hbm>> -> memref<16x100xf32, #tpu.memory_space<hbm>>
        tpu.enqueue_dma source(%dma_start3A_2005 : memref<16x100xf32, #tpu.memory_space<hbm>>) target(%arg6 : memref<16x100xf32, #tpu.memory_space<vmem>>) target_semaphore(%arg14 : memref<!tpu.dma_semaphore, #tpu.memory_space<semaphore_mem>>)
      } else {
      }
      %scan3A_1996 = arith.constant 0 : i32
      scf.yield %scan3A_1996 : i32
    }
    %scan3A_75 = arith.constant 16 : i32
    %add3A_76 = arith.constant 480 : i32
    %add3A_77 = arith.addi %mul3A_2, %add3A_76 : i32
    %dma_wait3A = arith.constant 0 : i32
    %dma_wait3A_78 = tpu.memref_slice %arg4[%add3A_77, %dma_wait3A] : memref<16384x3080xf32, #tpu.memory_space<hbm>> -> memref<16x3080xf32, #tpu.memory_space<hbm>>
    %dma_wait3A_79 = arith.constant 0 : i32
    %dma_wait3A_80 = tpu.memref_slice %arg4[%add3A_77, %dma_wait3A_79] : memref<16384x3080xf32, #tpu.memory_space<hbm>> -> memref<16x3080xf32, #tpu.memory_space<hbm>>
    tpu.wait_dma2 semaphore(%arg11 : memref<!tpu.dma_semaphore, #tpu.memory_space<semaphore_mem>>) src(%arg7 : memref<16x3080xf32, #tpu.memory_space<vmem>>) dst(%dma_wait3A_80 : memref<16x3080xf32, #tpu.memory_space<hbm>>)
    %add3A_81 = arith.constant 496 : i32
    %add3A_82 = arith.addi %mul3A_2, %add3A_81 : i32
    %dma_wait3A_83 = arith.constant 0 : i32
    %dma_wait3A_84 = tpu.memref_slice %arg4[%add3A_82, %dma_wait3A_83] : memref<16384x3080xf32, #tpu.memory_space<hbm>> -> memref<16x3080xf32, #tpu.memory_space<hbm>>
    %dma_wait3A_85 = arith.constant 0 : i32
    %dma_wait3A_86 = tpu.memref_slice %arg4[%add3A_82, %dma_wait3A_85] : memref<16384x3080xf32, #tpu.memory_space<hbm>> -> memref<16x3080xf32, #tpu.memory_space<hbm>>
    tpu.wait_dma2 semaphore(%arg12 : memref<!tpu.dma_semaphore, #tpu.memory_space<semaphore_mem>>) src(%arg8 : memref<16x3080xf32, #tpu.memory_space<vmem>>) dst(%dma_wait3A_86 : memref<16x3080xf32, #tpu.memory_space<hbm>>)
    return
  }
}

</mosaic_0001>

<sc_bundles>
// kernel: kernel.3.cloned.1.call-start
scs
__scs_entry_jumppad:
0x0: {  	(pc) =	sbr.rel $0x88, $3  }
0x1: {  	(tag) =	ssettag $0x0;
	lr =	simm.s32 $0x1  }
0x2: {  	[smem:$0x3FA0] =	sst lr;
	_ =	strace $0xD0000000  }
0x3: {  	_ = 	snop  }
0x4: {  	_ = 	snop  }
0x5: {  	_ = 	snop  }
0x6: {  	_ = 	snop  }
0x7: {  	_ = 	snop  }
__scs_overlays_trampoline_lowered:
0x8: {  	[smem:$0x3FAF] =	sst s0  }
0x9: {  	[smem:$0x3FB0] =	sst s1  }
0xa: {  	[smem:$0x3FB1] =	sst s2  }
0xb: {  	[smem:$0x3FB2] =	sst s3  }
0xc: {  	[smem:$0x3FB3] =	sst s4  }
0xd: {  	[smem:$0x3FB4] =	sst s5  }
0xe: {  	[smem:$0x3FB5] =	sst s6  }
0xf: {  	[smem:$0x3FB6] =	sst s7  }
0x10: {  	[smem:$0x3FB7] =	sst s8  }
0x11: {  	[smem:$0x3FB8] =	sst s9;
	s0 =	simm.s32 @!p0 $0x0  }
0x12: {  	s1 =	sld [smem:$0x3F9E];
	s0 =	simm.s32 @p0 $0x1  }
0x13: {  	[smem:$0x3FB9] =	sst s0;
	s0 =	simm.s32 @!p1 $0x0  }
0x14: {  	s2 =	sld [smem:$0x3F9D];
	s0 =	simm.s32 @p1 $0x1  }
0x15: {  	[smem:$0x3FBA] =	sst s0;
	s0 =	simm.s32 @!p2 $0x0  }
0x16: {  	s3 =	sld [smem:$0x3FDB];
	s0 =	simm.s32 @p2 $0x1  }
0x17: {  	s4 =	simm.s32 $0x1BF5;
	[smem:$0x3FBC] =	sst s0  }
0x18: {  	s0 =	sld [smem:$0x3F9F];
	_ =	swait.ge [sflag:s4], $0x0  }
0x19: {  	s7 =	sld [smem:$0x3FA0]  }
0x1a: {  	s8 =	sadd.s32 $0xFFFFE003, lr  }
0x1b: {  	s9 =	sadd.s32 $0xFFFFFEF7, lr;
	s5 =	simm.s32 $0xFFFFFFFF;
	p2 =	slt.u32 s8, $0xFFFFF086  }
0x1c: {  	p1 =	slt.u32 s9, $0xF7A;
	s5 =	simm.s32 @!p2 $0x0  }
0x1d: {  	s5 =	simm.s32 @p1 $0x1;
	p0 =	seq.s32 s7, s2  }
0x1e: {  	s7 =	smul.u32 @!p0 $0xF7A, s2;
	p2 =	seq.s32 @!p0 s5, $0x0  }
0x1f: {  	s9 =	smul.u32 $0xF7A, s1;
	s8 =	simm.s32 @!p0 $0x1BF5;
	p2 =	por !p2, p0  }
0x20: {  	[sflag:s8] =	ssyncset.s32 @!p0 $0xFFFFF086;
	s6 =	sadd.s32 @!p0 s3, s7;
	s7 =	simm.s32 @!p0 $0x108  }
0x21: {  	s3 =	sadd.s32 s3, s9;
	s6 =	sadd.s32 @!p0 $0x88, s6;
	s7 =	simm.s32 @p2 $0x1082  }
0x22: {  	[simem:s7], [sflag:s8] =	dma.local @!p0 [hbm:s6], $0xF7A  }
0x23: {  	s9 =	sor.u32 $0xD0000000, s2;
	s6 =	simm.s32 $0x108;
	_ =	swait.ge @!p0 [sflag:s8], $0x0  }
0x24: {  	s3 =	sadd.s32 $0x88, s3;
	s6 =	simm.s32 @!p1 $0x1082;
	[sflag:s4] =	ssyncset.s32 $0xFFFFF086  }
0x25: {  	[simem:s6], [sflag:s4] =	dma.local [hbm:s3], $0xF7A  }
0x26: {  	[smem:$0x3FA0] =	sst s1;
	(tag) =	ssettag s2;
	_ =	strace s9  }
0x27: {  	s1 =	sld [smem:$0x3FB0]  }
0x28: {  	s2 =	sld [smem:$0x3FB1]  }
0x29: {  	s4 =	sld [smem:$0x3FB3]  }
0x2a: {  	p0 =	seq.s32 s5, $0x0;
	s5 =	sld [smem:$0x3FB4]  }
0x2b: {  	s6 =	sld [smem:$0x3FB5]  }
0x2c: {  	s7 =	sld [smem:$0x3FB6]  }
0x2d: {  	s3 =	simm.s32 $0x108;
	s8 =	sld [smem:$0x3FB7]  }
0x2e: {  	s3 =	simm.s32 @!p0 $0x1082;
	s9 =	sld [smem:$0x3FB8]  }
0x2f: {  	lr =	sadd.s32 s0, s3;
	s0 =	sld [smem:$0x3FAF]  }
0x30: {  	s3 =	sld [smem:$0x3FB2]  }
0x31: {  	[smem:$0x3FBB] =	sst s10  }
0x32: {  	s10 =	sld [smem:$0x3FB9];
	_ =	sdelay $0x3  }
0x33: {  	p0 =	seq.s32 s10, $0x1;
	s10 =	sld [smem:$0x3FBB];
	_ =	sdelay $0x3  }
0x34: {  	[smem:$0x3FBB] =	sst s10  }
0x35: {  	s10 =	sld [smem:$0x3FBA];
	_ =	sdelay $0x3  }
0x36: {  	p1 =	seq.s32 s10, $0x1;
	s10 =	sld [smem:$0x3FBB];
	_ =	sdelay $0x3  }
0x37: {  	[smem:$0x3FBB] =	sst s10  }
0x38: {  	s10 =	sld [smem:$0x3FBC]  }
0x39: {  	_ = 	snop;
	(pc) =	sbr.ind lr, $3  }
0x3a: {  	_ = 	snop  }
0x3b: {  	_ = 	snop  }
0x3c: {  	p2 =	seq.s32 s10, $0x1;
	s10 =	sld [smem:$0x3FBB]  }
0x3d: {  	_ =	shalt  }
0x3e: {  	_ =	shalt  }
0x3f: {  	_ =	shalt  }
0x40: {  	_ =	shalt  }
0x41: {  	_ =	shalt  }
0x42: {  	_ =	shalt  }
0x43: {  	_ =	shalt  }
0x44: {  	_ =	shalt  }
0x45: {  	_ =	shalt  }
0x46: {  	_ =	shalt  }
0x47: {  	_ =	shalt  }
0x48: {  	_ =	shalt  }
0x49: {  	_ =	shalt  }
0x4a: {  	_ =	shalt  }
0x4b: {  	_ =	shalt  }
0x4c: {  	_ =	shalt  }
0x4d: {  	_ =	shalt  }
0x4e: {  	_ =	shalt  }
0x4f: {  	_ =	shalt  }
0x50: {  	_ =	shalt  }
0x51: {  	_ =	shalt  }
0x52: {  	_ =	shalt  }
0x53: {  	_ =	shalt  }
0x54: {  	_ =	shalt  }
0x55: {  	_ =	shalt  }
0x56: {  	_ =	shalt  }
0x57: {  	_ =	shalt  }
0x58: {  	_ =	shalt  }
0x59: {  	_ =	shalt  }
0x5a: {  	_ =	shalt  }
0x5b: {  	_ =	shalt  }
0x5c: {  	_ =	shalt  }
0x5d: {  	_ =	shalt  }
0x5e: {  	_ =	shalt  }
0x5f: {  	_ =	shalt  }
0x60: {  	_ =	shalt  }
0x61: {  	_ =	shalt  }
0x62: {  	_ =	shalt  }
0x63: {  	_ =	shalt  }
0x64: {  	_ =	shalt  }
0x65: {  	_ =	shalt  }
0x66: {  	_ =	shalt  }
0x67: {  	_ =	shalt  }
0x68: {  	_ =	shalt  }
0x69: {  	_ =	shalt  }
0x6a: {  	_ =	shalt  }
0x6b: {  	_ =	shalt  }
0x6c: {  	_ =	shalt  }
0x6d: {  	_ =	shalt  }
0x6e: {  	_ =	shalt  }
0x6f: {  	_ =	shalt  }
0x70: {  	_ =	shalt  }
0x71: {  	_ =	shalt  }
0x72: {  	_ =	shalt  }
0x73: {  	_ =	shalt  }
0x74: {  	_ =	shalt  }
0x75: {  	_ =	shalt  }
0x76: {  	_ =	shalt  }
0x77: {  	_ =	shalt  }
0x78: {  	_ =	shalt  }
0x79: {  	_ =	shalt  }
0x7a: {  	_ =	shalt  }
0x7b: {  	_ =	shalt  }
0x7c: {  	_ =	shalt  }
0x7d: {  	_ =	shalt  }
0x7e: {  	_ =	shalt  }
0x7f: {  	_ =	shalt  }
0x80: {  	_ =	shalt  }
0x81: {  	_ =	shalt  }
0x82: {  	_ =	shalt  }
0x83: {  	_ =	shalt  }
0x84: {  	_ =	shalt  }
0x85: {  	_ =	shalt  }
0x86: {  	_ =	shalt  }
0x87: {  	_ =	shalt  }
.Lfunc_end0:
.L_simem_size_0:
called_computation_lowered:
.L_overlay_start_0:
0x88: {  	s2 =	sld [smem:$0x3FD9]  }
0x89: {  	s3 =	sld [smem:$0x3FFE];
	_ =	sdelay $0x1  }
0x8a: {  	s1 =	srdreg.scid  }
0x8b: {  	s0 =	sand.u32 $0x1, s1  }
0x8c: {  	s17 =	sshll.u32 s0, $0xA;
	s2 =	sadd.s32 s3, s2  }
0x8d: {  	s2 =	sadd.s32 s2, s17  }
0x8e: {  	[smem:$0x3FC7] =	sst s2  }
0x8f: {  	_ = 	snop  }
0x90: {  	s2 =	sld [smem:$0x3FD0];
	(tm) =	ssettm $0x1  }
0x91: {  	s18 =	sld [smem:$0x3FFB];
	_ =	sdelay $0x3  }
0x92: {  	_ =	strace s18  }
0x93: {  	s3 =	sld [smem:$0x3FFC];
	_ =	sdelay $0x3  }
0x94: {  	_ =	strace s3  }
0x95: {  	s3 =	sld [smem:$0x3FFD];
	_ =	sdelay $0x3  }
0x96: {  	_ =	strace s3  }
0x97: {  	_ =	strace $0x8FFFFFFF  }
0x98: {  	s19 =	sld [smem:$0x3FDB];
	_ =	sdelay $0x1  }
0x99: {  	s4 =	simm.s32 $_scs_section_size  }
0x9a: {  	s5 =	simm.s32 $_size__tile_overlayer_lowered;
	s6 =	simm.s32 $_tile_overlayer_lowered  }
0x9b: {  	s22 =	simm.s32 $0x1BFF;
	s21 =	sshll.u32 s6, $0x1;
	s3 =	sadd.s32 s4, s19  }
0x9c: {  	s7 =	simm.s32 $0x0;
	s20 =	sshll.u32 s5, $0x1;
	s5 =	sadd.s32 s21, s3  }
0x9d: {  	[timem:s7], [sflag:s22] =	dma.local [hbm:s5], s20  }
0x9e: {  	_ =	swait.ge [sflag:s22], s20  }
0x9f: {  	s4 =	ssub.s32 $0x0, s20;
	[sflag:s22] =	ssyncset.done $0x0  }
0xa0: {  	[sflag:s22] =	ssyncadd.s32 s4;
	_ =	sdelay $0x1  }
0xa1: {  	s23 =	simm.s32 $0x1B8B  }
0xa2: {  	_ =	swait.ge [sflag:s23], $0x1  }
0xa3: {  	[sflag:s23] =	ssyncset.done $0x0  }
0xa4: {  	s25 =	simm.s32 $0x1B8E;
	s24 =	sld [smem:$0x3FFE];
	[sflag:s23] =	ssyncadd.s32 $0xFFFFFFFF  }
0xa5: {  	s26 =	simm.s32 $execute0_lowered;
	[smem:$0x3FD2] =	sst s25  }
0xa6: {  	s5 =	sshll.u32 s26, $0x1;
	_ =	strace $0x80000046;
	[dreg:$0x1] =	wrdreg $0xFFFFFFFF  }
0xa7: {  	s28 =	simm.s32 $_size_execute0_lowered;
	s3 =	sadd.s32 s3, s5;
	[dreg:$0x0] =	wrdreg $0x0  }
0xa8: {  	s5 =	sshll.u32 s28, $0x1;
	[dreg:$0x2] =	wrdreg s3  }
0xa9: {  	[dreg:$0x3] =	wrdreg s5  }
0xaa: {  	[dreg:$0x4] =	wrdreg $0xC0  }
0xab: {  	_ =	task [dreg:s7], $0x5FFFF  }
0xac: {  	[dreg:$0x1] =	wrdreg $0xFFFFFFFF  }
0xad: {  	[dreg:$0x0] =	wrdreg $0x60  }
0xae: {  	[dreg:$0x2] =	wrdreg s2  }
0xaf: {  	[dreg:$0x3] =	wrdreg s24  }
0xb0: {  	[dreg:$0x4] =	wrdreg $0x9  }
0xb1: {  	_ =	task.clear_ibuf [dreg:s7], $0x5FFFF;
	_ =	strace $0x90000046  }
0xb2: {  	s29 =	simm.s32 $0x9;
	_ =	strace $0x80000048  }
0xb3: {  	_ =	swait.ge [sflag:s29], $0x1  }
0xb4: {  	[sflag:s29] =	ssyncadd.s32 $0xFFFFFFFF  }
0xb5: {  	_ =	strace $0x90000048  }
0xb6: {  	_ =	sfence  }
0xb7: {  	s30 =	sld [smem:$0x0];
	_ =	sdelay $0x2  }
0xb8: {  	s31 =	sshll.u32 s1, $0xD;
	s1 =	sshrl.u32 s1, $0x2  }
0xb9: {  	s3 =	sand.u32 $0x4000, s31;
	s1 =	sadd.s32 s1, s30  }
0xba: {  	s0 =	sor.u32 s3, s0;
	s1 =	sshll.u32 s1, $0x11  }
0xbb: {  	s0 =	sor.u32 s1, s0  }
0xbc: {  	s0 =	sadd.s32 $0x8F2B, s0  }
0xbd: {  	[sflag:s0] =	ssyncadd.remote.s32 $0x1  }
0xbe: {  	_ =	sfence.sel $0xFFFF  }
0xbf: {  	[dreg:$0x0] =	wrdreg $0xFFFFFFFF;
	(pc) =	sbr.abs _section_cstart, $3  }
0xc0: {  	[dreg:$0x1] =	wrdreg $0xFFFFFFFF  }
0xc1: {  	_ =	task.clear_ibuf [dreg:s7], $0x2FFFF;
	_ =	strace $0x9FFFFFFF  }
0xc2: {  	(tm) =	ssettm $0x7FFFFFFF  }
0xc3: {  	_ =	shalt  }
tec
execute0_lowered:
.L_overlay_start_1:
0x0: {  	(tag) =	ssettag $0x1  }
0x1: {  	v1 =	vlaneseq.u32;
	v0 =	vimm.s32 $0x248;
	vm0 =	vcmask $0x300  }
0x2: {  	vm1 =	vcmask $0x704;
	vm2 =	vcmask $0xB08;
	v3 =	vimm.s32 $0xB88  }
0x3: {  	vm3 =	vcmask $0xF0C;
	vm15 =	vcmask $0x1310;
	v0 =	vsel vm0, $0x128, v0  }
0x4: {  	vm6 =	vcmask $0x1714;
	v3 =	vsel vm0, $0x588, v3;
	v0 =	vsel vm1, $0x138, v0  }
0x5: {  	vm7 =	vcmask $0x1B18;
	v3 =	vsel vm1, $0x5C8, v3;
	v0 =	vsel vm2, $0x148, v0  }
0x6: {  	s1 =	srdreg.scid;
	s6 =	rddreg [dreg:$0x0];
	vm8 =	vcmask $0x1F1C;
	v3 =	vsel vm2, $0x608, v3;
	v0 =	vsel vm3, $0x158, v0  }
0x7: {  	s0 =	stileid.u32;
	s4 =	rddreg [dreg:$0x1];
	vm9 =	vcmask $0x2320;
	s11 =	simm.s32 $0x5;
	v3 =	vsel vm3, $0x648, v3;
	v0 =	vsel vm15, $0x168, v0  }
0x8: {  	vm10 =	vcmask $0x2724;
	s12 =	simm.s32 $0xD800;
	s13 =	simm.s32 $0x3;
	s14 =	simm.s32 $0x4;
	v3 =	vsel vm15, $0x688, v3;
	v0 =	vsel vm6, $0x178, v0  }
0x9: {  	vm11 =	vcmask $0x2B28;
	s15 =	simm.s32 $0x1;
	s16 =	simm.s32 $0x2;
	s5 =	sand.u32 $0x1, s1;
	v3 =	vsel vm6, $0x6C8, v3;
	v0 =	vsel vm7, $0x188, v0  }
0xa: {  	vm12 =	vcmask $0x2F2C;
	s17 =	simm.s32 $0x0;
	s2 =	sshll.u32 s0, $0x9;
	s1 =	sshll.u32 s5, $0xD;
	v3 =	vsel vm7, $0x708, v3;
	v0 =	vsel vm8, $0x198, v0  }
0xb: {  	vm13 =	vcmask $0x3330;
	s10 =	sshll.u32 s0, $0xD;
	s9 =	ssub.s32 $0x2, s5;
	s7 =	sor.u32 s2, s1;
	v3 =	vsel vm8, $0x788, v3;
	v0 =	vsel vm9, $0x1A8, v0  }
0xc: {  	vm14 =	vcmask $0x3734;
	s31 =	sshll.u32 s5, $0x11;
	s1 =	rddreg [dreg:$0x2];
	s3 =	sshrl.u32 s7, $0x3;
	v3 =	vsel vm9, $0x808, v3;
	v0 =	vsel vm10, $0x1B8, v0  }
0xd: {  	v2 =	vmul.u32 $0x10, v1;
	s2 =	simm.s32 $0x0;
	s30 =	sshrl.u32 s9, $0x1;
	s8 =	smul.u32 $0xC80, s3;
	v3 =	vsel vm10, $0x888, v3;
	v0 =	vsel vm11, $0x1C8, v0  }
.Ltmp0:
0xe: {  	[smem:$0x7FF] =	sst s2;
	s7 =	sshll.u32 s7, $0x4;
	vm15 =	vcmask $0x3B38;
	v3 =	vsel vm11, $0x908, v3;
	v0 =	vsel vm12, $0x1D8, v0;
	(pc) =	sbr.rel .LBB2_1-.Ltmp0, $4  }
0xf: {  	s9 =	ssub.s32 s9, s30;
	_ =	strace $0x80000047;
	s3 =	sadd.s32 $0x400, s4;
	v3 =	vsel vm12, $0x988, v3;
	v4 =	vsel vm13, $0x1E8, v0;
	v0 =	vadd.s32 $0x28, v2  }
0x10: {  	s8 =	sadd.s32 s8, s4;
	s4 =	sadd.s32 s6, s7;
	s7 =	sadd.s32 s31, s6;
	v3 =	vsel vm13, $0xA08, v3;
	v2 =	vsel vm14, $0x1F8, v4;
	v4 =	vmul.u32 $0x40, v1  }
0x11: {  	s6 =	smax.u32 s9, $0x1;
	s9 =	simm.s32 $0x800;
	s5 =	sadd.s32 $0x100, s4;
	v1 =	vimm.f32 $1.000000000e+00;
	v5 =	vsel vm14, $0xA88, v3;
	v2 =	vsel vm15, $0x208, v2  }
0x12: {  	s7 =	sadd.s32 s10, s7;
	s8 =	sadd.s32 $0x3700, s8;
	s10 =	simm.s32 $0x1000;
	v3 =	vadd.s32 $0x288, v4;
	v4 =	vsel vm15, $0xB08, v5;
	v5 =	vimm.f32 $0.0e+00  }
.LBB2_8:
0x13: {  	s17 =	sadd.s32 $0x1, s17  }
0x14: {  	_ =	swait.ge [sflag:s15], $0xC800;
	p0 =	sne.s32 s17, s6  }
.Ltmp1:
0x15: {  	[sflag:s15] =	ssyncset.done $0x0;
	(pc) =	sbr.rel @!p0 .LBB2_9-.Ltmp1, $4  }
0x16: {  	[sflag:s15] =	ssyncadd.s32 $0xFFFF3800  }
0x17: {  	_ =	swait.ge [sflag:s16], $0xC800  }
0x18: {  	[sflag:s16] =	ssyncset.done $0x0  }
0x19: {  	[sflag:s16] =	ssyncadd.s32 $0xFFFF3800  }
.LBB2_1:
0x1a: {  	[tilespmem:s2], [sflag:$0x3] =	stream.linear.gather [hbm4b:s4+s2], $0x800, $0x38;
	[tilespmem:$0x1A800] =	vst v63  }
0x1b: {  	_ = 	snop  }
0x1c: {  	[tilespmem:s9], [sflag:$0x4] =	stream.linear.gather [hbm4b:s5+s2], $0x800, $0x38;
	[tilespmem:$0x1A800] =	vst v63  }
0x1d: {  	_ = 	snop  }
0x1e: {  	[tilespmem:s10], [sflag:$0x5] =	stream.linear.gather [hbm4b:s3+s2], $0xC800, $0x38;
	[tilespmem:$0x1A800] =	vst v63  }
0x1f: {  	_ =	swait.ge [sflag:s11], $0xC800  }
0x20: {  	[sflag:s11] =	ssyncset.done $0x0  }
0x21: {  	[sflag:s11] =	ssyncadd.s32 $0xFFFF3800  }
0x22: {  	[tilespmem:s12], [sflag:$0x5] =	stream.linear.gather [hbm4b:s3+s2], $0xC800, $0x38;
	[tilespmem:$0x1A800] =	vst v63  }
0x23: {  	_ =	swait.ge [sflag:s11], $0xC800  }
0x24: {  	[sflag:s11] =	ssyncset.done $0x0  }
0x25: {  	s18 =	smov.u32 s8;
	s19 =	simm.s32 $0x0;
	[sflag:s11] =	ssyncadd.s32 $0xFFFF3800  }
.LBB2_2:
0x26: {  	p0 =	seq.s32 s19, $0x0  }
.Ltmp2:
0x27: {  	_ = 	snop;
	(pc) =	sbr.rel @p0 .LBB2_4-.Ltmp2, $1  }
0x28: {  	_ =	sdelay $0x3  }
0x29: {  	_ =	swait.ge [sflag:s15], $0xC800  }
0x2a: {  	[sflag:s15] =	ssyncset.done $0x0  }
0x2b: {  	[sflag:s15] =	ssyncadd.s32 $0xFFFF3800  }
0x2c: {  	v6 =	vld [tilespmem:$0x1A000];
	_ =	sdelay $0x4  }
0x2d: {  	v7 =	vshll.u32 v6, $0x3  }
0x2e: {  	v6 =	vand.u32 $0x7F, v6;
	v7 =	vand.u32 $0xFFFFFC00, v7  }
0x2f: {  	v6 =	vor.u32 v6, v7;
	_ =	sdelay $0x4  }
0x30: {  	[tilespmem:v6+s10+$0x0] =	vst.idx.msk $0xffff, v5  }
0x31: {  	v6 =	vld [tilespmem:$0x1A010];
	_ =	sdelay $0x4  }
0x32: {  	v7 =	vshll.u32 v6, $0x3  }
0x33: {  	v6 =	vand.u32 $0x7F, v6;
	v7 =	vand.u32 $0xFFFFFC00, v7  }
0x34: {  	v6 =	vor.u32 v6, v7;
	_ =	sdelay $0x4  }
0x35: {  	[tilespmem:v6+s10+$0x0] =	vst.idx.msk $0xffff, v5  }
0x36: {  	v6 =	vld [tilespmem:$0x1A020];
	_ =	sdelay $0x4  }
0x37: {  	v7 =	vshll.u32 v6, $0x3  }
0x38: {  	v6 =	vand.u32 $0x7F, v6;
	v7 =	vand.u32 $0xFFFFFC00, v7  }
0x39: {  	v6 =	vor.u32 v6, v7;
	_ =	sdelay $0x4  }
0x3a: {  	[tilespmem:v6+s10+$0x0] =	vst.idx.msk $0xffff, v5  }
0x3b: {  	v6 =	vld [tilespmem:$0x1A030];
	_ =	sdelay $0x4  }
0x3c: {  	v7 =	vshll.u32 v6, $0x3  }
0x3d: {  	v6 =	vand.u32 $0x7F, v6;
	v7 =	vand.u32 $0xFFFFFC00, v7  }
0x3e: {  	v6 =	vor.u32 v6, v7;
	_ =	sdelay $0x4  }
0x3f: {  	[tilespmem:v6+s10+$0x0] =	vst.idx.msk $0xffff, v5  }
0x40: {  	v6 =	vld [tilespmem:$0x1A040];
	_ =	sdelay $0x4  }
0x41: {  	v7 =	vshll.u32 v6, $0x3  }
0x42: {  	v6 =	vand.u32 $0x7F, v6;
	v7 =	vand.u32 $0xFFFFFC00, v7  }
0x43: {  	v6 =	vor.u32 v7, v6  }
0x44: {  	v6 =	vor.u32 $0x80, v6;
	_ =	sdelay $0x4  }
0x45: {  	[tilespmem:v6+s10+$0x0] =	vst.idx.msk $0xffff, v5  }
0x46: {  	v6 =	vld [tilespmem:$0x1A050];
	_ =	sdelay $0x4  }
0x47: {  	v7 =	vshll.u32 v6, $0x3  }
0x48: {  	v6 =	vand.u32 $0x7F, v6;
	v7 =	vand.u32 $0xFFFFFC00, v7  }
0x49: {  	v6 =	vor.u32 v7, v6  }
0x4a: {  	v6 =	vor.u32 $0x80, v6;
	_ =	sdelay $0x4  }
0x4b: {  	[tilespmem:v6+s10+$0x0] =	vst.idx.msk $0xffff, v5  }
0x4c: {  	v6 =	vld [tilespmem:$0x1A060];
	_ =	sdelay $0x4  }
0x4d: {  	v7 =	vshll.u32 v6, $0x3  }
0x4e: {  	v6 =	vand.u32 $0x7F, v6;
	v7 =	vand.u32 $0xFFFFFC00, v7  }
0x4f: {  	v6 =	vor.u32 v7, v6  }
0x50: {  	v6 =	vor.u32 $0x80, v6;
	_ =	sdelay $0x4  }
0x51: {  	[tilespmem:v6+s10+$0x0] =	vst.idx.msk $0xffff, v5  }
0x52: {  	v6 =	vld [tilespmem:$0x1A070];
	_ =	sdelay $0x4  }
0x53: {  	v7 =	vshll.u32 v6, $0x3  }
0x54: {  	v6 =	vand.u32 $0x7F, v6;
	v7 =	vand.u32 $0xFFFFFC00, v7  }
0x55: {  	v6 =	vor.u32 v7, v6  }
0x56: {  	v6 =	vor.u32 $0x80, v6;
	_ =	sdelay $0x4  }
0x57: {  	[tilespmem:v6+s10+$0x0] =	vst.idx.msk $0xffff, v5  }
0x58: {  	v6 =	vld [tilespmem:$0x1A080];
	_ =	sdelay $0x4  }
0x59: {  	v7 =	vshll.u32 v6, $0x3  }
0x5a: {  	v6 =	vand.u32 $0x7F, v6;
	v7 =	vand.u32 $0xFFFFFC00, v7  }
0x5b: {  	v6 =	vor.u32 v7, v6  }
0x5c: {  	v6 =	vor.u32 $0x100, v6;
	_ =	sdelay $0x4  }
0x5d: {  	[tilespmem:v6+s10+$0x0] =	vst.idx.msk $0xffff, v5  }
0x5e: {  	v6 =	vld [tilespmem:$0x1A090];
	_ =	sdelay $0x4  }
0x5f: {  	v7 =	vshll.u32 v6, $0x3  }
0x60: {  	v6 =	vand.u32 $0x7F, v6;
	v7 =	vand.u32 $0xFFFFFC00, v7  }
0x61: {  	v6 =	vor.u32 v7, v6  }
0x62: {  	v6 =	vor.u32 $0x100, v6;
	_ =	sdelay $0x4  }
0x63: {  	[tilespmem:v6+s10+$0x0] =	vst.idx.msk $0xffff, v5  }
0x64: {  	v6 =	vld [tilespmem:$0x1A0A0];
	_ =	sdelay $0x4  }
0x65: {  	v7 =	vshll.u32 v6, $0x3  }
0x66: {  	v6 =	vand.u32 $0x7F, v6;
	v7 =	vand.u32 $0xFFFFFC00, v7  }
0x67: {  	v6 =	vor.u32 v7, v6  }
0x68: {  	v6 =	vor.u32 $0x100, v6;
	_ =	sdelay $0x4  }
0x69: {  	[tilespmem:v6+s10+$0x0] =	vst.idx.msk $0xffff, v5  }
0x6a: {  	v6 =	vld [tilespmem:$0x1A0B0];
	_ =	sdelay $0x4  }
0x6b: {  	v7 =	vshll.u32 v6, $0x3  }
0x6c: {  	v6 =	vand.u32 $0x7F, v6;
	v7 =	vand.u32 $0xFFFFFC00, v7  }
0x6d: {  	v6 =	vor.u32 v7, v6  }
0x6e: {  	v6 =	vor.u32 $0x100, v6;
	_ =	sdelay $0x4  }
0x6f: {  	[tilespmem:v6+s10+$0x0] =	vst.idx.msk $0xffff, v5  }
0x70: {  	v6 =	vld [tilespmem:$0x1A0C0];
	_ =	sdelay $0x4  }
0x71: {  	v7 =	vshll.u32 v6, $0x3  }
0x72: {  	v6 =	vand.u32 $0x7F, v6;
	v7 =	vand.u32 $0xFFFFFC00, v7  }
0x73: {  	v6 =	vor.u32 v7, v6  }
0x74: {  	v6 =	vor.u32 $0x180, v6;
	_ =	sdelay $0x4  }
0x75: {  	[tilespmem:v6+s10+$0x0] =	vst.idx.msk $0xffff, v5  }
0x76: {  	v6 =	vld [tilespmem:$0x1A0D0];
	_ =	sdelay $0x4  }
0x77: {  	v7 =	vshll.u32 v6, $0x3  }
0x78: {  	v6 =	vand.u32 $0x7F, v6;
	v7 =	vand.u32 $0xFFFFFC00, v7  }
0x79: {  	v6 =	vor.u32 v7, v6  }
0x7a: {  	v6 =	vor.u32 $0x180, v6;
	_ =	sdelay $0x4  }
0x7b: {  	[tilespmem:v6+s10+$0x0] =	vst.idx.msk $0xffff, v5  }
0x7c: {  	v6 =	vld [tilespmem:$0x1A0E0];
	_ =	sdelay $0x4  }
0x7d: {  	v7 =	vshll.u32 v6, $0x3  }
0x7e: {  	v6 =	vand.u32 $0x7F, v6;
	v7 =	vand.u32 $0xFFFFFC00, v7  }
0x7f: {  	v6 =	vor.u32 v7, v6  }
0x80: {  	v6 =	vor.u32 $0x180, v6;
	_ =	sdelay $0x4  }
0x81: {  	[tilespmem:v6+s10+$0x0] =	vst.idx.msk $0xffff, v5  }
0x82: {  	v6 =	vld [tilespmem:$0x1A0F0];
	_ =	sdelay $0x4  }
0x83: {  	v7 =	vshll.u32 v6, $0x3  }
0x84: {  	v6 =	vand.u32 $0x7F, v6;
	v7 =	vand.u32 $0xFFFFFC00, v7  }
0x85: {  	v6 =	vor.u32 v7, v6  }
0x86: {  	v6 =	vor.u32 $0x180, v6;
	_ =	sdelay $0x4  }
0x87: {  	[tilespmem:v6+s10+$0x0] =	vst.idx.msk $0xffff, v5  }
0x88: {  	v6 =	vld [tilespmem:$0x1A100];
	_ =	sdelay $0x4  }
0x89: {  	v7 =	vshll.u32 v6, $0x3  }
0x8a: {  	v6 =	vand.u32 $0x7F, v6;
	v7 =	vand.u32 $0xFFFFFC00, v7  }
0x8b: {  	v6 =	vor.u32 v7, v6  }
0x8c: {  	v6 =	vor.u32 $0x200, v6;
	_ =	sdelay $0x4  }
0x8d: {  	[tilespmem:v6+s10+$0x0] =	vst.idx.msk $0xffff, v5  }
0x8e: {  	v6 =	vld [tilespmem:$0x1A110];
	_ =	sdelay $0x4  }
0x8f: {  	v7 =	vshll.u32 v6, $0x3  }
0x90: {  	v6 =	vand.u32 $0x7F, v6;
	v7 =	vand.u32 $0xFFFFFC00, v7  }
0x91: {  	v6 =	vor.u32 v7, v6  }
0x92: {  	v6 =	vor.u32 $0x200, v6;
	_ =	sdelay $0x4  }
0x93: {  	[tilespmem:v6+s10+$0x0] =	vst.idx.msk $0xffff, v5  }
0x94: {  	v6 =	vld [tilespmem:$0x1A120];
	_ =	sdelay $0x4  }
0x95: {  	v7 =	vshll.u32 v6, $0x3  }
0x96: {  	v6 =	vand.u32 $0x7F, v6;
	v7 =	vand.u32 $0xFFFFFC00, v7  }
0x97: {  	v6 =	vor.u32 v7, v6  }
0x98: {  	v6 =	vor.u32 $0x200, v6;
	_ =	sdelay $0x4  }
0x99: {  	[tilespmem:v6+s10+$0x0] =	vst.idx.msk $0xffff, v5  }
0x9a: {  	v6 =	vld [tilespmem:$0x1A130];
	_ =	sdelay $0x4  }
0x9b: {  	v7 =	vshll.u32 v6, $0x3  }
0x9c: {  	v6 =	vand.u32 $0x7F, v6;
	v7 =	vand.u32 $0xFFFFFC00, v7  }
0x9d: {  	v6 =	vor.u32 v7, v6  }
0x9e: {  	v6 =	vor.u32 $0x200, v6;
	_ =	sdelay $0x4  }
0x9f: {  	[tilespmem:v6+s10+$0x0] =	vst.idx.msk $0xffff, v5  }
0xa0: {  	v6 =	vld [tilespmem:$0x1A140];
	_ =	sdelay $0x4  }
0xa1: {  	v7 =	vshll.u32 v6, $0x3  }
0xa2: {  	v6 =	vand.u32 $0x7F, v6;
	v7 =	vand.u32 $0xFFFFFC00, v7  }
0xa3: {  	v6 =	vor.u32 v7, v6  }
0xa4: {  	v6 =	vor.u32 $0x280, v6;
	_ =	sdelay $0x4  }
0xa5: {  	[tilespmem:v6+s10+$0x0] =	vst.idx.msk $0xffff, v5  }
0xa6: {  	v6 =	vld [tilespmem:$0x1A150];
	_ =	sdelay $0x4  }
0xa7: {  	v7 =	vshll.u32 v6, $0x3  }
0xa8: {  	v6 =	vand.u32 $0x7F, v6;
	v7 =	vand.u32 $0xFFFFFC00, v7  }
0xa9: {  	v6 =	vor.u32 v7, v6  }
0xaa: {  	v6 =	vor.u32 $0x280, v6;
	_ =	sdelay $0x4  }
0xab: {  	[tilespmem:v6+s10+$0x0] =	vst.idx.msk $0xffff, v5  }
0xac: {  	v6 =	vld [tilespmem:$0x1A160];
	_ =	sdelay $0x4  }
0xad: {  	v7 =	vshll.u32 v6, $0x3  }
0xae: {  	v6 =	vand.u32 $0x7F, v6;
	v7 =	vand.u32 $0xFFFFFC00, v7  }
0xaf: {  	v6 =	vor.u32 v7, v6  }
0xb0: {  	v6 =	vor.u32 $0x280, v6;
	_ =	sdelay $0x4  }
0xb1: {  	[tilespmem:v6+s10+$0x0] =	vst.idx.msk $0xffff, v5  }
0xb2: {  	v6 =	vld [tilespmem:$0x1A170];
	_ =	sdelay $0x4  }
0xb3: {  	v7 =	vshll.u32 v6, $0x3  }
0xb4: {  	v6 =	vand.u32 $0x7F, v6;
	v7 =	vand.u32 $0xFFFFFC00, v7  }
0xb5: {  	v6 =	vor.u32 v7, v6  }
0xb6: {  	v6 =	vor.u32 $0x280, v6;
	_ =	sdelay $0x4  }
0xb7: {  	[tilespmem:v6+s10+$0x0] =	vst.idx.msk $0xffff, v5  }
0xb8: {  	v6 =	vld [tilespmem:$0x1A180];
	_ =	sdelay $0x4  }
0xb9: {  	v7 =	vshll.u32 v6, $0x3  }
0xba: {  	v6 =	vand.u32 $0x7F, v6;
	v7 =	vand.u32 $0xFFFFFC00, v7  }
0xbb: {  	v6 =	vor.u32 v7, v6  }
0xbc: {  	v6 =	vor.u32 $0x300, v6;
	_ =	sdelay $0x4  }
0xbd: {  	[tilespmem:v6+s10+$0x0] =	vst.idx.msk $0xffff, v5  }
0xbe: {  	v6 =	vld [tilespmem:$0x1A190];
	_ =	sdelay $0x4  }
0xbf: {  	v7 =	vshll.u32 v6, $0x3  }
0xc0: {  	v6 =	vand.u32 $0x7F, v6;
	v7 =	vand.u32 $0xFFFFFC00, v7  }
0xc1: {  	v6 =	vor.u32 v7, v6  }
0xc2: {  	v6 =	vor.u32 $0x300, v6;
	_ =	sdelay $0x4  }
0xc3: {  	[tilespmem:v6+s10+$0x0] =	vst.idx.msk $0xffff, v5  }
0xc4: {  	v6 =	vld [tilespmem:$0x1A1A0];
	_ =	sdelay $0x4  }
0xc5: {  	v7 =	vshll.u32 v6, $0x3  }
0xc6: {  	v6 =	vand.u32 $0x7F, v6;
	v7 =	vand.u32 $0xFFFFFC00, v7  }
0xc7: {  	v6 =	vor.u32 v7, v6  }
0xc8: {  	v6 =	vor.u32 $0x300, v6;
	_ =	sdelay $0x4  }
0xc9: {  	[tilespmem:v6+s10+$0x0] =	vst.idx.msk $0xffff, v5  }
0xca: {  	v6 =	vld [tilespmem:$0x1A1B0];
	_ =	sdelay $0x4  }
0xcb: {  	v7 =	vshll.u32 v6, $0x3  }
0xcc: {  	v6 =	vand.u32 $0x7F, v6;
	v7 =	vand.u32 $0xFFFFFC00, v7  }
0xcd: {  	v6 =	vor.u32 v7, v6  }
0xce: {  	v6 =	vor.u32 $0x300, v6;
	_ =	sdelay $0x4  }
0xcf: {  	[tilespmem:v6+s10+$0x0] =	vst.idx.msk $0xffff, v5  }
0xd0: {  	v6 =	vld [tilespmem:$0x1A1C0];
	_ =	sdelay $0x4  }
0xd1: {  	v7 =	vshll.u32 v6, $0x3  }
0xd2: {  	v6 =	vand.u32 $0x7F, v6;
	v7 =	vand.u32 $0xFFFFFC00, v7  }
0xd3: {  	v6 =	vor.u32 v7, v6  }
0xd4: {  	v6 =	vor.u32 $0x380, v6;
	_ =	sdelay $0x4  }
0xd5: {  	[tilespmem:v6+s10+$0x0] =	vst.idx.msk $0xffff, v5  }
0xd6: {  	v6 =	vld [tilespmem:$0x1A1D0];
	_ =	sdelay $0x4  }
0xd7: {  	v7 =	vshll.u32 v6, $0x3  }
0xd8: {  	v6 =	vand.u32 $0x7F, v6;
	v7 =	vand.u32 $0xFFFFFC00, v7  }
0xd9: {  	v6 =	vor.u32 v7, v6  }
0xda: {  	v6 =	vor.u32 $0x380, v6;
	_ =	sdelay $0x4  }
0xdb: {  	[tilespmem:v6+s10+$0x0] =	vst.idx.msk $0xffff, v5  }
0xdc: {  	v6 =	vld [tilespmem:$0x1A1E0];
	_ =	sdelay $0x4  }
0xdd: {  	v7 =	vshll.u32 v6, $0x3  }
0xde: {  	v6 =	vand.u32 $0x7F, v6;
	v7 =	vand.u32 $0xFFFFFC00, v7  }
0xdf: {  	v6 =	vor.u32 v7, v6  }
0xe0: {  	v6 =	vor.u32 $0x380, v6;
	_ =	sdelay $0x4  }
0xe1: {  	[tilespmem:v6+s10+$0x0] =	vst.idx.msk $0xffff, v5  }
0xe2: {  	v6 =	vld [tilespmem:$0x1A1F0];
	_ =	sdelay $0x4  }
0xe3: {  	v7 =	vshll.u32 v6, $0x3  }
0xe4: {  	v6 =	vand.u32 $0x7F, v6;
	v7 =	vand.u32 $0xFFFFFC00, v7  }
0xe5: {  	v6 =	vor.u32 v7, v6  }
0xe6: {  	v6 =	vor.u32 $0x380, v6;
	_ =	sdelay $0x4  }
0xe7: {  	[tilespmem:v6+s10+$0x0] =	vst.idx.msk $0xffff, v5  }
0xe8: {  	v6 =	vld [tilespmem:$0x1A200];
	_ =	sdelay $0x4  }
0xe9: {  	v7 =	vshll.u32 v6, $0x3  }
0xea: {  	v6 =	vand.u32 $0x7F, v6;
	v7 =	vand.u32 $0xFFFFFC00, v7  }
0xeb: {  	v6 =	vor.u32 v6, v7  }
0xec: {  	v6 =	vadd.s32 $0x6400, v6;
	_ =	sdelay $0x4  }
0xed: {  	[tilespmem:v6+s10+$0x0] =	vst.idx.msk $0xffff, v5  }
0xee: {  	v6 =	vld [tilespmem:$0x1A210];
	_ =	sdelay $0x4  }
0xef: {  	v7 =	vshll.u32 v6, $0x3  }
0xf0: {  	v6 =	vand.u32 $0x7F, v6;
	v7 =	vand.u32 $0xFFFFFC00, v7  }
0xf1: {  	v6 =	vor.u32 v6, v7  }
0xf2: {  	v6 =	vadd.s32 $0x6400, v6;
	_ =	sdelay $0x4  }
0xf3: {  	[tilespmem:v6+s10+$0x0] =	vst.idx.msk $0xffff, v5  }
0xf4: {  	v6 =	vld [tilespmem:$0x1A220];
	_ =	sdelay $0x4  }
0xf5: {  	v7 =	vshll.u32 v6, $0x3  }
0xf6: {  	v6 =	vand.u32 $0x7F, v6;
	v7 =	vand.u32 $0xFFFFFC00, v7  }
0xf7: {  	v6 =	vor.u32 v6, v7  }
0xf8: {  	v6 =	vadd.s32 $0x6400, v6;
	_ =	sdelay $0x4  }
0xf9: {  	[tilespmem:v6+s10+$0x0] =	vst.idx.msk $0xffff, v5  }
0xfa: {  	v6 =	vld [tilespmem:$0x1A230];
	_ =	sdelay $0x4  }
0xfb: {  	v7 =	vshll.u32 v6, $0x3  }
0xfc: {  	v6 =	vand.u32 $0x7F, v6;
	v7 =	vand.u32 $0xFFFFFC00, v7  }
0xfd: {  	v6 =	vor.u32 v6, v7  }
0xfe: {  	v6 =	vadd.s32 $0x6400, v6;
	_ =	sdelay $0x4  }
0xff: {  	[tilespmem:v6+s10+$0x0] =	vst.idx.msk $0xffff, v5  }
0x100: {  	v6 =	vld [tilespmem:$0x1A240];
	_ =	sdelay $0x4  }
0x101: {  	v7 =	vshll.u32 v6, $0x3  }
0x102: {  	v6 =	vand.u32 $0x7F, v6;
	v7 =	vand.u32 $0xFFFFFC00, v7  }
0x103: {  	v6 =	vor.u32 v6, v7  }
0x104: {  	v6 =	vadd.s32 $0x6480, v6;
	_ =	sdelay $0x4  }
0x105: {  	[tilespmem:v6+s10+$0x0] =	vst.idx.msk $0xffff, v5  }
0x106: {  	v6 =	vld [tilespmem:$0x1A250];
	_ =	sdelay $0x4  }
0x107: {  	v7 =	vshll.u32 v6, $0x3  }
0x108: {  	v6 =	vand.u32 $0x7F, v6;
	v7 =	vand.u32 $0xFFFFFC00, v7  }
0x109: {  	v6 =	vor.u32 v6, v7  }
0x10a: {  	v6 =	vadd.s32 $0x6480, v6;
	_ =	sdelay $0x4  }
0x10b: {  	[tilespmem:v6+s10+$0x0] =	vst.idx.msk $0xffff, v5  }
0x10c: {  	v6 =	vld [tilespmem:$0x1A260];
	_ =	sdelay $0x4  }
0x10d: {  	v7 =	vshll.u32 v6, $0x3  }
0x10e: {  	v6 =	vand.u32 $0x7F, v6;
	v7 =	vand.u32 $0xFFFFFC00, v7  }
0x10f: {  	v6 =	vor.u32 v6, v7  }
0x110: {  	v6 =	vadd.s32 $0x6480, v6;
	_ =	sdelay $0x4  }
0x111: {  	[tilespmem:v6+s10+$0x0] =	vst.idx.msk $0xffff, v5  }
0x112: {  	v6 =	vld [tilespmem:$0x1A270];
	_ =	sdelay $0x4  }
0x113: {  	v7 =	vshll.u32 v6, $0x3  }
0x114: {  	v6 =	vand.u32 $0x7F, v6;
	v7 =	vand.u32 $0xFFFFFC00, v7  }
0x115: {  	v6 =	vor.u32 v6, v7  }
0x116: {  	v6 =	vadd.s32 $0x6480, v6;
	_ =	sdelay $0x4  }
0x117: {  	[tilespmem:v6+s10+$0x0] =	vst.idx.msk $0xffff, v5  }
0x118: {  	v6 =	vld [tilespmem:$0x1A280];
	_ =	sdelay $0x4  }
0x119: {  	v7 =	vshll.u32 v6, $0x3  }
0x11a: {  	v6 =	vand.u32 $0x7F, v6;
	v7 =	vand.u32 $0xFFFFFC00, v7  }
0x11b: {  	v6 =	vor.u32 v6, v7  }
0x11c: {  	v6 =	vadd.s32 $0x6500, v6;
	_ =	sdelay $0x4  }
0x11d: {  	[tilespmem:v6+s10+$0x0] =	vst.idx.msk $0xffff, v5  }
0x11e: {  	v6 =	vld [tilespmem:$0x1A290];
	_ =	sdelay $0x4  }
0x11f: {  	v7 =	vshll.u32 v6, $0x3  }
0x120: {  	v6 =	vand.u32 $0x7F, v6;
	v7 =	vand.u32 $0xFFFFFC00, v7  }
0x121: {  	v6 =	vor.u32 v6, v7  }
0x122: {  	v6 =	vadd.s32 $0x6500, v6;
	_ =	sdelay $0x4  }
0x123: {  	[tilespmem:v6+s10+$0x0] =	vst.idx.msk $0xffff, v5  }
0x124: {  	v6 =	vld [tilespmem:$0x1A2A0];
	_ =	sdelay $0x4  }
0x125: {  	v7 =	vshll.u32 v6, $0x3  }
0x126: {  	v6 =	vand.u32 $0x7F, v6;
	v7 =	vand.u32 $0xFFFFFC00, v7  }
0x127: {  	v6 =	vor.u32 v6, v7  }
0x128: {  	v6 =	vadd.s32 $0x6500, v6;
	_ =	sdelay $0x4  }
0x129: {  	[tilespmem:v6+s10+$0x0] =	vst.idx.msk $0xffff, v5  }
0x12a: {  	v6 =	vld [tilespmem:$0x1A2B0];
	_ =	sdelay $0x4  }
0x12b: {  	v7 =	vshll.u32 v6, $0x3  }
0x12c: {  	v6 =	vand.u32 $0x7F, v6;
	v7 =	vand.u32 $0xFFFFFC00, v7  }
0x12d: {  	v6 =	vor.u32 v6, v7  }
0x12e: {  	v6 =	vadd.s32 $0x6500, v6;
	_ =	sdelay $0x4  }
0x12f: {  	[tilespmem:v6+s10+$0x0] =	vst.idx.msk $0xffff, v5  }
0x130: {  	v6 =	vld [tilespmem:$0x1A2C0];
	_ =	sdelay $0x4  }
0x131: {  	v7 =	vshll.u32 v6, $0x3  }
0x132: {  	v6 =	vand.u32 $0x7F, v6;
	v7 =	vand.u32 $0xFFFFFC00, v7  }
0x133: {  	v6 =	vor.u32 v6, v7  }
0x134: {  	v6 =	vadd.s32 $0x6580, v6;
	_ =	sdelay $0x4  }
0x135: {  	[tilespmem:v6+s10+$0x0] =	vst.idx.msk $0xffff, v5  }
0x136: {  	v6 =	vld [tilespmem:$0x1A2D0];
	_ =	sdelay $0x4  }
0x137: {  	v7 =	vshll.u32 v6, $0x3  }
0x138: {  	v6 =	vand.u32 $0x7F, v6;
	v7 =	vand.u32 $0xFFFFFC00, v7  }
0x139: {  	v6 =	vor.u32 v6, v7  }
0x13a: {  	v6 =	vadd.s32 $0x6580, v6;
	_ =	sdelay $0x4  }
0x13b: {  	[tilespmem:v6+s10+$0x0] =	vst.idx.msk $0xffff, v5  }
0x13c: {  	v6 =	vld [tilespmem:$0x1A2E0];
	_ =	sdelay $0x4  }
0x13d: {  	v7 =	vshll.u32 v6, $0x3  }
0x13e: {  	v6 =	vand.u32 $0x7F, v6;
	v7 =	vand.u32 $0xFFFFFC00, v7  }
0x13f: {  	v6 =	vor.u32 v6, v7  }
0x140: {  	v6 =	vadd.s32 $0x6580, v6;
	_ =	sdelay $0x4  }
0x141: {  	[tilespmem:v6+s10+$0x0] =	vst.idx.msk $0xffff, v5  }
0x142: {  	v6 =	vld [tilespmem:$0x1A2F0];
	_ =	sdelay $0x4  }
0x143: {  	v7 =	vshll.u32 v6, $0x3  }
0x144: {  	v6 =	vand.u32 $0x7F, v6;
	v7 =	vand.u32 $0xFFFFFC00, v7  }
0x145: {  	v6 =	vor.u32 v6, v7  }
0x146: {  	v6 =	vadd.s32 $0x6580, v6;
	_ =	sdelay $0x4  }
0x147: {  	[tilespmem:v6+s10+$0x0] =	vst.idx.msk $0xffff, v5  }
0x148: {  	v6 =	vld [tilespmem:$0x1A300];
	_ =	sdelay $0x4  }
0x149: {  	v7 =	vshll.u32 v6, $0x3  }
0x14a: {  	v6 =	vand.u32 $0x7F, v6;
	v7 =	vand.u32 $0xFFFFFC00, v7  }
0x14b: {  	v6 =	vor.u32 v6, v7  }
0x14c: {  	v6 =	vadd.s32 $0x6600, v6;
	_ =	sdelay $0x4  }
0x14d: {  	[tilespmem:v6+s10+$0x0] =	vst.idx.msk $0xffff, v5  }
0x14e: {  	v6 =	vld [tilespmem:$0x1A310];
	_ =	sdelay $0x4  }
0x14f: {  	v7 =	vshll.u32 v6, $0x3  }
0x150: {  	v6 =	vand.u32 $0x7F, v6;
	v7 =	vand.u32 $0xFFFFFC00, v7  }
0x151: {  	v6 =	vor.u32 v6, v7  }
0x152: {  	v6 =	vadd.s32 $0x6600, v6;
	_ =	sdelay $0x4  }
0x153: {  	[tilespmem:v6+s10+$0x0] =	vst.idx.msk $0xffff, v5  }
0x154: {  	v6 =	vld [tilespmem:$0x1A320];
	_ =	sdelay $0x4  }
0x155: {  	v7 =	vshll.u32 v6, $0x3  }
0x156: {  	v6 =	vand.u32 $0x7F, v6;
	v7 =	vand.u32 $0xFFFFFC00, v7  }
0x157: {  	v6 =	vor.u32 v6, v7  }
0x158: {  	v6 =	vadd.s32 $0x6600, v6;
	_ =	sdelay $0x4  }
0x159: {  	[tilespmem:v6+s10+$0x0] =	vst.idx.msk $0xffff, v5  }
0x15a: {  	v6 =	vld [tilespmem:$0x1A330];
	_ =	sdelay $0x4  }
0x15b: {  	v7 =	vshll.u32 v6, $0x3  }
0x15c: {  	v6 =	vand.u32 $0x7F, v6;
	v7 =	vand.u32 $0xFFFFFC00, v7  }
0x15d: {  	v6 =	vor.u32 v6, v7  }
0x15e: {  	v6 =	vadd.s32 $0x6600, v6;
	_ =	sdelay $0x4  }
0x15f: {  	[tilespmem:v6+s10+$0x0] =	vst.idx.msk $0xffff, v5  }
0x160: {  	v6 =	vld [tilespmem:$0x1A340];
	_ =	sdelay $0x4  }
0x161: {  	v7 =	vshll.u32 v6, $0x3  }
0x162: {  	v6 =	vand.u32 $0x7F, v6;
	v7 =	vand.u32 $0xFFFFFC00, v7  }
0x163: {  	v6 =	vor.u32 v6, v7  }
0x164: {  	v6 =	vadd.s32 $0x6680, v6;
	_ =	sdelay $0x4  }
0x165: {  	[tilespmem:v6+s10+$0x0] =	vst.idx.msk $0xffff, v5  }
0x166: {  	v6 =	vld [tilespmem:$0x1A350];
	_ =	sdelay $0x4  }
0x167: {  	v7 =	vshll.u32 v6, $0x3  }
0x168: {  	v6 =	vand.u32 $0x7F, v6;
	v7 =	vand.u32 $0xFFFFFC00, v7  }
0x169: {  	v6 =	vor.u32 v6, v7  }
0x16a: {  	v6 =	vadd.s32 $0x6680, v6;
	_ =	sdelay $0x4  }
0x16b: {  	[tilespmem:v6+s10+$0x0] =	vst.idx.msk $0xffff, v5  }
0x16c: {  	v6 =	vld [tilespmem:$0x1A360];
	_ =	sdelay $0x4  }
0x16d: {  	v7 =	vshll.u32 v6, $0x3  }
0x16e: {  	v6 =	vand.u32 $0x7F, v6;
	v7 =	vand.u32 $0xFFFFFC00, v7  }
0x16f: {  	v6 =	vor.u32 v6, v7  }
0x170: {  	v6 =	vadd.s32 $0x6680, v6;
	_ =	sdelay $0x4  }
0x171: {  	[tilespmem:v6+s10+$0x0] =	vst.idx.msk $0xffff, v5  }
0x172: {  	v6 =	vld [tilespmem:$0x1A370];
	_ =	sdelay $0x4  }
0x173: {  	v7 =	vshll.u32 v6, $0x3  }
0x174: {  	v6 =	vand.u32 $0x7F, v6;
	v7 =	vand.u32 $0xFFFFFC00, v7  }
0x175: {  	v6 =	vor.u32 v6, v7  }
0x176: {  	v6 =	vadd.s32 $0x6680, v6;
	_ =	sdelay $0x4  }
0x177: {  	[tilespmem:v6+s10+$0x0] =	vst.idx.msk $0xffff, v5  }
0x178: {  	v6 =	vld [tilespmem:$0x1A380];
	_ =	sdelay $0x4  }
0x179: {  	v7 =	vshll.u32 v6, $0x3  }
0x17a: {  	v6 =	vand.u32 $0x7F, v6;
	v7 =	vand.u32 $0xFFFFFC00, v7  }
0x17b: {  	v6 =	vor.u32 v6, v7  }
0x17c: {  	v6 =	vadd.s32 $0x6700, v6;
	_ =	sdelay $0x4  }
0x17d: {  	[tilespmem:v6+s10+$0x0] =	vst.idx.msk $0xffff, v5  }
0x17e: {  	v6 =	vld [tilespmem:$0x1A390];
	_ =	sdelay $0x4  }
0x17f: {  	v7 =	vshll.u32 v6, $0x3  }
0x180: {  	v6 =	vand.u32 $0x7F, v6;
	v7 =	vand.u32 $0xFFFFFC00, v7  }
0x181: {  	v6 =	vor.u32 v6, v7  }
0x182: {  	v6 =	vadd.s32 $0x6700, v6;
	_ =	sdelay $0x4  }
0x183: {  	[tilespmem:v6+s10+$0x0] =	vst.idx.msk $0xffff, v5  }
0x184: {  	v6 =	vld [tilespmem:$0x1A3A0];
	_ =	sdelay $0x4  }
0x185: {  	v7 =	vshll.u32 v6, $0x3  }
0x186: {  	v6 =	vand.u32 $0x7F, v6;
	v7 =	vand.u32 $0xFFFFFC00, v7  }
0x187: {  	v6 =	vor.u32 v6, v7  }
0x188: {  	v6 =	vadd.s32 $0x6700, v6;
	_ =	sdelay $0x4  }
0x189: {  	[tilespmem:v6+s10+$0x0] =	vst.idx.msk $0xffff, v5  }
0x18a: {  	v6 =	vld [tilespmem:$0x1A3B0];
	_ =	sdelay $0x4  }
0x18b: {  	v7 =	vshll.u32 v6, $0x3  }
0x18c: {  	v6 =	vand.u32 $0x7F, v6;
	v7 =	vand.u32 $0xFFFFFC00, v7  }
0x18d: {  	v6 =	vor.u32 v6, v7  }
0x18e: {  	v6 =	vadd.s32 $0x6700, v6;
	_ =	sdelay $0x4  }
0x18f: {  	[tilespmem:v6+s10+$0x0] =	vst.idx.msk $0xffff, v5  }
0x190: {  	v6 =	vld [tilespmem:$0x1A3C0];
	_ =	sdelay $0x4  }
0x191: {  	v7 =	vshll.u32 v6, $0x3  }
0x192: {  	v6 =	vand.u32 $0x7F, v6;
	v7 =	vand.u32 $0xFFFFFC00, v7  }
0x193: {  	v6 =	vor.u32 v6, v7  }
0x194: {  	v6 =	vadd.s32 $0x6780, v6;
	_ =	sdelay $0x4  }
0x195: {  	[tilespmem:v6+s10+$0x0] =	vst.idx.msk $0xffff, v5  }
0x196: {  	v6 =	vld [tilespmem:$0x1A3D0];
	_ =	sdelay $0x4  }
0x197: {  	v7 =	vshll.u32 v6, $0x3  }
0x198: {  	v6 =	vand.u32 $0x7F, v6;
	v7 =	vand.u32 $0xFFFFFC00, v7  }
0x199: {  	v6 =	vor.u32 v6, v7  }
0x19a: {  	v6 =	vadd.s32 $0x6780, v6;
	_ =	sdelay $0x4  }
0x19b: {  	[tilespmem:v6+s10+$0x0] =	vst.idx.msk $0xffff, v5  }
0x19c: {  	v6 =	vld [tilespmem:$0x1A3E0];
	_ =	sdelay $0x4  }
0x19d: {  	v7 =	vshll.u32 v6, $0x3  }
0x19e: {  	v6 =	vand.u32 $0x7F, v6;
	v7 =	vand.u32 $0xFFFFFC00, v7  }
0x19f: {  	v6 =	vor.u32 v6, v7  }
0x1a0: {  	v6 =	vadd.s32 $0x6780, v6;
	_ =	sdelay $0x4  }
0x1a1: {  	[tilespmem:v6+s10+$0x0] =	vst.idx.msk $0xffff, v5  }
0x1a2: {  	v6 =	vld [tilespmem:$0x1A3F0];
	_ =	sdelay $0x4  }
0x1a3: {  	v7 =	vshll.u32 v6, $0x3  }
0x1a4: {  	v6 =	vand.u32 $0x7F, v6;
	v7 =	vand.u32 $0xFFFFFC00, v7  }
0x1a5: {  	v6 =	vor.u32 v6, v7  }
0x1a6: {  	v6 =	vadd.s32 $0x6780, v6;
	_ =	sdelay $0x4  }
0x1a7: {  	[tilespmem:v6+s10+$0x0] =	vst.idx.msk $0xffff, v5  }
.LBB2_4:
0x1a8: {  	_ =	swait.ge [sflag:s13], $0x800  }
0x1a9: {  	[sflag:s13] =	ssyncset.done $0x0  }
0x1aa: {  	[sflag:s13] =	ssyncadd.s32 $0xFFFFF800  }
0x1ab: {  	v6 =	vld [tilespmem:$0x28];
	_ =	sdelay $0x4  }
0x1ac: {  	v6 =	vtrunc.f32 v6  }
0x1ad: {  	v6 =	vcvt.f32.s32 v6  }
0x1ae: {  	v7 =	vld [tilespmem:$0x0]  }
0x1af: {  	v8 =	vld [tilespmem:$0x10];
	v6 =	vadd.s32 v0, v6  }
0x1b0: {  	v9 =	vld [tilespmem:$0x18];
	v10 =	vshll.u32 v6, $0x3  }
0x1b1: {  	v11 =	vand.u32 $0x7F, v6;
	v10 =	vand.u32 $0xFFFFFC00, v10  }
0x1b2: {  	v10 =	vor.u32 v11, v10  }
0x1b3: {  	[tilespmem:$0x1000] =	vst v7  }
0x1b4: {  	[tilespmem:$0x1010] =	vst v8  }
0x1b5: {  	[tilespmem:$0x1018] =	vst v9  }
0x1b6: {  	[tilespmem:$0x1A000] =	vst v6  }
0x1b7: {  	[tilespmem:v10+s10+$0x0] =	vst.idx.msk $0xffff, v1  }
0x1b8: {  	v6 =	vld [tilespmem:$0x38];
	_ =	sdelay $0x4  }
0x1b9: {  	v6 =	vtrunc.f32 v6  }
0x1ba: {  	v6 =	vcvt.f32.s32 v6;
	_ =	sdelay $0x1  }
0x1bb: {  	v6 =	vadd.s32 v2, v6  }
0x1bc: {  	v7 =	vshll.u32 v6, $0x3  }
0x1bd: {  	v61 =	vand.u32 $0x7F, v6;
	v7 =	vand.u32 $0xFFFFFC00, v7  }
0x1be: {  	v7 =	vor.u32 v61, v7;
	_ =	sdelay $0x3  }
0x1bf: {  	[tilespmem:$0x1A010] =	vst v6  }
0x1c0: {  	[tilespmem:v7+s10+$0x0] =	vst.idx.msk $0xffff, v1  }
0x1c1: {  	v6 =	vld [tilespmem:$0x48];
	_ =	sdelay $0x4  }
0x1c2: {  	v6 =	vtrunc.f32 v6  }
0x1c3: {  	v6 =	vcvt.f32.s32 v6;
	_ =	sdelay $0x1  }
0x1c4: {  	v6 =	vadd.s32 v3, v6  }
0x1c5: {  	v7 =	vshll.u32 v6, $0x3  }
0x1c6: {  	v62 =	vand.u32 $0x7F, v6;
	v7 =	vand.u32 $0xFFFFFC00, v7  }
0x1c7: {  	v7 =	vor.u32 v62, v7;
	_ =	sdelay $0x3  }
0x1c8: {  	[tilespmem:$0x1A020] =	vst v6  }
0x1c9: {  	[tilespmem:v7+s10+$0x0] =	vst.idx.msk $0xffff, v1  }
0x1ca: {  	v6 =	vld [tilespmem:$0x54];
	_ =	sdelay $0x4  }
0x1cb: {  	v6 =	vtrunc.f32 v6  }
0x1cc: {  	v6 =	vcvt.f32.s32 v6;
	_ =	sdelay $0x1  }
0x1cd: {  	v6 =	vadd.s32 v4, v6  }
0x1ce: {  	v7 =	vshll.u32 v6, $0x3  }
0x1cf: {  	v63 =	vand.u32 $0x7F, v6;
	v7 =	vand.u32 $0xFFFFFC00, v7  }
0x1d0: {  	v7 =	vor.u32 v63, v7;
	_ =	sdelay $0x3  }
0x1d1: {  	[tilespmem:$0x1A030] =	vst v6  }
0x1d2: {  	[tilespmem:v7+s10+$0x0] =	vst.idx.msk $0xffff, v1  }
0x1d3: {  	v6 =	vld [tilespmem:$0xA8];
	_ =	sdelay $0x4  }
0x1d4: {  	v6 =	vtrunc.f32 v6  }
0x1d5: {  	v6 =	vcvt.f32.s32 v6;
	_ =	sdelay $0x1  }
0x1d6: {  	v7 =	vld [tilespmem:$0x80];
	v6 =	vadd.s32 v0, v6  }
0x1d7: {  	v12 =	vld [tilespmem:$0x90];
	v13 =	vshll.u32 v6, $0x3  }
0x1d8: {  	v10 =	vld [tilespmem:$0x98];
	v14 =	vand.u32 $0x7F, v6;
	v9 =	vand.u32 $0xFFFFFC00, v13  }
0x1d9: {  	v9 =	vor.u32 v9, v14  }
0x1da: {  	v9 =	vor.u32 $0x80, v9  }
0x1db: {  	[tilespmem:$0x1080] =	vst v7  }
0x1dc: {  	[tilespmem:$0x1090] =	vst v12  }
0x1dd: {  	[tilespmem:$0x1098] =	vst v10  }
0x1de: {  	[tilespmem:$0x1A040] =	vst v6  }
0x1df: {  	[tilespmem:v9+s10+$0x0] =	vst.idx.msk $0xffff, v1  }
0x1e0: {  	v6 =	vld [tilespmem:$0xB8];
	_ =	sdelay $0x4  }
0x1e1: {  	v6 =	vtrunc.f32 v6  }
0x1e2: {  	v6 =	vcvt.f32.s32 v6;
	_ =	sdelay $0x1  }
0x1e3: {  	v6 =	vadd.s32 v2, v6  }
0x1e4: {  	v7 =	vshll.u32 v6, $0x3  }
0x1e5: {  	v15 =	vand.u32 $0x7F, v6;
	v7 =	vand.u32 $0xFFFFFC00, v7  }
0x1e6: {  	v7 =	vor.u32 v7, v15  }
0x1e7: {  	v7 =	vor.u32 $0x80, v7;
	_ =	sdelay $0x3  }
0x1e8: {  	[tilespmem:$0x1A050] =	vst v6  }
0x1e9: {  	[tilespmem:v7+s10+$0x0] =	vst.idx.msk $0xffff, v1  }
0x1ea: {  	v6 =	vld [tilespmem:$0xC8];
	_ =	sdelay $0x4  }
0x1eb: {  	v6 =	vtrunc.f32 v6  }
0x1ec: {  	v6 =	vcvt.f32.s32 v6;
	_ =	sdelay $0x1  }
0x1ed: {  	v6 =	vadd.s32 v3, v6  }
0x1ee: {  	v7 =	vshll.u32 v6, $0x3  }
0x1ef: {  	v16 =	vand.u32 $0x7F, v6;
	v7 =	vand.u32 $0xFFFFFC00, v7  }
0x1f0: {  	v7 =	vor.u32 v7, v16  }
0x1f1: {  	v7 =	vor.u32 $0x80, v7;
	_ =	sdelay $0x3  }
0x1f2: {  	[tilespmem:$0x1A060] =	vst v6  }
0x1f3: {  	[tilespmem:v7+s10+$0x0] =	vst.idx.msk $0xffff, v1  }
0x1f4: {  	v6 =	vld [tilespmem:$0xD4];
	_ =	sdelay $0x4  }
0x1f5: {  	v6 =	vtrunc.f32 v6  }
0x1f6: {  	v6 =	vcvt.f32.s32 v6;
	_ =	sdelay $0x1  }
0x1f7: {  	v6 =	vadd.s32 v4, v6  }
0x1f8: {  	v7 =	vshll.u32 v6, $0x3  }
0x1f9: {  	v17 =	vand.u32 $0x7F, v6;
	v7 =	vand.u32 $0xFFFFFC00, v7  }
0x1fa: {  	v7 =	vor.u32 v7, v17  }
0x1fb: {  	v7 =	vor.u32 $0x80, v7;
	_ =	sdelay $0x3  }
0x1fc: {  	[tilespmem:$0x1A070] =	vst v6  }
0x1fd: {  	[tilespmem:v7+s10+$0x0] =	vst.idx.msk $0xffff, v1  }
0x1fe: {  	v6 =	vld [tilespmem:$0x128];
	_ =	sdelay $0x4  }
0x1ff: {  	v6 =	vtrunc.f32 v6  }
0x200: {  	v6 =	vcvt.f32.s32 v6;
	_ =	sdelay $0x1  }
0x201: {  	v7 =	vld [tilespmem:$0x100];
	v6 =	vadd.s32 v0, v6  }
0x202: {  	v18 =	vld [tilespmem:$0x110];
	v19 =	vshll.u32 v6, $0x3  }
0x203: {  	v20 =	vld [tilespmem:$0x118];
	v21 =	vand.u32 $0x7F, v6;
	v9 =	vand.u32 $0xFFFFFC00, v19  }
0x204: {  	v9 =	vor.u32 v9, v21  }
0x205: {  	v9 =	vor.u32 $0x100, v9  }
0x206: {  	[tilespmem:$0x1100] =	vst v7  }
0x207: {  	[tilespmem:$0x1110] =	vst v18  }
0x208: {  	[tilespmem:$0x1118] =	vst v20  }
0x209: {  	[tilespmem:$0x1A080] =	vst v6  }
0x20a: {  	[tilespmem:v9+s10+$0x0] =	vst.idx.msk $0xffff, v1  }
0x20b: {  	v6 =	vld [tilespmem:$0x138];
	_ =	sdelay $0x4  }
0x20c: {  	v6 =	vtrunc.f32 v6  }
0x20d: {  	v6 =	vcvt.f32.s32 v6;
	_ =	sdelay $0x1  }
0x20e: {  	v6 =	vadd.s32 v2, v6  }
0x20f: {  	v7 =	vshll.u32 v6, $0x3  }
0x210: {  	v22 =	vand.u32 $0x7F, v6;
	v7 =	vand.u32 $0xFFFFFC00, v7  }
0x211: {  	v7 =	vor.u32 v7, v22  }
0x212: {  	v7 =	vor.u32 $0x100, v7;
	_ =	sdelay $0x3  }
0x213: {  	[tilespmem:$0x1A090] =	vst v6  }
0x214: {  	[tilespmem:v7+s10+$0x0] =	vst.idx.msk $0xffff, v1  }
0x215: {  	v6 =	vld [tilespmem:$0x148];
	_ =	sdelay $0x4  }
0x216: {  	v6 =	vtrunc.f32 v6  }
0x217: {  	v6 =	vcvt.f32.s32 v6;
	_ =	sdelay $0x1  }
0x218: {  	v6 =	vadd.s32 v3, v6  }
0x219: {  	v7 =	vshll.u32 v6, $0x3  }
0x21a: {  	v23 =	vand.u32 $0x7F, v6;
	v7 =	vand.u32 $0xFFFFFC00, v7  }
0x21b: {  	v7 =	vor.u32 v7, v23  }
0x21c: {  	v7 =	vor.u32 $0x100, v7;
	_ =	sdelay $0x3  }
0x21d: {  	[tilespmem:$0x1A0A0] =	vst v6  }
0x21e: {  	[tilespmem:v7+s10+$0x0] =	vst.idx.msk $0xffff, v1  }
0x21f: {  	v6 =	vld [tilespmem:$0x154];
	_ =	sdelay $0x4  }
0x220: {  	v6 =	vtrunc.f32 v6  }
0x221: {  	v6 =	vcvt.f32.s32 v6;
	_ =	sdelay $0x1  }
0x222: {  	v6 =	vadd.s32 v4, v6  }
0x223: {  	v7 =	vshll.u32 v6, $0x3  }
0x224: {  	v24 =	vand.u32 $0x7F, v6;
	v7 =	vand.u32 $0xFFFFFC00, v7  }
0x225: {  	v7 =	vor.u32 v7, v24  }
0x226: {  	v7 =	vor.u32 $0x100, v7;
	_ =	sdelay $0x3  }
0x227: {  	[tilespmem:$0x1A0B0] =	vst v6  }
0x228: {  	[tilespmem:v7+s10+$0x0] =	vst.idx.msk $0xffff, v1  }
0x229: {  	v6 =	vld [tilespmem:$0x1A8];
	_ =	sdelay $0x4  }
0x22a: {  	v6 =	vtrunc.f32 v6  }
0x22b: {  	v6 =	vcvt.f32.s32 v6;
	_ =	sdelay $0x1  }
0x22c: {  	v7 =	vld [tilespmem:$0x180];
	v6 =	vadd.s32 v0, v6  }
0x22d: {  	v25 =	vld [tilespmem:$0x190];
	v26 =	vshll.u32 v6, $0x3  }
0x22e: {  	v27 =	vld [tilespmem:$0x198];
	v28 =	vand.u32 $0x7F, v6;
	v9 =	vand.u32 $0xFFFFFC00, v26  }
0x22f: {  	v9 =	vor.u32 v9, v28  }
0x230: {  	v9 =	vor.u32 $0x180, v9  }
0x231: {  	[tilespmem:$0x1180] =	vst v7  }
0x232: {  	[tilespmem:$0x1190] =	vst v25  }
0x233: {  	[tilespmem:$0x1198] =	vst v27  }
0x234: {  	[tilespmem:$0x1A0C0] =	vst v6  }
0x235: {  	[tilespmem:v9+s10+$0x0] =	vst.idx.msk $0xffff, v1  }
0x236: {  	v6 =	vld [tilespmem:$0x1B8];
	_ =	sdelay $0x4  }
0x237: {  	v6 =	vtrunc.f32 v6  }
0x238: {  	v6 =	vcvt.f32.s32 v6;
	_ =	sdelay $0x1  }
0x239: {  	v6 =	vadd.s32 v2, v6  }
0x23a: {  	v7 =	vshll.u32 v6, $0x3  }
0x23b: {  	v29 =	vand.u32 $0x7F, v6;
	v7 =	vand.u32 $0xFFFFFC00, v7  }
0x23c: {  	v7 =	vor.u32 v7, v29  }
0x23d: {  	v7 =	vor.u32 $0x180, v7;
	_ =	sdelay $0x3  }
0x23e: {  	[tilespmem:$0x1A0D0] =	vst v6  }
0x23f: {  	[tilespmem:v7+s10+$0x0] =	vst.idx.msk $0xffff, v1  }
0x240: {  	v6 =	vld [tilespmem:$0x1C8];
	_ =	sdelay $0x4  }
0x241: {  	v6 =	vtrunc.f32 v6  }
0x242: {  	v6 =	vcvt.f32.s32 v6;
	_ =	sdelay $0x1  }
0x243: {  	v6 =	vadd.s32 v3, v6  }
0x244: {  	v7 =	vshll.u32 v6, $0x3  }
0x245: {  	v30 =	vand.u32 $0x7F, v6;
	v7 =	vand.u32 $0xFFFFFC00, v7  }
0x246: {  	v7 =	vor.u32 v7, v30  }
0x247: {  	v7 =	vor.u32 $0x180, v7;
	_ =	sdelay $0x3  }
0x248: {  	[tilespmem:$0x1A0E0] =	vst v6  }
0x249: {  	[tilespmem:v7+s10+$0x0] =	vst.idx.msk $0xffff, v1  }
0x24a: {  	v6 =	vld [tilespmem:$0x1D4];
	_ =	sdelay $0x4  }
0x24b: {  	v6 =	vtrunc.f32 v6  }
0x24c: {  	v6 =	vcvt.f32.s32 v6;
	_ =	sdelay $0x1  }
0x24d: {  	v6 =	vadd.s32 v4, v6  }
0x24e: {  	v7 =	vshll.u32 v6, $0x3  }
0x24f: {  	v31 =	vand.u32 $0x7F, v6;
	v7 =	vand.u32 $0xFFFFFC00, v7  }
0x250: {  	v7 =	vor.u32 v7, v31  }
0x251: {  	v7 =	vor.u32 $0x180, v7;
	_ =	sdelay $0x3  }
0x252: {  	[tilespmem:$0x1A0F0] =	vst v6  }
0x253: {  	[tilespmem:v7+s10+$0x0] =	vst.idx.msk $0xffff, v1  }
0x254: {  	v6 =	vld [tilespmem:$0x228];
	_ =	sdelay $0x4  }
0x255: {  	v6 =	vtrunc.f32 v6  }
0x256: {  	v6 =	vcvt.f32.s32 v6;
	_ =	sdelay $0x1  }
0x257: {  	v7 =	vld [tilespmem:$0x200];
	v6 =	vadd.s32 v0, v6  }
0x258: {  	v32 =	vld [tilespmem:$0x210];
	v33 =	vshll.u32 v6, $0x3  }
0x259: {  	v34 =	vld [tilespmem:$0x218];
	v35 =	vand.u32 $0x7F, v6;
	v9 =	vand.u32 $0xFFFFFC00, v33  }
0x25a: {  	v9 =	vor.u32 v9, v35  }
0x25b: {  	v9 =	vor.u32 $0x200, v9  }
0x25c: {  	[tilespmem:$0x1200] =	vst v7  }
0x25d: {  	[tilespmem:$0x1210] =	vst v32  }
0x25e: {  	[tilespmem:$0x1218] =	vst v34  }
0x25f: {  	[tilespmem:$0x1A100] =	vst v6  }
0x260: {  	[tilespmem:v9+s10+$0x0] =	vst.idx.msk $0xffff, v1  }
0x261: {  	v6 =	vld [tilespmem:$0x238];
	_ =	sdelay $0x4  }
0x262: {  	v6 =	vtrunc.f32 v6  }
0x263: {  	v6 =	vcvt.f32.s32 v6;
	_ =	sdelay $0x1  }
0x264: {  	v6 =	vadd.s32 v2, v6  }
0x265: {  	v7 =	vshll.u32 v6, $0x3  }
0x266: {  	v36 =	vand.u32 $0x7F, v6;
	v7 =	vand.u32 $0xFFFFFC00, v7  }
0x267: {  	v7 =	vor.u32 v7, v36  }
0x268: {  	v7 =	vor.u32 $0x200, v7;
	_ =	sdelay $0x3  }
0x269: {  	[tilespmem:$0x1A110] =	vst v6  }
0x26a: {  	[tilespmem:v7+s10+$0x0] =	vst.idx.msk $0xffff, v1  }
0x26b: {  	v6 =	vld [tilespmem:$0x248];
	_ =	sdelay $0x4  }
0x26c: {  	v6 =	vtrunc.f32 v6  }
0x26d: {  	v6 =	vcvt.f32.s32 v6;
	_ =	sdelay $0x1  }
0x26e: {  	v6 =	vadd.s32 v3, v6  }
0x26f: {  	v7 =	vshll.u32 v6, $0x3  }
0x270: {  	v37 =	vand.u32 $0x7F, v6;
	v7 =	vand.u32 $0xFFFFFC00, v7  }
0x271: {  	v7 =	vor.u32 v7, v37  }
0x272: {  	v7 =	vor.u32 $0x200, v7;
	_ =	sdelay $0x3  }
0x273: {  	[tilespmem:$0x1A120] =	vst v6  }
0x274: {  	[tilespmem:v7+s10+$0x0] =	vst.idx.msk $0xffff, v1  }
0x275: {  	v6 =	vld [tilespmem:$0x254];
	_ =	sdelay $0x4  }
0x276: {  	v6 =	vtrunc.f32 v6  }
0x277: {  	v6 =	vcvt.f32.s32 v6;
	_ =	sdelay $0x1  }
0x278: {  	v6 =	vadd.s32 v4, v6  }
0x279: {  	v7 =	vshll.u32 v6, $0x3  }
0x27a: {  	v38 =	vand.u32 $0x7F, v6;
	v7 =	vand.u32 $0xFFFFFC00, v7  }
0x27b: {  	v7 =	vor.u32 v7, v38  }
0x27c: {  	v7 =	vor.u32 $0x200, v7;
	_ =	sdelay $0x3  }
0x27d: {  	[tilespmem:$0x1A130] =	vst v6  }
0x27e: {  	[tilespmem:v7+s10+$0x0] =	vst.idx.msk $0xffff, v1  }
0x27f: {  	v6 =	vld [tilespmem:$0x2A8];
	_ =	sdelay $0x4  }
0x280: {  	v6 =	vtrunc.f32 v6  }
0x281: {  	v6 =	vcvt.f32.s32 v6;
	_ =	sdelay $0x1  }
0x282: {  	v7 =	vld [tilespmem:$0x280];
	v6 =	vadd.s32 v0, v6  }
0x283: {  	v39 =	vld [tilespmem:$0x290];
	v40 =	vshll.u32 v6, $0x3  }
0x284: {  	v41 =	vld [tilespmem:$0x298];
	v42 =	vand.u32 $0x7F, v6;
	v9 =	vand.u32 $0xFFFFFC00, v40  }
0x285: {  	v9 =	vor.u32 v9, v42  }
0x286: {  	v9 =	vor.u32 $0x280, v9  }
0x287: {  	[tilespmem:$0x1280] =	vst v7  }
0x288: {  	[tilespmem:$0x1290] =	vst v39  }
0x289: {  	[tilespmem:$0x1298] =	vst v41  }
0x28a: {  	[tilespmem:$0x1A140] =	vst v6  }
0x28b: {  	[tilespmem:v9+s10+$0x0] =	vst.idx.msk $0xffff, v1  }
0x28c: {  	v6 =	vld [tilespmem:$0x2B8];
	_ =	sdelay $0x4  }
0x28d: {  	v6 =	vtrunc.f32 v6  }
0x28e: {  	v6 =	vcvt.f32.s32 v6;
	_ =	sdelay $0x1  }
0x28f: {  	v6 =	vadd.s32 v2, v6  }
0x290: {  	v7 =	vshll.u32 v6, $0x3  }
0x291: {  	v43 =	vand.u32 $0x7F, v6;
	v7 =	vand.u32 $0xFFFFFC00, v7  }
0x292: {  	v7 =	vor.u32 v7, v43  }
0x293: {  	v7 =	vor.u32 $0x280, v7;
	_ =	sdelay $0x3  }
0x294: {  	[tilespmem:$0x1A150] =	vst v6  }
0x295: {  	[tilespmem:v7+s10+$0x0] =	vst.idx.msk $0xffff, v1  }
0x296: {  	v6 =	vld [tilespmem:$0x2C8];
	_ =	sdelay $0x4  }
0x297: {  	v6 =	vtrunc.f32 v6  }
0x298: {  	v6 =	vcvt.f32.s32 v6;
	_ =	sdelay $0x1  }
0x299: {  	v6 =	vadd.s32 v3, v6  }
0x29a: {  	v7 =	vshll.u32 v6, $0x3  }
0x29b: {  	v44 =	vand.u32 $0x7F, v6;
	v7 =	vand.u32 $0xFFFFFC00, v7  }
0x29c: {  	v7 =	vor.u32 v7, v44  }
0x29d: {  	v7 =	vor.u32 $0x280, v7;
	_ =	sdelay $0x3  }
0x29e: {  	[tilespmem:$0x1A160] =	vst v6  }
0x29f: {  	[tilespmem:v7+s10+$0x0] =	vst.idx.msk $0xffff, v1  }
0x2a0: {  	v6 =	vld [tilespmem:$0x2D4];
	_ =	sdelay $0x4  }
0x2a1: {  	v6 =	vtrunc.f32 v6  }
0x2a2: {  	v6 =	vcvt.f32.s32 v6;
	_ =	sdelay $0x1  }
0x2a3: {  	v6 =	vadd.s32 v4, v6  }
0x2a4: {  	v7 =	vshll.u32 v6, $0x3  }
0x2a5: {  	v45 =	vand.u32 $0x7F, v6;
	v7 =	vand.u32 $0xFFFFFC00, v7  }
0x2a6: {  	v7 =	vor.u32 v7, v45  }
0x2a7: {  	v7 =	vor.u32 $0x280, v7;
	_ =	sdelay $0x3  }
0x2a8: {  	[tilespmem:$0x1A170] =	vst v6  }
0x2a9: {  	[tilespmem:v7+s10+$0x0] =	vst.idx.msk $0xffff, v1  }
0x2aa: {  	v6 =	vld [tilespmem:$0x328];
	_ =	sdelay $0x4  }
0x2ab: {  	v6 =	vtrunc.f32 v6  }
0x2ac: {  	v6 =	vcvt.f32.s32 v6;
	_ =	sdelay $0x1  }
0x2ad: {  	v7 =	vld [tilespmem:$0x300];
	v6 =	vadd.s32 v0, v6  }
0x2ae: {  	v46 =	vld [tilespmem:$0x310];
	v47 =	vshll.u32 v6, $0x3  }
0x2af: {  	v48 =	vld [tilespmem:$0x318];
	v49 =	vand.u32 $0x7F, v6;
	v9 =	vand.u32 $0xFFFFFC00, v47  }
0x2b0: {  	v9 =	vor.u32 v9, v49  }
0x2b1: {  	v9 =	vor.u32 $0x300, v9  }
0x2b2: {  	[tilespmem:$0x1300] =	vst v7  }
0x2b3: {  	[tilespmem:$0x1310] =	vst v46  }
0x2b4: {  	[tilespmem:$0x1318] =	vst v48  }
0x2b5: {  	[tilespmem:$0x1A180] =	vst v6  }
0x2b6: {  	[tilespmem:v9+s10+$0x0] =	vst.idx.msk $0xffff, v1  }
0x2b7: {  	v6 =	vld [tilespmem:$0x338];
	_ =	sdelay $0x4  }
0x2b8: {  	v6 =	vtrunc.f32 v6  }
0x2b9: {  	v6 =	vcvt.f32.s32 v6;
	_ =	sdelay $0x1  }
0x2ba: {  	v6 =	vadd.s32 v2, v6  }
0x2bb: {  	v7 =	vshll.u32 v6, $0x3  }
0x2bc: {  	v50 =	vand.u32 $0x7F, v6;
	v7 =	vand.u32 $0xFFFFFC00, v7  }
0x2bd: {  	v7 =	vor.u32 v7, v50  }
0x2be: {  	v7 =	vor.u32 $0x300, v7;
	_ =	sdelay $0x3  }
0x2bf: {  	[tilespmem:$0x1A190] =	vst v6  }
0x2c0: {  	[tilespmem:v7+s10+$0x0] =	vst.idx.msk $0xffff, v1  }
0x2c1: {  	v6 =	vld [tilespmem:$0x348];
	_ =	sdelay $0x4  }
0x2c2: {  	v6 =	vtrunc.f32 v6  }
0x2c3: {  	v6 =	vcvt.f32.s32 v6;
	_ =	sdelay $0x1  }
0x2c4: {  	v6 =	vadd.s32 v3, v6  }
0x2c5: {  	v7 =	vshll.u32 v6, $0x3  }
0x2c6: {  	v51 =	vand.u32 $0x7F, v6;
	v7 =	vand.u32 $0xFFFFFC00, v7  }
0x2c7: {  	v7 =	vor.u32 v7, v51  }
0x2c8: {  	v7 =	vor.u32 $0x300, v7;
	_ =	sdelay $0x3  }
0x2c9: {  	[tilespmem:$0x1A1A0] =	vst v6  }
0x2ca: {  	[tilespmem:v7+s10+$0x0] =	vst.idx.msk $0xffff, v1  }
0x2cb: {  	v6 =	vld [tilespmem:$0x354];
	_ =	sdelay $0x4  }
0x2cc: {  	v6 =	vtrunc.f32 v6  }
0x2cd: {  	v6 =	vcvt.f32.s32 v6;
	_ =	sdelay $0x1  }
0x2ce: {  	v6 =	vadd.s32 v4, v6  }
0x2cf: {  	v7 =	vshll.u32 v6, $0x3  }
0x2d0: {  	v52 =	vand.u32 $0x7F, v6;
	v7 =	vand.u32 $0xFFFFFC00, v7  }
0x2d1: {  	v7 =	vor.u32 v7, v52  }
0x2d2: {  	v7 =	vor.u32 $0x300, v7;
	_ =	sdelay $0x3  }
0x2d3: {  	[tilespmem:$0x1A1B0] =	vst v6  }
0x2d4: {  	[tilespmem:v7+s10+$0x0] =	vst.idx.msk $0xffff, v1  }
0x2d5: {  	v6 =	vld [tilespmem:$0x3A8];
	_ =	sdelay $0x4  }
0x2d6: {  	v6 =	vtrunc.f32 v6  }
0x2d7: {  	v6 =	vcvt.f32.s32 v6;
	_ =	sdelay $0x1  }
0x2d8: {  	v7 =	vld [tilespmem:$0x380];
	v6 =	vadd.s32 v0, v6  }
0x2d9: {  	v53 =	vld [tilespmem:$0x390];
	v54 =	vshll.u32 v6, $0x3  }
0x2da: {  	v55 =	vld [tilespmem:$0x398];
	v56 =	vand.u32 $0x7F, v6;
	v9 =	vand.u32 $0xFFFFFC00, v54  }
0x2db: {  	v9 =	vor.u32 v9, v56  }
0x2dc: {  	v9 =	vor.u32 $0x380, v9  }
0x2dd: {  	[tilespmem:$0x1380] =	vst v7  }
0x2de: {  	[tilespmem:$0x1390] =	vst v53  }
0x2df: {  	[tilespmem:$0x1398] =	vst v55  }
0x2e0: {  	[tilespmem:$0x1A1C0] =	vst v6  }
0x2e1: {  	[tilespmem:v9+s10+$0x0] =	vst.idx.msk $0xffff, v1  }
0x2e2: {  	v6 =	vld [tilespmem:$0x3B8];
	_ =	sdelay $0x4  }
0x2e3: {  	v6 =	vtrunc.f32 v6  }
0x2e4: {  	v6 =	vcvt.f32.s32 v6;
	_ =	sdelay $0x1  }
0x2e5: {  	v6 =	vadd.s32 v2, v6  }
0x2e6: {  	v7 =	vshll.u32 v6, $0x3  }
0x2e7: {  	v57 =	vand.u32 $0x7F, v6;
	v7 =	vand.u32 $0xFFFFFC00, v7  }
0x2e8: {  	v7 =	vor.u32 v7, v57  }
0x2e9: {  	v7 =	vor.u32 $0x380, v7;
	_ =	sdelay $0x3  }
0x2ea: {  	[tilespmem:$0x1A1D0] =	vst v6  }
0x2eb: {  	[tilespmem:v7+s10+$0x0] =	vst.idx.msk $0xffff, v1  }
0x2ec: {  	v6 =	vld [tilespmem:$0x3C8];
	_ =	sdelay $0x4  }
0x2ed: {  	v6 =	vtrunc.f32 v6  }
0x2ee: {  	v6 =	vcvt.f32.s32 v6;
	_ =	sdelay $0x1  }
0x2ef: {  	v6 =	vadd.s32 v3, v6  }
0x2f0: {  	v7 =	vshll.u32 v6, $0x3  }
0x2f1: {  	v58 =	vand.u32 $0x7F, v6;
	v7 =	vand.u32 $0xFFFFFC00, v7  }
0x2f2: {  	v7 =	vor.u32 v7, v58  }
0x2f3: {  	v7 =	vor.u32 $0x380, v7;
	_ =	sdelay $0x3  }
0x2f4: {  	[tilespmem:$0x1A1E0] =	vst v6  }
0x2f5: {  	[tilespmem:v7+s10+$0x0] =	vst.idx.msk $0xffff, v1  }
0x2f6: {  	v6 =	vld [tilespmem:$0x3D4];
	_ =	sdelay $0x4  }
0x2f7: {  	v6 =	vtrunc.f32 v6  }
0x2f8: {  	v6 =	vcvt.f32.s32 v6;
	_ =	sdelay $0x1  }
0x2f9: {  	v6 =	vadd.s32 v4, v6  }
0x2fa: {  	v7 =	vshll.u32 v6, $0x3  }
0x2fb: {  	v59 =	vand.u32 $0x7F, v6;
	v7 =	vand.u32 $0xFFFFFC00, v7  }
0x2fc: {  	v7 =	vor.u32 v7, v59  }
0x2fd: {  	v7 =	vor.u32 $0x380, v7;
	_ =	sdelay $0x3  }
0x2fe: {  	[tilespmem:$0x1A1F0] =	vst v6  }
0x2ff: {  	[tilespmem:v7+s10+$0x0] =	vst.idx.msk $0xffff, v1  }
0x300: {  	v6 =	vld [tilespmem:$0x428];
	_ =	sdelay $0x4  }
0x301: {  	v6 =	vtrunc.f32 v6  }
0x302: {  	v6 =	vcvt.f32.s32 v6;
	_ =	sdelay $0x1  }
0x303: {  	v7 =	vld [tilespmem:$0x400];
	v6 =	vadd.s32 v0, v6  }
0x304: {  	v60 =	vld [tilespmem:$0x410];
	v61 =	vshll.u32 v6, $0x3  }
0x305: {  	v62 =	vld [tilespmem:$0x418];
	v63 =	vand.u32 $0x7F, v6;
	v9 =	vand.u32 $0xFFFFFC00, v61  }
0x306: {  	v9 =	vor.u32 v63, v9  }
0x307: {  	v9 =	vadd.s32 $0x6400, v9  }
0x308: {  	[tilespmem:$0x7400] =	vst v7  }
0x309: {  	[tilespmem:$0x7410] =	vst v60  }
0x30a: {  	[tilespmem:$0x7418] =	vst v62  }
0x30b: {  	[tilespmem:$0x1A200] =	vst v6  }
0x30c: {  	[tilespmem:v9+s10+$0x0] =	vst.idx.msk $0xffff, v1  }
0x30d: {  	v6 =	vld [tilespmem:$0x438];
	_ =	sdelay $0x4  }
0x30e: {  	v6 =	vtrunc.f32 v6  }
0x30f: {  	v6 =	vcvt.f32.s32 v6;
	_ =	sdelay $0x1  }
0x310: {  	v6 =	vadd.s32 v2, v6  }
0x311: {  	v7 =	vshll.u32 v6, $0x3  }
0x312: {  	v12 =	vand.u32 $0x7F, v6;
	v7 =	vand.u32 $0xFFFFFC00, v7  }
0x313: {  	v7 =	vor.u32 v12, v7  }
0x314: {  	v7 =	vadd.s32 $0x6400, v7;
	_ =	sdelay $0x3  }
0x315: {  	[tilespmem:$0x1A210] =	vst v6  }
0x316: {  	[tilespmem:v7+s10+$0x0] =	vst.idx.msk $0xffff, v1  }
0x317: {  	v6 =	vld [tilespmem:$0x448];
	_ =	sdelay $0x4  }
0x318: {  	v6 =	vtrunc.f32 v6  }
0x319: {  	v6 =	vcvt.f32.s32 v6;
	_ =	sdelay $0x1  }
0x31a: {  	v6 =	vadd.s32 v3, v6  }
0x31b: {  	v7 =	vshll.u32 v6, $0x3  }
0x31c: {  	v13 =	vand.u32 $0x7F, v6;
	v7 =	vand.u32 $0xFFFFFC00, v7  }
0x31d: {  	v7 =	vor.u32 v13, v7  }
0x31e: {  	v7 =	vadd.s32 $0x6400, v7;
	_ =	sdelay $0x3  }
0x31f: {  	[tilespmem:$0x1A220] =	vst v6  }
0x320: {  	[tilespmem:v7+s10+$0x0] =	vst.idx.msk $0xffff, v1  }
0x321: {  	v6 =	vld [tilespmem:$0x454];
	_ =	sdelay $0x4  }
0x322: {  	v6 =	vtrunc.f32 v6  }
0x323: {  	v6 =	vcvt.f32.s32 v6;
	_ =	sdelay $0x1  }
0x324: {  	v6 =	vadd.s32 v4, v6  }
0x325: {  	v7 =	vshll.u32 v6, $0x3  }
0x326: {  	v14 =	vand.u32 $0x7F, v6;
	v7 =	vand.u32 $0xFFFFFC00, v7  }
0x327: {  	v7 =	vor.u32 v14, v7  }
0x328: {  	v7 =	vadd.s32 $0x6400, v7;
	_ =	sdelay $0x3  }
0x329: {  	[tilespmem:$0x1A230] =	vst v6  }
0x32a: {  	[tilespmem:v7+s10+$0x0] =	vst.idx.msk $0xffff, v1  }
0x32b: {  	v6 =	vld [tilespmem:$0x4A8];
	_ =	sdelay $0x4  }
0x32c: {  	v6 =	vtrunc.f32 v6  }
0x32d: {  	v6 =	vcvt.f32.s32 v6;
	_ =	sdelay $0x1  }
0x32e: {  	v7 =	vld [tilespmem:$0x480];
	v6 =	vadd.s32 v0, v6  }
0x32f: {  	v15 =	vld [tilespmem:$0x490];
	v16 =	vshll.u32 v6, $0x3  }
0x330: {  	v17 =	vld [tilespmem:$0x498];
	v18 =	vand.u32 $0x7F, v6;
	v9 =	vand.u32 $0xFFFFFC00, v16  }
0x331: {  	v9 =	vor.u32 v18, v9  }
0x332: {  	v9 =	vadd.s32 $0x6480, v9  }
0x333: {  	[tilespmem:$0x7480] =	vst v7  }
0x334: {  	[tilespmem:$0x7490] =	vst v15  }
0x335: {  	[tilespmem:$0x7498] =	vst v17  }
0x336: {  	[tilespmem:$0x1A240] =	vst v6  }
0x337: {  	[tilespmem:v9+s10+$0x0] =	vst.idx.msk $0xffff, v1  }
0x338: {  	v6 =	vld [tilespmem:$0x4B8];
	_ =	sdelay $0x4  }
0x339: {  	v6 =	vtrunc.f32 v6  }
0x33a: {  	v6 =	vcvt.f32.s32 v6;
	_ =	sdelay $0x1  }
0x33b: {  	v6 =	vadd.s32 v2, v6  }
0x33c: {  	v7 =	vshll.u32 v6, $0x3  }
0x33d: {  	v19 =	vand.u32 $0x7F, v6;
	v7 =	vand.u32 $0xFFFFFC00, v7  }
0x33e: {  	v7 =	vor.u32 v19, v7  }
0x33f: {  	v7 =	vadd.s32 $0x6480, v7;
	_ =	sdelay $0x3  }
0x340: {  	[tilespmem:$0x1A250] =	vst v6  }
0x341: {  	[tilespmem:v7+s10+$0x0] =	vst.idx.msk $0xffff, v1  }
0x342: {  	v6 =	vld [tilespmem:$0x4C8];
	_ =	sdelay $0x4  }
0x343: {  	v6 =	vtrunc.f32 v6  }
0x344: {  	v6 =	vcvt.f32.s32 v6;
	_ =	sdelay $0x1  }
0x345: {  	v6 =	vadd.s32 v3, v6  }
0x346: {  	v7 =	vshll.u32 v6, $0x3  }
0x347: {  	v20 =	vand.u32 $0x7F, v6;
	v7 =	vand.u32 $0xFFFFFC00, v7  }
0x348: {  	v7 =	vor.u32 v20, v7  }
0x349: {  	v7 =	vadd.s32 $0x6480, v7;
	_ =	sdelay $0x3  }
0x34a: {  	[tilespmem:$0x1A260] =	vst v6  }
0x34b: {  	[tilespmem:v7+s10+$0x0] =	vst.idx.msk $0xffff, v1  }
0x34c: {  	v6 =	vld [tilespmem:$0x4D4];
	_ =	sdelay $0x4  }
0x34d: {  	v6 =	vtrunc.f32 v6  }
0x34e: {  	v6 =	vcvt.f32.s32 v6;
	_ =	sdelay $0x1  }
0x34f: {  	v6 =	vadd.s32 v4, v6  }
0x350: {  	v7 =	vshll.u32 v6, $0x3  }
0x351: {  	v21 =	vand.u32 $0x7F, v6;
	v7 =	vand.u32 $0xFFFFFC00, v7  }
0x352: {  	v7 =	vor.u32 v21, v7  }
0x353: {  	v7 =	vadd.s32 $0x6480, v7;
	_ =	sdelay $0x3  }
0x354: {  	[tilespmem:$0x1A270] =	vst v6  }
0x355: {  	[tilespmem:v7+s10+$0x0] =	vst.idx.msk $0xffff, v1  }
0x356: {  	v6 =	vld [tilespmem:$0x528];
	_ =	sdelay $0x4  }
0x357: {  	v6 =	vtrunc.f32 v6  }
0x358: {  	v6 =	vcvt.f32.s32 v6;
	_ =	sdelay $0x1  }
0x359: {  	v7 =	vld [tilespmem:$0x500];
	v6 =	vadd.s32 v0, v6  }
0x35a: {  	v22 =	vld [tilespmem:$0x510];
	v23 =	vshll.u32 v6, $0x3  }
0x35b: {  	v24 =	vld [tilespmem:$0x518];
	v25 =	vand.u32 $0x7F, v6;
	v9 =	vand.u32 $0xFFFFFC00, v23  }
0x35c: {  	v9 =	vor.u32 v25, v9  }
0x35d: {  	v9 =	vadd.s32 $0x6500, v9  }
0x35e: {  	[tilespmem:$0x7500] =	vst v7  }
0x35f: {  	[tilespmem:$0x7510] =	vst v22  }
0x360: {  	[tilespmem:$0x7518] =	vst v24  }
0x361: {  	[tilespmem:$0x1A280] =	vst v6  }
0x362: {  	[tilespmem:v9+s10+$0x0] =	vst.idx.msk $0xffff, v1  }
0x363: {  	v6 =	vld [tilespmem:$0x538];
	_ =	sdelay $0x4  }
0x364: {  	v6 =	vtrunc.f32 v6  }
0x365: {  	v6 =	vcvt.f32.s32 v6;
	_ =	sdelay $0x1  }
0x366: {  	v6 =	vadd.s32 v2, v6  }
0x367: {  	v7 =	vshll.u32 v6, $0x3  }
0x368: {  	v26 =	vand.u32 $0x7F, v6;
	v7 =	vand.u32 $0xFFFFFC00, v7  }
0x369: {  	v7 =	vor.u32 v26, v7  }
0x36a: {  	v7 =	vadd.s32 $0x6500, v7;
	_ =	sdelay $0x3  }
0x36b: {  	[tilespmem:$0x1A290] =	vst v6  }
0x36c: {  	[tilespmem:v7+s10+$0x0] =	vst.idx.msk $0xffff, v1  }
0x36d: {  	v6 =	vld [tilespmem:$0x548];
	_ =	sdelay $0x4  }
0x36e: {  	v6 =	vtrunc.f32 v6  }
0x36f: {  	v6 =	vcvt.f32.s32 v6;
	_ =	sdelay $0x1  }
0x370: {  	v6 =	vadd.s32 v3, v6  }
0x371: {  	v7 =	vshll.u32 v6, $0x3  }
0x372: {  	v27 =	vand.u32 $0x7F, v6;
	v7 =	vand.u32 $0xFFFFFC00, v7  }
0x373: {  	v7 =	vor.u32 v27, v7  }
0x374: {  	v7 =	vadd.s32 $0x6500, v7;
	_ =	sdelay $0x3  }
0x375: {  	[tilespmem:$0x1A2A0] =	vst v6  }
0x376: {  	[tilespmem:v7+s10+$0x0] =	vst.idx.msk $0xffff, v1  }
0x377: {  	v6 =	vld [tilespmem:$0x554];
	_ =	sdelay $0x4  }
0x378: {  	v6 =	vtrunc.f32 v6  }
0x379: {  	v6 =	vcvt.f32.s32 v6;
	_ =	sdelay $0x1  }
0x37a: {  	v6 =	vadd.s32 v4, v6  }
0x37b: {  	v7 =	vshll.u32 v6, $0x3  }
0x37c: {  	v28 =	vand.u32 $0x7F, v6;
	v7 =	vand.u32 $0xFFFFFC00, v7  }
0x37d: {  	v7 =	vor.u32 v28, v7  }
0x37e: {  	v7 =	vadd.s32 $0x6500, v7;
	_ =	sdelay $0x3  }
0x37f: {  	[tilespmem:$0x1A2B0] =	vst v6  }
0x380: {  	[tilespmem:v7+s10+$0x0] =	vst.idx.msk $0xffff, v1  }
0x381: {  	v6 =	vld [tilespmem:$0x5A8];
	_ =	sdelay $0x4  }
0x382: {  	v6 =	vtrunc.f32 v6  }
0x383: {  	v6 =	vcvt.f32.s32 v6;
	_ =	sdelay $0x1  }
0x384: {  	v7 =	vld [tilespmem:$0x580];
	v6 =	vadd.s32 v0, v6  }
0x385: {  	v29 =	vld [tilespmem:$0x590];
	v30 =	vshll.u32 v6, $0x3  }
0x386: {  	v31 =	vld [tilespmem:$0x598];
	v32 =	vand.u32 $0x7F, v6;
	v9 =	vand.u32 $0xFFFFFC00, v30  }
0x387: {  	v9 =	vor.u32 v32, v9  }
0x388: {  	v9 =	vadd.s32 $0x6580, v9  }
0x389: {  	[tilespmem:$0x7580] =	vst v7  }
0x38a: {  	[tilespmem:$0x7590] =	vst v29  }
0x38b: {  	[tilespmem:$0x7598] =	vst v31  }
0x38c: {  	[tilespmem:$0x1A2C0] =	vst v6  }
0x38d: {  	[tilespmem:v9+s10+$0x0] =	vst.idx.msk $0xffff, v1  }
0x38e: {  	v6 =	vld [tilespmem:$0x5B8];
	_ =	sdelay $0x4  }
0x38f: {  	v6 =	vtrunc.f32 v6  }
0x390: {  	v6 =	vcvt.f32.s32 v6;
	_ =	sdelay $0x1  }
0x391: {  	v6 =	vadd.s32 v2, v6  }
0x392: {  	v7 =	vshll.u32 v6, $0x3  }
0x393: {  	v33 =	vand.u32 $0x7F, v6;
	v7 =	vand.u32 $0xFFFFFC00, v7  }
0x394: {  	v7 =	vor.u32 v33, v7  }
0x395: {  	v7 =	vadd.s32 $0x6580, v7;
	_ =	sdelay $0x3  }
0x396: {  	[tilespmem:$0x1A2D0] =	vst v6  }
0x397: {  	[tilespmem:v7+s10+$0x0] =	vst.idx.msk $0xffff, v1  }
0x398: {  	v6 =	vld [tilespmem:$0x5C8];
	_ =	sdelay $0x4  }
0x399: {  	v6 =	vtrunc.f32 v6  }
0x39a: {  	v6 =	vcvt.f32.s32 v6;
	_ =	sdelay $0x1  }
0x39b: {  	v6 =	vadd.s32 v3, v6  }
0x39c: {  	v7 =	vshll.u32 v6, $0x3  }
0x39d: {  	v34 =	vand.u32 $0x7F, v6;
	v7 =	vand.u32 $0xFFFFFC00, v7  }
0x39e: {  	v7 =	vor.u32 v34, v7  }
0x39f: {  	v7 =	vadd.s32 $0x6580, v7;
	_ =	sdelay $0x3  }
0x3a0: {  	[tilespmem:$0x1A2E0] =	vst v6  }
0x3a1: {  	[tilespmem:v7+s10+$0x0] =	vst.idx.msk $0xffff, v1  }
0x3a2: {  	v6 =	vld [tilespmem:$0x5D4];
	_ =	sdelay $0x4  }
0x3a3: {  	v6 =	vtrunc.f32 v6  }
0x3a4: {  	v6 =	vcvt.f32.s32 v6;
	_ =	sdelay $0x1  }
0x3a5: {  	v6 =	vadd.s32 v4, v6  }
0x3a6: {  	v7 =	vshll.u32 v6, $0x3  }
0x3a7: {  	v35 =	vand.u32 $0x7F, v6;
	v7 =	vand.u32 $0xFFFFFC00, v7  }
0x3a8: {  	v7 =	vor.u32 v35, v7  }
0x3a9: {  	v7 =	vadd.s32 $0x6580, v7;
	_ =	sdelay $0x3  }
0x3aa: {  	[tilespmem:$0x1A2F0] =	vst v6  }
0x3ab: {  	[tilespmem:v7+s10+$0x0] =	vst.idx.msk $0xffff, v1  }
0x3ac: {  	v6 =	vld [tilespmem:$0x628];
	_ =	sdelay $0x4  }
0x3ad: {  	v6 =	vtrunc.f32 v6  }
0x3ae: {  	v6 =	vcvt.f32.s32 v6;
	_ =	sdelay $0x1  }
0x3af: {  	v7 =	vld [tilespmem:$0x600];
	v6 =	vadd.s32 v0, v6  }
0x3b0: {  	v36 =	vld [tilespmem:$0x610];
	v37 =	vshll.u32 v6, $0x3  }
0x3b1: {  	v38 =	vld [tilespmem:$0x618];
	v39 =	vand.u32 $0x7F, v6;
	v9 =	vand.u32 $0xFFFFFC00, v37  }
0x3b2: {  	v9 =	vor.u32 v39, v9  }
0x3b3: {  	v9 =	vadd.s32 $0x6600, v9  }
0x3b4: {  	[tilespmem:$0x7600] =	vst v7  }
0x3b5: {  	[tilespmem:$0x7610] =	vst v36  }
0x3b6: {  	[tilespmem:$0x7618] =	vst v38  }
0x3b7: {  	[tilespmem:$0x1A300] =	vst v6  }
0x3b8: {  	[tilespmem:v9+s10+$0x0] =	vst.idx.msk $0xffff, v1  }
0x3b9: {  	v6 =	vld [tilespmem:$0x638];
	_ =	sdelay $0x4  }
0x3ba: {  	v6 =	vtrunc.f32 v6  }
0x3bb: {  	v6 =	vcvt.f32.s32 v6;
	_ =	sdelay $0x1  }
0x3bc: {  	v6 =	vadd.s32 v2, v6  }
0x3bd: {  	v7 =	vshll.u32 v6, $0x3  }
0x3be: {  	v40 =	vand.u32 $0x7F, v6;
	v7 =	vand.u32 $0xFFFFFC00, v7  }
0x3bf: {  	v7 =	vor.u32 v40, v7  }
0x3c0: {  	v7 =	vadd.s32 $0x6600, v7;
	_ =	sdelay $0x3  }
0x3c1: {  	[tilespmem:$0x1A310] =	vst v6  }
0x3c2: {  	[tilespmem:v7+s10+$0x0] =	vst.idx.msk $0xffff, v1  }
0x3c3: {  	v6 =	vld [tilespmem:$0x648];
	_ =	sdelay $0x4  }
0x3c4: {  	v6 =	vtrunc.f32 v6  }
0x3c5: {  	v6 =	vcvt.f32.s32 v6;
	_ =	sdelay $0x1  }
0x3c6: {  	v6 =	vadd.s32 v3, v6  }
0x3c7: {  	v7 =	vshll.u32 v6, $0x3  }
0x3c8: {  	v41 =	vand.u32 $0x7F, v6;
	v7 =	vand.u32 $0xFFFFFC00, v7  }
0x3c9: {  	v7 =	vor.u32 v41, v7  }
0x3ca: {  	v7 =	vadd.s32 $0x6600, v7;
	_ =	sdelay $0x3  }
0x3cb: {  	[tilespmem:$0x1A320] =	vst v6  }
0x3cc: {  	[tilespmem:v7+s10+$0x0] =	vst.idx.msk $0xffff, v1  }
0x3cd: {  	v6 =	vld [tilespmem:$0x654];
	_ =	sdelay $0x4  }
0x3ce: {  	v6 =	vtrunc.f32 v6  }
0x3cf: {  	v6 =	vcvt.f32.s32 v6;
	_ =	sdelay $0x1  }
0x3d0: {  	v6 =	vadd.s32 v4, v6  }
0x3d1: {  	v7 =	vshll.u32 v6, $0x3  }
0x3d2: {  	v42 =	vand.u32 $0x7F, v6;
	v7 =	vand.u32 $0xFFFFFC00, v7  }
0x3d3: {  	v7 =	vor.u32 v42, v7  }
0x3d4: {  	v7 =	vadd.s32 $0x6600, v7;
	_ =	sdelay $0x3  }
0x3d5: {  	[tilespmem:$0x1A330] =	vst v6  }
0x3d6: {  	[tilespmem:v7+s10+$0x0] =	vst.idx.msk $0xffff, v1  }
0x3d7: {  	v6 =	vld [tilespmem:$0x6A8];
	_ =	sdelay $0x4  }
0x3d8: {  	v6 =	vtrunc.f32 v6  }
0x3d9: {  	v6 =	vcvt.f32.s32 v6;
	_ =	sdelay $0x1  }
0x3da: {  	v7 =	vld [tilespmem:$0x680];
	v6 =	vadd.s32 v0, v6  }
0x3db: {  	v43 =	vld [tilespmem:$0x690];
	v44 =	vshll.u32 v6, $0x3  }
0x3dc: {  	v45 =	vld [tilespmem:$0x698];
	v46 =	vand.u32 $0x7F, v6;
	v9 =	vand.u32 $0xFFFFFC00, v44  }
0x3dd: {  	v9 =	vor.u32 v46, v9  }
0x3de: {  	v9 =	vadd.s32 $0x6680, v9  }
0x3df: {  	[tilespmem:$0x7680] =	vst v7  }
0x3e0: {  	[tilespmem:$0x7690] =	vst v43  }
0x3e1: {  	[tilespmem:$0x7698] =	vst v45  }
0x3e2: {  	[tilespmem:$0x1A340] =	vst v6  }
0x3e3: {  	[tilespmem:v9+s10+$0x0] =	vst.idx.msk $0xffff, v1  }
0x3e4: {  	v6 =	vld [tilespmem:$0x6B8];
	_ =	sdelay $0x4  }
0x3e5: {  	v6 =	vtrunc.f32 v6  }
0x3e6: {  	v6 =	vcvt.f32.s32 v6;
	_ =	sdelay $0x1  }
0x3e7: {  	v6 =	vadd.s32 v2, v6  }
0x3e8: {  	v7 =	vshll.u32 v6, $0x3  }
0x3e9: {  	v47 =	vand.u32 $0x7F, v6;
	v7 =	vand.u32 $0xFFFFFC00, v7  }
0x3ea: {  	v7 =	vor.u32 v47, v7  }
0x3eb: {  	v7 =	vadd.s32 $0x6680, v7;
	_ =	sdelay $0x3  }
0x3ec: {  	[tilespmem:$0x1A350] =	vst v6  }
0x3ed: {  	[tilespmem:v7+s10+$0x0] =	vst.idx.msk $0xffff, v1  }
0x3ee: {  	v6 =	vld [tilespmem:$0x6C8];
	_ =	sdelay $0x4  }
0x3ef: {  	v6 =	vtrunc.f32 v6  }
0x3f0: {  	v6 =	vcvt.f32.s32 v6;
	_ =	sdelay $0x1  }
0x3f1: {  	v6 =	vadd.s32 v3, v6  }
0x3f2: {  	v7 =	vshll.u32 v6, $0x3  }
0x3f3: {  	v48 =	vand.u32 $0x7F, v6;
	v7 =	vand.u32 $0xFFFFFC00, v7  }
0x3f4: {  	v7 =	vor.u32 v48, v7  }
0x3f5: {  	v7 =	vadd.s32 $0x6680, v7;
	_ =	sdelay $0x3  }
0x3f6: {  	[tilespmem:$0x1A360] =	vst v6  }
0x3f7: {  	[tilespmem:v7+s10+$0x0] =	vst.idx.msk $0xffff, v1  }
0x3f8: {  	v6 =	vld [tilespmem:$0x6D4];
	_ =	sdelay $0x4  }
0x3f9: {  	v6 =	vtrunc.f32 v6  }
0x3fa: {  	v6 =	vcvt.f32.s32 v6;
	_ =	sdelay $0x1  }
0x3fb: {  	v6 =	vadd.s32 v4, v6  }
0x3fc: {  	v7 =	vshll.u32 v6, $0x3  }
0x3fd: {  	v49 =	vand.u32 $0x7F, v6;
	v7 =	vand.u32 $0xFFFFFC00, v7  }
0x3fe: {  	v7 =	vor.u32 v49, v7  }
0x3ff: {  	v7 =	vadd.s32 $0x6680, v7;
	_ =	sdelay $0x3  }
0x400: {  	[tilespmem:$0x1A370] =	vst v6  }
0x401: {  	[tilespmem:v7+s10+$0x0] =	vst.idx.msk $0xffff, v1  }
0x402: {  	v6 =	vld [tilespmem:$0x728];
	_ =	sdelay $0x4  }
0x403: {  	v6 =	vtrunc.f32 v6  }
0x404: {  	v6 =	vcvt.f32.s32 v6;
	_ =	sdelay $0x1  }
0x405: {  	v7 =	vld [tilespmem:$0x700];
	v6 =	vadd.s32 v0, v6  }
0x406: {  	v50 =	vld [tilespmem:$0x710];
	v51 =	vshll.u32 v6, $0x3  }
0x407: {  	v52 =	vld [tilespmem:$0x718];
	v53 =	vand.u32 $0x7F, v6;
	v9 =	vand.u32 $0xFFFFFC00, v51  }
0x408: {  	v9 =	vor.u32 v53, v9  }
0x409: {  	v9 =	vadd.s32 $0x6700, v9  }
0x40a: {  	[tilespmem:$0x7700] =	vst v7  }
0x40b: {  	[tilespmem:$0x7710] =	vst v50  }
0x40c: {  	[tilespmem:$0x7718] =	vst v52  }
0x40d: {  	[tilespmem:$0x1A380] =	vst v6  }
0x40e: {  	[tilespmem:v9+s10+$0x0] =	vst.idx.msk $0xffff, v1  }
0x40f: {  	v6 =	vld [tilespmem:$0x738];
	_ =	sdelay $0x4  }
0x410: {  	v6 =	vtrunc.f32 v6  }
0x411: {  	v6 =	vcvt.f32.s32 v6;
	_ =	sdelay $0x1  }
0x412: {  	v6 =	vadd.s32 v2, v6  }
0x413: {  	v7 =	vshll.u32 v6, $0x3  }
0x414: {  	v54 =	vand.u32 $0x7F, v6;
	v7 =	vand.u32 $0xFFFFFC00, v7  }
0x415: {  	v7 =	vor.u32 v54, v7  }
0x416: {  	v7 =	vadd.s32 $0x6700, v7;
	_ =	sdelay $0x3  }
0x417: {  	[tilespmem:$0x1A390] =	vst v6  }
0x418: {  	[tilespmem:v7+s10+$0x0] =	vst.idx.msk $0xffff, v1  }
0x419: {  	v6 =	vld [tilespmem:$0x748];
	_ =	sdelay $0x4  }
0x41a: {  	v6 =	vtrunc.f32 v6  }
0x41b: {  	v6 =	vcvt.f32.s32 v6;
	_ =	sdelay $0x1  }
0x41c: {  	v6 =	vadd.s32 v3, v6  }
0x41d: {  	v7 =	vshll.u32 v6, $0x3  }
0x41e: {  	v55 =	vand.u32 $0x7F, v6;
	v7 =	vand.u32 $0xFFFFFC00, v7  }
0x41f: {  	v7 =	vor.u32 v55, v7  }
0x420: {  	v7 =	vadd.s32 $0x6700, v7;
	_ =	sdelay $0x3  }
0x421: {  	[tilespmem:$0x1A3A0] =	vst v6  }
0x422: {  	[tilespmem:v7+s10+$0x0] =	vst.idx.msk $0xffff, v1  }
0x423: {  	v6 =	vld [tilespmem:$0x754];
	_ =	sdelay $0x4  }
0x424: {  	v6 =	vtrunc.f32 v6  }
0x425: {  	v6 =	vcvt.f32.s32 v6;
	_ =	sdelay $0x1  }
0x426: {  	v6 =	vadd.s32 v4, v6  }
0x427: {  	v7 =	vshll.u32 v6, $0x3  }
0x428: {  	v56 =	vand.u32 $0x7F, v6;
	v7 =	vand.u32 $0xFFFFFC00, v7  }
0x429: {  	v7 =	vor.u32 v56, v7  }
0x42a: {  	v7 =	vadd.s32 $0x6700, v7;
	_ =	sdelay $0x3  }
0x42b: {  	[tilespmem:$0x1A3B0] =	vst v6  }
0x42c: {  	[tilespmem:v7+s10+$0x0] =	vst.idx.msk $0xffff, v1  }
0x42d: {  	v6 =	vld [tilespmem:$0x7A8];
	_ =	sdelay $0x4  }
0x42e: {  	v6 =	vtrunc.f32 v6  }
0x42f: {  	v6 =	vcvt.f32.s32 v6;
	_ =	sdelay $0x1  }
0x430: {  	v7 =	vld [tilespmem:$0x780];
	v6 =	vadd.s32 v0, v6  }
0x431: {  	v57 =	vld [tilespmem:$0x790];
	v58 =	vshll.u32 v6, $0x3  }
0x432: {  	v59 =	vld [tilespmem:$0x798];
	v60 =	vand.u32 $0x7F, v6;
	v9 =	vand.u32 $0xFFFFFC00, v58  }
0x433: {  	v9 =	vor.u32 v60, v9  }
0x434: {  	v9 =	vadd.s32 $0x6780, v9  }
0x435: {  	[tilespmem:$0x7780] =	vst v7  }
0x436: {  	[tilespmem:$0x7790] =	vst v57  }
0x437: {  	[tilespmem:$0x7798] =	vst v59  }
0x438: {  	[tilespmem:$0x1A3C0] =	vst v6  }
0x439: {  	[tilespmem:v9+s10+$0x0] =	vst.idx.msk $0xffff, v1  }
0x43a: {  	v6 =	vld [tilespmem:$0x7B8];
	_ =	sdelay $0x4  }
0x43b: {  	v6 =	vtrunc.f32 v6  }
0x43c: {  	v6 =	vcvt.f32.s32 v6;
	_ =	sdelay $0x1  }
0x43d: {  	v6 =	vadd.s32 v2, v6  }
0x43e: {  	v7 =	vshll.u32 v6, $0x3  }
0x43f: {  	v61 =	vand.u32 $0x7F, v6;
	v7 =	vand.u32 $0xFFFFFC00, v7  }
0x440: {  	v7 =	vor.u32 v61, v7  }
0x441: {  	v7 =	vadd.s32 $0x6780, v7;
	_ =	sdelay $0x3  }
0x442: {  	[tilespmem:$0x1A3D0] =	vst v6  }
0x443: {  	[tilespmem:v7+s10+$0x0] =	vst.idx.msk $0xffff, v1  }
0x444: {  	v6 =	vld [tilespmem:$0x7C8];
	_ =	sdelay $0x4  }
0x445: {  	v6 =	vtrunc.f32 v6  }
0x446: {  	v6 =	vcvt.f32.s32 v6;
	_ =	sdelay $0x1  }
0x447: {  	v6 =	vadd.s32 v3, v6  }
0x448: {  	v7 =	vshll.u32 v6, $0x3  }
0x449: {  	v62 =	vand.u32 $0x7F, v6;
	v7 =	vand.u32 $0xFFFFFC00, v7  }
0x44a: {  	v7 =	vor.u32 v62, v7  }
0x44b: {  	v7 =	vadd.s32 $0x6780, v7;
	_ =	sdelay $0x3  }
0x44c: {  	[tilespmem:$0x1A3E0] =	vst v6  }
0x44d: {  	[tilespmem:v7+s10+$0x0] =	vst.idx.msk $0xffff, v1  }
0x44e: {  	v6 =	vld [tilespmem:$0x7D4];
	_ =	sdelay $0x4  }
0x44f: {  	v6 =	vtrunc.f32 v6  }
0x450: {  	v6 =	vcvt.f32.s32 v6;
	_ =	sdelay $0x1  }
0x451: {  	v6 =	vadd.s32 v4, v6  }
0x452: {  	v7 =	vshll.u32 v6, $0x3  }
0x453: {  	v63 =	vand.u32 $0x7F, v6;
	v7 =	vand.u32 $0xFFFFFC00, v7  }
0x454: {  	v7 =	vor.u32 v63, v7  }
0x455: {  	v7 =	vadd.s32 $0x6780, v7;
	_ =	sdelay $0x1  }
0x456: {  	p0 =	seq.s32 s19, $0x1E00  }
0x457: {  	p1 =	seq.s32 @!p0 s19, $0x0  }
0x458: {  	p1 =	por p0, !p1;
	[tilespmem:$0x1A3F0] =	vst v6  }
.Ltmp3:
0x459: {  	s20 =	sadd.s32 $0xFFFFE700, s18;
	[tilespmem:v7+s10+$0x0] =	vst.idx.msk $0xffff, v1;
	(pc) =	sbr.rel @!p1 .LBB2_6-.Ltmp3, $4  }
0x45a: {  	[hbm4b:s20+s2] =	stream.linear.scatter [tilespmem:s10], [sflag:$0x1], $0xC800, $0x38;
	[tilespmem:$0x1A800] =	vst v63  }
0x45b: {  	s20 =	sadd.s32 @!p0 s19, s7  }
0x45c: {  	s21 =	simm.s32 @!p0 $0x0;
	s20 =	sadd.s32 @!p0 $0x200, s20  }
0x45d: {  	[tilespmem:s21], [sflag:$0x3] =	stream.linear.gather @!p0 [hbm4b:s20+s21], $0x800, $0x38;
	[tilespmem:$0x1A800] =	vst v63  }
0x45e: {  	_ =	swait.ge [sflag:s16], $0xC800  }
0x45f: {  	[sflag:s16] =	ssyncset.done $0x0  }
0x460: {  	[sflag:s16] =	ssyncadd.s32 $0xFFFF3800  }
0x461: {  	v6 =	vld [tilespmem:$0x1A400];
	_ =	sdelay $0x4  }
0x462: {  	v7 =	vshll.u32 v6, $0x3  }
0x463: {  	v6 =	vand.u32 $0x7F, v6;
	v7 =	vand.u32 $0xFFFFFC00, v7  }
0x464: {  	v6 =	vor.u32 v6, v7;
	_ =	sdelay $0x4  }
0x465: {  	[tilespmem:v6+s12+$0x0] =	vst.idx.msk $0xffff, v5  }
0x466: {  	v6 =	vld [tilespmem:$0x1A410];
	_ =	sdelay $0x4  }
0x467: {  	v7 =	vshll.u32 v6, $0x3  }
0x468: {  	v6 =	vand.u32 $0x7F, v6;
	v7 =	vand.u32 $0xFFFFFC00, v7  }
0x469: {  	v6 =	vor.u32 v6, v7;
	_ =	sdelay $0x4  }
0x46a: {  	[tilespmem:v6+s12+$0x0] =	vst.idx.msk $0xffff, v5  }
0x46b: {  	v6 =	vld [tilespmem:$0x1A420];
	_ =	sdelay $0x4  }
0x46c: {  	v7 =	vshll.u32 v6, $0x3  }
0x46d: {  	v6 =	vand.u32 $0x7F, v6;
	v7 =	vand.u32 $0xFFFFFC00, v7  }
0x46e: {  	v6 =	vor.u32 v6, v7;
	_ =	sdelay $0x4  }
0x46f: {  	[tilespmem:v6+s12+$0x0] =	vst.idx.msk $0xffff, v5  }
0x470: {  	v6 =	vld [tilespmem:$0x1A430];
	_ =	sdelay $0x4  }
0x471: {  	v7 =	vshll.u32 v6, $0x3  }
0x472: {  	v6 =	vand.u32 $0x7F, v6;
	v7 =	vand.u32 $0xFFFFFC00, v7  }
0x473: {  	v6 =	vor.u32 v6, v7;
	_ =	sdelay $0x4  }
0x474: {  	[tilespmem:v6+s12+$0x0] =	vst.idx.msk $0xffff, v5  }
0x475: {  	v6 =	vld [tilespmem:$0x1A440];
	_ =	sdelay $0x4  }
0x476: {  	v7 =	vshll.u32 v6, $0x3  }
0x477: {  	v6 =	vand.u32 $0x7F, v6;
	v7 =	vand.u32 $0xFFFFFC00, v7  }
0x478: {  	v6 =	vor.u32 v7, v6  }
0x479: {  	v6 =	vor.u32 $0x80, v6;
	_ =	sdelay $0x4  }
0x47a: {  	[tilespmem:v6+s12+$0x0] =	vst.idx.msk $0xffff, v5  }
0x47b: {  	v6 =	vld [tilespmem:$0x1A450];
	_ =	sdelay $0x4  }
0x47c: {  	v7 =	vshll.u32 v6, $0x3  }
0x47d: {  	v6 =	vand.u32 $0x7F, v6;
	v7 =	vand.u32 $0xFFFFFC00, v7  }
0x47e: {  	v6 =	vor.u32 v7, v6  }
0x47f: {  	v6 =	vor.u32 $0x80, v6;
	_ =	sdelay $0x4  }
0x480: {  	[tilespmem:v6+s12+$0x0] =	vst.idx.msk $0xffff, v5  }
0x481: {  	v6 =	vld [tilespmem:$0x1A460];
	_ =	sdelay $0x4  }
0x482: {  	v7 =	vshll.u32 v6, $0x3  }
0x483: {  	v6 =	vand.u32 $0x7F, v6;
	v7 =	vand.u32 $0xFFFFFC00, v7  }
0x484: {  	v6 =	vor.u32 v7, v6  }
0x485: {  	v6 =	vor.u32 $0x80, v6;
	_ =	sdelay $0x4  }
0x486: {  	[tilespmem:v6+s12+$0x0] =	vst.idx.msk $0xffff, v5  }
0x487: {  	v6 =	vld [tilespmem:$0x1A470];
	_ =	sdelay $0x4  }
0x488: {  	v7 =	vshll.u32 v6, $0x3  }
0x489: {  	v6 =	vand.u32 $0x7F, v6;
	v7 =	vand.u32 $0xFFFFFC00, v7  }
0x48a: {  	v6 =	vor.u32 v7, v6  }
0x48b: {  	v6 =	vor.u32 $0x80, v6;
	_ =	sdelay $0x4  }
0x48c: {  	[tilespmem:v6+s12+$0x0] =	vst.idx.msk $0xffff, v5  }
0x48d: {  	v6 =	vld [tilespmem:$0x1A480];
	_ =	sdelay $0x4  }
0x48e: {  	v7 =	vshll.u32 v6, $0x3  }
0x48f: {  	v6 =	vand.u32 $0x7F, v6;
	v7 =	vand.u32 $0xFFFFFC00, v7  }
0x490: {  	v6 =	vor.u32 v7, v6  }
0x491: {  	v6 =	vor.u32 $0x100, v6;
	_ =	sdelay $0x4  }
0x492: {  	[tilespmem:v6+s12+$0x0] =	vst.idx.msk $0xffff, v5  }
0x493: {  	v6 =	vld [tilespmem:$0x1A490];
	_ =	sdelay $0x4  }
0x494: {  	v7 =	vshll.u32 v6, $0x3  }
0x495: {  	v6 =	vand.u32 $0x7F, v6;
	v7 =	vand.u32 $0xFFFFFC00, v7  }
0x496: {  	v6 =	vor.u32 v7, v6  }
0x497: {  	v6 =	vor.u32 $0x100, v6;
	_ =	sdelay $0x4  }
0x498: {  	[tilespmem:v6+s12+$0x0] =	vst.idx.msk $0xffff, v5  }
0x499: {  	v6 =	vld [tilespmem:$0x1A4A0];
	_ =	sdelay $0x4  }
0x49a: {  	v7 =	vshll.u32 v6, $0x3  }
0x49b: {  	v6 =	vand.u32 $0x7F, v6;
	v7 =	vand.u32 $0xFFFFFC00, v7  }
0x49c: {  	v6 =	vor.u32 v7, v6  }
0x49d: {  	v6 =	vor.u32 $0x100, v6;
	_ =	sdelay $0x4  }
0x49e: {  	[tilespmem:v6+s12+$0x0] =	vst.idx.msk $0xffff, v5  }
0x49f: {  	v6 =	vld [tilespmem:$0x1A4B0];
	_ =	sdelay $0x4  }
0x4a0: {  	v7 =	vshll.u32 v6, $0x3  }
0x4a1: {  	v6 =	vand.u32 $0x7F, v6;
	v7 =	vand.u32 $0xFFFFFC00, v7  }
0x4a2: {  	v6 =	vor.u32 v7, v6  }
0x4a3: {  	v6 =	vor.u32 $0x100, v6;
	_ =	sdelay $0x4  }
0x4a4: {  	[tilespmem:v6+s12+$0x0] =	vst.idx.msk $0xffff, v5  }
0x4a5: {  	v6 =	vld [tilespmem:$0x1A4C0];
	_ =	sdelay $0x4  }
0x4a6: {  	v7 =	vshll.u32 v6, $0x3  }
0x4a7: {  	v6 =	vand.u32 $0x7F, v6;
	v7 =	vand.u32 $0xFFFFFC00, v7  }
0x4a8: {  	v6 =	vor.u32 v7, v6  }
0x4a9: {  	v6 =	vor.u32 $0x180, v6;
	_ =	sdelay $0x4  }
0x4aa: {  	[tilespmem:v6+s12+$0x0] =	vst.idx.msk $0xffff, v5  }
0x4ab: {  	v6 =	vld [tilespmem:$0x1A4D0];
	_ =	sdelay $0x4  }
0x4ac: {  	v7 =	vshll.u32 v6, $0x3  }
0x4ad: {  	v6 =	vand.u32 $0x7F, v6;
	v7 =	vand.u32 $0xFFFFFC00, v7  }
0x4ae: {  	v6 =	vor.u32 v7, v6  }
0x4af: {  	v6 =	vor.u32 $0x180, v6;
	_ =	sdelay $0x4  }
0x4b0: {  	[tilespmem:v6+s12+$0x0] =	vst.idx.msk $0xffff, v5  }
0x4b1: {  	v6 =	vld [tilespmem:$0x1A4E0];
	_ =	sdelay $0x4  }
0x4b2: {  	v7 =	vshll.u32 v6, $0x3  }
0x4b3: {  	v6 =	vand.u32 $0x7F, v6;
	v7 =	vand.u32 $0xFFFFFC00, v7  }
0x4b4: {  	v6 =	vor.u32 v7, v6  }
0x4b5: {  	v6 =	vor.u32 $0x180, v6;
	_ =	sdelay $0x4  }
0x4b6: {  	[tilespmem:v6+s12+$0x0] =	vst.idx.msk $0xffff, v5  }
0x4b7: {  	v6 =	vld [tilespmem:$0x1A4F0];
	_ =	sdelay $0x4  }
0x4b8: {  	v7 =	vshll.u32 v6, $0x3  }
0x4b9: {  	v6 =	vand.u32 $0x7F, v6;
	v7 =	vand.u32 $0xFFFFFC00, v7  }
0x4ba: {  	v6 =	vor.u32 v7, v6  }
0x4bb: {  	v6 =	vor.u32 $0x180, v6;
	_ =	sdelay $0x4  }
0x4bc: {  	[tilespmem:v6+s12+$0x0] =	vst.idx.msk $0xffff, v5  }
0x4bd: {  	v6 =	vld [tilespmem:$0x1A500];
	_ =	sdelay $0x4  }
0x4be: {  	v7 =	vshll.u32 v6, $0x3  }
0x4bf: {  	v6 =	vand.u32 $0x7F, v6;
	v7 =	vand.u32 $0xFFFFFC00, v7  }
0x4c0: {  	v6 =	vor.u32 v7, v6  }
0x4c1: {  	v6 =	vor.u32 $0x200, v6;
	_ =	sdelay $0x4  }
0x4c2: {  	[tilespmem:v6+s12+$0x0] =	vst.idx.msk $0xffff, v5  }
0x4c3: {  	v6 =	vld [tilespmem:$0x1A510];
	_ =	sdelay $0x4  }
0x4c4: {  	v7 =	vshll.u32 v6, $0x3  }
0x4c5: {  	v6 =	vand.u32 $0x7F, v6;
	v7 =	vand.u32 $0xFFFFFC00, v7  }
0x4c6: {  	v6 =	vor.u32 v7, v6  }
0x4c7: {  	v6 =	vor.u32 $0x200, v6;
	_ =	sdelay $0x4  }
0x4c8: {  	[tilespmem:v6+s12+$0x0] =	vst.idx.msk $0xffff, v5  }
0x4c9: {  	v6 =	vld [tilespmem:$0x1A520];
	_ =	sdelay $0x4  }
0x4ca: {  	v7 =	vshll.u32 v6, $0x3  }
0x4cb: {  	v6 =	vand.u32 $0x7F, v6;
	v7 =	vand.u32 $0xFFFFFC00, v7  }
0x4cc: {  	v6 =	vor.u32 v7, v6  }
0x4cd: {  	v6 =	vor.u32 $0x200, v6;
	_ =	sdelay $0x4  }
0x4ce: {  	[tilespmem:v6+s12+$0x0] =	vst.idx.msk $0xffff, v5  }
0x4cf: {  	v6 =	vld [tilespmem:$0x1A530];
	_ =	sdelay $0x4  }
0x4d0: {  	v7 =	vshll.u32 v6, $0x3  }
0x4d1: {  	v6 =	vand.u32 $0x7F, v6;
	v7 =	vand.u32 $0xFFFFFC00, v7  }
0x4d2: {  	v6 =	vor.u32 v7, v6  }
0x4d3: {  	v6 =	vor.u32 $0x200, v6;
	_ =	sdelay $0x4  }
0x4d4: {  	[tilespmem:v6+s12+$0x0] =	vst.idx.msk $0xffff, v5  }
0x4d5: {  	v6 =	vld [tilespmem:$0x1A540];
	_ =	sdelay $0x4  }
0x4d6: {  	v7 =	vshll.u32 v6, $0x3  }
0x4d7: {  	v6 =	vand.u32 $0x7F, v6;
	v7 =	vand.u32 $0xFFFFFC00, v7  }
0x4d8: {  	v6 =	vor.u32 v7, v6  }
0x4d9: {  	v6 =	vor.u32 $0x280, v6;
	_ =	sdelay $0x4  }
0x4da: {  	[tilespmem:v6+s12+$0x0] =	vst.idx.msk $0xffff, v5  }
0x4db: {  	v6 =	vld [tilespmem:$0x1A550];
	_ =	sdelay $0x4  }
0x4dc: {  	v7 =	vshll.u32 v6, $0x3  }
0x4dd: {  	v6 =	vand.u32 $0x7F, v6;
	v7 =	vand.u32 $0xFFFFFC00, v7  }
0x4de: {  	v6 =	vor.u32 v7, v6  }
0x4df: {  	v6 =	vor.u32 $0x280, v6;
	_ =	sdelay $0x4  }
0x4e0: {  	[tilespmem:v6+s12+$0x0] =	vst.idx.msk $0xffff, v5  }
0x4e1: {  	v6 =	vld [tilespmem:$0x1A560];
	_ =	sdelay $0x4  }
0x4e2: {  	v7 =	vshll.u32 v6, $0x3  }
0x4e3: {  	v6 =	vand.u32 $0x7F, v6;
	v7 =	vand.u32 $0xFFFFFC00, v7  }
0x4e4: {  	v6 =	vor.u32 v7, v6  }
0x4e5: {  	v6 =	vor.u32 $0x280, v6;
	_ =	sdelay $0x4  }
0x4e6: {  	[tilespmem:v6+s12+$0x0] =	vst.idx.msk $0xffff, v5  }
0x4e7: {  	v6 =	vld [tilespmem:$0x1A570];
	_ =	sdelay $0x4  }
0x4e8: {  	v7 =	vshll.u32 v6, $0x3  }
0x4e9: {  	v6 =	vand.u32 $0x7F, v6;
	v7 =	vand.u32 $0xFFFFFC00, v7  }
0x4ea: {  	v6 =	vor.u32 v7, v6  }
0x4eb: {  	v6 =	vor.u32 $0x280, v6;
	_ =	sdelay $0x4  }
0x4ec: {  	[tilespmem:v6+s12+$0x0] =	vst.idx.msk $0xffff, v5  }
0x4ed: {  	v6 =	vld [tilespmem:$0x1A580];
	_ =	sdelay $0x4  }
0x4ee: {  	v7 =	vshll.u32 v6, $0x3  }
0x4ef: {  	v6 =	vand.u32 $0x7F, v6;
	v7 =	vand.u32 $0xFFFFFC00, v7  }
0x4f0: {  	v6 =	vor.u32 v7, v6  }
0x4f1: {  	v6 =	vor.u32 $0x300, v6;
	_ =	sdelay $0x4  }
0x4f2: {  	[tilespmem:v6+s12+$0x0] =	vst.idx.msk $0xffff, v5  }
0x4f3: {  	v6 =	vld [tilespmem:$0x1A590];
	_ =	sdelay $0x4  }
0x4f4: {  	v7 =	vshll.u32 v6, $0x3  }
0x4f5: {  	v6 =	vand.u32 $0x7F, v6;
	v7 =	vand.u32 $0xFFFFFC00, v7  }
0x4f6: {  	v6 =	vor.u32 v7, v6  }
0x4f7: {  	v6 =	vor.u32 $0x300, v6;
	_ =	sdelay $0x4  }
0x4f8: {  	[tilespmem:v6+s12+$0x0] =	vst.idx.msk $0xffff, v5  }
0x4f9: {  	v6 =	vld [tilespmem:$0x1A5A0];
	_ =	sdelay $0x4  }
0x4fa: {  	v7 =	vshll.u32 v6, $0x3  }
0x4fb: {  	v6 =	vand.u32 $0x7F, v6;
	v7 =	vand.u32 $0xFFFFFC00, v7  }
0x4fc: {  	v6 =	vor.u32 v7, v6  }
0x4fd: {  	v6 =	vor.u32 $0x300, v6;
	_ =	sdelay $0x4  }
0x4fe: {  	[tilespmem:v6+s12+$0x0] =	vst.idx.msk $0xffff, v5  }
0x4ff: {  	v6 =	vld [tilespmem:$0x1A5B0];
	_ =	sdelay $0x4  }
0x500: {  	v7 =	vshll.u32 v6, $0x3  }
0x501: {  	v6 =	vand.u32 $0x7F, v6;
	v7 =	vand.u32 $0xFFFFFC00, v7  }
0x502: {  	v6 =	vor.u32 v7, v6  }
0x503: {  	v6 =	vor.u32 $0x300, v6;
	_ =	sdelay $0x4  }
0x504: {  	[tilespmem:v6+s12+$0x0] =	vst.idx.msk $0xffff, v5  }
0x505: {  	v6 =	vld [tilespmem:$0x1A5C0];
	_ =	sdelay $0x4  }
0x506: {  	v7 =	vshll.u32 v6, $0x3  }
0x507: {  	v6 =	vand.u32 $0x7F, v6;
	v7 =	vand.u32 $0xFFFFFC00, v7  }
0x508: {  	v6 =	vor.u32 v7, v6  }
0x509: {  	v6 =	vor.u32 $0x380, v6;
	_ =	sdelay $0x4  }
0x50a: {  	[tilespmem:v6+s12+$0x0] =	vst.idx.msk $0xffff, v5  }
0x50b: {  	v6 =	vld [tilespmem:$0x1A5D0];
	_ =	sdelay $0x4  }
0x50c: {  	v7 =	vshll.u32 v6, $0x3  }
0x50d: {  	v6 =	vand.u32 $0x7F, v6;
	v7 =	vand.u32 $0xFFFFFC00, v7  }
0x50e: {  	v6 =	vor.u32 v7, v6  }
0x50f: {  	v6 =	vor.u32 $0x380, v6;
	_ =	sdelay $0x4  }
0x510: {  	[tilespmem:v6+s12+$0x0] =	vst.idx.msk $0xffff, v5  }
0x511: {  	v6 =	vld [tilespmem:$0x1A5E0];
	_ =	sdelay $0x4  }
0x512: {  	v7 =	vshll.u32 v6, $0x3  }
0x513: {  	v6 =	vand.u32 $0x7F, v6;
	v7 =	vand.u32 $0xFFFFFC00, v7  }
0x514: {  	v6 =	vor.u32 v7, v6  }
0x515: {  	v6 =	vor.u32 $0x380, v6;
	_ =	sdelay $0x4  }
0x516: {  	[tilespmem:v6+s12+$0x0] =	vst.idx.msk $0xffff, v5  }
0x517: {  	v6 =	vld [tilespmem:$0x1A5F0];
	_ =	sdelay $0x4  }
0x518: {  	v7 =	vshll.u32 v6, $0x3  }
0x519: {  	v6 =	vand.u32 $0x7F, v6;
	v7 =	vand.u32 $0xFFFFFC00, v7  }
0x51a: {  	v6 =	vor.u32 v7, v6  }
0x51b: {  	v6 =	vor.u32 $0x380, v6;
	_ =	sdelay $0x4  }
0x51c: {  	[tilespmem:v6+s12+$0x0] =	vst.idx.msk $0xffff, v5  }
0x51d: {  	v6 =	vld [tilespmem:$0x1A600];
	_ =	sdelay $0x4  }
0x51e: {  	v7 =	vshll.u32 v6, $0x3  }
0x51f: {  	v6 =	vand.u32 $0x7F, v6;
	v7 =	vand.u32 $0xFFFFFC00, v7  }
0x520: {  	v6 =	vor.u32 v6, v7  }
0x521: {  	v6 =	vadd.s32 $0x6400, v6;
	_ =	sdelay $0x4  }
0x522: {  	[tilespmem:v6+s12+$0x0] =	vst.idx.msk $0xffff, v5  }
0x523: {  	v6 =	vld [tilespmem:$0x1A610];
	_ =	sdelay $0x4  }
0x524: {  	v7 =	vshll.u32 v6, $0x3  }
0x525: {  	v6 =	vand.u32 $0x7F, v6;
	v7 =	vand.u32 $0xFFFFFC00, v7  }
0x526: {  	v6 =	vor.u32 v6, v7  }
0x527: {  	v6 =	vadd.s32 $0x6400, v6;
	_ =	sdelay $0x4  }
0x528: {  	[tilespmem:v6+s12+$0x0] =	vst.idx.msk $0xffff, v5  }
0x529: {  	v6 =	vld [tilespmem:$0x1A620];
	_ =	sdelay $0x4  }
0x52a: {  	v7 =	vshll.u32 v6, $0x3  }
0x52b: {  	v6 =	vand.u32 $0x7F, v6;
	v7 =	vand.u32 $0xFFFFFC00, v7  }
0x52c: {  	v6 =	vor.u32 v6, v7  }
0x52d: {  	v6 =	vadd.s32 $0x6400, v6;
	_ =	sdelay $0x4  }
0x52e: {  	[tilespmem:v6+s12+$0x0] =	vst.idx.msk $0xffff, v5  }
0x52f: {  	v6 =	vld [tilespmem:$0x1A630];
	_ =	sdelay $0x4  }
0x530: {  	v7 =	vshll.u32 v6, $0x3  }
0x531: {  	v6 =	vand.u32 $0x7F, v6;
	v7 =	vand.u32 $0xFFFFFC00, v7  }
0x532: {  	v6 =	vor.u32 v6, v7  }
0x533: {  	v6 =	vadd.s32 $0x6400, v6;
	_ =	sdelay $0x4  }
0x534: {  	[tilespmem:v6+s12+$0x0] =	vst.idx.msk $0xffff, v5  }
0x535: {  	v6 =	vld [tilespmem:$0x1A640];
	_ =	sdelay $0x4  }
0x536: {  	v7 =	vshll.u32 v6, $0x3  }
0x537: {  	v6 =	vand.u32 $0x7F, v6;
	v7 =	vand.u32 $0xFFFFFC00, v7  }
0x538: {  	v6 =	vor.u32 v6, v7  }
0x539: {  	v6 =	vadd.s32 $0x6480, v6;
	_ =	sdelay $0x4  }
0x53a: {  	[tilespmem:v6+s12+$0x0] =	vst.idx.msk $0xffff, v5  }
0x53b: {  	v6 =	vld [tilespmem:$0x1A650];
	_ =	sdelay $0x4  }
0x53c: {  	v7 =	vshll.u32 v6, $0x3  }
0x53d: {  	v6 =	vand.u32 $0x7F, v6;
	v7 =	vand.u32 $0xFFFFFC00, v7  }
0x53e: {  	v6 =	vor.u32 v6, v7  }
0x53f: {  	v6 =	vadd.s32 $0x6480, v6;
	_ =	sdelay $0x4  }
0x540: {  	[tilespmem:v6+s12+$0x0] =	vst.idx.msk $0xffff, v5  }
0x541: {  	v6 =	vld [tilespmem:$0x1A660];
	_ =	sdelay $0x4  }
0x542: {  	v7 =	vshll.u32 v6, $0x3  }
0x543: {  	v6 =	vand.u32 $0x7F, v6;
	v7 =	vand.u32 $0xFFFFFC00, v7  }
0x544: {  	v6 =	vor.u32 v6, v7  }
0x545: {  	v6 =	vadd.s32 $0x6480, v6;
	_ =	sdelay $0x4  }
0x546: {  	[tilespmem:v6+s12+$0x0] =	vst.idx.msk $0xffff, v5  }
0x547: {  	v6 =	vld [tilespmem:$0x1A670];
	_ =	sdelay $0x4  }
0x548: {  	v7 =	vshll.u32 v6, $0x3  }
0x549: {  	v6 =	vand.u32 $0x7F, v6;
	v7 =	vand.u32 $0xFFFFFC00, v7  }
0x54a: {  	v6 =	vor.u32 v6, v7  }
0x54b: {  	v6 =	vadd.s32 $0x6480, v6;
	_ =	sdelay $0x4  }
0x54c: {  	[tilespmem:v6+s12+$0x0] =	vst.idx.msk $0xffff, v5  }
0x54d: {  	v6 =	vld [tilespmem:$0x1A680];
	_ =	sdelay $0x4  }
0x54e: {  	v7 =	vshll.u32 v6, $0x3  }
0x54f: {  	v6 =	vand.u32 $0x7F, v6;
	v7 =	vand.u32 $0xFFFFFC00, v7  }
0x550: {  	v6 =	vor.u32 v6, v7  }
0x551: {  	v6 =	vadd.s32 $0x6500, v6;
	_ =	sdelay $0x4  }
0x552: {  	[tilespmem:v6+s12+$0x0] =	vst.idx.msk $0xffff, v5  }
0x553: {  	v6 =	vld [tilespmem:$0x1A690];
	_ =	sdelay $0x4  }
0x554: {  	v7 =	vshll.u32 v6, $0x3  }
0x555: {  	v6 =	vand.u32 $0x7F, v6;
	v7 =	vand.u32 $0xFFFFFC00, v7  }
0x556: {  	v6 =	vor.u32 v6, v7  }
0x557: {  	v6 =	vadd.s32 $0x6500, v6;
	_ =	sdelay $0x4  }
0x558: {  	[tilespmem:v6+s12+$0x0] =	vst.idx.msk $0xffff, v5  }
0x559: {  	v6 =	vld [tilespmem:$0x1A6A0];
	_ =	sdelay $0x4  }
0x55a: {  	v7 =	vshll.u32 v6, $0x3  }
0x55b: {  	v6 =	vand.u32 $0x7F, v6;
	v7 =	vand.u32 $0xFFFFFC00, v7  }
0x55c: {  	v6 =	vor.u32 v6, v7  }
0x55d: {  	v6 =	vadd.s32 $0x6500, v6;
	_ =	sdelay $0x4  }
0x55e: {  	[tilespmem:v6+s12+$0x0] =	vst.idx.msk $0xffff, v5  }
0x55f: {  	v6 =	vld [tilespmem:$0x1A6B0];
	_ =	sdelay $0x4  }
0x560: {  	v7 =	vshll.u32 v6, $0x3  }
0x561: {  	v6 =	vand.u32 $0x7F, v6;
	v7 =	vand.u32 $0xFFFFFC00, v7  }
0x562: {  	v6 =	vor.u32 v6, v7  }
0x563: {  	v6 =	vadd.s32 $0x6500, v6;
	_ =	sdelay $0x4  }
0x564: {  	[tilespmem:v6+s12+$0x0] =	vst.idx.msk $0xffff, v5  }
0x565: {  	v6 =	vld [tilespmem:$0x1A6C0];
	_ =	sdelay $0x4  }
0x566: {  	v7 =	vshll.u32 v6, $0x3  }
0x567: {  	v6 =	vand.u32 $0x7F, v6;
	v7 =	vand.u32 $0xFFFFFC00, v7  }
0x568: {  	v6 =	vor.u32 v6, v7  }
0x569: {  	v6 =	vadd.s32 $0x6580, v6;
	_ =	sdelay $0x4  }
0x56a: {  	[tilespmem:v6+s12+$0x0] =	vst.idx.msk $0xffff, v5  }
0x56b: {  	v6 =	vld [tilespmem:$0x1A6D0];
	_ =	sdelay $0x4  }
0x56c: {  	v7 =	vshll.u32 v6, $0x3  }
0x56d: {  	v6 =	vand.u32 $0x7F, v6;
	v7 =	vand.u32 $0xFFFFFC00, v7  }
0x56e: {  	v6 =	vor.u32 v6, v7  }
0x56f: {  	v6 =	vadd.s32 $0x6580, v6;
	_ =	sdelay $0x4  }
0x570: {  	[tilespmem:v6+s12+$0x0] =	vst.idx.msk $0xffff, v5  }
0x571: {  	v6 =	vld [tilespmem:$0x1A6E0];
	_ =	sdelay $0x4  }
0x572: {  	v7 =	vshll.u32 v6, $0x3  }
0x573: {  	v6 =	vand.u32 $0x7F, v6;
	v7 =	vand.u32 $0xFFFFFC00, v7  }
0x574: {  	v6 =	vor.u32 v6, v7  }
0x575: {  	v6 =	vadd.s32 $0x6580, v6;
	_ =	sdelay $0x4  }
0x576: {  	[tilespmem:v6+s12+$0x0] =	vst.idx.msk $0xffff, v5  }
0x577: {  	v6 =	vld [tilespmem:$0x1A6F0];
	_ =	sdelay $0x4  }
0x578: {  	v7 =	vshll.u32 v6, $0x3  }
0x579: {  	v6 =	vand.u32 $0x7F, v6;
	v7 =	vand.u32 $0xFFFFFC00, v7  }
0x57a: {  	v6 =	vor.u32 v6, v7  }
0x57b: {  	v6 =	vadd.s32 $0x6580, v6;
	_ =	sdelay $0x4  }
0x57c: {  	[tilespmem:v6+s12+$0x0] =	vst.idx.msk $0xffff, v5  }
0x57d: {  	v6 =	vld [tilespmem:$0x1A700];
	_ =	sdelay $0x4  }
0x57e: {  	v7 =	vshll.u32 v6, $0x3  }
0x57f: {  	v6 =	vand.u32 $0x7F, v6;
	v7 =	vand.u32 $0xFFFFFC00, v7  }
0x580: {  	v6 =	vor.u32 v6, v7  }
0x581: {  	v6 =	vadd.s32 $0x6600, v6;
	_ =	sdelay $0x4  }
0x582: {  	[tilespmem:v6+s12+$0x0] =	vst.idx.msk $0xffff, v5  }
0x583: {  	v6 =	vld [tilespmem:$0x1A710];
	_ =	sdelay $0x4  }
0x584: {  	v7 =	vshll.u32 v6, $0x3  }
0x585: {  	v6 =	vand.u32 $0x7F, v6;
	v7 =	vand.u32 $0xFFFFFC00, v7  }
0x586: {  	v6 =	vor.u32 v6, v7  }
0x587: {  	v6 =	vadd.s32 $0x6600, v6;
	_ =	sdelay $0x4  }
0x588: {  	[tilespmem:v6+s12+$0x0] =	vst.idx.msk $0xffff, v5  }
0x589: {  	v6 =	vld [tilespmem:$0x1A720];
	_ =	sdelay $0x4  }
0x58a: {  	v7 =	vshll.u32 v6, $0x3  }
0x58b: {  	v6 =	vand.u32 $0x7F, v6;
	v7 =	vand.u32 $0xFFFFFC00, v7  }
0x58c: {  	v6 =	vor.u32 v6, v7  }
0x58d: {  	v6 =	vadd.s32 $0x6600, v6;
	_ =	sdelay $0x4  }
0x58e: {  	[tilespmem:v6+s12+$0x0] =	vst.idx.msk $0xffff, v5  }
0x58f: {  	v6 =	vld [tilespmem:$0x1A730];
	_ =	sdelay $0x4  }
0x590: {  	v7 =	vshll.u32 v6, $0x3  }
0x591: {  	v6 =	vand.u32 $0x7F, v6;
	v7 =	vand.u32 $0xFFFFFC00, v7  }
0x592: {  	v6 =	vor.u32 v6, v7  }
0x593: {  	v6 =	vadd.s32 $0x6600, v6;
	_ =	sdelay $0x4  }
0x594: {  	[tilespmem:v6+s12+$0x0] =	vst.idx.msk $0xffff, v5  }
0x595: {  	v6 =	vld [tilespmem:$0x1A740];
	_ =	sdelay $0x4  }
0x596: {  	v7 =	vshll.u32 v6, $0x3  }
0x597: {  	v6 =	vand.u32 $0x7F, v6;
	v7 =	vand.u32 $0xFFFFFC00, v7  }
0x598: {  	v6 =	vor.u32 v6, v7  }
0x599: {  	v6 =	vadd.s32 $0x6680, v6;
	_ =	sdelay $0x4  }
0x59a: {  	[tilespmem:v6+s12+$0x0] =	vst.idx.msk $0xffff, v5  }
0x59b: {  	v6 =	vld [tilespmem:$0x1A750];
	_ =	sdelay $0x4  }
0x59c: {  	v7 =	vshll.u32 v6, $0x3  }
0x59d: {  	v6 =	vand.u32 $0x7F, v6;
	v7 =	vand.u32 $0xFFFFFC00, v7  }
0x59e: {  	v6 =	vor.u32 v6, v7  }
0x59f: {  	v6 =	vadd.s32 $0x6680, v6;
	_ =	sdelay $0x4  }
0x5a0: {  	[tilespmem:v6+s12+$0x0] =	vst.idx.msk $0xffff, v5  }
0x5a1: {  	v6 =	vld [tilespmem:$0x1A760];
	_ =	sdelay $0x4  }
0x5a2: {  	v7 =	vshll.u32 v6, $0x3  }
0x5a3: {  	v6 =	vand.u32 $0x7F, v6;
	v7 =	vand.u32 $0xFFFFFC00, v7  }
0x5a4: {  	v6 =	vor.u32 v6, v7  }
0x5a5: {  	v6 =	vadd.s32 $0x6680, v6;
	_ =	sdelay $0x4  }
0x5a6: {  	[tilespmem:v6+s12+$0x0] =	vst.idx.msk $0xffff, v5  }
0x5a7: {  	v6 =	vld [tilespmem:$0x1A770];
	_ =	sdelay $0x4  }
0x5a8: {  	v7 =	vshll.u32 v6, $0x3  }
0x5a9: {  	v6 =	vand.u32 $0x7F, v6;
	v7 =	vand.u32 $0xFFFFFC00, v7  }
0x5aa: {  	v6 =	vor.u32 v6, v7  }
0x5ab: {  	v6 =	vadd.s32 $0x6680, v6;
	_ =	sdelay $0x4  }
0x5ac: {  	[tilespmem:v6+s12+$0x0] =	vst.idx.msk $0xffff, v5  }
0x5ad: {  	v6 =	vld [tilespmem:$0x1A780];
	_ =	sdelay $0x4  }
0x5ae: {  	v7 =	vshll.u32 v6, $0x3  }
0x5af: {  	v6 =	vand.u32 $0x7F, v6;
	v7 =	vand.u32 $0xFFFFFC00, v7  }
0x5b0: {  	v6 =	vor.u32 v6, v7  }
0x5b1: {  	v6 =	vadd.s32 $0x6700, v6;
	_ =	sdelay $0x4  }
0x5b2: {  	[tilespmem:v6+s12+$0x0] =	vst.idx.msk $0xffff, v5  }
0x5b3: {  	v6 =	vld [tilespmem:$0x1A790];
	_ =	sdelay $0x4  }
0x5b4: {  	v7 =	vshll.u32 v6, $0x3  }
0x5b5: {  	v6 =	vand.u32 $0x7F, v6;
	v7 =	vand.u32 $0xFFFFFC00, v7  }
0x5b6: {  	v6 =	vor.u32 v6, v7  }
0x5b7: {  	v6 =	vadd.s32 $0x6700, v6;
	_ =	sdelay $0x4  }
0x5b8: {  	[tilespmem:v6+s12+$0x0] =	vst.idx.msk $0xffff, v5  }
0x5b9: {  	v6 =	vld [tilespmem:$0x1A7A0];
	_ =	sdelay $0x4  }
0x5ba: {  	v7 =	vshll.u32 v6, $0x3  }
0x5bb: {  	v6 =	vand.u32 $0x7F, v6;
	v7 =	vand.u32 $0xFFFFFC00, v7  }
0x5bc: {  	v6 =	vor.u32 v6, v7  }
0x5bd: {  	v6 =	vadd.s32 $0x6700, v6;
	_ =	sdelay $0x4  }
0x5be: {  	[tilespmem:v6+s12+$0x0] =	vst.idx.msk $0xffff, v5  }
0x5bf: {  	v6 =	vld [tilespmem:$0x1A7B0];
	_ =	sdelay $0x4  }
0x5c0: {  	v7 =	vshll.u32 v6, $0x3  }
0x5c1: {  	v6 =	vand.u32 $0x7F, v6;
	v7 =	vand.u32 $0xFFFFFC00, v7  }
0x5c2: {  	v6 =	vor.u32 v6, v7  }
0x5c3: {  	v6 =	vadd.s32 $0x6700, v6;
	_ =	sdelay $0x4  }
0x5c4: {  	[tilespmem:v6+s12+$0x0] =	vst.idx.msk $0xffff, v5  }
0x5c5: {  	v6 =	vld [tilespmem:$0x1A7C0];
	_ =	sdelay $0x4  }
0x5c6: {  	v7 =	vshll.u32 v6, $0x3  }
0x5c7: {  	v6 =	vand.u32 $0x7F, v6;
	v7 =	vand.u32 $0xFFFFFC00, v7  }
0x5c8: {  	v6 =	vor.u32 v6, v7  }
0x5c9: {  	v6 =	vadd.s32 $0x6780, v6;
	_ =	sdelay $0x4  }
0x5ca: {  	[tilespmem:v6+s12+$0x0] =	vst.idx.msk $0xffff, v5  }
0x5cb: {  	v6 =	vld [tilespmem:$0x1A7D0];
	_ =	sdelay $0x4  }
0x5cc: {  	v7 =	vshll.u32 v6, $0x3  }
0x5cd: {  	v6 =	vand.u32 $0x7F, v6;
	v7 =	vand.u32 $0xFFFFFC00, v7  }
0x5ce: {  	v6 =	vor.u32 v6, v7  }
0x5cf: {  	v6 =	vadd.s32 $0x6780, v6;
	_ =	sdelay $0x4  }
0x5d0: {  	[tilespmem:v6+s12+$0x0] =	vst.idx.msk $0xffff, v5  }
0x5d1: {  	v6 =	vld [tilespmem:$0x1A7E0];
	_ =	sdelay $0x4  }
0x5d2: {  	v7 =	vshll.u32 v6, $0x3  }
0x5d3: {  	v6 =	vand.u32 $0x7F, v6;
	v7 =	vand.u32 $0xFFFFFC00, v7  }
0x5d4: {  	v6 =	vor.u32 v6, v7  }
0x5d5: {  	v6 =	vadd.s32 $0x6780, v6;
	_ =	sdelay $0x4  }
0x5d6: {  	[tilespmem:v6+s12+$0x0] =	vst.idx.msk $0xffff, v5  }
0x5d7: {  	v6 =	vld [tilespmem:$0x1A7F0];
	_ =	sdelay $0x4  }
0x5d8: {  	v7 =	vshll.u32 v6, $0x3  }
0x5d9: {  	v6 =	vand.u32 $0x7F, v6;
	v7 =	vand.u32 $0xFFFFFC00, v7  }
0x5da: {  	v6 =	vor.u32 v6, v7  }
0x5db: {  	v6 =	vadd.s32 $0x6780, v6;
	_ =	sdelay $0x4  }
0x5dc: {  	[tilespmem:v6+s12+$0x0] =	vst.idx.msk $0xffff, v5  }
.LBB2_6:
0x5dd: {  	_ =	swait.ge [sflag:s14], $0x800  }
0x5de: {  	[sflag:s14] =	ssyncset.done $0x0  }
0x5df: {  	[sflag:s14] =	ssyncadd.s32 $0xFFFFF800  }
0x5e0: {  	v6 =	vld [tilespmem:$0x828];
	_ =	sdelay $0x4  }
0x5e1: {  	v6 =	vtrunc.f32 v6  }
0x5e2: {  	v6 =	vcvt.f32.s32 v6  }
0x5e3: {  	v7 =	vld [tilespmem:$0x800]  }
0x5e4: {  	v8 =	vld [tilespmem:$0x810];
	v6 =	vadd.s32 v0, v6  }
0x5e5: {  	v9 =	vld [tilespmem:$0x818];
	v10 =	vshll.u32 v6, $0x3  }
0x5e6: {  	v11 =	vand.u32 $0x7F, v6;
	v10 =	vand.u32 $0xFFFFFC00, v10  }
0x5e7: {  	v10 =	vor.u32 v11, v10  }
0x5e8: {  	[tilespmem:$0xD800] =	vst v7  }
0x5e9: {  	[tilespmem:$0xD810] =	vst v8  }
0x5ea: {  	[tilespmem:$0xD818] =	vst v9  }
0x5eb: {  	[tilespmem:$0x1A400] =	vst v6  }
0x5ec: {  	[tilespmem:v10+s12+$0x0] =	vst.idx.msk $0xffff, v1  }
0x5ed: {  	v6 =	vld [tilespmem:$0x838];
	_ =	sdelay $0x4  }
0x5ee: {  	v6 =	vtrunc.f32 v6  }
0x5ef: {  	v6 =	vcvt.f32.s32 v6;
	_ =	sdelay $0x1  }
0x5f0: {  	v6 =	vadd.s32 v2, v6  }
0x5f1: {  	v7 =	vshll.u32 v6, $0x3  }
0x5f2: {  	v61 =	vand.u32 $0x7F, v6;
	v7 =	vand.u32 $0xFFFFFC00, v7  }
0x5f3: {  	v7 =	vor.u32 v61, v7;
	_ =	sdelay $0x3  }
0x5f4: {  	[tilespmem:$0x1A410] =	vst v6  }
0x5f5: {  	[tilespmem:v7+s12+$0x0] =	vst.idx.msk $0xffff, v1  }
0x5f6: {  	v6 =	vld [tilespmem:$0x848];
	_ =	sdelay $0x4  }
0x5f7: {  	v6 =	vtrunc.f32 v6  }
0x5f8: {  	v6 =	vcvt.f32.s32 v6;
	_ =	sdelay $0x1  }
0x5f9: {  	v6 =	vadd.s32 v3, v6  }
0x5fa: {  	v7 =	vshll.u32 v6, $0x3  }
0x5fb: {  	v62 =	vand.u32 $0x7F, v6;
	v7 =	vand.u32 $0xFFFFFC00, v7  }
0x5fc: {  	v7 =	vor.u32 v62, v7;
	_ =	sdelay $0x3  }
0x5fd: {  	[tilespmem:$0x1A420] =	vst v6  }
0x5fe: {  	[tilespmem:v7+s12+$0x0] =	vst.idx.msk $0xffff, v1  }
0x5ff: {  	v6 =	vld [tilespmem:$0x854];
	_ =	sdelay $0x4  }
0x600: {  	v6 =	vtrunc.f32 v6  }
0x601: {  	v6 =	vcvt.f32.s32 v6;
	_ =	sdelay $0x1  }
0x602: {  	v6 =	vadd.s32 v4, v6  }
0x603: {  	v7 =	vshll.u32 v6, $0x3  }
0x604: {  	v63 =	vand.u32 $0x7F, v6;
	v7 =	vand.u32 $0xFFFFFC00, v7  }
0x605: {  	v7 =	vor.u32 v63, v7;
	_ =	sdelay $0x3  }
0x606: {  	[tilespmem:$0x1A430] =	vst v6  }
0x607: {  	[tilespmem:v7+s12+$0x0] =	vst.idx.msk $0xffff, v1  }
0x608: {  	v6 =	vld [tilespmem:$0x8A8];
	_ =	sdelay $0x4  }
0x609: {  	v6 =	vtrunc.f32 v6  }
0x60a: {  	v6 =	vcvt.f32.s32 v6;
	_ =	sdelay $0x1  }
0x60b: {  	v7 =	vld [tilespmem:$0x880];
	v6 =	vadd.s32 v0, v6  }
0x60c: {  	v12 =	vld [tilespmem:$0x890];
	v13 =	vshll.u32 v6, $0x3  }
0x60d: {  	v10 =	vld [tilespmem:$0x898];
	v14 =	vand.u32 $0x7F, v6;
	v9 =	vand.u32 $0xFFFFFC00, v13  }
0x60e: {  	v9 =	vor.u32 v9, v14  }
0x60f: {  	v9 =	vor.u32 $0x80, v9  }
0x610: {  	[tilespmem:$0xD880] =	vst v7  }
0x611: {  	[tilespmem:$0xD890] =	vst v12  }
0x612: {  	[tilespmem:$0xD898] =	vst v10  }
0x613: {  	[tilespmem:$0x1A440] =	vst v6  }
0x614: {  	[tilespmem:v9+s12+$0x0] =	vst.idx.msk $0xffff, v1  }
0x615: {  	v6 =	vld [tilespmem:$0x8B8];
	_ =	sdelay $0x4  }
0x616: {  	v6 =	vtrunc.f32 v6  }
0x617: {  	v6 =	vcvt.f32.s32 v6;
	_ =	sdelay $0x1  }
0x618: {  	v6 =	vadd.s32 v2, v6  }
0x619: {  	v7 =	vshll.u32 v6, $0x3  }
0x61a: {  	v15 =	vand.u32 $0x7F, v6;
	v7 =	vand.u32 $0xFFFFFC00, v7  }
0x61b: {  	v7 =	vor.u32 v7, v15  }
0x61c: {  	v7 =	vor.u32 $0x80, v7;
	_ =	sdelay $0x3  }
0x61d: {  	[tilespmem:$0x1A450] =	vst v6  }
0x61e: {  	[tilespmem:v7+s12+$0x0] =	vst.idx.msk $0xffff, v1  }
0x61f: {  	v6 =	vld [tilespmem:$0x8C8];
	_ =	sdelay $0x4  }
0x620: {  	v6 =	vtrunc.f32 v6  }
0x621: {  	v6 =	vcvt.f32.s32 v6;
	_ =	sdelay $0x1  }
0x622: {  	v6 =	vadd.s32 v3, v6  }
0x623: {  	v7 =	vshll.u32 v6, $0x3  }
0x624: {  	v16 =	vand.u32 $0x7F, v6;
	v7 =	vand.u32 $0xFFFFFC00, v7  }
0x625: {  	v7 =	vor.u32 v7, v16  }
0x626: {  	v7 =	vor.u32 $0x80, v7;
	_ =	sdelay $0x3  }
0x627: {  	[tilespmem:$0x1A460] =	vst v6  }
0x628: {  	[tilespmem:v7+s12+$0x0] =	vst.idx.msk $0xffff, v1  }
0x629: {  	v6 =	vld [tilespmem:$0x8D4];
	_ =	sdelay $0x4  }
0x62a: {  	v6 =	vtrunc.f32 v6  }
0x62b: {  	v6 =	vcvt.f32.s32 v6;
	_ =	sdelay $0x1  }
0x62c: {  	v6 =	vadd.s32 v4, v6  }
0x62d: {  	v7 =	vshll.u32 v6, $0x3  }
0x62e: {  	v17 =	vand.u32 $0x7F, v6;
	v7 =	vand.u32 $0xFFFFFC00, v7  }
0x62f: {  	v7 =	vor.u32 v7, v17  }
0x630: {  	v7 =	vor.u32 $0x80, v7;
	_ =	sdelay $0x3  }
0x631: {  	[tilespmem:$0x1A470] =	vst v6  }
0x632: {  	[tilespmem:v7+s12+$0x0] =	vst.idx.msk $0xffff, v1  }
0x633: {  	v6 =	vld [tilespmem:$0x928];
	_ =	sdelay $0x4  }
0x634: {  	v6 =	vtrunc.f32 v6  }
0x635: {  	v6 =	vcvt.f32.s32 v6;
	_ =	sdelay $0x1  }
0x636: {  	v7 =	vld [tilespmem:$0x900];
	v6 =	vadd.s32 v0, v6  }
0x637: {  	v18 =	vld [tilespmem:$0x910];
	v19 =	vshll.u32 v6, $0x3  }
0x638: {  	v20 =	vld [tilespmem:$0x918];
	v21 =	vand.u32 $0x7F, v6;
	v9 =	vand.u32 $0xFFFFFC00, v19  }
0x639: {  	v9 =	vor.u32 v9, v21  }
0x63a: {  	v9 =	vor.u32 $0x100, v9  }
0x63b: {  	[tilespmem:$0xD900] =	vst v7  }
0x63c: {  	[tilespmem:$0xD910] =	vst v18  }
0x63d: {  	[tilespmem:$0xD918] =	vst v20  }
0x63e: {  	[tilespmem:$0x1A480] =	vst v6  }
0x63f: {  	[tilespmem:v9+s12+$0x0] =	vst.idx.msk $0xffff, v1  }
0x640: {  	v6 =	vld [tilespmem:$0x938];
	_ =	sdelay $0x4  }
0x641: {  	v6 =	vtrunc.f32 v6  }
0x642: {  	v6 =	vcvt.f32.s32 v6;
	_ =	sdelay $0x1  }
0x643: {  	v6 =	vadd.s32 v2, v6  }
0x644: {  	v7 =	vshll.u32 v6, $0x3  }
0x645: {  	v22 =	vand.u32 $0x7F, v6;
	v7 =	vand.u32 $0xFFFFFC00, v7  }
0x646: {  	v7 =	vor.u32 v7, v22  }
0x647: {  	v7 =	vor.u32 $0x100, v7;
	_ =	sdelay $0x3  }
0x648: {  	[tilespmem:$0x1A490] =	vst v6  }
0x649: {  	[tilespmem:v7+s12+$0x0] =	vst.idx.msk $0xffff, v1  }
0x64a: {  	v6 =	vld [tilespmem:$0x948];
	_ =	sdelay $0x4  }
0x64b: {  	v6 =	vtrunc.f32 v6  }
0x64c: {  	v6 =	vcvt.f32.s32 v6;
	_ =	sdelay $0x1  }
0x64d: {  	v6 =	vadd.s32 v3, v6  }
0x64e: {  	v7 =	vshll.u32 v6, $0x3  }
0x64f: {  	v23 =	vand.u32 $0x7F, v6;
	v7 =	vand.u32 $0xFFFFFC00, v7  }
0x650: {  	v7 =	vor.u32 v7, v23  }
0x651: {  	v7 =	vor.u32 $0x100, v7;
	_ =	sdelay $0x3  }
0x652: {  	[tilespmem:$0x1A4A0] =	vst v6  }
0x653: {  	[tilespmem:v7+s12+$0x0] =	vst.idx.msk $0xffff, v1  }
0x654: {  	v6 =	vld [tilespmem:$0x954];
	_ =	sdelay $0x4  }
0x655: {  	v6 =	vtrunc.f32 v6  }
0x656: {  	v6 =	vcvt.f32.s32 v6;
	_ =	sdelay $0x1  }
0x657: {  	v6 =	vadd.s32 v4, v6  }
0x658: {  	v7 =	vshll.u32 v6, $0x3  }
0x659: {  	v24 =	vand.u32 $0x7F, v6;
	v7 =	vand.u32 $0xFFFFFC00, v7  }
0x65a: {  	v7 =	vor.u32 v7, v24  }
0x65b: {  	v7 =	vor.u32 $0x100, v7;
	_ =	sdelay $0x3  }
0x65c: {  	[tilespmem:$0x1A4B0] =	vst v6  }
0x65d: {  	[tilespmem:v7+s12+$0x0] =	vst.idx.msk $0xffff, v1  }
0x65e: {  	v6 =	vld [tilespmem:$0x9A8];
	_ =	sdelay $0x4  }
0x65f: {  	v6 =	vtrunc.f32 v6  }
0x660: {  	v6 =	vcvt.f32.s32 v6;
	_ =	sdelay $0x1  }
0x661: {  	v7 =	vld [tilespmem:$0x980];
	v6 =	vadd.s32 v0, v6  }
0x662: {  	v25 =	vld [tilespmem:$0x990];
	v26 =	vshll.u32 v6, $0x3  }
0x663: {  	v27 =	vld [tilespmem:$0x998];
	v28 =	vand.u32 $0x7F, v6;
	v9 =	vand.u32 $0xFFFFFC00, v26  }
0x664: {  	v9 =	vor.u32 v9, v28  }
0x665: {  	v9 =	vor.u32 $0x180, v9  }
0x666: {  	[tilespmem:$0xD980] =	vst v7  }
0x667: {  	[tilespmem:$0xD990] =	vst v25  }
0x668: {  	[tilespmem:$0xD998] =	vst v27  }
0x669: {  	[tilespmem:$0x1A4C0] =	vst v6  }
0x66a: {  	[tilespmem:v9+s12+$0x0] =	vst.idx.msk $0xffff, v1  }
0x66b: {  	v6 =	vld [tilespmem:$0x9B8];
	_ =	sdelay $0x4  }
0x66c: {  	v6 =	vtrunc.f32 v6  }
0x66d: {  	v6 =	vcvt.f32.s32 v6;
	_ =	sdelay $0x1  }
0x66e: {  	v6 =	vadd.s32 v2, v6  }
0x66f: {  	v7 =	vshll.u32 v6, $0x3  }
0x670: {  	v29 =	vand.u32 $0x7F, v6;
	v7 =	vand.u32 $0xFFFFFC00, v7  }
0x671: {  	v7 =	vor.u32 v7, v29  }
0x672: {  	v7 =	vor.u32 $0x180, v7;
	_ =	sdelay $0x3  }
0x673: {  	[tilespmem:$0x1A4D0] =	vst v6  }
0x674: {  	[tilespmem:v7+s12+$0x0] =	vst.idx.msk $0xffff, v1  }
0x675: {  	v6 =	vld [tilespmem:$0x9C8];
	_ =	sdelay $0x4  }
0x676: {  	v6 =	vtrunc.f32 v6  }
0x677: {  	v6 =	vcvt.f32.s32 v6;
	_ =	sdelay $0x1  }
0x678: {  	v6 =	vadd.s32 v3, v6  }
0x679: {  	v7 =	vshll.u32 v6, $0x3  }
0x67a: {  	v30 =	vand.u32 $0x7F, v6;
	v7 =	vand.u32 $0xFFFFFC00, v7  }
0x67b: {  	v7 =	vor.u32 v7, v30  }
0x67c: {  	v7 =	vor.u32 $0x180, v7;
	_ =	sdelay $0x3  }
0x67d: {  	[tilespmem:$0x1A4E0] =	vst v6  }
0x67e: {  	[tilespmem:v7+s12+$0x0] =	vst.idx.msk $0xffff, v1  }
0x67f: {  	v6 =	vld [tilespmem:$0x9D4];
	_ =	sdelay $0x4  }
0x680: {  	v6 =	vtrunc.f32 v6  }
0x681: {  	v6 =	vcvt.f32.s32 v6;
	_ =	sdelay $0x1  }
0x682: {  	v6 =	vadd.s32 v4, v6  }
0x683: {  	v7 =	vshll.u32 v6, $0x3  }
0x684: {  	v31 =	vand.u32 $0x7F, v6;
	v7 =	vand.u32 $0xFFFFFC00, v7  }
0x685: {  	v7 =	vor.u32 v7, v31  }
0x686: {  	v7 =	vor.u32 $0x180, v7;
	_ =	sdelay $0x3  }
0x687: {  	[tilespmem:$0x1A4F0] =	vst v6  }
0x688: {  	[tilespmem:v7+s12+$0x0] =	vst.idx.msk $0xffff, v1  }
0x689: {  	v6 =	vld [tilespmem:$0xA28];
	_ =	sdelay $0x4  }
0x68a: {  	v6 =	vtrunc.f32 v6  }
0x68b: {  	v6 =	vcvt.f32.s32 v6;
	_ =	sdelay $0x1  }
0x68c: {  	v7 =	vld [tilespmem:$0xA00];
	v6 =	vadd.s32 v0, v6  }
0x68d: {  	v32 =	vld [tilespmem:$0xA10];
	v33 =	vshll.u32 v6, $0x3  }
0x68e: {  	v34 =	vld [tilespmem:$0xA18];
	v35 =	vand.u32 $0x7F, v6;
	v9 =	vand.u32 $0xFFFFFC00, v33  }
0x68f: {  	v9 =	vor.u32 v9, v35  }
0x690: {  	v9 =	vor.u32 $0x200, v9  }
0x691: {  	[tilespmem:$0xDA00] =	vst v7  }
0x692: {  	[tilespmem:$0xDA10] =	vst v32  }
0x693: {  	[tilespmem:$0xDA18] =	vst v34  }
0x694: {  	[tilespmem:$0x1A500] =	vst v6  }
0x695: {  	[tilespmem:v9+s12+$0x0] =	vst.idx.msk $0xffff, v1  }
0x696: {  	v6 =	vld [tilespmem:$0xA38];
	_ =	sdelay $0x4  }
0x697: {  	v6 =	vtrunc.f32 v6  }
0x698: {  	v6 =	vcvt.f32.s32 v6;
	_ =	sdelay $0x1  }
0x699: {  	v6 =	vadd.s32 v2, v6  }
0x69a: {  	v7 =	vshll.u32 v6, $0x3  }
0x69b: {  	v36 =	vand.u32 $0x7F, v6;
	v7 =	vand.u32 $0xFFFFFC00, v7  }
0x69c: {  	v7 =	vor.u32 v7, v36  }
0x69d: {  	v7 =	vor.u32 $0x200, v7;
	_ =	sdelay $0x3  }
0x69e: {  	[tilespmem:$0x1A510] =	vst v6  }
0x69f: {  	[tilespmem:v7+s12+$0x0] =	vst.idx.msk $0xffff, v1  }
0x6a0: {  	v6 =	vld [tilespmem:$0xA48];
	_ =	sdelay $0x4  }
0x6a1: {  	v6 =	vtrunc.f32 v6  }
0x6a2: {  	v6 =	vcvt.f32.s32 v6;
	_ =	sdelay $0x1  }
0x6a3: {  	v6 =	vadd.s32 v3, v6  }
0x6a4: {  	v7 =	vshll.u32 v6, $0x3  }
0x6a5: {  	v37 =	vand.u32 $0x7F, v6;
	v7 =	vand.u32 $0xFFFFFC00, v7  }
0x6a6: {  	v7 =	vor.u32 v7, v37  }
0x6a7: {  	v7 =	vor.u32 $0x200, v7;
	_ =	sdelay $0x3  }
0x6a8: {  	[tilespmem:$0x1A520] =	vst v6  }
0x6a9: {  	[tilespmem:v7+s12+$0x0] =	vst.idx.msk $0xffff, v1  }
0x6aa: {  	v6 =	vld [tilespmem:$0xA54];
	_ =	sdelay $0x4  }
0x6ab: {  	v6 =	vtrunc.f32 v6  }
0x6ac: {  	v6 =	vcvt.f32.s32 v6;
	_ =	sdelay $0x1  }
0x6ad: {  	v6 =	vadd.s32 v4, v6  }
0x6ae: {  	v7 =	vshll.u32 v6, $0x3  }
0x6af: {  	v38 =	vand.u32 $0x7F, v6;
	v7 =	vand.u32 $0xFFFFFC00, v7  }
0x6b0: {  	v7 =	vor.u32 v7, v38  }
0x6b1: {  	v7 =	vor.u32 $0x200, v7;
	_ =	sdelay $0x3  }
0x6b2: {  	[tilespmem:$0x1A530] =	vst v6  }
0x6b3: {  	[tilespmem:v7+s12+$0x0] =	vst.idx.msk $0xffff, v1  }
0x6b4: {  	v6 =	vld [tilespmem:$0xAA8];
	_ =	sdelay $0x4  }
0x6b5: {  	v6 =	vtrunc.f32 v6  }
0x6b6: {  	v6 =	vcvt.f32.s32 v6;
	_ =	sdelay $0x1  }
0x6b7: {  	v7 =	vld [tilespmem:$0xA80];
	v6 =	vadd.s32 v0, v6  }
0x6b8: {  	v39 =	vld [tilespmem:$0xA90];
	v40 =	vshll.u32 v6, $0x3  }
0x6b9: {  	v41 =	vld [tilespmem:$0xA98];
	v42 =	vand.u32 $0x7F, v6;
	v9 =	vand.u32 $0xFFFFFC00, v40  }
0x6ba: {  	v9 =	vor.u32 v9, v42  }
0x6bb: {  	v9 =	vor.u32 $0x280, v9  }
0x6bc: {  	[tilespmem:$0xDA80] =	vst v7  }
0x6bd: {  	[tilespmem:$0xDA90] =	vst v39  }
0x6be: {  	[tilespmem:$0xDA98] =	vst v41  }
0x6bf: {  	[tilespmem:$0x1A540] =	vst v6  }
0x6c0: {  	[tilespmem:v9+s12+$0x0] =	vst.idx.msk $0xffff, v1  }
0x6c1: {  	v6 =	vld [tilespmem:$0xAB8];
	_ =	sdelay $0x4  }
0x6c2: {  	v6 =	vtrunc.f32 v6  }
0x6c3: {  	v6 =	vcvt.f32.s32 v6;
	_ =	sdelay $0x1  }
0x6c4: {  	v6 =	vadd.s32 v2, v6  }
0x6c5: {  	v7 =	vshll.u32 v6, $0x3  }
0x6c6: {  	v43 =	vand.u32 $0x7F, v6;
	v7 =	vand.u32 $0xFFFFFC00, v7  }
0x6c7: {  	v7 =	vor.u32 v7, v43  }
0x6c8: {  	v7 =	vor.u32 $0x280, v7;
	_ =	sdelay $0x3  }
0x6c9: {  	[tilespmem:$0x1A550] =	vst v6  }
0x6ca: {  	[tilespmem:v7+s12+$0x0] =	vst.idx.msk $0xffff, v1  }
0x6cb: {  	v6 =	vld [tilespmem:$0xAC8];
	_ =	sdelay $0x4  }
0x6cc: {  	v6 =	vtrunc.f32 v6  }
0x6cd: {  	v6 =	vcvt.f32.s32 v6;
	_ =	sdelay $0x1  }
0x6ce: {  	v6 =	vadd.s32 v3, v6  }
0x6cf: {  	v7 =	vshll.u32 v6, $0x3  }
0x6d0: {  	v44 =	vand.u32 $0x7F, v6;
	v7 =	vand.u32 $0xFFFFFC00, v7  }
0x6d1: {  	v7 =	vor.u32 v7, v44  }
0x6d2: {  	v7 =	vor.u32 $0x280, v7;
	_ =	sdelay $0x3  }
0x6d3: {  	[tilespmem:$0x1A560] =	vst v6  }
0x6d4: {  	[tilespmem:v7+s12+$0x0] =	vst.idx.msk $0xffff, v1  }
0x6d5: {  	v6 =	vld [tilespmem:$0xAD4];
	_ =	sdelay $0x4  }
0x6d6: {  	v6 =	vtrunc.f32 v6  }
0x6d7: {  	v6 =	vcvt.f32.s32 v6;
	_ =	sdelay $0x1  }
0x6d8: {  	v6 =	vadd.s32 v4, v6  }
0x6d9: {  	v7 =	vshll.u32 v6, $0x3  }
0x6da: {  	v45 =	vand.u32 $0x7F, v6;
	v7 =	vand.u32 $0xFFFFFC00, v7  }
0x6db: {  	v7 =	vor.u32 v7, v45  }
0x6dc: {  	v7 =	vor.u32 $0x280, v7;
	_ =	sdelay $0x3  }
0x6dd: {  	[tilespmem:$0x1A570] =	vst v6  }
0x6de: {  	[tilespmem:v7+s12+$0x0] =	vst.idx.msk $0xffff, v1  }
0x6df: {  	v6 =	vld [tilespmem:$0xB28];
	_ =	sdelay $0x4  }
0x6e0: {  	v6 =	vtrunc.f32 v6  }
0x6e1: {  	v6 =	vcvt.f32.s32 v6;
	_ =	sdelay $0x1  }
0x6e2: {  	v7 =	vld [tilespmem:$0xB00];
	v6 =	vadd.s32 v0, v6  }
0x6e3: {  	v46 =	vld [tilespmem:$0xB10];
	v47 =	vshll.u32 v6, $0x3  }
0x6e4: {  	v48 =	vld [tilespmem:$0xB18];
	v49 =	vand.u32 $0x7F, v6;
	v9 =	vand.u32 $0xFFFFFC00, v47  }
0x6e5: {  	v9 =	vor.u32 v9, v49  }
0x6e6: {  	v9 =	vor.u32 $0x300, v9  }
0x6e7: {  	[tilespmem:$0xDB00] =	vst v7  }
0x6e8: {  	[tilespmem:$0xDB10] =	vst v46  }
0x6e9: {  	[tilespmem:$0xDB18] =	vst v48  }
0x6ea: {  	[tilespmem:$0x1A580] =	vst v6  }
0x6eb: {  	[tilespmem:v9+s12+$0x0] =	vst.idx.msk $0xffff, v1  }
0x6ec: {  	v6 =	vld [tilespmem:$0xB38];
	_ =	sdelay $0x4  }
0x6ed: {  	v6 =	vtrunc.f32 v6  }
0x6ee: {  	v6 =	vcvt.f32.s32 v6;
	_ =	sdelay $0x1  }
0x6ef: {  	v6 =	vadd.s32 v2, v6  }
0x6f0: {  	v7 =	vshll.u32 v6, $0x3  }
0x6f1: {  	v50 =	vand.u32 $0x7F, v6;
	v7 =	vand.u32 $0xFFFFFC00, v7  }
0x6f2: {  	v7 =	vor.u32 v7, v50  }
0x6f3: {  	v7 =	vor.u32 $0x300, v7;
	_ =	sdelay $0x3  }
0x6f4: {  	[tilespmem:$0x1A590] =	vst v6  }
0x6f5: {  	[tilespmem:v7+s12+$0x0] =	vst.idx.msk $0xffff, v1  }
0x6f6: {  	v6 =	vld [tilespmem:$0xB48];
	_ =	sdelay $0x4  }
0x6f7: {  	v6 =	vtrunc.f32 v6  }
0x6f8: {  	v6 =	vcvt.f32.s32 v6;
	_ =	sdelay $0x1  }
0x6f9: {  	v6 =	vadd.s32 v3, v6  }
0x6fa: {  	v7 =	vshll.u32 v6, $0x3  }
0x6fb: {  	v51 =	vand.u32 $0x7F, v6;
	v7 =	vand.u32 $0xFFFFFC00, v7  }
0x6fc: {  	v7 =	vor.u32 v7, v51  }
0x6fd: {  	v7 =	vor.u32 $0x300, v7;
	_ =	sdelay $0x3  }
0x6fe: {  	[tilespmem:$0x1A5A0] =	vst v6  }
0x6ff: {  	[tilespmem:v7+s12+$0x0] =	vst.idx.msk $0xffff, v1  }
0x700: {  	v6 =	vld [tilespmem:$0xB54];
	_ =	sdelay $0x4  }
0x701: {  	v6 =	vtrunc.f32 v6  }
0x702: {  	v6 =	vcvt.f32.s32 v6;
	_ =	sdelay $0x1  }
0x703: {  	v6 =	vadd.s32 v4, v6  }
0x704: {  	v7 =	vshll.u32 v6, $0x3  }
0x705: {  	v52 =	vand.u32 $0x7F, v6;
	v7 =	vand.u32 $0xFFFFFC00, v7  }
0x706: {  	v7 =	vor.u32 v7, v52  }
0x707: {  	v7 =	vor.u32 $0x300, v7;
	_ =	sdelay $0x3  }
0x708: {  	[tilespmem:$0x1A5B0] =	vst v6  }
0x709: {  	[tilespmem:v7+s12+$0x0] =	vst.idx.msk $0xffff, v1  }
0x70a: {  	v6 =	vld [tilespmem:$0xBA8];
	_ =	sdelay $0x4  }
0x70b: {  	v6 =	vtrunc.f32 v6  }
0x70c: {  	v6 =	vcvt.f32.s32 v6;
	_ =	sdelay $0x1  }
0x70d: {  	v7 =	vld [tilespmem:$0xB80];
	v6 =	vadd.s32 v0, v6  }
0x70e: {  	v53 =	vld [tilespmem:$0xB90];
	v54 =	vshll.u32 v6, $0x3  }
0x70f: {  	v55 =	vld [tilespmem:$0xB98];
	v56 =	vand.u32 $0x7F, v6;
	v9 =	vand.u32 $0xFFFFFC00, v54  }
0x710: {  	v9 =	vor.u32 v9, v56  }
0x711: {  	v9 =	vor.u32 $0x380, v9  }
0x712: {  	[tilespmem:$0xDB80] =	vst v7  }
0x713: {  	[tilespmem:$0xDB90] =	vst v53  }
0x714: {  	[tilespmem:$0xDB98] =	vst v55  }
0x715: {  	[tilespmem:$0x1A5C0] =	vst v6  }
0x716: {  	[tilespmem:v9+s12+$0x0] =	vst.idx.msk $0xffff, v1  }
0x717: {  	v6 =	vld [tilespmem:$0xBB8];
	_ =	sdelay $0x4  }
0x718: {  	v6 =	vtrunc.f32 v6  }
0x719: {  	v6 =	vcvt.f32.s32 v6;
	_ =	sdelay $0x1  }
0x71a: {  	v6 =	vadd.s32 v2, v6  }
0x71b: {  	v7 =	vshll.u32 v6, $0x3  }
0x71c: {  	v57 =	vand.u32 $0x7F, v6;
	v7 =	vand.u32 $0xFFFFFC00, v7  }
0x71d: {  	v7 =	vor.u32 v7, v57  }
0x71e: {  	v7 =	vor.u32 $0x380, v7;
	_ =	sdelay $0x3  }
0x71f: {  	[tilespmem:$0x1A5D0] =	vst v6  }
0x720: {  	[tilespmem:v7+s12+$0x0] =	vst.idx.msk $0xffff, v1  }
0x721: {  	v6 =	vld [tilespmem:$0xBC8];
	_ =	sdelay $0x4  }
0x722: {  	v6 =	vtrunc.f32 v6  }
0x723: {  	v6 =	vcvt.f32.s32 v6;
	_ =	sdelay $0x1  }
0x724: {  	v6 =	vadd.s32 v3, v6  }
0x725: {  	v7 =	vshll.u32 v6, $0x3  }
0x726: {  	v58 =	vand.u32 $0x7F, v6;
	v7 =	vand.u32 $0xFFFFFC00, v7  }
0x727: {  	v7 =	vor.u32 v7, v58  }
0x728: {  	v7 =	vor.u32 $0x380, v7;
	_ =	sdelay $0x3  }
0x729: {  	[tilespmem:$0x1A5E0] =	vst v6  }
0x72a: {  	[tilespmem:v7+s12+$0x0] =	vst.idx.msk $0xffff, v1  }
0x72b: {  	v6 =	vld [tilespmem:$0xBD4];
	_ =	sdelay $0x4  }
0x72c: {  	v6 =	vtrunc.f32 v6  }
0x72d: {  	v6 =	vcvt.f32.s32 v6;
	_ =	sdelay $0x1  }
0x72e: {  	v6 =	vadd.s32 v4, v6  }
0x72f: {  	v7 =	vshll.u32 v6, $0x3  }
0x730: {  	v59 =	vand.u32 $0x7F, v6;
	v7 =	vand.u32 $0xFFFFFC00, v7  }
0x731: {  	v7 =	vor.u32 v7, v59  }
0x732: {  	v7 =	vor.u32 $0x380, v7;
	_ =	sdelay $0x3  }
0x733: {  	[tilespmem:$0x1A5F0] =	vst v6  }
0x734: {  	[tilespmem:v7+s12+$0x0] =	vst.idx.msk $0xffff, v1  }
0x735: {  	v6 =	vld [tilespmem:$0xC28];
	_ =	sdelay $0x4  }
0x736: {  	v6 =	vtrunc.f32 v6  }
0x737: {  	v6 =	vcvt.f32.s32 v6;
	_ =	sdelay $0x1  }
0x738: {  	v7 =	vld [tilespmem:$0xC00];
	v6 =	vadd.s32 v0, v6  }
0x739: {  	v60 =	vld [tilespmem:$0xC10];
	v61 =	vshll.u32 v6, $0x3  }
0x73a: {  	v62 =	vld [tilespmem:$0xC18];
	v63 =	vand.u32 $0x7F, v6;
	v9 =	vand.u32 $0xFFFFFC00, v61  }
0x73b: {  	v9 =	vor.u32 v63, v9  }
0x73c: {  	v9 =	vadd.s32 $0x6400, v9  }
0x73d: {  	[tilespmem:$0x13C00] =	vst v7  }
0x73e: {  	[tilespmem:$0x13C10] =	vst v60  }
0x73f: {  	[tilespmem:$0x13C18] =	vst v62  }
0x740: {  	[tilespmem:$0x1A600] =	vst v6  }
0x741: {  	[tilespmem:v9+s12+$0x0] =	vst.idx.msk $0xffff, v1  }
0x742: {  	v6 =	vld [tilespmem:$0xC38];
	_ =	sdelay $0x4  }
0x743: {  	v6 =	vtrunc.f32 v6  }
0x744: {  	v6 =	vcvt.f32.s32 v6;
	_ =	sdelay $0x1  }
0x745: {  	v6 =	vadd.s32 v2, v6  }
0x746: {  	v7 =	vshll.u32 v6, $0x3  }
0x747: {  	v12 =	vand.u32 $0x7F, v6;
	v7 =	vand.u32 $0xFFFFFC00, v7  }
0x748: {  	v7 =	vor.u32 v12, v7  }
0x749: {  	v7 =	vadd.s32 $0x6400, v7;
	_ =	sdelay $0x3  }
0x74a: {  	[tilespmem:$0x1A610] =	vst v6  }
0x74b: {  	[tilespmem:v7+s12+$0x0] =	vst.idx.msk $0xffff, v1  }
0x74c: {  	v6 =	vld [tilespmem:$0xC48];
	_ =	sdelay $0x4  }
0x74d: {  	v6 =	vtrunc.f32 v6  }
0x74e: {  	v6 =	vcvt.f32.s32 v6;
	_ =	sdelay $0x1  }
0x74f: {  	v6 =	vadd.s32 v3, v6  }
0x750: {  	v7 =	vshll.u32 v6, $0x3  }
0x751: {  	v13 =	vand.u32 $0x7F, v6;
	v7 =	vand.u32 $0xFFFFFC00, v7  }
0x752: {  	v7 =	vor.u32 v13, v7  }
0x753: {  	v7 =	vadd.s32 $0x6400, v7;
	_ =	sdelay $0x3  }
0x754: {  	[tilespmem:$0x1A620] =	vst v6  }
0x755: {  	[tilespmem:v7+s12+$0x0] =	vst.idx.msk $0xffff, v1  }
0x756: {  	v6 =	vld [tilespmem:$0xC54];
	_ =	sdelay $0x4  }
0x757: {  	v6 =	vtrunc.f32 v6  }
0x758: {  	v6 =	vcvt.f32.s32 v6;
	_ =	sdelay $0x1  }
0x759: {  	v6 =	vadd.s32 v4, v6  }
0x75a: {  	v7 =	vshll.u32 v6, $0x3  }
0x75b: {  	v14 =	vand.u32 $0x7F, v6;
	v7 =	vand.u32 $0xFFFFFC00, v7  }
0x75c: {  	v7 =	vor.u32 v14, v7  }
0x75d: {  	v7 =	vadd.s32 $0x6400, v7;
	_ =	sdelay $0x3  }
0x75e: {  	[tilespmem:$0x1A630] =	vst v6  }
0x75f: {  	[tilespmem:v7+s12+$0x0] =	vst.idx.msk $0xffff, v1  }
0x760: {  	v6 =	vld [tilespmem:$0xCA8];
	_ =	sdelay $0x4  }
0x761: {  	v6 =	vtrunc.f32 v6  }
0x762: {  	v6 =	vcvt.f32.s32 v6;
	_ =	sdelay $0x1  }
0x763: {  	v7 =	vld [tilespmem:$0xC80];
	v6 =	vadd.s32 v0, v6  }
0x764: {  	v15 =	vld [tilespmem:$0xC90];
	v16 =	vshll.u32 v6, $0x3  }
0x765: {  	v17 =	vld [tilespmem:$0xC98];
	v18 =	vand.u32 $0x7F, v6;
	v9 =	vand.u32 $0xFFFFFC00, v16  }
0x766: {  	v9 =	vor.u32 v18, v9  }
0x767: {  	v9 =	vadd.s32 $0x6480, v9  }
0x768: {  	[tilespmem:$0x13C80] =	vst v7  }
0x769: {  	[tilespmem:$0x13C90] =	vst v15  }
0x76a: {  	[tilespmem:$0x13C98] =	vst v17  }
0x76b: {  	[tilespmem:$0x1A640] =	vst v6  }
0x76c: {  	[tilespmem:v9+s12+$0x0] =	vst.idx.msk $0xffff, v1  }
0x76d: {  	v6 =	vld [tilespmem:$0xCB8];
	_ =	sdelay $0x4  }
0x76e: {  	v6 =	vtrunc.f32 v6  }
0x76f: {  	v6 =	vcvt.f32.s32 v6;
	_ =	sdelay $0x1  }
0x770: {  	v6 =	vadd.s32 v2, v6  }
0x771: {  	v7 =	vshll.u32 v6, $0x3  }
0x772: {  	v19 =	vand.u32 $0x7F, v6;
	v7 =	vand.u32 $0xFFFFFC00, v7  }
0x773: {  	v7 =	vor.u32 v19, v7  }
0x774: {  	v7 =	vadd.s32 $0x6480, v7;
	_ =	sdelay $0x3  }
0x775: {  	[tilespmem:$0x1A650] =	vst v6  }
0x776: {  	[tilespmem:v7+s12+$0x0] =	vst.idx.msk $0xffff, v1  }
0x777: {  	v6 =	vld [tilespmem:$0xCC8];
	_ =	sdelay $0x4  }
0x778: {  	v6 =	vtrunc.f32 v6  }
0x779: {  	v6 =	vcvt.f32.s32 v6;
	_ =	sdelay $0x1  }
0x77a: {  	v6 =	vadd.s32 v3, v6  }
0x77b: {  	v7 =	vshll.u32 v6, $0x3  }
0x77c: {  	v20 =	vand.u32 $0x7F, v6;
	v7 =	vand.u32 $0xFFFFFC00, v7  }
0x77d: {  	v7 =	vor.u32 v20, v7  }
0x77e: {  	v7 =	vadd.s32 $0x6480, v7;
	_ =	sdelay $0x3  }
0x77f: {  	[tilespmem:$0x1A660] =	vst v6  }
0x780: {  	[tilespmem:v7+s12+$0x0] =	vst.idx.msk $0xffff, v1  }
0x781: {  	v6 =	vld [tilespmem:$0xCD4];
	_ =	sdelay $0x4  }
0x782: {  	v6 =	vtrunc.f32 v6  }
0x783: {  	v6 =	vcvt.f32.s32 v6;
	_ =	sdelay $0x1  }
0x784: {  	v6 =	vadd.s32 v4, v6  }
0x785: {  	v7 =	vshll.u32 v6, $0x3  }
0x786: {  	v21 =	vand.u32 $0x7F, v6;
	v7 =	vand.u32 $0xFFFFFC00, v7  }
0x787: {  	v7 =	vor.u32 v21, v7  }
0x788: {  	v7 =	vadd.s32 $0x6480, v7;
	_ =	sdelay $0x3  }
0x789: {  	[tilespmem:$0x1A670] =	vst v6  }
0x78a: {  	[tilespmem:v7+s12+$0x0] =	vst.idx.msk $0xffff, v1  }
0x78b: {  	v6 =	vld [tilespmem:$0xD28];
	_ =	sdelay $0x4  }
0x78c: {  	v6 =	vtrunc.f32 v6  }
0x78d: {  	v6 =	vcvt.f32.s32 v6;
	_ =	sdelay $0x1  }
0x78e: {  	v7 =	vld [tilespmem:$0xD00];
	v6 =	vadd.s32 v0, v6  }
0x78f: {  	v22 =	vld [tilespmem:$0xD10];
	v23 =	vshll.u32 v6, $0x3  }
0x790: {  	v24 =	vld [tilespmem:$0xD18];
	v25 =	vand.u32 $0x7F, v6;
	v9 =	vand.u32 $0xFFFFFC00, v23  }
0x791: {  	v9 =	vor.u32 v25, v9  }
0x792: {  	v9 =	vadd.s32 $0x6500, v9  }
0x793: {  	[tilespmem:$0x13D00] =	vst v7  }
0x794: {  	[tilespmem:$0x13D10] =	vst v22  }
0x795: {  	[tilespmem:$0x13D18] =	vst v24  }
0x796: {  	[tilespmem:$0x1A680] =	vst v6  }
0x797: {  	[tilespmem:v9+s12+$0x0] =	vst.idx.msk $0xffff, v1  }
0x798: {  	v6 =	vld [tilespmem:$0xD38];
	_ =	sdelay $0x4  }
0x799: {  	v6 =	vtrunc.f32 v6  }
0x79a: {  	v6 =	vcvt.f32.s32 v6;
	_ =	sdelay $0x1  }
0x79b: {  	v6 =	vadd.s32 v2, v6  }
0x79c: {  	v7 =	vshll.u32 v6, $0x3  }
0x79d: {  	v26 =	vand.u32 $0x7F, v6;
	v7 =	vand.u32 $0xFFFFFC00, v7  }
0x79e: {  	v7 =	vor.u32 v26, v7  }
0x79f: {  	v7 =	vadd.s32 $0x6500, v7;
	_ =	sdelay $0x3  }
0x7a0: {  	[tilespmem:$0x1A690] =	vst v6  }
0x7a1: {  	[tilespmem:v7+s12+$0x0] =	vst.idx.msk $0xffff, v1  }
0x7a2: {  	v6 =	vld [tilespmem:$0xD48];
	_ =	sdelay $0x4  }
0x7a3: {  	v6 =	vtrunc.f32 v6  }
0x7a4: {  	v6 =	vcvt.f32.s32 v6;
	_ =	sdelay $0x1  }
0x7a5: {  	v6 =	vadd.s32 v3, v6  }
0x7a6: {  	v7 =	vshll.u32 v6, $0x3  }
0x7a7: {  	v27 =	vand.u32 $0x7F, v6;
	v7 =	vand.u32 $0xFFFFFC00, v7  }
0x7a8: {  	v7 =	vor.u32 v27, v7  }
0x7a9: {  	v7 =	vadd.s32 $0x6500, v7;
	_ =	sdelay $0x3  }
0x7aa: {  	[tilespmem:$0x1A6A0] =	vst v6  }
0x7ab: {  	[tilespmem:v7+s12+$0x0] =	vst.idx.msk $0xffff, v1  }
0x7ac: {  	v6 =	vld [tilespmem:$0xD54];
	_ =	sdelay $0x4  }
0x7ad: {  	v6 =	vtrunc.f32 v6  }
0x7ae: {  	v6 =	vcvt.f32.s32 v6;
	_ =	sdelay $0x1  }
0x7af: {  	v6 =	vadd.s32 v4, v6  }
0x7b0: {  	v7 =	vshll.u32 v6, $0x3  }
0x7b1: {  	v28 =	vand.u32 $0x7F, v6;
	v7 =	vand.u32 $0xFFFFFC00, v7  }
0x7b2: {  	v7 =	vor.u32 v28, v7  }
0x7b3: {  	v7 =	vadd.s32 $0x6500, v7;
	_ =	sdelay $0x3  }
0x7b4: {  	[tilespmem:$0x1A6B0] =	vst v6  }
0x7b5: {  	[tilespmem:v7+s12+$0x0] =	vst.idx.msk $0xffff, v1  }
0x7b6: {  	v6 =	vld [tilespmem:$0xDA8];
	_ =	sdelay $0x4  }
0x7b7: {  	v6 =	vtrunc.f32 v6  }
0x7b8: {  	v6 =	vcvt.f32.s32 v6;
	_ =	sdelay $0x1  }
0x7b9: {  	v7 =	vld [tilespmem:$0xD80];
	v6 =	vadd.s32 v0, v6  }
0x7ba: {  	v29 =	vld [tilespmem:$0xD90];
	v30 =	vshll.u32 v6, $0x3  }
0x7bb: {  	v31 =	vld [tilespmem:$0xD98];
	v32 =	vand.u32 $0x7F, v6;
	v9 =	vand.u32 $0xFFFFFC00, v30  }
0x7bc: {  	v9 =	vor.u32 v32, v9  }
0x7bd: {  	v9 =	vadd.s32 $0x6580, v9  }
0x7be: {  	[tilespmem:$0x13D80] =	vst v7  }
0x7bf: {  	[tilespmem:$0x13D90] =	vst v29  }
0x7c0: {  	[tilespmem:$0x13D98] =	vst v31  }
0x7c1: {  	[tilespmem:$0x1A6C0] =	vst v6  }
0x7c2: {  	[tilespmem:v9+s12+$0x0] =	vst.idx.msk $0xffff, v1  }
0x7c3: {  	v6 =	vld [tilespmem:$0xDB8];
	_ =	sdelay $0x4  }
0x7c4: {  	v6 =	vtrunc.f32 v6  }
0x7c5: {  	v6 =	vcvt.f32.s32 v6;
	_ =	sdelay $0x1  }
0x7c6: {  	v6 =	vadd.s32 v2, v6  }
0x7c7: {  	v7 =	vshll.u32 v6, $0x3  }
0x7c8: {  	v33 =	vand.u32 $0x7F, v6;
	v7 =	vand.u32 $0xFFFFFC00, v7  }
0x7c9: {  	v7 =	vor.u32 v33, v7  }
0x7ca: {  	v7 =	vadd.s32 $0x6580, v7;
	_ =	sdelay $0x3  }
0x7cb: {  	[tilespmem:$0x1A6D0] =	vst v6  }
0x7cc: {  	[tilespmem:v7+s12+$0x0] =	vst.idx.msk $0xffff, v1  }
0x7cd: {  	v6 =	vld [tilespmem:$0xDC8];
	_ =	sdelay $0x4  }
0x7ce: {  	v6 =	vtrunc.f32 v6  }
0x7cf: {  	v6 =	vcvt.f32.s32 v6;
	_ =	sdelay $0x1  }
0x7d0: {  	v6 =	vadd.s32 v3, v6  }
0x7d1: {  	v7 =	vshll.u32 v6, $0x3  }
0x7d2: {  	v34 =	vand.u32 $0x7F, v6;
	v7 =	vand.u32 $0xFFFFFC00, v7  }
0x7d3: {  	v7 =	vor.u32 v34, v7  }
0x7d4: {  	v7 =	vadd.s32 $0x6580, v7;
	_ =	sdelay $0x3  }
0x7d5: {  	[tilespmem:$0x1A6E0] =	vst v6  }
0x7d6: {  	[tilespmem:v7+s12+$0x0] =	vst.idx.msk $0xffff, v1  }
0x7d7: {  	v6 =	vld [tilespmem:$0xDD4];
	_ =	sdelay $0x4  }
0x7d8: {  	v6 =	vtrunc.f32 v6  }
0x7d9: {  	v6 =	vcvt.f32.s32 v6;
	_ =	sdelay $0x1  }
0x7da: {  	v6 =	vadd.s32 v4, v6  }
0x7db: {  	v7 =	vshll.u32 v6, $0x3  }
0x7dc: {  	v35 =	vand.u32 $0x7F, v6;
	v7 =	vand.u32 $0xFFFFFC00, v7  }
0x7dd: {  	v7 =	vor.u32 v35, v7  }
0x7de: {  	v7 =	vadd.s32 $0x6580, v7;
	_ =	sdelay $0x3  }
0x7df: {  	[tilespmem:$0x1A6F0] =	vst v6  }
0x7e0: {  	[tilespmem:v7+s12+$0x0] =	vst.idx.msk $0xffff, v1  }
0x7e1: {  	v6 =	vld [tilespmem:$0xE28];
	_ =	sdelay $0x4  }
0x7e2: {  	v6 =	vtrunc.f32 v6  }
0x7e3: {  	v6 =	vcvt.f32.s32 v6;
	_ =	sdelay $0x1  }
0x7e4: {  	v7 =	vld [tilespmem:$0xE00];
	v6 =	vadd.s32 v0, v6  }
0x7e5: {  	v36 =	vld [tilespmem:$0xE10];
	v37 =	vshll.u32 v6, $0x3  }
0x7e6: {  	v38 =	vld [tilespmem:$0xE18];
	v39 =	vand.u32 $0x7F, v6;
	v9 =	vand.u32 $0xFFFFFC00, v37  }
0x7e7: {  	v9 =	vor.u32 v39, v9  }
0x7e8: {  	v9 =	vadd.s32 $0x6600, v9  }
0x7e9: {  	[tilespmem:$0x13E00] =	vst v7  }
0x7ea: {  	[tilespmem:$0x13E10] =	vst v36  }
0x7eb: {  	[tilespmem:$0x13E18] =	vst v38  }
0x7ec: {  	[tilespmem:$0x1A700] =	vst v6  }
0x7ed: {  	[tilespmem:v9+s12+$0x0] =	vst.idx.msk $0xffff, v1  }
0x7ee: {  	v6 =	vld [tilespmem:$0xE38];
	_ =	sdelay $0x4  }
0x7ef: {  	v6 =	vtrunc.f32 v6  }
0x7f0: {  	v6 =	vcvt.f32.s32 v6;
	_ =	sdelay $0x1  }
0x7f1: {  	v6 =	vadd.s32 v2, v6  }
0x7f2: {  	v7 =	vshll.u32 v6, $0x3  }
0x7f3: {  	v40 =	vand.u32 $0x7F, v6;
	v7 =	vand.u32 $0xFFFFFC00, v7  }
0x7f4: {  	v7 =	vor.u32 v40, v7  }
0x7f5: {  	v7 =	vadd.s32 $0x6600, v7;
	_ =	sdelay $0x3  }
0x7f6: {  	[tilespmem:$0x1A710] =	vst v6  }
0x7f7: {  	[tilespmem:v7+s12+$0x0] =	vst.idx.msk $0xffff, v1  }
0x7f8: {  	v6 =	vld [tilespmem:$0xE48];
	_ =	sdelay $0x4  }
0x7f9: {  	v6 =	vtrunc.f32 v6  }
0x7fa: {  	v6 =	vcvt.f32.s32 v6;
	_ =	sdelay $0x1  }
0x7fb: {  	v6 =	vadd.s32 v3, v6  }
0x7fc: {  	v7 =	vshll.u32 v6, $0x3  }
0x7fd: {  	v41 =	vand.u32 $0x7F, v6;
	v7 =	vand.u32 $0xFFFFFC00, v7  }
0x7fe: {  	v7 =	vor.u32 v41, v7  }
0x7ff: {  	v7 =	vadd.s32 $0x6600, v7;
	_ =	sdelay $0x3  }
0x800: {  	[tilespmem:$0x1A720] =	vst v6  }
0x801: {  	[tilespmem:v7+s12+$0x0] =	vst.idx.msk $0xffff, v1  }
0x802: {  	v6 =	vld [tilespmem:$0xE54];
	_ =	sdelay $0x4  }
0x803: {  	v6 =	vtrunc.f32 v6  }
0x804: {  	v6 =	vcvt.f32.s32 v6;
	_ =	sdelay $0x1  }
0x805: {  	v6 =	vadd.s32 v4, v6  }
0x806: {  	v7 =	vshll.u32 v6, $0x3  }
0x807: {  	v42 =	vand.u32 $0x7F, v6;
	v7 =	vand.u32 $0xFFFFFC00, v7  }
0x808: {  	v7 =	vor.u32 v42, v7  }
0x809: {  	v7 =	vadd.s32 $0x6600, v7;
	_ =	sdelay $0x3  }
0x80a: {  	[tilespmem:$0x1A730] =	vst v6  }
0x80b: {  	[tilespmem:v7+s12+$0x0] =	vst.idx.msk $0xffff, v1  }
0x80c: {  	v6 =	vld [tilespmem:$0xEA8];
	_ =	sdelay $0x4  }
0x80d: {  	v6 =	vtrunc.f32 v6  }
0x80e: {  	v6 =	vcvt.f32.s32 v6;
	_ =	sdelay $0x1  }
0x80f: {  	v7 =	vld [tilespmem:$0xE80];
	v6 =	vadd.s32 v0, v6  }
0x810: {  	v43 =	vld [tilespmem:$0xE90];
	v44 =	vshll.u32 v6, $0x3  }
0x811: {  	v45 =	vld [tilespmem:$0xE98];
	v46 =	vand.u32 $0x7F, v6;
	v9 =	vand.u32 $0xFFFFFC00, v44  }
0x812: {  	v9 =	vor.u32 v46, v9  }
0x813: {  	v9 =	vadd.s32 $0x6680, v9  }
0x814: {  	[tilespmem:$0x13E80] =	vst v7  }
0x815: {  	[tilespmem:$0x13E90] =	vst v43  }
0x816: {  	[tilespmem:$0x13E98] =	vst v45  }
0x817: {  	[tilespmem:$0x1A740] =	vst v6  }
0x818: {  	[tilespmem:v9+s12+$0x0] =	vst.idx.msk $0xffff, v1  }
0x819: {  	v6 =	vld [tilespmem:$0xEB8];
	_ =	sdelay $0x4  }
0x81a: {  	v6 =	vtrunc.f32 v6  }
0x81b: {  	v6 =	vcvt.f32.s32 v6;
	_ =	sdelay $0x1  }
0x81c: {  	v6 =	vadd.s32 v2, v6  }
0x81d: {  	v7 =	vshll.u32 v6, $0x3  }
0x81e: {  	v47 =	vand.u32 $0x7F, v6;
	v7 =	vand.u32 $0xFFFFFC00, v7  }
0x81f: {  	v7 =	vor.u32 v47, v7  }
0x820: {  	v7 =	vadd.s32 $0x6680, v7;
	_ =	sdelay $0x3  }
0x821: {  	[tilespmem:$0x1A750] =	vst v6  }
0x822: {  	[tilespmem:v7+s12+$0x0] =	vst.idx.msk $0xffff, v1  }
0x823: {  	v6 =	vld [tilespmem:$0xEC8];
	_ =	sdelay $0x4  }
0x824: {  	v6 =	vtrunc.f32 v6  }
0x825: {  	v6 =	vcvt.f32.s32 v6;
	_ =	sdelay $0x1  }
0x826: {  	v6 =	vadd.s32 v3, v6  }
0x827: {  	v7 =	vshll.u32 v6, $0x3  }
0x828: {  	v48 =	vand.u32 $0x7F, v6;
	v7 =	vand.u32 $0xFFFFFC00, v7  }
0x829: {  	v7 =	vor.u32 v48, v7  }
0x82a: {  	v7 =	vadd.s32 $0x6680, v7;
	_ =	sdelay $0x3  }
0x82b: {  	[tilespmem:$0x1A760] =	vst v6  }
0x82c: {  	[tilespmem:v7+s12+$0x0] =	vst.idx.msk $0xffff, v1  }
0x82d: {  	v6 =	vld [tilespmem:$0xED4];
	_ =	sdelay $0x4  }
0x82e: {  	v6 =	vtrunc.f32 v6  }
0x82f: {  	v6 =	vcvt.f32.s32 v6;
	_ =	sdelay $0x1  }
0x830: {  	v6 =	vadd.s32 v4, v6  }
0x831: {  	v7 =	vshll.u32 v6, $0x3  }
0x832: {  	v49 =	vand.u32 $0x7F, v6;
	v7 =	vand.u32 $0xFFFFFC00, v7  }
0x833: {  	v7 =	vor.u32 v49, v7  }
0x834: {  	v7 =	vadd.s32 $0x6680, v7;
	_ =	sdelay $0x3  }
0x835: {  	[tilespmem:$0x1A770] =	vst v6  }
0x836: {  	[tilespmem:v7+s12+$0x0] =	vst.idx.msk $0xffff, v1  }
0x837: {  	v6 =	vld [tilespmem:$0xF28];
	_ =	sdelay $0x4  }
0x838: {  	v6 =	vtrunc.f32 v6  }
0x839: {  	v6 =	vcvt.f32.s32 v6;
	_ =	sdelay $0x1  }
0x83a: {  	v7 =	vld [tilespmem:$0xF00];
	v6 =	vadd.s32 v0, v6  }
0x83b: {  	v50 =	vld [tilespmem:$0xF10];
	v51 =	vshll.u32 v6, $0x3  }
0x83c: {  	v52 =	vld [tilespmem:$0xF18];
	v53 =	vand.u32 $0x7F, v6;
	v9 =	vand.u32 $0xFFFFFC00, v51  }
0x83d: {  	v9 =	vor.u32 v53, v9  }
0x83e: {  	v9 =	vadd.s32 $0x6700, v9  }
0x83f: {  	[tilespmem:$0x13F00] =	vst v7  }
0x840: {  	[tilespmem:$0x13F10] =	vst v50  }
0x841: {  	[tilespmem:$0x13F18] =	vst v52  }
0x842: {  	[tilespmem:$0x1A780] =	vst v6  }
0x843: {  	[tilespmem:v9+s12+$0x0] =	vst.idx.msk $0xffff, v1  }
0x844: {  	v6 =	vld [tilespmem:$0xF38];
	_ =	sdelay $0x4  }
0x845: {  	v6 =	vtrunc.f32 v6  }
0x846: {  	v6 =	vcvt.f32.s32 v6;
	_ =	sdelay $0x1  }
0x847: {  	v6 =	vadd.s32 v2, v6  }
0x848: {  	v7 =	vshll.u32 v6, $0x3  }
0x849: {  	v54 =	vand.u32 $0x7F, v6;
	v7 =	vand.u32 $0xFFFFFC00, v7  }
0x84a: {  	v7 =	vor.u32 v54, v7  }
0x84b: {  	v7 =	vadd.s32 $0x6700, v7;
	_ =	sdelay $0x3  }
0x84c: {  	[tilespmem:$0x1A790] =	vst v6  }
0x84d: {  	[tilespmem:v7+s12+$0x0] =	vst.idx.msk $0xffff, v1  }
0x84e: {  	v6 =	vld [tilespmem:$0xF48];
	_ =	sdelay $0x4  }
0x84f: {  	v6 =	vtrunc.f32 v6  }
0x850: {  	v6 =	vcvt.f32.s32 v6;
	_ =	sdelay $0x1  }
0x851: {  	v6 =	vadd.s32 v3, v6  }
0x852: {  	v7 =	vshll.u32 v6, $0x3  }
0x853: {  	v55 =	vand.u32 $0x7F, v6;
	v7 =	vand.u32 $0xFFFFFC00, v7  }
0x854: {  	v7 =	vor.u32 v55, v7  }
0x855: {  	v7 =	vadd.s32 $0x6700, v7;
	_ =	sdelay $0x3  }
0x856: {  	[tilespmem:$0x1A7A0] =	vst v6  }
0x857: {  	[tilespmem:v7+s12+$0x0] =	vst.idx.msk $0xffff, v1  }
0x858: {  	v6 =	vld [tilespmem:$0xF54];
	_ =	sdelay $0x4  }
0x859: {  	v6 =	vtrunc.f32 v6  }
0x85a: {  	v6 =	vcvt.f32.s32 v6;
	_ =	sdelay $0x1  }
0x85b: {  	v6 =	vadd.s32 v4, v6  }
0x85c: {  	v7 =	vshll.u32 v6, $0x3  }
0x85d: {  	v56 =	vand.u32 $0x7F, v6;
	v7 =	vand.u32 $0xFFFFFC00, v7  }
0x85e: {  	v7 =	vor.u32 v56, v7  }
0x85f: {  	v7 =	vadd.s32 $0x6700, v7;
	_ =	sdelay $0x3  }
0x860: {  	[tilespmem:$0x1A7B0] =	vst v6  }
0x861: {  	[tilespmem:v7+s12+$0x0] =	vst.idx.msk $0xffff, v1  }
0x862: {  	v6 =	vld [tilespmem:$0xFA8];
	_ =	sdelay $0x4  }
0x863: {  	v6 =	vtrunc.f32 v6  }
0x864: {  	v6 =	vcvt.f32.s32 v6;
	_ =	sdelay $0x1  }
0x865: {  	v7 =	vld [tilespmem:$0xF80];
	v6 =	vadd.s32 v0, v6  }
0x866: {  	v57 =	vld [tilespmem:$0xF90];
	v58 =	vshll.u32 v6, $0x3  }
0x867: {  	v59 =	vld [tilespmem:$0xF98];
	v60 =	vand.u32 $0x7F, v6;
	v9 =	vand.u32 $0xFFFFFC00, v58  }
0x868: {  	v9 =	vor.u32 v60, v9  }
0x869: {  	v9 =	vadd.s32 $0x6780, v9  }
0x86a: {  	[tilespmem:$0x13F80] =	vst v7  }
0x86b: {  	[tilespmem:$0x13F90] =	vst v57  }
0x86c: {  	[tilespmem:$0x13F98] =	vst v59  }
0x86d: {  	[tilespmem:$0x1A7C0] =	vst v6  }
0x86e: {  	[tilespmem:v9+s12+$0x0] =	vst.idx.msk $0xffff, v1  }
0x86f: {  	v6 =	vld [tilespmem:$0xFB8];
	_ =	sdelay $0x4  }
0x870: {  	v6 =	vtrunc.f32 v6  }
0x871: {  	v6 =	vcvt.f32.s32 v6;
	_ =	sdelay $0x1  }
0x872: {  	v6 =	vadd.s32 v2, v6  }
0x873: {  	v7 =	vshll.u32 v6, $0x3  }
0x874: {  	v61 =	vand.u32 $0x7F, v6;
	v7 =	vand.u32 $0xFFFFFC00, v7  }
0x875: {  	v7 =	vor.u32 v61, v7  }
0x876: {  	v7 =	vadd.s32 $0x6780, v7;
	_ =	sdelay $0x3  }
0x877: {  	[tilespmem:$0x1A7D0] =	vst v6  }
0x878: {  	[tilespmem:v7+s12+$0x0] =	vst.idx.msk $0xffff, v1  }
0x879: {  	v6 =	vld [tilespmem:$0xFC8];
	_ =	sdelay $0x4  }
0x87a: {  	v6 =	vtrunc.f32 v6  }
0x87b: {  	v6 =	vcvt.f32.s32 v6;
	_ =	sdelay $0x1  }
0x87c: {  	v6 =	vadd.s32 v3, v6  }
0x87d: {  	v7 =	vshll.u32 v6, $0x3  }
0x87e: {  	v62 =	vand.u32 $0x7F, v6;
	v7 =	vand.u32 $0xFFFFFC00, v7  }
0x87f: {  	v7 =	vor.u32 v62, v7  }
0x880: {  	v7 =	vadd.s32 $0x6780, v7;
	_ =	sdelay $0x3  }
0x881: {  	[tilespmem:$0x1A7E0] =	vst v6  }
0x882: {  	[tilespmem:v7+s12+$0x0] =	vst.idx.msk $0xffff, v1  }
0x883: {  	v6 =	vld [tilespmem:$0xFD4];
	_ =	sdelay $0x4  }
0x884: {  	v6 =	vtrunc.f32 v6  }
0x885: {  	v6 =	vcvt.f32.s32 v6;
	_ =	sdelay $0x1  }
0x886: {  	v6 =	vadd.s32 v4, v6  }
0x887: {  	v7 =	vshll.u32 v6, $0x3  }
0x888: {  	v63 =	vand.u32 $0x7F, v6;
	v7 =	vand.u32 $0xFFFFFC00, v7  }
0x889: {  	v7 =	vor.u32 v63, v7  }
0x88a: {  	v7 =	vadd.s32 $0x6780, v7;
	_ =	sdelay $0x1  }
.Ltmp4:
0x88b: {  	_ = 	snop;
	(pc) =	sbr.rel @p0 .LBB2_8-.Ltmp4, $4  }
0x88c: {  	_ = 	snop  }
0x88d: {  	[tilespmem:$0x1A7F0] =	vst v6  }
0x88e: {  	[tilespmem:v7+s12+$0x0] =	vst.idx.msk $0xffff, v1  }
0x88f: {  	[hbm4b:s18+s2] =	stream.linear.scatter [tilespmem:s12], [sflag:$0x2], $0xC800, $0x38;
	[tilespmem:$0x1A800] =	vst v63  }
.Ltmp5:
0x890: {  	(pc) =	sbr.rel .LBB2_2-.Ltmp5, $4  }
0x891: {  	_ = 	snop  }
0x892: {  	s20 =	sadd.s32 s19, s7  }
0x893: {  	s19 =	sadd.s32 $0x200, s19;
	s18 =	sadd.s32 $0x3200, s18;
	s20 =	sadd.s32 $0x300, s20  }
0x894: {  	[tilespmem:s9], [sflag:$0x4] =	stream.linear.gather [hbm4b:s20+s2], $0x800, $0x38;
	[tilespmem:$0x1A800] =	vst v63  }
.LBB2_9:
0x895: {  	_ =	sfence.sel $0x180000  }
0x896: {  	[bflag:$0x0] =	sbarrier.arrive $0xFFFF  }
0x897: {  	p0 =	sne.s32 s0, $0x0;
	_ =	strace $0x90000047  }
0x898: {  	s0 =	sadd.s32 @!p0 $0x100000, s1;
	[bflag:$0x2] =	sbarrier.arrive $0xFFFF  }
0x899: {  	[sflag:s0] =	ssyncadd.tile.s32 @!p0 $0x1;
	_ =	shalt  }
.Lfunc_end2:
_tile_overlayer_lowered:
.L_overlay_start_2:
0x89a: {  	(tag) =	ssettag $0x2  }
0x89b: {  	s0 =	rddreg [dreg:$0x0];
	s2 =	stileid.u32  }
0x89c: {  	s1 =	rddreg [dreg:$0x1];
	p0 =	sne.s32 s2, $0x0  }
0x89d: {  	s3 =	rddreg [dreg:$0x2];
	[bflag:$0x3] =	sbarrier.arrive $0xFFFF;
	s2 =	simm.s32 @!p0 $0x1C05  }
0x89e: {  	[timem:s3], [sflag:s2] =	dma.local @!p0 [hbm:s0], s1  }
0x89f: {  	s0 =	simm.s32 @!p0 $0x5  }
0x8a0: {  	_ =	swait.ge @!p0 [sflag:s0], s1  }
0x8a1: {  	s1 =	ssub.s32 @!p0 $0x0, s1;
	[sflag:s0] =	ssyncset.done @!p0 $0x0  }
0x8a2: {  	[sflag:s0] =	ssyncadd.s32 @!p0 s1  }
0x8a3: {  	[bflag:$0x3] =	sbarrier.arrive $0xFFFF  }
0x8a4: {  	_ =	shalt  }

</sc_bundles>
